<compile_context>
chip_gen: v7x
topology: tpu7x:2x2x1
jax: 0.10.2.dev20260603
libtpu: 0.0.44.dev20260713+nightly
codegen_flags: <defaults>
</compile_context>

<pallas_src>
import jax
import jax.numpy as jnp
from jax import lax
from jax.experimental import pallas as pl
from jax.experimental.pallas import tpu as pltpu
from jax.experimental.pallas import tpu_sc as plsc

N_NODES = 10000
N_EDGES = 320000
IN_CH = 128
HID_CH = 256
OUT_CH = 128

NPAD = 10240
NC, NS = 2, 16
NW = NC * NS
E_TILE = N_EDGES // NW
CHUNK = 80
NPASS = 5
CPP = 25
NCHUNK = NPASS * CPP
ROWS_TILE = NPAD // NS
ZROWS = 16
MBLK = 1024
GRID_M = NPAD // MBLK

NBUF = 3


def _sc_mesh():
    return plsc.VectorSubcoreMesh(core_axis_name="c", subcore_axis_name="s")


def _deg_body(dst_hbm, out_hbm, dst_v, hist_v):
    c = lax.axis_index("c")
    s = lax.axis_index("s")
    wid = c * NS + s
    pltpu.sync_copy(dst_hbm.at[wid], dst_v)
    zeros = jnp.zeros((16,), jnp.float32)

    def zloop(i, carry):
        hist_v[pl.ds(i * 16, 16)] = zeros
        return carry

    lax.fori_loop(0, NPAD // 16, zloop, 0)
    ones = jnp.ones((16,), jnp.float32)

    def eloop(i, carry):
        idx = dst_v[pl.ds(i * 16, 16)]
        plsc.addupdate_scatter(hist_v, [idx], ones)
        return carry

    lax.fori_loop(0, E_TILE // 16, eloop, 0)
    pltpu.sync_copy(hist_v, out_hbm.at[wid])


def _deg_partials(dst_tiles):
    return pl.kernel(
        _deg_body,
        out_type=jax.ShapeDtypeStruct((NW, NPAD), jnp.float32),
        mesh=_sc_mesh(),
        scratch_types=[
            pltpu.VMEM((E_TILE,), jnp.int32),
            pltpu.VMEM((NPAD,), jnp.float32),
        ],
        compiler_params=pltpu.CompilerParams(needs_layout_passes=False),
    )(dst_tiles)


def _agg_body(y_hbm, src_hbm, dst_hbm, out_hbm, src_v, dst_v, rows_v, zb_v,
              acc_sh, gsem, ssem, isem):
    c = lax.axis_index("c")
    s = lax.axis_index("s")
    wid = c * NS + s

    def load_idx(p):
        sl = p % 2
        pltpu.async_copy(src_hbm.at[wid, p], src_v.at[sl], isem)
        pltpu.async_copy(dst_hbm.at[wid, p], dst_v.at[sl], isem)

    def wait_idx(p):
        sl = p % 2
        pltpu.make_async_copy(src_hbm.at[wid, p], src_v.at[sl], isem).wait()
        pltpu.make_async_copy(dst_hbm.at[wid, p], dst_v.at[sl], isem).wait()

    load_idx(0)

    zeros = jnp.zeros((16,), jnp.float32)

    def zb(i, carry):
        zb_v[i // 8, pl.ds((i % 8) * 16, 16)] = zeros
        return carry

    lax.fori_loop(0, ZROWS * 8, zb, 0)
    base = s * ROWS_TILE

    def zspray(j, carry):
        pltpu.sync_copy(zb_v, acc_sh.at[pl.ds(base + j * ZROWS, ZROWS)])
        return carry

    lax.fori_loop(0, ROWS_TILE // ZROWS, zspray, 0)
    plsc.subcore_barrier()
    wait_idx(0)

    def start_gather(p, j):
        g = p * CPP + j
        pltpu.async_copy(y_hbm.at[src_v.at[p % 2, j]],
                         rows_v.at[g % NBUF], gsem)

    def wait_gather(p, j):
        g = p * CPP + j
        pltpu.make_async_copy(y_hbm.at[src_v.at[p % 2, j]],
                              rows_v.at[g % NBUF], gsem).wait()

    def start_scatter(p, j):
        g = p * CPP + j
        pltpu.async_copy(rows_v.at[g % NBUF], acc_sh.at[dst_v.at[p % 2, j]],
                         ssem, add=True)

    def wait_one_scatter():
        pltpu.make_async_copy(rows_v.at[0], acc_sh.at[dst_v.at[0, 0]],
                              ssem).wait()

    for p in range(NPASS):
        if p > 0:
            wait_one_scatter()
        start_gather(p, 0)

        def chunk(j, carry, p=p):
            wait_gather(p, j)
            start_scatter(p, j)
            if p + 1 < NPASS:
                @pl.when(j == 2)
                def _():
                    load_idx(p + 1)

            @pl.when(j + 1 < CPP)
            def _():
                if p == 0:
                    @pl.when(j >= 1)
                    def _():
                        wait_one_scatter()
                else:
                    wait_one_scatter()
                start_gather(p, j + 1)

            return carry

        lax.fori_loop(0, CPP, chunk, 0)
        if p + 1 < NPASS:
            wait_idx(p + 1)

    for _ in range(2):
        wait_one_scatter()
    plsc.subcore_barrier()
    pltpu.sync_copy(acc_sh.at[pl.ds(base, ROWS_TILE)],
                    out_hbm.at[pl.ds(c * NPAD + base, ROWS_TILE)])


def _edge_aggregate(y, src_tiles, dst_tiles):
    return pl.kernel(
        _agg_body,
        out_type=jax.ShapeDtypeStruct((NC * NPAD, IN_CH), jnp.float32),
        mesh=_sc_mesh(),
        scratch_types=[
            pltpu.VMEM((2, CPP, CHUNK), jnp.int32),
            pltpu.VMEM((2, CPP, CHUNK), jnp.int32),
            pltpu.VMEM((NBUF, CHUNK, IN_CH), jnp.float32),
            pltpu.VMEM((ZROWS, IN_CH), jnp.float32),
            pltpu.VMEM_SHARED((NPAD, IN_CH), jnp.float32),
            pltpu.SemaphoreType.DMA,
            pltpu.SemaphoreType.DMA,
            pltpu.SemaphoreType.DMA,
        ],
        compiler_params=pltpu.CompilerParams(needs_layout_passes=False),
    )(y, src_tiles, dst_tiles)


def _dinv_y_body(hist_ref, x_ref, dinv_ref, y_ref):
    deg = jnp.sum(hist_ref[...], axis=0, keepdims=True) + 1.0
    dinv = lax.rsqrt(deg)
    dinv_t = jnp.reshape(dinv, (MBLK, 1))
    dinv_ref[...] = dinv_t
    y_ref[...] = x_ref[...] * dinv_t


def _dinv_and_y(hist, x_pad):
    return pl.pallas_call(
        _dinv_y_body,
        grid=(GRID_M,),
        in_specs=[
            pl.BlockSpec((NW, MBLK), lambda i: (0, i)),
            pl.BlockSpec((MBLK, IN_CH), lambda i: (i, 0)),
        ],
        out_specs=[
            pl.BlockSpec((MBLK, 1), lambda i: (i, 0)),
            pl.BlockSpec((MBLK, IN_CH), lambda i: (i, 0)),
        ],
        out_shape=[
            jax.ShapeDtypeStruct((NPAD, 1), jnp.float32),
            jax.ShapeDtypeStruct((NPAD, IN_CH), jnp.float32),
        ],
    )(hist, x_pad)


def _mm_body(acc0_ref, acc1_ref, y_ref, dinv_ref, w1_ref, b1_ref, w2_ref,
             y2_ref):
    agg = (acc0_ref[...] + acc1_ref[...] + y_ref[...]) * dinv_ref[...]
    h = jnp.dot(agg, w1_ref[...], preferred_element_type=jnp.float32)
    h = jnp.maximum(h + b1_ref[...], 0.0)
    hw = jnp.dot(h, w2_ref[...], preferred_element_type=jnp.float32)
    y2_ref[...] = hw * dinv_ref[...]


def _both_mm(acc, y1, dinv, W1, b1, W2):
    return pl.pallas_call(
        _mm_body,
        grid=(GRID_M,),
        in_specs=[
            pl.BlockSpec((MBLK, IN_CH), lambda i: (i, 0)),
            pl.BlockSpec((MBLK, IN_CH), lambda i: (GRID_M + i, 0)),
            pl.BlockSpec((MBLK, IN_CH), lambda i: (i, 0)),
            pl.BlockSpec((MBLK, 1), lambda i: (i, 0)),
            pl.BlockSpec((IN_CH, HID_CH), lambda i: (0, 0)),
            pl.BlockSpec((1, HID_CH), lambda i: (0, 0)),
            pl.BlockSpec((HID_CH, OUT_CH), lambda i: (0, 0)),
        ],
        out_specs=pl.BlockSpec((MBLK, OUT_CH), lambda i: (i, 0)),
        out_shape=jax.ShapeDtypeStruct((NPAD, OUT_CH), jnp.float32),
    )(acc, acc, y1, dinv, W1, b1, W2)


def _final_body(acc0_ref, acc1_ref, y2_ref, dinv_ref, b_ref, out_ref):
    agg = (acc0_ref[...] + acc1_ref[...] + y2_ref[...]) * dinv_ref[...]
    out_ref[...] = jnp.maximum(agg + b_ref[...], 0.0)


def _final_layer(acc, y2, dinv, b2):
    return pl.pallas_call(
        _final_body,
        grid=(GRID_M,),
        in_specs=[
            pl.BlockSpec((MBLK, OUT_CH), lambda i: (i, 0)),
            pl.BlockSpec((MBLK, OUT_CH), lambda i: (GRID_M + i, 0)),
            pl.BlockSpec((MBLK, OUT_CH), lambda i: (i, 0)),
            pl.BlockSpec((MBLK, 1), lambda i: (i, 0)),
            pl.BlockSpec((1, OUT_CH), lambda i: (0, 0)),
        ],
        out_specs=pl.BlockSpec((MBLK, OUT_CH), lambda i: (i, 0)),
        out_shape=jax.ShapeDtypeStruct((NPAD, OUT_CH), jnp.float32),
    )(acc, acc, y2, dinv, b2)


def kernel(x, edge_index, W1, b1, W2, b2):
    src = edge_index[0].astype(jnp.int32)
    dst = edge_index[1].astype(jnp.int32)
    src_p = src.reshape(NW, NPASS, CPP, CHUNK)
    dst_p = dst.reshape(NW, NPASS, CPP, CHUNK)
    dst_flat_tiles = dst.reshape(NW, E_TILE)
    x_pad = jnp.pad(x, ((0, NPAD - N_NODES), (0, 0)))
    b1r = b1.reshape(1, HID_CH)
    b2r = b2.reshape(1, OUT_CH)

    hist = _deg_partials(dst_flat_tiles)
    dinv, y1 = _dinv_and_y(hist, x_pad)

    acc1 = _edge_aggregate(y1, src_p, dst_p)
    y2 = _both_mm(acc1, y1, dinv, W1, b1r, W2)
    acc2 = _edge_aggregate(y2, src_p, dst_p)
    out = _final_layer(acc2, y2, dinv, b2r)
    return out[:N_NODES]

# --- scband reference (transcript-rebuilt; emitter-appended) ---
"""Pipeline reference for scband-gcn-52501680226822 (READ-ONLY COPY).

The authoritative reference and input builder live on the scoring server;
editing this copy changes nothing except your own understanding.
"""

import jax, jax.numpy as jnp
import numpy as np

N_NODES = 10000
N_EDGES = 320000
IN_CH = 128
HID_CH = 256
OUT_CH = 128


def setup_inputs(seed: int = 0) -> dict:
    key = jax.random.key(seed)
    k1, k2, k3, k4 = jax.random.split(key, 4)
    x = jax.random.normal(k1, (N_NODES, IN_CH), dtype=jnp.float32)
    edge_index = jax.random.randint(k2, (2, N_EDGES), 0, N_NODES, dtype=jnp.int64)
    W1 = jax.random.normal(k3, (IN_CH, HID_CH), dtype=jnp.float32) * (1.0 / np.sqrt(IN_CH))
    b1 = jnp.zeros((HID_CH,), dtype=jnp.float32)
    W2 = jax.random.normal(k4, (HID_CH, OUT_CH), dtype=jnp.float32) * (1.0 / np.sqrt(HID_CH))
    b2 = jnp.zeros((OUT_CH,), dtype=jnp.float32)
    return {"x": x, "edge_index": edge_index, "W1": W1, "b1": b1, "W2": W2, "b2": b2}


def gcn_conv(x, src, dst, W, b, num_nodes):
    # GCNConv with self-loops and symmetric normalization (PyG default)
    xw = x @ W
    deg = jnp.zeros((num_nodes,), dtype=xw.dtype).at[dst].add(1.0)
    dinv = jnp.where(deg > 0, jax.lax.rsqrt(deg), 0.0)
    norm = dinv[src] * dinv[dst]
    msg = xw[src] * norm[:, None]
    out = jnp.zeros((num_nodes, W.shape[1]), dtype=xw.dtype).at[dst].add(msg)
    return out + b


def reference(x, edge_index, W1, b1, W2, b2):
    num_nodes = x.shape[0]
    loop = jnp.arange(num_nodes, dtype=edge_index.dtype)
    src = jnp.concatenate([edge_index[0], loop])
    dst = jnp.concatenate([edge_index[1], loop])
    h = gcn_conv(x, src, dst, W1, b1, num_nodes)
    h = jax.nn.relu(h)
    h = gcn_conv(h, src, dst, W2, b2, num_nodes)
    h = jax.nn.relu(h)
    return h

if __name__ == "__main__":
    import jax
    _d = setup_inputs()
    print(jax.jit(kernel)(*tuple(_d.values())))

</pallas_src>

<mosaic_0001>
#map = affine_map<(d0, d1) -> (0, 0)>
module attributes {stable_mosaic.version = 14 : i64} {
  func.func @_deg_body(%arg0: i32, %arg1: i32, %arg2: memref<32x10000xi32, #tpu.memory_space<hbm>>, %arg3: memref<32x10240xf32, #tpu.memory_space<hbm>>, %arg4: memref<10000xi32, #tpu.memory_space<vmem>>, %arg5: memref<10240xf32, #tpu.memory_space<vmem>>) attributes {dimension_semantics = [#tpu.dimension_semantics<core_parallel>, #tpu.dimension_semantics<subcore_parallel>], iteration_bounds = array<i64: 2, 16>, scalar_prefetch = 0 : i64, scratch_operands = 2 : i64, tpu.core_type = #tpu.core_type<sc_vector_subcore>, window_params = [{transform_indices = #map}, {transform_indices = #map}]} {
    %mul3A = arith.constant 16 : i32
    %mul3A_0 = arith.muli %arg0, %mul3A : i32
    %add3A = arith.addi %mul3A_0, %arg1 : i32
    "tpu.region"() ({
      %run_scoped3A = tpu.sem_alloc : memref<!tpu.dma_semaphore, #tpu.memory_space<semaphore_mem>>
      %dma_start3A = arith.constant 0 : i32
      %dma_start3A_15 = tpu.memref_slice %arg2[%add3A, %dma_start3A] : memref<32x10000xi32, #tpu.memory_space<hbm>> -> memref<1x10000xi32, #tpu.memory_space<hbm>>
      %dma_start3A_16 = tpu.memref_squeeze %dma_start3A_15 : memref<1x10000xi32, #tpu.memory_space<hbm>> -> memref<10000xi32, #tpu.memory_space<hbm>>
      %dma_start3A_17 = arith.constant 0 : i32
      %dma_start3A_18 = tpu.memref_slice %arg2[%add3A, %dma_start3A_17] : memref<32x10000xi32, #tpu.memory_space<hbm>> -> memref<1x10000xi32, #tpu.memory_space<hbm>>
      %dma_start3A_19 = tpu.memref_squeeze %dma_start3A_18 : memref<1x10000xi32, #tpu.memory_space<hbm>> -> memref<10000xi32, #tpu.memory_space<hbm>>
      tpu.enqueue_dma source(%dma_start3A_19 : memref<10000xi32, #tpu.memory_space<hbm>>) target(%arg4 : memref<10000xi32, #tpu.memory_space<vmem>>) target_semaphore(%run_scoped3A : memref<!tpu.dma_semaphore, #tpu.memory_space<semaphore_mem>>)
      %dma_wait3A = arith.constant 0 : i32
      %dma_wait3A_20 = tpu.memref_slice %arg2[%add3A, %dma_wait3A] : memref<32x10000xi32, #tpu.memory_space<hbm>> -> memref<1x10000xi32, #tpu.memory_space<hbm>>
      %dma_wait3A_21 = tpu.memref_squeeze %dma_wait3A_20 : memref<1x10000xi32, #tpu.memory_space<hbm>> -> memref<10000xi32, #tpu.memory_space<hbm>>
      %dma_wait3A_22 = arith.constant 0 : i32
      %dma_wait3A_23 = tpu.memref_slice %arg2[%add3A, %dma_wait3A_22] : memref<32x10000xi32, #tpu.memory_space<hbm>> -> memref<1x10000xi32, #tpu.memory_space<hbm>>
      %dma_wait3A_24 = tpu.memref_squeeze %dma_wait3A_23 : memref<1x10000xi32, #tpu.memory_space<hbm>> -> memref<10000xi32, #tpu.memory_space<hbm>>
      tpu.wait_dma2 semaphore(%run_scoped3A : memref<!tpu.dma_semaphore, #tpu.memory_space<semaphore_mem>>) src(%dma_wait3A_24 : memref<10000xi32, #tpu.memory_space<hbm>>) dst(%arg4 : memref<10000xi32, #tpu.memory_space<vmem>>)
      tpu.yield
    }) : () -> ()
    %broadcast_in_dim3A = arith.constant 0.000000e+00 : f32
    %broadcast_in_dim3A_1 = vector.broadcast %broadcast_in_dim3A : f32 to vector<16xf32>
    %scan3A = arith.constant 0 : i32
    %scan3A_2 = arith.constant 0 : i32
    %scan3A_3 = arith.constant 640 : i32
    %scan3A_4 = arith.addi %scan3A_2, %scan3A_3 : i32
    %scan3A_5 = arith.constant 1 : i32
    scf.for %scan3A_15 = %scan3A_2 to %scan3A_4 step %scan3A_5  : i32 {
      %mul3A_16 = arith.constant 16 : i32
      %mul3A_17 = arith.muli %scan3A_15, %mul3A_16 : i32
      %swap3A = arith.index_cast %mul3A_17 : i32 to index
      %swap3A_18 = tpu.vector_load %arg5[%swap3A] {strides = array<i32>} : memref<10240xf32, #tpu.memory_space<vmem>>, vector<16xf32>,
      tpu.vector_store %arg5[%swap3A], %broadcast_in_dim3A_1 {strides = array<i32>} : memref<10240xf32, #tpu.memory_space<vmem>>, vector<16xf32>,
    }
    %scan3A_6 = arith.constant 640 : i32
    %broadcast_in_dim3A_7 = arith.constant 1.000000e+00 : f32
    %broadcast_in_dim3A_8 = vector.broadcast %broadcast_in_dim3A_7 : f32 to vector<16xf32>
    %scan3A_9 = arith.constant 0 : i32
    %scan3A_10 = arith.constant 0 : i32
    %scan3A_11 = arith.constant 625 : i32
    %scan3A_12 = arith.addi %scan3A_10, %scan3A_11 : i32
    %scan3A_13 = arith.constant 1 : i32
    scf.for %scan3A_15 = %scan3A_10 to %scan3A_12 step %scan3A_13  : i32 {
      %mul3A_16 = arith.constant 16 : i32
      %mul3A_17 = arith.muli %scan3A_15, %mul3A_16 : i32
      %get3A = arith.index_cast %mul3A_17 : i32 to index
      %get3A_18 = tpu.vector_load %arg4[%get3A] {strides = array<i32>} : memref<10000xi32, #tpu.memory_space<vmem>>, vector<16xi32>,
      tpu.vector_store_idx %arg5[%get3A_18], %broadcast_in_dim3A_8 {add = true} : memref<10240xf32, #tpu.memory_space<vmem>>[vector<16xi32>], vector<16xf32>,
    }
    %scan3A_14 = arith.constant 625 : i32
    "tpu.region"() ({
      %run_scoped3A = tpu.sem_alloc : memref<!tpu.dma_semaphore, #tpu.memory_space<semaphore_mem>>
      %dma_start3A = arith.constant 0 : i32
      %dma_start3A_15 = tpu.memref_slice %arg3[%add3A, %dma_start3A] : memref<32x10240xf32, #tpu.memory_space<hbm>> -> memref<1x10240xf32, #tpu.memory_space<hbm>>
      %dma_start3A_16 = tpu.memref_squeeze %dma_start3A_15 : memref<1x10240xf32, #tpu.memory_space<hbm>> -> memref<10240xf32, #tpu.memory_space<hbm>>
      %dma_start3A_17 = arith.constant 0 : i32
      %dma_start3A_18 = tpu.memref_slice %arg3[%add3A, %dma_start3A_17] : memref<32x10240xf32, #tpu.memory_space<hbm>> -> memref<1x10240xf32, #tpu.memory_space<hbm>>
      %dma_start3A_19 = tpu.memref_squeeze %dma_start3A_18 : memref<1x10240xf32, #tpu.memory_space<hbm>> -> memref<10240xf32, #tpu.memory_space<hbm>>
      tpu.enqueue_dma source(%arg5 : memref<10240xf32, #tpu.memory_space<vmem>>) target(%dma_start3A_19 : memref<10240xf32, #tpu.memory_space<hbm>>) target_semaphore(%run_scoped3A : memref<!tpu.dma_semaphore, #tpu.memory_space<semaphore_mem>>)
      %dma_wait3A = arith.constant 0 : i32
      %dma_wait3A_20 = tpu.memref_slice %arg3[%add3A, %dma_wait3A] : memref<32x10240xf32, #tpu.memory_space<hbm>> -> memref<1x10240xf32, #tpu.memory_space<hbm>>
      %dma_wait3A_21 = tpu.memref_squeeze %dma_wait3A_20 : memref<1x10240xf32, #tpu.memory_space<hbm>> -> memref<10240xf32, #tpu.memory_space<hbm>>
      %dma_wait3A_22 = arith.constant 0 : i32
      %dma_wait3A_23 = tpu.memref_slice %arg3[%add3A, %dma_wait3A_22] : memref<32x10240xf32, #tpu.memory_space<hbm>> -> memref<1x10240xf32, #tpu.memory_space<hbm>>
      %dma_wait3A_24 = tpu.memref_squeeze %dma_wait3A_23 : memref<1x10240xf32, #tpu.memory_space<hbm>> -> memref<10240xf32, #tpu.memory_space<hbm>>
      tpu.wait_dma2 semaphore(%run_scoped3A : memref<!tpu.dma_semaphore, #tpu.memory_space<semaphore_mem>>) src(%arg5 : memref<10240xf32, #tpu.memory_space<vmem>>) dst(%dma_wait3A_24 : memref<10240xf32, #tpu.memory_space<hbm>>)
      tpu.yield
    }) : () -> ()
    return
  }
}

#map = affine_map<(d0, d1) -> (0, 0)>
#map1 = affine_map<(d0, d1) -> (0, 0, 0, 0)>
module attributes {stable_mosaic.version = 14 : i64} {
  func.func @_agg_body(%arg0: i32, %arg1: i32, %arg2: memref<10240x128xf32, #tpu.memory_space<hbm>>, %arg3: memref<32x5x25x80xi32, #tpu.memory_space<hbm>>, %arg4: memref<32x5x25x80xi32, #tpu.memory_space<hbm>>, %arg5: memref<20480x128xf32, #tpu.memory_space<hbm>>, %arg6: memref<2x25x80xi32, #tpu.memory_space<vmem>>, %arg7: memref<2x25x80xi32, #tpu.memory_space<vmem>>, %arg8: memref<3x80x128xf32, #tpu.memory_space<vmem>>, %arg9: memref<16x128xf32, #tpu.memory_space<vmem>>, %arg10: memref<10240x128xf32, #tpu.memory_space<vmem_shared>>, %arg11: memref<!tpu.dma_semaphore, #tpu.memory_space<semaphore_mem>>, %arg12: memref<!tpu.dma_semaphore, #tpu.memory_space<semaphore_mem>>, %arg13: memref<!tpu.dma_semaphore, #tpu.memory_space<semaphore_mem>>) attributes {dimension_semantics = [#tpu.dimension_semantics<core_parallel>, #tpu.dimension_semantics<subcore_parallel>], iteration_bounds = array<i64: 2, 16>, scalar_prefetch = 0 : i64, scratch_operands = 8 : i64, tpu.core_type = #tpu.core_type<sc_vector_subcore>, window_params = [{transform_indices = #map}, {transform_indices = #map1}, {transform_indices = #map1}, {transform_indices = #map}]} {
    %mul3A = arith.constant 16 : i32
    %mul3A_0 = arith.muli %arg0, %mul3A : i32
    %add3A = arith.addi %mul3A_0, %arg1 : i32
    %dma_start3A = arith.constant 0 : i32
    %dma_start3A_1 = arith.constant 0 : i32
    %dma_start3A_2 = arith.constant 0 : i32
    %dma_start3A_3 = arith.constant 0 : i32
    %dma_start3A_4 = tpu.memref_slice %arg6[%dma_start3A_1, %dma_start3A_2, %dma_start3A_3] : memref<2x25x80xi32, #tpu.memory_space<vmem>> -> memref<1x25x80xi32, #tpu.memory_space<vmem>>
    %dma_start3A_5 = tpu.memref_squeeze %dma_start3A_4 : memref<1x25x80xi32, #tpu.memory_space<vmem>> -> memref<25x80xi32, #tpu.memory_space<vmem>>
    %dma_start3A_6 = arith.constant 0 : i32
    %dma_start3A_7 = arith.constant 0 : i32
    %dma_start3A_8 = tpu.memref_slice %arg3[%add3A, %dma_start3A, %dma_start3A_6, %dma_start3A_7] : memref<32x5x25x80xi32, #tpu.memory_space<hbm>> -> memref<1x1x25x80xi32, #tpu.memory_space<hbm>>
    %dma_start3A_9 = tpu.memref_squeeze %dma_start3A_8 : memref<1x1x25x80xi32, #tpu.memory_space<hbm>> -> memref<25x80xi32, #tpu.memory_space<hbm>>
    %dma_start3A_10 = arith.constant 0 : i32
    %dma_start3A_11 = arith.constant 0 : i32
    %dma_start3A_12 = tpu.memref_slice %arg6[%dma_start3A_1, %dma_start3A_10, %dma_start3A_11] : memref<2x25x80xi32, #tpu.memory_space<vmem>> -> memref<1x25x80xi32, #tpu.memory_space<vmem>>
    %dma_start3A_13 = tpu.memref_squeeze %dma_start3A_12 : memref<1x25x80xi32, #tpu.memory_space<vmem>> -> memref<25x80xi32, #tpu.memory_space<vmem>>
    %dma_start3A_14 = arith.constant 0 : i32
    %dma_start3A_15 = arith.constant 0 : i32
    %dma_start3A_16 = tpu.memref_slice %arg3[%add3A, %dma_start3A, %dma_start3A_14, %dma_start3A_15] : memref<32x5x25x80xi32, #tpu.memory_space<hbm>> -> memref<1x1x25x80xi32, #tpu.memory_space<hbm>>
    %dma_start3A_17 = tpu.memref_squeeze %dma_start3A_16 : memref<1x1x25x80xi32, #tpu.memory_space<hbm>> -> memref<25x80xi32, #tpu.memory_space<hbm>>
    tpu.enqueue_dma source(%dma_start3A_17 : memref<25x80xi32, #tpu.memory_space<hbm>>) target(%dma_start3A_13 : memref<25x80xi32, #tpu.memory_space<vmem>>) target_semaphore(%arg13 : memref<!tpu.dma_semaphore, #tpu.memory_space<semaphore_mem>>)
    %dma_start3A_18 = arith.constant 0 : i32
    %dma_start3A_19 = arith.constant 0 : i32
    %dma_start3A_20 = arith.constant 0 : i32
    %dma_start3A_21 = arith.constant 0 : i32
    %dma_start3A_22 = tpu.memref_slice %arg7[%dma_start3A_19, %dma_start3A_20, %dma_start3A_21] : memref<2x25x80xi32, #tpu.memory_space<vmem>> -> memref<1x25x80xi32, #tpu.memory_space<vmem>>
    %dma_start3A_23 = tpu.memref_squeeze %dma_start3A_22 : memref<1x25x80xi32, #tpu.memory_space<vmem>> -> memref<25x80xi32, #tpu.memory_space<vmem>>
    %dma_start3A_24 = arith.constant 0 : i32
    %dma_start3A_25 = arith.constant 0 : i32
    %dma_start3A_26 = tpu.memref_slice %arg4[%add3A, %dma_start3A_18, %dma_start3A_24, %dma_start3A_25] : memref<32x5x25x80xi32, #tpu.memory_space<hbm>> -> memref<1x1x25x80xi32, #tpu.memory_space<hbm>>
    %dma_start3A_27 = tpu.memref_squeeze %dma_start3A_26 : memref<1x1x25x80xi32, #tpu.memory_space<hbm>> -> memref<25x80xi32, #tpu.memory_space<hbm>>
    %dma_start3A_28 = arith.constant 0 : i32
    %dma_start3A_29 = arith.constant 0 : i32
    %dma_start3A_30 = tpu.memref_slice %arg7[%dma_start3A_19, %dma_start3A_28, %dma_start3A_29] : memref<2x25x80xi32, #tpu.memory_space<vmem>> -> memref<1x25x80xi32, #tpu.memory_space<vmem>>
    %dma_start3A_31 = tpu.memref_squeeze %dma_start3A_30 : memref<1x25x80xi32, #tpu.memory_space<vmem>> -> memref<25x80xi32, #tpu.memory_space<vmem>>
    %dma_start3A_32 = arith.constant 0 : i32
    %dma_start3A_33 = arith.constant 0 : i32
    %dma_start3A_34 = tpu.memref_slice %arg4[%add3A, %dma_start3A_18, %dma_start3A_32, %dma_start3A_33] : memref<32x5x25x80xi32, #tpu.memory_space<hbm>> -> memref<1x1x25x80xi32, #tpu.memory_space<hbm>>
    %dma_start3A_35 = tpu.memref_squeeze %dma_start3A_34 : memref<1x1x25x80xi32, #tpu.memory_space<hbm>> -> memref<25x80xi32, #tpu.memory_space<hbm>>
    tpu.enqueue_dma source(%dma_start3A_35 : memref<25x80xi32, #tpu.memory_space<hbm>>) target(%dma_start3A_31 : memref<25x80xi32, #tpu.memory_space<vmem>>) target_semaphore(%arg13 : memref<!tpu.dma_semaphore, #tpu.memory_space<semaphore_mem>>)
    %broadcast_in_dim3A = arith.constant 0.000000e+00 : f32
    %broadcast_in_dim3A_36 = vector.broadcast %broadcast_in_dim3A : f32 to vector<16xf32>
    %scan3A = arith.constant 0 : i32
    %scan3A_37 = arith.constant 0 : i32
    %scan3A_38 = arith.constant 128 : i32
    %scan3A_39 = arith.addi %scan3A_37, %scan3A_38 : i32
    %scan3A_40 = arith.constant 1 : i32
    scf.for %scan3A_406 = %scan3A_37 to %scan3A_39 step %scan3A_40  : i32 {
      %jit3A = arith.constant 8 : i32
      %div3A = arith.divsi %scan3A_406, %jit3A : i32
      %sign3A = arith.constant 0 : i32
      %sign3A_407 = arith.cmpi sgt, %scan3A_406, %sign3A : i32
      %sign3A_408 = arith.extui %sign3A_407 : i1 to i32
      %sign3A_409 = arith.constant 0 : i32
      %sign3A_410 = arith.cmpi slt, %scan3A_406, %sign3A_409 : i32
      %sign3A_411 = arith.extui %sign3A_410 : i1 to i32
      %sign3A_412 = arith.subi %sign3A_408, %sign3A_411 : i32
      %sign3A_413 = arith.constant 0 : i32
      %sign3A_414 = arith.cmpi sgt, %jit3A, %sign3A_413 : i32
      %sign3A_415 = arith.extui %sign3A_414 : i1 to i32
      %sign3A_416 = arith.constant 0 : i32
      %sign3A_417 = arith.cmpi slt, %jit3A, %sign3A_416 : i32
      %sign3A_418 = arith.extui %sign3A_417 : i1 to i32
      %sign3A_419 = arith.subi %sign3A_415, %sign3A_418 : i32
      %ne3A = arith.cmpi ne, %sign3A_412, %sign3A_419 : i32
      %rem3A = arith.remsi %scan3A_406, %jit3A : i32
      %ne3A_420 = arith.constant 0 : i32
      %ne3A_421 = arith.cmpi ne, %rem3A, %ne3A_420 : i32
      %and3A = arith.andi %ne3A, %ne3A_421 : i1
      %sub3A = arith.constant 1 : i32
      %sub3A_422 = arith.subi %div3A, %sub3A : i32
      %select_n3A = arith.select %and3A, %sub3A_422, %div3A : i32
      %jit3A_423 = arith.constant 8 : i32
      %eq3A = arith.constant 0 : i32
      %eq3A_424 = arith.cmpi eq, %jit3A_423, %eq3A : i32
      %jit3A_425 = arith.constant 1 : i32
      %select_n3A_426 = arith.select %eq3A_424, %jit3A_425, %jit3A_423 : i32
      %rem3A_427 = arith.remsi %scan3A_406, %select_n3A_426 : i32
      %ne3A_428 = arith.constant 0 : i32
      %ne3A_429 = arith.cmpi ne, %rem3A_427, %ne3A_428 : i32
      %lt3A = arith.constant 0 : i32
      %lt3A_430 = arith.cmpi slt, %rem3A_427, %lt3A : i32
      %lt3A_431 = arith.constant 0 : i32
      %lt3A_432 = arith.cmpi slt, %select_n3A_426, %lt3A_431 : i32
      %ne3A_433 = arith.xori %lt3A_430, %lt3A_432 : i1
      %and3A_434 = arith.andi %ne3A_433, %ne3A_429 : i1
      %add3A_435 = arith.addi %rem3A_427, %select_n3A_426 : i32
      %select_n3A_436 = arith.select %and3A_434, %add3A_435, %rem3A_427 : i32
      %mul3A_437 = arith.constant 16 : i32
      %mul3A_438 = arith.muli %select_n3A_436, %mul3A_437 : i32
      %swap3A = arith.index_cast %select_n3A : i32 to index
      %swap3A_439 = arith.index_cast %mul3A_438 : i32 to index
      %swap3A_440 = tpu.vector_load %arg9[%swap3A, %swap3A_439] {strides = array<i32>} : memref<16x128xf32, #tpu.memory_space<vmem>>, vector<16xf32>,
      tpu.vector_store %arg9[%swap3A, %swap3A_439], %broadcast_in_dim3A_36 {strides = array<i32>} : memref<16x128xf32, #tpu.memory_space<vmem>>, vector<16xf32>,
    }
    %scan3A_41 = arith.constant 128 : i32
    %mul3A_42 = arith.constant 640 : i32
    %mul3A_43 = arith.muli %arg1, %mul3A_42 : i32
    %scan3A_44 = arith.constant 0 : i32
    %scan3A_45 = arith.constant 0 : i32
    %scan3A_46 = arith.constant 40 : i32
    %scan3A_47 = arith.addi %scan3A_45, %scan3A_46 : i32
    %scan3A_48 = arith.constant 1 : i32
    scf.for %scan3A_406 = %scan3A_45 to %scan3A_47 step %scan3A_48  : i32 {
      %mul3A_407 = arith.constant 16 : i32
      %mul3A_408 = arith.muli %scan3A_406, %mul3A_407 : i32
      %add3A_409 = arith.addi %mul3A_43, %mul3A_408 : i32
      "tpu.region"() ({
        %run_scoped3A = tpu.sem_alloc : memref<!tpu.dma_semaphore, #tpu.memory_space<semaphore_mem>>
        %dma_start3A_410 = arith.constant 0 : i32
        %dma_start3A_411 = tpu.memref_slice %arg10[%add3A_409, %dma_start3A_410] : memref<10240x128xf32, #tpu.memory_space<vmem_shared>> -> memref<16x128xf32, #tpu.memory_space<vmem_shared>>
        %dma_start3A_412 = arith.constant 0 : i32
        %dma_start3A_413 = tpu.memref_slice %arg10[%add3A_409, %dma_start3A_412] : memref<10240x128xf32, #tpu.memory_space<vmem_shared>> -> memref<16x128xf32, #tpu.memory_space<vmem_shared>>
        tpu.enqueue_dma source(%arg9 : memref<16x128xf32, #tpu.memory_space<vmem>>) target(%dma_start3A_413 : memref<16x128xf32, #tpu.memory_space<vmem_shared>>) target_semaphore(%run_scoped3A : memref<!tpu.dma_semaphore, #tpu.memory_space<semaphore_mem>>)
        %dma_wait3A_414 = arith.constant 0 : i32
        %dma_wait3A_415 = tpu.memref_slice %arg10[%add3A_409, %dma_wait3A_414] : memref<10240x128xf32, #tpu.memory_space<vmem_shared>> -> memref<16x128xf32, #tpu.memory_space<vmem_shared>>
        %dma_wait3A_416 = arith.constant 0 : i32
        %dma_wait3A_417 = tpu.memref_slice %arg10[%add3A_409, %dma_wait3A_416] : memref<10240x128xf32, #tpu.memory_space<vmem_shared>> -> memref<16x128xf32, #tpu.memory_space<vmem_shared>>
        tpu.wait_dma2 semaphore(%run_scoped3A : memref<!tpu.dma_semaphore, #tpu.memory_space<semaphore_mem>>) src(%arg9 : memref<16x128xf32, #tpu.memory_space<vmem>>) dst(%dma_wait3A_417 : memref<16x128xf32, #tpu.memory_space<vmem_shared>>)
        tpu.yield
      }) : () -> ()
    }
    %scan3A_49 = arith.constant 40 : i32
    %barrier3A = arith.constant 0 : index
    tpu.barrier barrier_id(%barrier3A)
    %dma_wait3A = arith.constant 0 : i32
    %dma_wait3A_50 = arith.constant 0 : i32
    %dma_wait3A_51 = arith.constant 0 : i32
    %dma_wait3A_52 = arith.constant 0 : i32
    %dma_wait3A_53 = tpu.memref_slice %arg6[%dma_wait3A_50, %dma_wait3A_51, %dma_wait3A_52] : memref<2x25x80xi32, #tpu.memory_space<vmem>> -> memref<1x25x80xi32, #tpu.memory_space<vmem>>
    %dma_wait3A_54 = tpu.memref_squeeze %dma_wait3A_53 : memref<1x25x80xi32, #tpu.memory_space<vmem>> -> memref<25x80xi32, #tpu.memory_space<vmem>>
    %dma_wait3A_55 = arith.constant 0 : i32
    %dma_wait3A_56 = arith.constant 0 : i32
    %dma_wait3A_57 = tpu.memref_slice %arg3[%add3A, %dma_wait3A, %dma_wait3A_55, %dma_wait3A_56] : memref<32x5x25x80xi32, #tpu.memory_space<hbm>> -> memref<1x1x25x80xi32, #tpu.memory_space<hbm>>
    %dma_wait3A_58 = tpu.memref_squeeze %dma_wait3A_57 : memref<1x1x25x80xi32, #tpu.memory_space<hbm>> -> memref<25x80xi32, #tpu.memory_space<hbm>>
    %dma_wait3A_59 = arith.constant 0 : i32
    %dma_wait3A_60 = arith.constant 0 : i32
    %dma_wait3A_61 = tpu.memref_slice %arg6[%dma_wait3A_50, %dma_wait3A_59, %dma_wait3A_60] : memref<2x25x80xi32, #tpu.memory_space<vmem>> -> memref<1x25x80xi32, #tpu.memory_space<vmem>>
    %dma_wait3A_62 = tpu.memref_squeeze %dma_wait3A_61 : memref<1x25x80xi32, #tpu.memory_space<vmem>> -> memref<25x80xi32, #tpu.memory_space<vmem>>
    %dma_wait3A_63 = arith.constant 0 : i32
    %dma_wait3A_64 = arith.constant 0 : i32
    %dma_wait3A_65 = tpu.memref_slice %arg3[%add3A, %dma_wait3A, %dma_wait3A_63, %dma_wait3A_64] : memref<32x5x25x80xi32, #tpu.memory_space<hbm>> -> memref<1x1x25x80xi32, #tpu.memory_space<hbm>>
    %dma_wait3A_66 = tpu.memref_squeeze %dma_wait3A_65 : memref<1x1x25x80xi32, #tpu.memory_space<hbm>> -> memref<25x80xi32, #tpu.memory_space<hbm>>
    tpu.wait_dma2 semaphore(%arg13 : memref<!tpu.dma_semaphore, #tpu.memory_space<semaphore_mem>>) src(%dma_wait3A_66 : memref<25x80xi32, #tpu.memory_space<hbm>>) dst(%dma_wait3A_62 : memref<25x80xi32, #tpu.memory_space<vmem>>)
    %dma_wait3A_67 = arith.constant 0 : i32
    %dma_wait3A_68 = arith.constant 0 : i32
    %dma_wait3A_69 = arith.constant 0 : i32
    %dma_wait3A_70 = arith.constant 0 : i32
    %dma_wait3A_71 = tpu.memref_slice %arg7[%dma_wait3A_68, %dma_wait3A_69, %dma_wait3A_70] : memref<2x25x80xi32, #tpu.memory_space<vmem>> -> memref<1x25x80xi32, #tpu.memory_space<vmem>>
    %dma_wait3A_72 = tpu.memref_squeeze %dma_wait3A_71 : memref<1x25x80xi32, #tpu.memory_space<vmem>> -> memref<25x80xi32, #tpu.memory_space<vmem>>
    %dma_wait3A_73 = arith.constant 0 : i32
    %dma_wait3A_74 = arith.constant 0 : i32
    %dma_wait3A_75 = tpu.memref_slice %arg4[%add3A, %dma_wait3A_67, %dma_wait3A_73, %dma_wait3A_74] : memref<32x5x25x80xi32, #tpu.memory_space<hbm>> -> memref<1x1x25x80xi32, #tpu.memory_space<hbm>>
    %dma_wait3A_76 = tpu.memref_squeeze %dma_wait3A_75 : memref<1x1x25x80xi32, #tpu.memory_space<hbm>> -> memref<25x80xi32, #tpu.memory_space<hbm>>
    %dma_wait3A_77 = arith.constant 0 : i32
    %dma_wait3A_78 = arith.constant 0 : i32
    %dma_wait3A_79 = tpu.memref_slice %arg7[%dma_wait3A_68, %dma_wait3A_77, %dma_wait3A_78] : memref<2x25x80xi32, #tpu.memory_space<vmem>> -> memref<1x25x80xi32, #tpu.memory_space<vmem>>
    %dma_wait3A_80 = tpu.memref_squeeze %dma_wait3A_79 : memref<1x25x80xi32, #tpu.memory_space<vmem>> -> memref<25x80xi32, #tpu.memory_space<vmem>>
    %dma_wait3A_81 = arith.constant 0 : i32
    %dma_wait3A_82 = arith.constant 0 : i32
    %dma_wait3A_83 = tpu.memref_slice %arg4[%add3A, %dma_wait3A_67, %dma_wait3A_81, %dma_wait3A_82] : memref<32x5x25x80xi32, #tpu.memory_space<hbm>> -> memref<1x1x25x80xi32, #tpu.memory_space<hbm>>
    %dma_wait3A_84 = tpu.memref_squeeze %dma_wait3A_83 : memref<1x1x25x80xi32, #tpu.memory_space<hbm>> -> memref<25x80xi32, #tpu.memory_space<hbm>>
    tpu.wait_dma2 semaphore(%arg13 : memref<!tpu.dma_semaphore, #tpu.memory_space<semaphore_mem>>) src(%dma_wait3A_84 : memref<25x80xi32, #tpu.memory_space<hbm>>) dst(%dma_wait3A_80 : memref<25x80xi32, #tpu.memory_space<vmem>>)
    %dma_start3A_85 = arith.constant 0 : i32
    %dma_start3A_86 = arith.constant 0 : i32
    %dma_start3A_87 = arith.constant 0 : i32
    %dma_start3A_88 = arith.constant 0 : i32
    %dma_start3A_89 = arith.constant 0 : i32
    %dma_start3A_90 = tpu.memref_slice %arg8[%dma_start3A_87, %dma_start3A_88, %dma_start3A_89] : memref<3x80x128xf32, #tpu.memory_space<vmem>> -> memref<1x80x128xf32, #tpu.memory_space<vmem>>
    %dma_start3A_91 = tpu.memref_squeeze %dma_start3A_90 : memref<1x80x128xf32, #tpu.memory_space<vmem>> -> memref<80x128xf32, #tpu.memory_space<vmem>>
    %dma_start3A_92 = arith.constant 0 : i32
    %dma_start3A_93 = tpu.memref_slice %arg6[%dma_start3A_85, %dma_start3A_86, %dma_start3A_92] : memref<2x25x80xi32, #tpu.memory_space<vmem>> -> memref<1x1x80xi32, #tpu.memory_space<vmem>>
    %dma_start3A_94 = tpu.memref_squeeze %dma_start3A_93 : memref<1x1x80xi32, #tpu.memory_space<vmem>> -> memref<80xi32, #tpu.memory_space<vmem>>
    %dma_start3A_95 = arith.constant 0 : i32
    %dma_start3A_96 = arith.constant 0 : i32
    %dma_start3A_97 = tpu.memref_slice %arg2[%dma_start3A_95, %dma_start3A_96] : memref<10240x128xf32, #tpu.memory_space<hbm>> -> memref<10240x128xf32, #tpu.memory_space<hbm>>
    tpu.enqueue_indirect_dma source(%dma_start3A_97 : memref<10240x128xf32, #tpu.memory_space<hbm>>) target(%dma_start3A_91 : memref<80x128xf32, #tpu.memory_space<vmem>>) offsets(%dma_start3A_94 : memref<80xi32, #tpu.memory_space<vmem>>) semaphore(%arg11 : memref<!tpu.dma_semaphore, #tpu.memory_space<semaphore_mem>>)
    %scan3A_98 = arith.constant 0 : i32
    %scan3A_99 = arith.constant 0 : i32
    %scan3A_100 = arith.constant 25 : i32
    %scan3A_101 = arith.addi %scan3A_99, %scan3A_100 : i32
    %scan3A_102 = arith.constant 1 : i32
    scf.for %scan3A_406 = %scan3A_99 to %scan3A_101 step %scan3A_102  : i32 {
      %add3A_407 = arith.constant 0 : i32
      %add3A_408 = arith.addi %add3A_407, %scan3A_406 : i32
      %jit3A = arith.constant 3 : i32
      %eq3A = arith.constant 0 : i32
      %eq3A_409 = arith.cmpi eq, %jit3A, %eq3A : i32
      %jit3A_410 = arith.constant 1 : i32
      %select_n3A = arith.select %eq3A_409, %jit3A_410, %jit3A : i32
      %rem3A = arith.remsi %add3A_408, %select_n3A : i32
      %ne3A = arith.constant 0 : i32
      %ne3A_411 = arith.cmpi ne, %rem3A, %ne3A : i32
      %lt3A = arith.constant 0 : i32
      %lt3A_412 = arith.cmpi slt, %rem3A, %lt3A : i32
      %lt3A_413 = arith.constant 0 : i32
      %lt3A_414 = arith.cmpi slt, %select_n3A, %lt3A_413 : i32
      %ne3A_415 = arith.xori %lt3A_412, %lt3A_414 : i1
      %and3A = arith.andi %ne3A_415, %ne3A_411 : i1
      %add3A_416 = arith.addi %rem3A, %select_n3A : i32
      %select_n3A_417 = arith.select %and3A, %add3A_416, %rem3A : i32
      %dma_wait3A_418 = arith.constant 0 : i32
      %dma_wait3A_419 = arith.constant 0 : i32
      %dma_wait3A_420 = arith.constant 0 : i32
      %dma_wait3A_421 = tpu.memref_slice %arg8[%select_n3A_417, %dma_wait3A_419, %dma_wait3A_420] : memref<3x80x128xf32, #tpu.memory_space<vmem>> -> memref<1x80x128xf32, #tpu.memory_space<vmem>>
      %dma_wait3A_422 = tpu.memref_squeeze %dma_wait3A_421 : memref<1x80x128xf32, #tpu.memory_space<vmem>> -> memref<80x128xf32, #tpu.memory_space<vmem>>
      %dma_wait3A_423 = arith.constant 0 : i32
      %dma_wait3A_424 = tpu.memref_slice %arg6[%dma_wait3A_418, %scan3A_406, %dma_wait3A_423] : memref<2x25x80xi32, #tpu.memory_space<vmem>> -> memref<1x1x80xi32, #tpu.memory_space<vmem>>
      %dma_wait3A_425 = tpu.memref_squeeze %dma_wait3A_424 : memref<1x1x80xi32, #tpu.memory_space<vmem>> -> memref<80xi32, #tpu.memory_space<vmem>>
      %dma_wait3A_426 = arith.constant 0 : i32
      %dma_wait3A_427 = arith.constant 0 : i32
      %dma_wait3A_428 = tpu.memref_slice %arg2[%dma_wait3A_426, %dma_wait3A_427] : memref<10240x128xf32, #tpu.memory_space<hbm>> -> memref<10240x128xf32, #tpu.memory_space<hbm>>
      tpu.wait_indirect_dma semaphore(%arg11 : memref<!tpu.dma_semaphore, #tpu.memory_space<semaphore_mem>>) src(%dma_wait3A_428 : memref<10240x128xf32, #tpu.memory_space<hbm>>) dst(%dma_wait3A_422 : memref<80x128xf32, #tpu.memory_space<vmem>>)
      %add3A_429 = arith.constant 0 : i32
      %add3A_430 = arith.addi %add3A_429, %scan3A_406 : i32
      %jit3A_431 = arith.constant 3 : i32
      %eq3A_432 = arith.constant 0 : i32
      %eq3A_433 = arith.cmpi eq, %jit3A_431, %eq3A_432 : i32
      %jit3A_434 = arith.constant 1 : i32
      %select_n3A_435 = arith.select %eq3A_433, %jit3A_434, %jit3A_431 : i32
      %rem3A_436 = arith.remsi %add3A_430, %select_n3A_435 : i32
      %ne3A_437 = arith.constant 0 : i32
      %ne3A_438 = arith.cmpi ne, %rem3A_436, %ne3A_437 : i32
      %lt3A_439 = arith.constant 0 : i32
      %lt3A_440 = arith.cmpi slt, %rem3A_436, %lt3A_439 : i32
      %lt3A_441 = arith.constant 0 : i32
      %lt3A_442 = arith.cmpi slt, %select_n3A_435, %lt3A_441 : i32
      %ne3A_443 = arith.xori %lt3A_440, %lt3A_442 : i1
      %and3A_444 = arith.andi %ne3A_443, %ne3A_438 : i1
      %add3A_445 = arith.addi %rem3A_436, %select_n3A_435 : i32
      %select_n3A_446 = arith.select %and3A_444, %add3A_445, %rem3A_436 : i32
      %dma_start3A_447 = arith.constant 0 : i32
      %dma_start3A_448 = arith.constant 0 : i32
      %dma_start3A_449 = arith.constant 0 : i32
      %dma_start3A_450 = tpu.memref_slice %arg8[%select_n3A_446, %dma_start3A_448, %dma_start3A_449] : memref<3x80x128xf32, #tpu.memory_space<vmem>> -> memref<1x80x128xf32, #tpu.memory_space<vmem>>
      %dma_start3A_451 = tpu.memref_squeeze %dma_start3A_450 : memref<1x80x128xf32, #tpu.memory_space<vmem>> -> memref<80x128xf32, #tpu.memory_space<vmem>>
      %dma_start3A_452 = arith.constant 0 : i32
      %dma_start3A_453 = tpu.memref_slice %arg7[%dma_start3A_447, %scan3A_406, %dma_start3A_452] : memref<2x25x80xi32, #tpu.memory_space<vmem>> -> memref<1x1x80xi32, #tpu.memory_space<vmem>>
      %dma_start3A_454 = tpu.memref_squeeze %dma_start3A_453 : memref<1x1x80xi32, #tpu.memory_space<vmem>> -> memref<80xi32, #tpu.memory_space<vmem>>
      %dma_start3A_455 = arith.constant 0 : i32
      %dma_start3A_456 = arith.constant 0 : i32
      %dma_start3A_457 = tpu.memref_slice %arg10[%dma_start3A_455, %dma_start3A_456] : memref<10240x128xf32, #tpu.memory_space<vmem_shared>> -> memref<10240x128xf32, #tpu.memory_space<vmem_shared>>
      tpu.enqueue_indirect_dma source(%dma_start3A_451 : memref<80x128xf32, #tpu.memory_space<vmem>>) target(%dma_start3A_457 : memref<10240x128xf32, #tpu.memory_space<vmem_shared>>) offsets(%dma_start3A_454 : memref<80xi32, #tpu.memory_space<vmem>>) semaphore(%arg12 : memref<!tpu.dma_semaphore, #tpu.memory_space<semaphore_mem>>) {add = true}
      %eq3A_458 = arith.constant 2 : i32
      %eq3A_459 = arith.cmpi eq, %scan3A_406, %eq3A_458 : i32
      %convert_element_type3A = arith.extui %eq3A_459 : i1 to i32
      %cond3A = arith.constant 0 : i32
      %cond3A_460 = arith.cmpi ne, %convert_element_type3A, %cond3A : i32
      scf.if %cond3A_460 {
        %dma_start3A_468 = arith.constant 1 : i32
        %dma_start3A_469 = arith.constant 1 : i32
        %dma_start3A_470 = arith.constant 0 : i32
        %dma_start3A_471 = arith.constant 0 : i32
        %dma_start3A_472 = tpu.memref_slice %arg6[%dma_start3A_469, %dma_start3A_470, %dma_start3A_471] : memref<2x25x80xi32, #tpu.memory_space<vmem>> -> memref<1x25x80xi32, #tpu.memory_space<vmem>>
        %dma_start3A_473 = tpu.memref_squeeze %dma_start3A_472 : memref<1x25x80xi32, #tpu.memory_space<vmem>> -> memref<25x80xi32, #tpu.memory_space<vmem>>
        %dma_start3A_474 = arith.constant 0 : i32
        %dma_start3A_475 = arith.constant 0 : i32
        %dma_start3A_476 = tpu.memref_slice %arg3[%add3A, %dma_start3A_468, %dma_start3A_474, %dma_start3A_475] : memref<32x5x25x80xi32, #tpu.memory_space<hbm>> -> memref<1x1x25x80xi32, #tpu.memory_space<hbm>>
        %dma_start3A_477 = tpu.memref_squeeze %dma_start3A_476 : memref<1x1x25x80xi32, #tpu.memory_space<hbm>> -> memref<25x80xi32, #tpu.memory_space<hbm>>
        %dma_start3A_478 = arith.constant 0 : i32
        %dma_start3A_479 = arith.constant 0 : i32
        %dma_start3A_480 = tpu.memref_slice %arg6[%dma_start3A_469, %dma_start3A_478, %dma_start3A_479] : memref<2x25x80xi32, #tpu.memory_space<vmem>> -> memref<1x25x80xi32, #tpu.memory_space<vmem>>
        %dma_start3A_481 = tpu.memref_squeeze %dma_start3A_480 : memref<1x25x80xi32, #tpu.memory_space<vmem>> -> memref<25x80xi32, #tpu.memory_space<vmem>>
        %dma_start3A_482 = arith.constant 0 : i32
        %dma_start3A_483 = arith.constant 0 : i32
        %dma_start3A_484 = tpu.memref_slice %arg3[%add3A, %dma_start3A_468, %dma_start3A_482, %dma_start3A_483] : memref<32x5x25x80xi32, #tpu.memory_space<hbm>> -> memref<1x1x25x80xi32, #tpu.memory_space<hbm>>
        %dma_start3A_485 = tpu.memref_squeeze %dma_start3A_484 : memref<1x1x25x80xi32, #tpu.memory_space<hbm>> -> memref<25x80xi32, #tpu.memory_space<hbm>>
        tpu.enqueue_dma source(%dma_start3A_485 : memref<25x80xi32, #tpu.memory_space<hbm>>) target(%dma_start3A_481 : memref<25x80xi32, #tpu.memory_space<vmem>>) target_semaphore(%arg13 : memref<!tpu.dma_semaphore, #tpu.memory_space<semaphore_mem>>)
        %dma_start3A_486 = arith.constant 1 : i32
        %dma_start3A_487 = arith.constant 1 : i32
        %dma_start3A_488 = arith.constant 0 : i32
        %dma_start3A_489 = arith.constant 0 : i32
        %dma_start3A_490 = tpu.memref_slice %arg7[%dma_start3A_487, %dma_start3A_488, %dma_start3A_489] : memref<2x25x80xi32, #tpu.memory_space<vmem>> -> memref<1x25x80xi32, #tpu.memory_space<vmem>>
        %dma_start3A_491 = tpu.memref_squeeze %dma_start3A_490 : memref<1x25x80xi32, #tpu.memory_space<vmem>> -> memref<25x80xi32, #tpu.memory_space<vmem>>
        %dma_start3A_492 = arith.constant 0 : i32
        %dma_start3A_493 = arith.constant 0 : i32
        %dma_start3A_494 = tpu.memref_slice %arg4[%add3A, %dma_start3A_486, %dma_start3A_492, %dma_start3A_493] : memref<32x5x25x80xi32, #tpu.memory_space<hbm>> -> memref<1x1x25x80xi32, #tpu.memory_space<hbm>>
        %dma_start3A_495 = tpu.memref_squeeze %dma_start3A_494 : memref<1x1x25x80xi32, #tpu.memory_space<hbm>> -> memref<25x80xi32, #tpu.memory_space<hbm>>
        %dma_start3A_496 = arith.constant 0 : i32
        %dma_start3A_497 = arith.constant 0 : i32
        %dma_start3A_498 = tpu.memref_slice %arg7[%dma_start3A_487, %dma_start3A_496, %dma_start3A_497] : memref<2x25x80xi32, #tpu.memory_space<vmem>> -> memref<1x25x80xi32, #tpu.memory_space<vmem>>
        %dma_start3A_499 = tpu.memref_squeeze %dma_start3A_498 : memref<1x25x80xi32, #tpu.memory_space<vmem>> -> memref<25x80xi32, #tpu.memory_space<vmem>>
        %dma_start3A_500 = arith.constant 0 : i32
        %dma_start3A_501 = arith.constant 0 : i32
        %dma_start3A_502 = tpu.memref_slice %arg4[%add3A, %dma_start3A_486, %dma_start3A_500, %dma_start3A_501] : memref<32x5x25x80xi32, #tpu.memory_space<hbm>> -> memref<1x1x25x80xi32, #tpu.memory_space<hbm>>
        %dma_start3A_503 = tpu.memref_squeeze %dma_start3A_502 : memref<1x1x25x80xi32, #tpu.memory_space<hbm>> -> memref<25x80xi32, #tpu.memory_space<hbm>>
        tpu.enqueue_dma source(%dma_start3A_503 : memref<25x80xi32, #tpu.memory_space<hbm>>) target(%dma_start3A_499 : memref<25x80xi32, #tpu.memory_space<vmem>>) target_semaphore(%arg13 : memref<!tpu.dma_semaphore, #tpu.memory_space<semaphore_mem>>)
      } else {
      }
      %add3A_461 = arith.constant 1 : i32
      %add3A_462 = arith.addi %scan3A_406, %add3A_461 : i32
      %lt3A_463 = arith.constant 25 : i32
      %lt3A_464 = arith.cmpi slt, %add3A_462, %lt3A_463 : i32
      %convert_element_type3A_465 = arith.extui %lt3A_464 : i1 to i32
      %cond3A_466 = arith.constant 0 : i32
      %cond3A_467 = arith.cmpi ne, %convert_element_type3A_465, %cond3A_466 : i32
      scf.if %cond3A_467 {
        %ge3A = arith.constant 1 : i32
        %ge3A_468 = arith.cmpi sge, %scan3A_406, %ge3A : i32
        %convert_element_type3A_469 = arith.extui %ge3A_468 : i1 to i32
        %cond3A_470 = arith.constant 0 : i32
        %cond3A_471 = arith.cmpi ne, %convert_element_type3A_469, %cond3A_470 : i32
        scf.if %cond3A_471 {
          %dma_wait3A_503 = arith.constant 0 : i32
          %dma_wait3A_504 = arith.constant 0 : i32
          %dma_wait3A_505 = arith.constant 0 : i32
          %dma_wait3A_506 = arith.constant 0 : i32
          %dma_wait3A_507 = arith.constant 0 : i32
          %dma_wait3A_508 = tpu.memref_slice %arg8[%dma_wait3A_503, %dma_wait3A_506, %dma_wait3A_507] : memref<3x80x128xf32, #tpu.memory_space<vmem>> -> memref<1x80x128xf32, #tpu.memory_space<vmem>>
          %dma_wait3A_509 = tpu.memref_squeeze %dma_wait3A_508 : memref<1x80x128xf32, #tpu.memory_space<vmem>> -> memref<80x128xf32, #tpu.memory_space<vmem>>
          %dma_wait3A_510 = arith.constant 0 : i32
          %dma_wait3A_511 = tpu.memref_slice %arg7[%dma_wait3A_504, %dma_wait3A_505, %dma_wait3A_510] : memref<2x25x80xi32, #tpu.memory_space<vmem>> -> memref<1x1x80xi32, #tpu.memory_space<vmem>>
          %dma_wait3A_512 = tpu.memref_squeeze %dma_wait3A_511 : memref<1x1x80xi32, #tpu.memory_space<vmem>> -> memref<80xi32, #tpu.memory_space<vmem>>
          %dma_wait3A_513 = arith.constant 0 : i32
          %dma_wait3A_514 = arith.constant 0 : i32
          %dma_wait3A_515 = tpu.memref_slice %arg10[%dma_wait3A_513, %dma_wait3A_514] : memref<10240x128xf32, #tpu.memory_space<vmem_shared>> -> memref<10240x128xf32, #tpu.memory_space<vmem_shared>>
          tpu.wait_indirect_dma semaphore(%arg12 : memref<!tpu.dma_semaphore, #tpu.memory_space<semaphore_mem>>) src(%dma_wait3A_509 : memref<80x128xf32, #tpu.memory_space<vmem>>) dst(%dma_wait3A_515 : memref<10240x128xf32, #tpu.memory_space<vmem_shared>>)
        } else {
        }
        %add3A_472 = arith.constant 1 : i32
        %add3A_473 = arith.addi %scan3A_406, %add3A_472 : i32
        %add3A_474 = arith.constant 0 : i32
        %add3A_475 = arith.addi %add3A_474, %add3A_473 : i32
        %jit3A_476 = arith.constant 3 : i32
        %eq3A_477 = arith.constant 0 : i32
        %eq3A_478 = arith.cmpi eq, %jit3A_476, %eq3A_477 : i32
        %jit3A_479 = arith.constant 1 : i32
        %select_n3A_480 = arith.select %eq3A_478, %jit3A_479, %jit3A_476 : i32
        %rem3A_481 = arith.remsi %add3A_475, %select_n3A_480 : i32
        %ne3A_482 = arith.constant 0 : i32
        %ne3A_483 = arith.cmpi ne, %rem3A_481, %ne3A_482 : i32
        %lt3A_484 = arith.constant 0 : i32
        %lt3A_485 = arith.cmpi slt, %rem3A_481, %lt3A_484 : i32
        %lt3A_486 = arith.constant 0 : i32
        %lt3A_487 = arith.cmpi slt, %select_n3A_480, %lt3A_486 : i32
        %ne3A_488 = arith.xori %lt3A_485, %lt3A_487 : i1
        %and3A_489 = arith.andi %ne3A_488, %ne3A_483 : i1
        %add3A_490 = arith.addi %rem3A_481, %select_n3A_480 : i32
        %select_n3A_491 = arith.select %and3A_489, %add3A_490, %rem3A_481 : i32
        %dma_start3A_492 = arith.constant 0 : i32
        %dma_start3A_493 = arith.constant 0 : i32
        %dma_start3A_494 = arith.constant 0 : i32
        %dma_start3A_495 = tpu.memref_slice %arg8[%select_n3A_491, %dma_start3A_493, %dma_start3A_494] : memref<3x80x128xf32, #tpu.memory_space<vmem>> -> memref<1x80x128xf32, #tpu.memory_space<vmem>>
        %dma_start3A_496 = tpu.memref_squeeze %dma_start3A_495 : memref<1x80x128xf32, #tpu.memory_space<vmem>> -> memref<80x128xf32, #tpu.memory_space<vmem>>
        %dma_start3A_497 = arith.constant 0 : i32
        %dma_start3A_498 = tpu.memref_slice %arg6[%dma_start3A_492, %add3A_473, %dma_start3A_497] : memref<2x25x80xi32, #tpu.memory_space<vmem>> -> memref<1x1x80xi32, #tpu.memory_space<vmem>>
        %dma_start3A_499 = tpu.memref_squeeze %dma_start3A_498 : memref<1x1x80xi32, #tpu.memory_space<vmem>> -> memref<80xi32, #tpu.memory_space<vmem>>
        %dma_start3A_500 = arith.constant 0 : i32
        %dma_start3A_501 = arith.constant 0 : i32
        %dma_start3A_502 = tpu.memref_slice %arg2[%dma_start3A_500, %dma_start3A_501] : memref<10240x128xf32, #tpu.memory_space<hbm>> -> memref<10240x128xf32, #tpu.memory_space<hbm>>
        tpu.enqueue_indirect_dma source(%dma_start3A_502 : memref<10240x128xf32, #tpu.memory_space<hbm>>) target(%dma_start3A_496 : memref<80x128xf32, #tpu.memory_space<vmem>>) offsets(%dma_start3A_499 : memref<80xi32, #tpu.memory_space<vmem>>) semaphore(%arg11 : memref<!tpu.dma_semaphore, #tpu.memory_space<semaphore_mem>>)
      } else {
      }
    }
    %scan3A_103 = arith.constant 25 : i32
    %dma_wait3A_104 = arith.constant 1 : i32
    %dma_wait3A_105 = arith.constant 1 : i32
    %dma_wait3A_106 = arith.constant 0 : i32
    %dma_wait3A_107 = arith.constant 0 : i32
    %dma_wait3A_108 = tpu.memref_slice %arg6[%dma_wait3A_105, %dma_wait3A_106, %dma_wait3A_107] : memref<2x25x80xi32, #tpu.memory_space<vmem>> -> memref<1x25x80xi32, #tpu.memory_space<vmem>>
    %dma_wait3A_109 = tpu.memref_squeeze %dma_wait3A_108 : memref<1x25x80xi32, #tpu.memory_space<vmem>> -> memref<25x80xi32, #tpu.memory_space<vmem>>
    %dma_wait3A_110 = arith.constant 0 : i32
    %dma_wait3A_111 = arith.constant 0 : i32
    %dma_wait3A_112 = tpu.memref_slice %arg3[%add3A, %dma_wait3A_104, %dma_wait3A_110, %dma_wait3A_111] : memref<32x5x25x80xi32, #tpu.memory_space<hbm>> -> memref<1x1x25x80xi32, #tpu.memory_space<hbm>>
    %dma_wait3A_113 = tpu.memref_squeeze %dma_wait3A_112 : memref<1x1x25x80xi32, #tpu.memory_space<hbm>> -> memref<25x80xi32, #tpu.memory_space<hbm>>
    %dma_wait3A_114 = arith.constant 0 : i32
    %dma_wait3A_115 = arith.constant 0 : i32
    %dma_wait3A_116 = tpu.memref_slice %arg6[%dma_wait3A_105, %dma_wait3A_114, %dma_wait3A_115] : memref<2x25x80xi32, #tpu.memory_space<vmem>> -> memref<1x25x80xi32, #tpu.memory_space<vmem>>
    %dma_wait3A_117 = tpu.memref_squeeze %dma_wait3A_116 : memref<1x25x80xi32, #tpu.memory_space<vmem>> -> memref<25x80xi32, #tpu.memory_space<vmem>>
    %dma_wait3A_118 = arith.constant 0 : i32
    %dma_wait3A_119 = arith.constant 0 : i32
    %dma_wait3A_120 = tpu.memref_slice %arg3[%add3A, %dma_wait3A_104, %dma_wait3A_118, %dma_wait3A_119] : memref<32x5x25x80xi32, #tpu.memory_space<hbm>> -> memref<1x1x25x80xi32, #tpu.memory_space<hbm>>
    %dma_wait3A_121 = tpu.memref_squeeze %dma_wait3A_120 : memref<1x1x25x80xi32, #tpu.memory_space<hbm>> -> memref<25x80xi32, #tpu.memory_space<hbm>>
    tpu.wait_dma2 semaphore(%arg13 : memref<!tpu.dma_semaphore, #tpu.memory_space<semaphore_mem>>) src(%dma_wait3A_121 : memref<25x80xi32, #tpu.memory_space<hbm>>) dst(%dma_wait3A_117 : memref<25x80xi32, #tpu.memory_space<vmem>>)
    %dma_wait3A_122 = arith.constant 1 : i32
    %dma_wait3A_123 = arith.constant 1 : i32
    %dma_wait3A_124 = arith.constant 0 : i32
    %dma_wait3A_125 = arith.constant 0 : i32
    %dma_wait3A_126 = tpu.memref_slice %arg7[%dma_wait3A_123, %dma_wait3A_124, %dma_wait3A_125] : memref<2x25x80xi32, #tpu.memory_space<vmem>> -> memref<1x25x80xi32, #tpu.memory_space<vmem>>
    %dma_wait3A_127 = tpu.memref_squeeze %dma_wait3A_126 : memref<1x25x80xi32, #tpu.memory_space<vmem>> -> memref<25x80xi32, #tpu.memory_space<vmem>>
    %dma_wait3A_128 = arith.constant 0 : i32
    %dma_wait3A_129 = arith.constant 0 : i32
    %dma_wait3A_130 = tpu.memref_slice %arg4[%add3A, %dma_wait3A_122, %dma_wait3A_128, %dma_wait3A_129] : memref<32x5x25x80xi32, #tpu.memory_space<hbm>> -> memref<1x1x25x80xi32, #tpu.memory_space<hbm>>
    %dma_wait3A_131 = tpu.memref_squeeze %dma_wait3A_130 : memref<1x1x25x80xi32, #tpu.memory_space<hbm>> -> memref<25x80xi32, #tpu.memory_space<hbm>>
    %dma_wait3A_132 = arith.constant 0 : i32
    %dma_wait3A_133 = arith.constant 0 : i32
    %dma_wait3A_134 = tpu.memref_slice %arg7[%dma_wait3A_123, %dma_wait3A_132, %dma_wait3A_133] : memref<2x25x80xi32, #tpu.memory_space<vmem>> -> memref<1x25x80xi32, #tpu.memory_space<vmem>>
    %dma_wait3A_135 = tpu.memref_squeeze %dma_wait3A_134 : memref<1x25x80xi32, #tpu.memory_space<vmem>> -> memref<25x80xi32, #tpu.memory_space<vmem>>
    %dma_wait3A_136 = arith.constant 0 : i32
    %dma_wait3A_137 = arith.constant 0 : i32
    %dma_wait3A_138 = tpu.memref_slice %arg4[%add3A, %dma_wait3A_122, %dma_wait3A_136, %dma_wait3A_137] : memref<32x5x25x80xi32, #tpu.memory_space<hbm>> -> memref<1x1x25x80xi32, #tpu.memory_space<hbm>>
    %dma_wait3A_139 = tpu.memref_squeeze %dma_wait3A_138 : memref<1x1x25x80xi32, #tpu.memory_space<hbm>> -> memref<25x80xi32, #tpu.memory_space<hbm>>
    tpu.wait_dma2 semaphore(%arg13 : memref<!tpu.dma_semaphore, #tpu.memory_space<semaphore_mem>>) src(%dma_wait3A_139 : memref<25x80xi32, #tpu.memory_space<hbm>>) dst(%dma_wait3A_135 : memref<25x80xi32, #tpu.memory_space<vmem>>)
    %dma_wait3A_140 = arith.constant 0 : i32
    %dma_wait3A_141 = arith.constant 0 : i32
    %dma_wait3A_142 = arith.constant 0 : i32
    %dma_wait3A_143 = arith.constant 0 : i32
    %dma_wait3A_144 = arith.constant 0 : i32
    %dma_wait3A_145 = tpu.memref_slice %arg8[%dma_wait3A_140, %dma_wait3A_143, %dma_wait3A_144] : memref<3x80x128xf32, #tpu.memory_space<vmem>> -> memref<1x80x128xf32, #tpu.memory_space<vmem>>
    %dma_wait3A_146 = tpu.memref_squeeze %dma_wait3A_145 : memref<1x80x128xf32, #tpu.memory_space<vmem>> -> memref<80x128xf32, #tpu.memory_space<vmem>>
    %dma_wait3A_147 = arith.constant 0 : i32
    %dma_wait3A_148 = tpu.memref_slice %arg7[%dma_wait3A_141, %dma_wait3A_142, %dma_wait3A_147] : memref<2x25x80xi32, #tpu.memory_space<vmem>> -> memref<1x1x80xi32, #tpu.memory_space<vmem>>
    %dma_wait3A_149 = tpu.memref_squeeze %dma_wait3A_148 : memref<1x1x80xi32, #tpu.memory_space<vmem>> -> memref<80xi32, #tpu.memory_space<vmem>>
    %dma_wait3A_150 = arith.constant 0 : i32
    %dma_wait3A_151 = arith.constant 0 : i32
    %dma_wait3A_152 = tpu.memref_slice %arg10[%dma_wait3A_150, %dma_wait3A_151] : memref<10240x128xf32, #tpu.memory_space<vmem_shared>> -> memref<10240x128xf32, #tpu.memory_space<vmem_shared>>
    tpu.wait_indirect_dma semaphore(%arg12 : memref<!tpu.dma_semaphore, #tpu.memory_space<semaphore_mem>>) src(%dma_wait3A_146 : memref<80x128xf32, #tpu.memory_space<vmem>>) dst(%dma_wait3A_152 : memref<10240x128xf32, #tpu.memory_space<vmem_shared>>)
    %dma_start3A_153 = arith.constant 1 : i32
    %dma_start3A_154 = arith.constant 0 : i32
    %dma_start3A_155 = arith.constant 1 : i32
    %dma_start3A_156 = arith.constant 0 : i32
    %dma_start3A_157 = arith.constant 0 : i32
    %dma_start3A_158 = tpu.memref_slice %arg8[%dma_start3A_155, %dma_start3A_156, %dma_start3A_157] : memref<3x80x128xf32, #tpu.memory_space<vmem>> -> memref<1x80x128xf32, #tpu.memory_space<vmem>>
    %dma_start3A_159 = tpu.memref_squeeze %dma_start3A_158 : memref<1x80x128xf32, #tpu.memory_space<vmem>> -> memref<80x128xf32, #tpu.memory_space<vmem>>
    %dma_start3A_160 = arith.constant 0 : i32
    %dma_start3A_161 = tpu.memref_slice %arg6[%dma_start3A_153, %dma_start3A_154, %dma_start3A_160] : memref<2x25x80xi32, #tpu.memory_space<vmem>> -> memref<1x1x80xi32, #tpu.memory_space<vmem>>
    %dma_start3A_162 = tpu.memref_squeeze %dma_start3A_161 : memref<1x1x80xi32, #tpu.memory_space<vmem>> -> memref<80xi32, #tpu.memory_space<vmem>>
    %dma_start3A_163 = arith.constant 0 : i32
    %dma_start3A_164 = arith.constant 0 : i32
    %dma_start3A_165 = tpu.memref_slice %arg2[%dma_start3A_163, %dma_start3A_164] : memref<10240x128xf32, #tpu.memory_space<hbm>> -> memref<10240x128xf32, #tpu.memory_space<hbm>>
    tpu.enqueue_indirect_dma source(%dma_start3A_165 : memref<10240x128xf32, #tpu.memory_space<hbm>>) target(%dma_start3A_159 : memref<80x128xf32, #tpu.memory_space<vmem>>) offsets(%dma_start3A_162 : memref<80xi32, #tpu.memory_space<vmem>>) semaphore(%arg11 : memref<!tpu.dma_semaphore, #tpu.memory_space<semaphore_mem>>)
    %scan3A_166 = arith.constant 0 : i32
    %scan3A_167 = arith.constant 0 : i32
    %scan3A_168 = arith.constant 25 : i32
    %scan3A_169 = arith.addi %scan3A_167, %scan3A_168 : i32
    %scan3A_170 = arith.constant 1 : i32
    scf.for %scan3A_406 = %scan3A_167 to %scan3A_169 step %scan3A_170  : i32 {
      %add3A_407 = arith.constant 25 : i32
      %add3A_408 = arith.addi %add3A_407, %scan3A_406 : i32
      %jit3A = arith.constant 3 : i32
      %eq3A = arith.constant 0 : i32
      %eq3A_409 = arith.cmpi eq, %jit3A, %eq3A : i32
      %jit3A_410 = arith.constant 1 : i32
      %select_n3A = arith.select %eq3A_409, %jit3A_410, %jit3A : i32
      %rem3A = arith.remsi %add3A_408, %select_n3A : i32
      %ne3A = arith.constant 0 : i32
      %ne3A_411 = arith.cmpi ne, %rem3A, %ne3A : i32
      %lt3A = arith.constant 0 : i32
      %lt3A_412 = arith.cmpi slt, %rem3A, %lt3A : i32
      %lt3A_413 = arith.constant 0 : i32
      %lt3A_414 = arith.cmpi slt, %select_n3A, %lt3A_413 : i32
      %ne3A_415 = arith.xori %lt3A_412, %lt3A_414 : i1
      %and3A = arith.andi %ne3A_415, %ne3A_411 : i1
      %add3A_416 = arith.addi %rem3A, %select_n3A : i32
      %select_n3A_417 = arith.select %and3A, %add3A_416, %rem3A : i32
      %dma_wait3A_418 = arith.constant 1 : i32
      %dma_wait3A_419 = arith.constant 0 : i32
      %dma_wait3A_420 = arith.constant 0 : i32
      %dma_wait3A_421 = tpu.memref_slice %arg8[%select_n3A_417, %dma_wait3A_419, %dma_wait3A_420] : memref<3x80x128xf32, #tpu.memory_space<vmem>> -> memref<1x80x128xf32, #tpu.memory_space<vmem>>
      %dma_wait3A_422 = tpu.memref_squeeze %dma_wait3A_421 : memref<1x80x128xf32, #tpu.memory_space<vmem>> -> memref<80x128xf32, #tpu.memory_space<vmem>>
      %dma_wait3A_423 = arith.constant 0 : i32
      %dma_wait3A_424 = tpu.memref_slice %arg6[%dma_wait3A_418, %scan3A_406, %dma_wait3A_423] : memref<2x25x80xi32, #tpu.memory_space<vmem>> -> memref<1x1x80xi32, #tpu.memory_space<vmem>>
      %dma_wait3A_425 = tpu.memref_squeeze %dma_wait3A_424 : memref<1x1x80xi32, #tpu.memory_space<vmem>> -> memref<80xi32, #tpu.memory_space<vmem>>
      %dma_wait3A_426 = arith.constant 0 : i32
      %dma_wait3A_427 = arith.constant 0 : i32
      %dma_wait3A_428 = tpu.memref_slice %arg2[%dma_wait3A_426, %dma_wait3A_427] : memref<10240x128xf32, #tpu.memory_space<hbm>> -> memref<10240x128xf32, #tpu.memory_space<hbm>>
      tpu.wait_indirect_dma semaphore(%arg11 : memref<!tpu.dma_semaphore, #tpu.memory_space<semaphore_mem>>) src(%dma_wait3A_428 : memref<10240x128xf32, #tpu.memory_space<hbm>>) dst(%dma_wait3A_422 : memref<80x128xf32, #tpu.memory_space<vmem>>)
      %add3A_429 = arith.constant 25 : i32
      %add3A_430 = arith.addi %add3A_429, %scan3A_406 : i32
      %jit3A_431 = arith.constant 3 : i32
      %eq3A_432 = arith.constant 0 : i32
      %eq3A_433 = arith.cmpi eq, %jit3A_431, %eq3A_432 : i32
      %jit3A_434 = arith.constant 1 : i32
      %select_n3A_435 = arith.select %eq3A_433, %jit3A_434, %jit3A_431 : i32
      %rem3A_436 = arith.remsi %add3A_430, %select_n3A_435 : i32
      %ne3A_437 = arith.constant 0 : i32
      %ne3A_438 = arith.cmpi ne, %rem3A_436, %ne3A_437 : i32
      %lt3A_439 = arith.constant 0 : i32
      %lt3A_440 = arith.cmpi slt, %rem3A_436, %lt3A_439 : i32
      %lt3A_441 = arith.constant 0 : i32
      %lt3A_442 = arith.cmpi slt, %select_n3A_435, %lt3A_441 : i32
      %ne3A_443 = arith.xori %lt3A_440, %lt3A_442 : i1
      %and3A_444 = arith.andi %ne3A_443, %ne3A_438 : i1
      %add3A_445 = arith.addi %rem3A_436, %select_n3A_435 : i32
      %select_n3A_446 = arith.select %and3A_444, %add3A_445, %rem3A_436 : i32
      %dma_start3A_447 = arith.constant 1 : i32
      %dma_start3A_448 = arith.constant 0 : i32
      %dma_start3A_449 = arith.constant 0 : i32
      %dma_start3A_450 = tpu.memref_slice %arg8[%select_n3A_446, %dma_start3A_448, %dma_start3A_449] : memref<3x80x128xf32, #tpu.memory_space<vmem>> -> memref<1x80x128xf32, #tpu.memory_space<vmem>>
      %dma_start3A_451 = tpu.memref_squeeze %dma_start3A_450 : memref<1x80x128xf32, #tpu.memory_space<vmem>> -> memref<80x128xf32, #tpu.memory_space<vmem>>
      %dma_start3A_452 = arith.constant 0 : i32
      %dma_start3A_453 = tpu.memref_slice %arg7[%dma_start3A_447, %scan3A_406, %dma_start3A_452] : memref<2x25x80xi32, #tpu.memory_space<vmem>> -> memref<1x1x80xi32, #tpu.memory_space<vmem>>
      %dma_start3A_454 = tpu.memref_squeeze %dma_start3A_453 : memref<1x1x80xi32, #tpu.memory_space<vmem>> -> memref<80xi32, #tpu.memory_space<vmem>>
      %dma_start3A_455 = arith.constant 0 : i32
      %dma_start3A_456 = arith.constant 0 : i32
      %dma_start3A_457 = tpu.memref_slice %arg10[%dma_start3A_455, %dma_start3A_456] : memref<10240x128xf32, #tpu.memory_space<vmem_shared>> -> memref<10240x128xf32, #tpu.memory_space<vmem_shared>>
      tpu.enqueue_indirect_dma source(%dma_start3A_451 : memref<80x128xf32, #tpu.memory_space<vmem>>) target(%dma_start3A_457 : memref<10240x128xf32, #tpu.memory_space<vmem_shared>>) offsets(%dma_start3A_454 : memref<80xi32, #tpu.memory_space<vmem>>) semaphore(%arg12 : memref<!tpu.dma_semaphore, #tpu.memory_space<semaphore_mem>>) {add = true}
      %eq3A_458 = arith.constant 2 : i32
      %eq3A_459 = arith.cmpi eq, %scan3A_406, %eq3A_458 : i32
      %convert_element_type3A = arith.extui %eq3A_459 : i1 to i32
      %cond3A = arith.constant 0 : i32
      %cond3A_460 = arith.cmpi ne, %convert_element_type3A, %cond3A : i32
      scf.if %cond3A_460 {
        %dma_start3A_468 = arith.constant 2 : i32
        %dma_start3A_469 = arith.constant 0 : i32
        %dma_start3A_470 = arith.constant 0 : i32
        %dma_start3A_471 = arith.constant 0 : i32
        %dma_start3A_472 = tpu.memref_slice %arg6[%dma_start3A_469, %dma_start3A_470, %dma_start3A_471] : memref<2x25x80xi32, #tpu.memory_space<vmem>> -> memref<1x25x80xi32, #tpu.memory_space<vmem>>
        %dma_start3A_473 = tpu.memref_squeeze %dma_start3A_472 : memref<1x25x80xi32, #tpu.memory_space<vmem>> -> memref<25x80xi32, #tpu.memory_space<vmem>>
        %dma_start3A_474 = arith.constant 0 : i32
        %dma_start3A_475 = arith.constant 0 : i32
        %dma_start3A_476 = tpu.memref_slice %arg3[%add3A, %dma_start3A_468, %dma_start3A_474, %dma_start3A_475] : memref<32x5x25x80xi32, #tpu.memory_space<hbm>> -> memref<1x1x25x80xi32, #tpu.memory_space<hbm>>
        %dma_start3A_477 = tpu.memref_squeeze %dma_start3A_476 : memref<1x1x25x80xi32, #tpu.memory_space<hbm>> -> memref<25x80xi32, #tpu.memory_space<hbm>>
        %dma_start3A_478 = arith.constant 0 : i32
        %dma_start3A_479 = arith.constant 0 : i32
        %dma_start3A_480 = tpu.memref_slice %arg6[%dma_start3A_469, %dma_start3A_478, %dma_start3A_479] : memref<2x25x80xi32, #tpu.memory_space<vmem>> -> memref<1x25x80xi32, #tpu.memory_space<vmem>>
        %dma_start3A_481 = tpu.memref_squeeze %dma_start3A_480 : memref<1x25x80xi32, #tpu.memory_space<vmem>> -> memref<25x80xi32, #tpu.memory_space<vmem>>
        %dma_start3A_482 = arith.constant 0 : i32
        %dma_start3A_483 = arith.constant 0 : i32
        %dma_start3A_484 = tpu.memref_slice %arg3[%add3A, %dma_start3A_468, %dma_start3A_482, %dma_start3A_483] : memref<32x5x25x80xi32, #tpu.memory_space<hbm>> -> memref<1x1x25x80xi32, #tpu.memory_space<hbm>>
        %dma_start3A_485 = tpu.memref_squeeze %dma_start3A_484 : memref<1x1x25x80xi32, #tpu.memory_space<hbm>> -> memref<25x80xi32, #tpu.memory_space<hbm>>
        tpu.enqueue_dma source(%dma_start3A_485 : memref<25x80xi32, #tpu.memory_space<hbm>>) target(%dma_start3A_481 : memref<25x80xi32, #tpu.memory_space<vmem>>) target_semaphore(%arg13 : memref<!tpu.dma_semaphore, #tpu.memory_space<semaphore_mem>>)
        %dma_start3A_486 = arith.constant 2 : i32
        %dma_start3A_487 = arith.constant 0 : i32
        %dma_start3A_488 = arith.constant 0 : i32
        %dma_start3A_489 = arith.constant 0 : i32
        %dma_start3A_490 = tpu.memref_slice %arg7[%dma_start3A_487, %dma_start3A_488, %dma_start3A_489] : memref<2x25x80xi32, #tpu.memory_space<vmem>> -> memref<1x25x80xi32, #tpu.memory_space<vmem>>
        %dma_start3A_491 = tpu.memref_squeeze %dma_start3A_490 : memref<1x25x80xi32, #tpu.memory_space<vmem>> -> memref<25x80xi32, #tpu.memory_space<vmem>>
        %dma_start3A_492 = arith.constant 0 : i32
        %dma_start3A_493 = arith.constant 0 : i32
        %dma_start3A_494 = tpu.memref_slice %arg4[%add3A, %dma_start3A_486, %dma_start3A_492, %dma_start3A_493] : memref<32x5x25x80xi32, #tpu.memory_space<hbm>> -> memref<1x1x25x80xi32, #tpu.memory_space<hbm>>
        %dma_start3A_495 = tpu.memref_squeeze %dma_start3A_494 : memref<1x1x25x80xi32, #tpu.memory_space<hbm>> -> memref<25x80xi32, #tpu.memory_space<hbm>>
        %dma_start3A_496 = arith.constant 0 : i32
        %dma_start3A_497 = arith.constant 0 : i32
        %dma_start3A_498 = tpu.memref_slice %arg7[%dma_start3A_487, %dma_start3A_496, %dma_start3A_497] : memref<2x25x80xi32, #tpu.memory_space<vmem>> -> memref<1x25x80xi32, #tpu.memory_space<vmem>>
        %dma_start3A_499 = tpu.memref_squeeze %dma_start3A_498 : memref<1x25x80xi32, #tpu.memory_space<vmem>> -> memref<25x80xi32, #tpu.memory_space<vmem>>
        %dma_start3A_500 = arith.constant 0 : i32
        %dma_start3A_501 = arith.constant 0 : i32
        %dma_start3A_502 = tpu.memref_slice %arg4[%add3A, %dma_start3A_486, %dma_start3A_500, %dma_start3A_501] : memref<32x5x25x80xi32, #tpu.memory_space<hbm>> -> memref<1x1x25x80xi32, #tpu.memory_space<hbm>>
        %dma_start3A_503 = tpu.memref_squeeze %dma_start3A_502 : memref<1x1x25x80xi32, #tpu.memory_space<hbm>> -> memref<25x80xi32, #tpu.memory_space<hbm>>
        tpu.enqueue_dma source(%dma_start3A_503 : memref<25x80xi32, #tpu.memory_space<hbm>>) target(%dma_start3A_499 : memref<25x80xi32, #tpu.memory_space<vmem>>) target_semaphore(%arg13 : memref<!tpu.dma_semaphore, #tpu.memory_space<semaphore_mem>>)
      } else {
      }
      %add3A_461 = arith.constant 1 : i32
      %add3A_462 = arith.addi %scan3A_406, %add3A_461 : i32
      %lt3A_463 = arith.constant 25 : i32
      %lt3A_464 = arith.cmpi slt, %add3A_462, %lt3A_463 : i32
      %convert_element_type3A_465 = arith.extui %lt3A_464 : i1 to i32
      %cond3A_466 = arith.constant 0 : i32
      %cond3A_467 = arith.cmpi ne, %convert_element_type3A_465, %cond3A_466 : i32
      scf.if %cond3A_467 {
        %dma_wait3A_468 = arith.constant 0 : i32
        %dma_wait3A_469 = arith.constant 0 : i32
        %dma_wait3A_470 = arith.constant 0 : i32
        %dma_wait3A_471 = arith.constant 0 : i32
        %dma_wait3A_472 = arith.constant 0 : i32
        %dma_wait3A_473 = tpu.memref_slice %arg8[%dma_wait3A_468, %dma_wait3A_471, %dma_wait3A_472] : memref<3x80x128xf32, #tpu.memory_space<vmem>> -> memref<1x80x128xf32, #tpu.memory_space<vmem>>
        %dma_wait3A_474 = tpu.memref_squeeze %dma_wait3A_473 : memref<1x80x128xf32, #tpu.memory_space<vmem>> -> memref<80x128xf32, #tpu.memory_space<vmem>>
        %dma_wait3A_475 = arith.constant 0 : i32
        %dma_wait3A_476 = tpu.memref_slice %arg7[%dma_wait3A_469, %dma_wait3A_470, %dma_wait3A_475] : memref<2x25x80xi32, #tpu.memory_space<vmem>> -> memref<1x1x80xi32, #tpu.memory_space<vmem>>
        %dma_wait3A_477 = tpu.memref_squeeze %dma_wait3A_476 : memref<1x1x80xi32, #tpu.memory_space<vmem>> -> memref<80xi32, #tpu.memory_space<vmem>>
        %dma_wait3A_478 = arith.constant 0 : i32
        %dma_wait3A_479 = arith.constant 0 : i32
        %dma_wait3A_480 = tpu.memref_slice %arg10[%dma_wait3A_478, %dma_wait3A_479] : memref<10240x128xf32, #tpu.memory_space<vmem_shared>> -> memref<10240x128xf32, #tpu.memory_space<vmem_shared>>
        tpu.wait_indirect_dma semaphore(%arg12 : memref<!tpu.dma_semaphore, #tpu.memory_space<semaphore_mem>>) src(%dma_wait3A_474 : memref<80x128xf32, #tpu.memory_space<vmem>>) dst(%dma_wait3A_480 : memref<10240x128xf32, #tpu.memory_space<vmem_shared>>)
        %add3A_481 = arith.constant 1 : i32
        %add3A_482 = arith.addi %scan3A_406, %add3A_481 : i32
        %add3A_483 = arith.constant 25 : i32
        %add3A_484 = arith.addi %add3A_483, %add3A_482 : i32
        %jit3A_485 = arith.constant 3 : i32
        %eq3A_486 = arith.constant 0 : i32
        %eq3A_487 = arith.cmpi eq, %jit3A_485, %eq3A_486 : i32
        %jit3A_488 = arith.constant 1 : i32
        %select_n3A_489 = arith.select %eq3A_487, %jit3A_488, %jit3A_485 : i32
        %rem3A_490 = arith.remsi %add3A_484, %select_n3A_489 : i32
        %ne3A_491 = arith.constant 0 : i32
        %ne3A_492 = arith.cmpi ne, %rem3A_490, %ne3A_491 : i32
        %lt3A_493 = arith.constant 0 : i32
        %lt3A_494 = arith.cmpi slt, %rem3A_490, %lt3A_493 : i32
        %lt3A_495 = arith.constant 0 : i32
        %lt3A_496 = arith.cmpi slt, %select_n3A_489, %lt3A_495 : i32
        %ne3A_497 = arith.xori %lt3A_494, %lt3A_496 : i1
        %and3A_498 = arith.andi %ne3A_497, %ne3A_492 : i1
        %add3A_499 = arith.addi %rem3A_490, %select_n3A_489 : i32
        %select_n3A_500 = arith.select %and3A_498, %add3A_499, %rem3A_490 : i32
        %dma_start3A_501 = arith.constant 1 : i32
        %dma_start3A_502 = arith.constant 0 : i32
        %dma_start3A_503 = arith.constant 0 : i32
        %dma_start3A_504 = tpu.memref_slice %arg8[%select_n3A_500, %dma_start3A_502, %dma_start3A_503] : memref<3x80x128xf32, #tpu.memory_space<vmem>> -> memref<1x80x128xf32, #tpu.memory_space<vmem>>
        %dma_start3A_505 = tpu.memref_squeeze %dma_start3A_504 : memref<1x80x128xf32, #tpu.memory_space<vmem>> -> memref<80x128xf32, #tpu.memory_space<vmem>>
        %dma_start3A_506 = arith.constant 0 : i32
        %dma_start3A_507 = tpu.memref_slice %arg6[%dma_start3A_501, %add3A_482, %dma_start3A_506] : memref<2x25x80xi32, #tpu.memory_space<vmem>> -> memref<1x1x80xi32, #tpu.memory_space<vmem>>
        %dma_start3A_508 = tpu.memref_squeeze %dma_start3A_507 : memref<1x1x80xi32, #tpu.memory_space<vmem>> -> memref<80xi32, #tpu.memory_space<vmem>>
        %dma_start3A_509 = arith.constant 0 : i32
        %dma_start3A_510 = arith.constant 0 : i32
        %dma_start3A_511 = tpu.memref_slice %arg2[%dma_start3A_509, %dma_start3A_510] : memref<10240x128xf32, #tpu.memory_space<hbm>> -> memref<10240x128xf32, #tpu.memory_space<hbm>>
        tpu.enqueue_indirect_dma source(%dma_start3A_511 : memref<10240x128xf32, #tpu.memory_space<hbm>>) target(%dma_start3A_505 : memref<80x128xf32, #tpu.memory_space<vmem>>) offsets(%dma_start3A_508 : memref<80xi32, #tpu.memory_space<vmem>>) semaphore(%arg11 : memref<!tpu.dma_semaphore, #tpu.memory_space<semaphore_mem>>)
      } else {
      }
    }
    %scan3A_171 = arith.constant 25 : i32
    %dma_wait3A_172 = arith.constant 2 : i32
    %dma_wait3A_173 = arith.constant 0 : i32
    %dma_wait3A_174 = arith.constant 0 : i32
    %dma_wait3A_175 = arith.constant 0 : i32
    %dma_wait3A_176 = tpu.memref_slice %arg6[%dma_wait3A_173, %dma_wait3A_174, %dma_wait3A_175] : memref<2x25x80xi32, #tpu.memory_space<vmem>> -> memref<1x25x80xi32, #tpu.memory_space<vmem>>
    %dma_wait3A_177 = tpu.memref_squeeze %dma_wait3A_176 : memref<1x25x80xi32, #tpu.memory_space<vmem>> -> memref<25x80xi32, #tpu.memory_space<vmem>>
    %dma_wait3A_178 = arith.constant 0 : i32
    %dma_wait3A_179 = arith.constant 0 : i32
    %dma_wait3A_180 = tpu.memref_slice %arg3[%add3A, %dma_wait3A_172, %dma_wait3A_178, %dma_wait3A_179] : memref<32x5x25x80xi32, #tpu.memory_space<hbm>> -> memref<1x1x25x80xi32, #tpu.memory_space<hbm>>
    %dma_wait3A_181 = tpu.memref_squeeze %dma_wait3A_180 : memref<1x1x25x80xi32, #tpu.memory_space<hbm>> -> memref<25x80xi32, #tpu.memory_space<hbm>>
    %dma_wait3A_182 = arith.constant 0 : i32
    %dma_wait3A_183 = arith.constant 0 : i32
    %dma_wait3A_184 = tpu.memref_slice %arg6[%dma_wait3A_173, %dma_wait3A_182, %dma_wait3A_183] : memref<2x25x80xi32, #tpu.memory_space<vmem>> -> memref<1x25x80xi32, #tpu.memory_space<vmem>>
    %dma_wait3A_185 = tpu.memref_squeeze %dma_wait3A_184 : memref<1x25x80xi32, #tpu.memory_space<vmem>> -> memref<25x80xi32, #tpu.memory_space<vmem>>
    %dma_wait3A_186 = arith.constant 0 : i32
    %dma_wait3A_187 = arith.constant 0 : i32
    %dma_wait3A_188 = tpu.memref_slice %arg3[%add3A, %dma_wait3A_172, %dma_wait3A_186, %dma_wait3A_187] : memref<32x5x25x80xi32, #tpu.memory_space<hbm>> -> memref<1x1x25x80xi32, #tpu.memory_space<hbm>>
    %dma_wait3A_189 = tpu.memref_squeeze %dma_wait3A_188 : memref<1x1x25x80xi32, #tpu.memory_space<hbm>> -> memref<25x80xi32, #tpu.memory_space<hbm>>
    tpu.wait_dma2 semaphore(%arg13 : memref<!tpu.dma_semaphore, #tpu.memory_space<semaphore_mem>>) src(%dma_wait3A_189 : memref<25x80xi32, #tpu.memory_space<hbm>>) dst(%dma_wait3A_185 : memref<25x80xi32, #tpu.memory_space<vmem>>)
    %dma_wait3A_190 = arith.constant 2 : i32
    %dma_wait3A_191 = arith.constant 0 : i32
    %dma_wait3A_192 = arith.constant 0 : i32
    %dma_wait3A_193 = arith.constant 0 : i32
    %dma_wait3A_194 = tpu.memref_slice %arg7[%dma_wait3A_191, %dma_wait3A_192, %dma_wait3A_193] : memref<2x25x80xi32, #tpu.memory_space<vmem>> -> memref<1x25x80xi32, #tpu.memory_space<vmem>>
    %dma_wait3A_195 = tpu.memref_squeeze %dma_wait3A_194 : memref<1x25x80xi32, #tpu.memory_space<vmem>> -> memref<25x80xi32, #tpu.memory_space<vmem>>
    %dma_wait3A_196 = arith.constant 0 : i32
    %dma_wait3A_197 = arith.constant 0 : i32
    %dma_wait3A_198 = tpu.memref_slice %arg4[%add3A, %dma_wait3A_190, %dma_wait3A_196, %dma_wait3A_197] : memref<32x5x25x80xi32, #tpu.memory_space<hbm>> -> memref<1x1x25x80xi32, #tpu.memory_space<hbm>>
    %dma_wait3A_199 = tpu.memref_squeeze %dma_wait3A_198 : memref<1x1x25x80xi32, #tpu.memory_space<hbm>> -> memref<25x80xi32, #tpu.memory_space<hbm>>
    %dma_wait3A_200 = arith.constant 0 : i32
    %dma_wait3A_201 = arith.constant 0 : i32
    %dma_wait3A_202 = tpu.memref_slice %arg7[%dma_wait3A_191, %dma_wait3A_200, %dma_wait3A_201] : memref<2x25x80xi32, #tpu.memory_space<vmem>> -> memref<1x25x80xi32, #tpu.memory_space<vmem>>
    %dma_wait3A_203 = tpu.memref_squeeze %dma_wait3A_202 : memref<1x25x80xi32, #tpu.memory_space<vmem>> -> memref<25x80xi32, #tpu.memory_space<vmem>>
    %dma_wait3A_204 = arith.constant 0 : i32
    %dma_wait3A_205 = arith.constant 0 : i32
    %dma_wait3A_206 = tpu.memref_slice %arg4[%add3A, %dma_wait3A_190, %dma_wait3A_204, %dma_wait3A_205] : memref<32x5x25x80xi32, #tpu.memory_space<hbm>> -> memref<1x1x25x80xi32, #tpu.memory_space<hbm>>
    %dma_wait3A_207 = tpu.memref_squeeze %dma_wait3A_206 : memref<1x1x25x80xi32, #tpu.memory_space<hbm>> -> memref<25x80xi32, #tpu.memory_space<hbm>>
    tpu.wait_dma2 semaphore(%arg13 : memref<!tpu.dma_semaphore, #tpu.memory_space<semaphore_mem>>) src(%dma_wait3A_207 : memref<25x80xi32, #tpu.memory_space<hbm>>) dst(%dma_wait3A_203 : memref<25x80xi32, #tpu.memory_space<vmem>>)
    %dma_wait3A_208 = arith.constant 0 : i32
    %dma_wait3A_209 = arith.constant 0 : i32
    %dma_wait3A_210 = arith.constant 0 : i32
    %dma_wait3A_211 = arith.constant 0 : i32
    %dma_wait3A_212 = arith.constant 0 : i32
    %dma_wait3A_213 = tpu.memref_slice %arg8[%dma_wait3A_208, %dma_wait3A_211, %dma_wait3A_212] : memref<3x80x128xf32, #tpu.memory_space<vmem>> -> memref<1x80x128xf32, #tpu.memory_space<vmem>>
    %dma_wait3A_214 = tpu.memref_squeeze %dma_wait3A_213 : memref<1x80x128xf32, #tpu.memory_space<vmem>> -> memref<80x128xf32, #tpu.memory_space<vmem>>
    %dma_wait3A_215 = arith.constant 0 : i32
    %dma_wait3A_216 = tpu.memref_slice %arg7[%dma_wait3A_209, %dma_wait3A_210, %dma_wait3A_215] : memref<2x25x80xi32, #tpu.memory_space<vmem>> -> memref<1x1x80xi32, #tpu.memory_space<vmem>>
    %dma_wait3A_217 = tpu.memref_squeeze %dma_wait3A_216 : memref<1x1x80xi32, #tpu.memory_space<vmem>> -> memref<80xi32, #tpu.memory_space<vmem>>
    %dma_wait3A_218 = arith.constant 0 : i32
    %dma_wait3A_219 = arith.constant 0 : i32
    %dma_wait3A_220 = tpu.memref_slice %arg10[%dma_wait3A_218, %dma_wait3A_219] : memref<10240x128xf32, #tpu.memory_space<vmem_shared>> -> memref<10240x128xf32, #tpu.memory_space<vmem_shared>>
    tpu.wait_indirect_dma semaphore(%arg12 : memref<!tpu.dma_semaphore, #tpu.memory_space<semaphore_mem>>) src(%dma_wait3A_214 : memref<80x128xf32, #tpu.memory_space<vmem>>) dst(%dma_wait3A_220 : memref<10240x128xf32, #tpu.memory_space<vmem_shared>>)
    %dma_start3A_221 = arith.constant 0 : i32
    %dma_start3A_222 = arith.constant 0 : i32
    %dma_start3A_223 = arith.constant 2 : i32
    %dma_start3A_224 = arith.constant 0 : i32
    %dma_start3A_225 = arith.constant 0 : i32
    %dma_start3A_226 = tpu.memref_slice %arg8[%dma_start3A_223, %dma_start3A_224, %dma_start3A_225] : memref<3x80x128xf32, #tpu.memory_space<vmem>> -> memref<1x80x128xf32, #tpu.memory_space<vmem>>
    %dma_start3A_227 = tpu.memref_squeeze %dma_start3A_226 : memref<1x80x128xf32, #tpu.memory_space<vmem>> -> memref<80x128xf32, #tpu.memory_space<vmem>>
    %dma_start3A_228 = arith.constant 0 : i32
    %dma_start3A_229 = tpu.memref_slice %arg6[%dma_start3A_221, %dma_start3A_222, %dma_start3A_228] : memref<2x25x80xi32, #tpu.memory_space<vmem>> -> memref<1x1x80xi32, #tpu.memory_space<vmem>>
    %dma_start3A_230 = tpu.memref_squeeze %dma_start3A_229 : memref<1x1x80xi32, #tpu.memory_space<vmem>> -> memref<80xi32, #tpu.memory_space<vmem>>
    %dma_start3A_231 = arith.constant 0 : i32
    %dma_start3A_232 = arith.constant 0 : i32
    %dma_start3A_233 = tpu.memref_slice %arg2[%dma_start3A_231, %dma_start3A_232] : memref<10240x128xf32, #tpu.memory_space<hbm>> -> memref<10240x128xf32, #tpu.memory_space<hbm>>
    tpu.enqueue_indirect_dma source(%dma_start3A_233 : memref<10240x128xf32, #tpu.memory_space<hbm>>) target(%dma_start3A_227 : memref<80x128xf32, #tpu.memory_space<vmem>>) offsets(%dma_start3A_230 : memref<80xi32, #tpu.memory_space<vmem>>) semaphore(%arg11 : memref<!tpu.dma_semaphore, #tpu.memory_space<semaphore_mem>>)
    %scan3A_234 = arith.constant 0 : i32
    %scan3A_235 = arith.constant 0 : i32
    %scan3A_236 = arith.constant 25 : i32
    %scan3A_237 = arith.addi %scan3A_235, %scan3A_236 : i32
    %scan3A_238 = arith.constant 1 : i32
    scf.for %scan3A_406 = %scan3A_235 to %scan3A_237 step %scan3A_238  : i32 {
      %add3A_407 = arith.constant 50 : i32
      %add3A_408 = arith.addi %add3A_407, %scan3A_406 : i32
      %jit3A = arith.constant 3 : i32
      %eq3A = arith.constant 0 : i32
      %eq3A_409 = arith.cmpi eq, %jit3A, %eq3A : i32
      %jit3A_410 = arith.constant 1 : i32
      %select_n3A = arith.select %eq3A_409, %jit3A_410, %jit3A : i32
      %rem3A = arith.remsi %add3A_408, %select_n3A : i32
      %ne3A = arith.constant 0 : i32
      %ne3A_411 = arith.cmpi ne, %rem3A, %ne3A : i32
      %lt3A = arith.constant 0 : i32
      %lt3A_412 = arith.cmpi slt, %rem3A, %lt3A : i32
      %lt3A_413 = arith.constant 0 : i32
      %lt3A_414 = arith.cmpi slt, %select_n3A, %lt3A_413 : i32
      %ne3A_415 = arith.xori %lt3A_412, %lt3A_414 : i1
      %and3A = arith.andi %ne3A_415, %ne3A_411 : i1
      %add3A_416 = arith.addi %rem3A, %select_n3A : i32
      %select_n3A_417 = arith.select %and3A, %add3A_416, %rem3A : i32
      %dma_wait3A_418 = arith.constant 0 : i32
      %dma_wait3A_419 = arith.constant 0 : i32
      %dma_wait3A_420 = arith.constant 0 : i32
      %dma_wait3A_421 = tpu.memref_slice %arg8[%select_n3A_417, %dma_wait3A_419, %dma_wait3A_420] : memref<3x80x128xf32, #tpu.memory_space<vmem>> -> memref<1x80x128xf32, #tpu.memory_space<vmem>>
      %dma_wait3A_422 = tpu.memref_squeeze %dma_wait3A_421 : memref<1x80x128xf32, #tpu.memory_space<vmem>> -> memref<80x128xf32, #tpu.memory_space<vmem>>
      %dma_wait3A_423 = arith.constant 0 : i32
      %dma_wait3A_424 = tpu.memref_slice %arg6[%dma_wait3A_418, %scan3A_406, %dma_wait3A_423] : memref<2x25x80xi32, #tpu.memory_space<vmem>> -> memref<1x1x80xi32, #tpu.memory_space<vmem>>
      %dma_wait3A_425 = tpu.memref_squeeze %dma_wait3A_424 : memref<1x1x80xi32, #tpu.memory_space<vmem>> -> memref<80xi32, #tpu.memory_space<vmem>>
      %dma_wait3A_426 = arith.constant 0 : i32
      %dma_wait3A_427 = arith.constant 0 : i32
      %dma_wait3A_428 = tpu.memref_slice %arg2[%dma_wait3A_426, %dma_wait3A_427] : memref<10240x128xf32, #tpu.memory_space<hbm>> -> memref<10240x128xf32, #tpu.memory_space<hbm>>
      tpu.wait_indirect_dma semaphore(%arg11 : memref<!tpu.dma_semaphore, #tpu.memory_space<semaphore_mem>>) src(%dma_wait3A_428 : memref<10240x128xf32, #tpu.memory_space<hbm>>) dst(%dma_wait3A_422 : memref<80x128xf32, #tpu.memory_space<vmem>>)
      %add3A_429 = arith.constant 50 : i32
      %add3A_430 = arith.addi %add3A_429, %scan3A_406 : i32
      %jit3A_431 = arith.constant 3 : i32
      %eq3A_432 = arith.constant 0 : i32
      %eq3A_433 = arith.cmpi eq, %jit3A_431, %eq3A_432 : i32
      %jit3A_434 = arith.constant 1 : i32
      %select_n3A_435 = arith.select %eq3A_433, %jit3A_434, %jit3A_431 : i32
      %rem3A_436 = arith.remsi %add3A_430, %select_n3A_435 : i32
      %ne3A_437 = arith.constant 0 : i32
      %ne3A_438 = arith.cmpi ne, %rem3A_436, %ne3A_437 : i32
      %lt3A_439 = arith.constant 0 : i32
      %lt3A_440 = arith.cmpi slt, %rem3A_436, %lt3A_439 : i32
      %lt3A_441 = arith.constant 0 : i32
      %lt3A_442 = arith.cmpi slt, %select_n3A_435, %lt3A_441 : i32
      %ne3A_443 = arith.xori %lt3A_440, %lt3A_442 : i1
      %and3A_444 = arith.andi %ne3A_443, %ne3A_438 : i1
      %add3A_445 = arith.addi %rem3A_436, %select_n3A_435 : i32
      %select_n3A_446 = arith.select %and3A_444, %add3A_445, %rem3A_436 : i32
      %dma_start3A_447 = arith.constant 0 : i32
      %dma_start3A_448 = arith.constant 0 : i32
      %dma_start3A_449 = arith.constant 0 : i32
      %dma_start3A_450 = tpu.memref_slice %arg8[%select_n3A_446, %dma_start3A_448, %dma_start3A_449] : memref<3x80x128xf32, #tpu.memory_space<vmem>> -> memref<1x80x128xf32, #tpu.memory_space<vmem>>
      %dma_start3A_451 = tpu.memref_squeeze %dma_start3A_450 : memref<1x80x128xf32, #tpu.memory_space<vmem>> -> memref<80x128xf32, #tpu.memory_space<vmem>>
      %dma_start3A_452 = arith.constant 0 : i32
      %dma_start3A_453 = tpu.memref_slice %arg7[%dma_start3A_447, %scan3A_406, %dma_start3A_452] : memref<2x25x80xi32, #tpu.memory_space<vmem>> -> memref<1x1x80xi32, #tpu.memory_space<vmem>>
      %dma_start3A_454 = tpu.memref_squeeze %dma_start3A_453 : memref<1x1x80xi32, #tpu.memory_space<vmem>> -> memref<80xi32, #tpu.memory_space<vmem>>
      %dma_start3A_455 = arith.constant 0 : i32
      %dma_start3A_456 = arith.constant 0 : i32
      %dma_start3A_457 = tpu.memref_slice %arg10[%dma_start3A_455, %dma_start3A_456] : memref<10240x128xf32, #tpu.memory_space<vmem_shared>> -> memref<10240x128xf32, #tpu.memory_space<vmem_shared>>
      tpu.enqueue_indirect_dma source(%dma_start3A_451 : memref<80x128xf32, #tpu.memory_space<vmem>>) target(%dma_start3A_457 : memref<10240x128xf32, #tpu.memory_space<vmem_shared>>) offsets(%dma_start3A_454 : memref<80xi32, #tpu.memory_space<vmem>>) semaphore(%arg12 : memref<!tpu.dma_semaphore, #tpu.memory_space<semaphore_mem>>) {add = true}
      %eq3A_458 = arith.constant 2 : i32
      %eq3A_459 = arith.cmpi eq, %scan3A_406, %eq3A_458 : i32
      %convert_element_type3A = arith.extui %eq3A_459 : i1 to i32
      %cond3A = arith.constant 0 : i32
      %cond3A_460 = arith.cmpi ne, %convert_element_type3A, %cond3A : i32
      scf.if %cond3A_460 {
        %dma_start3A_468 = arith.constant 3 : i32
        %dma_start3A_469 = arith.constant 1 : i32
        %dma_start3A_470 = arith.constant 0 : i32
        %dma_start3A_471 = arith.constant 0 : i32
        %dma_start3A_472 = tpu.memref_slice %arg6[%dma_start3A_469, %dma_start3A_470, %dma_start3A_471] : memref<2x25x80xi32, #tpu.memory_space<vmem>> -> memref<1x25x80xi32, #tpu.memory_space<vmem>>
        %dma_start3A_473 = tpu.memref_squeeze %dma_start3A_472 : memref<1x25x80xi32, #tpu.memory_space<vmem>> -> memref<25x80xi32, #tpu.memory_space<vmem>>
        %dma_start3A_474 = arith.constant 0 : i32
        %dma_start3A_475 = arith.constant 0 : i32
        %dma_start3A_476 = tpu.memref_slice %arg3[%add3A, %dma_start3A_468, %dma_start3A_474, %dma_start3A_475] : memref<32x5x25x80xi32, #tpu.memory_space<hbm>> -> memref<1x1x25x80xi32, #tpu.memory_space<hbm>>
        %dma_start3A_477 = tpu.memref_squeeze %dma_start3A_476 : memref<1x1x25x80xi32, #tpu.memory_space<hbm>> -> memref<25x80xi32, #tpu.memory_space<hbm>>
        %dma_start3A_478 = arith.constant 0 : i32
        %dma_start3A_479 = arith.constant 0 : i32
        %dma_start3A_480 = tpu.memref_slice %arg6[%dma_start3A_469, %dma_start3A_478, %dma_start3A_479] : memref<2x25x80xi32, #tpu.memory_space<vmem>> -> memref<1x25x80xi32, #tpu.memory_space<vmem>>
        %dma_start3A_481 = tpu.memref_squeeze %dma_start3A_480 : memref<1x25x80xi32, #tpu.memory_space<vmem>> -> memref<25x80xi32, #tpu.memory_space<vmem>>
        %dma_start3A_482 = arith.constant 0 : i32
        %dma_start3A_483 = arith.constant 0 : i32
        %dma_start3A_484 = tpu.memref_slice %arg3[%add3A, %dma_start3A_468, %dma_start3A_482, %dma_start3A_483] : memref<32x5x25x80xi32, #tpu.memory_space<hbm>> -> memref<1x1x25x80xi32, #tpu.memory_space<hbm>>
        %dma_start3A_485 = tpu.memref_squeeze %dma_start3A_484 : memref<1x1x25x80xi32, #tpu.memory_space<hbm>> -> memref<25x80xi32, #tpu.memory_space<hbm>>
        tpu.enqueue_dma source(%dma_start3A_485 : memref<25x80xi32, #tpu.memory_space<hbm>>) target(%dma_start3A_481 : memref<25x80xi32, #tpu.memory_space<vmem>>) target_semaphore(%arg13 : memref<!tpu.dma_semaphore, #tpu.memory_space<semaphore_mem>>)
        %dma_start3A_486 = arith.constant 3 : i32
        %dma_start3A_487 = arith.constant 1 : i32
        %dma_start3A_488 = arith.constant 0 : i32
        %dma_start3A_489 = arith.constant 0 : i32
        %dma_start3A_490 = tpu.memref_slice %arg7[%dma_start3A_487, %dma_start3A_488, %dma_start3A_489] : memref<2x25x80xi32, #tpu.memory_space<vmem>> -> memref<1x25x80xi32, #tpu.memory_space<vmem>>
        %dma_start3A_491 = tpu.memref_squeeze %dma_start3A_490 : memref<1x25x80xi32, #tpu.memory_space<vmem>> -> memref<25x80xi32, #tpu.memory_space<vmem>>
        %dma_start3A_492 = arith.constant 0 : i32
        %dma_start3A_493 = arith.constant 0 : i32
        %dma_start3A_494 = tpu.memref_slice %arg4[%add3A, %dma_start3A_486, %dma_start3A_492, %dma_start3A_493] : memref<32x5x25x80xi32, #tpu.memory_space<hbm>> -> memref<1x1x25x80xi32, #tpu.memory_space<hbm>>
        %dma_start3A_495 = tpu.memref_squeeze %dma_start3A_494 : memref<1x1x25x80xi32, #tpu.memory_space<hbm>> -> memref<25x80xi32, #tpu.memory_space<hbm>>
        %dma_start3A_496 = arith.constant 0 : i32
        %dma_start3A_497 = arith.constant 0 : i32
        %dma_start3A_498 = tpu.memref_slice %arg7[%dma_start3A_487, %dma_start3A_496, %dma_start3A_497] : memref<2x25x80xi32, #tpu.memory_space<vmem>> -> memref<1x25x80xi32, #tpu.memory_space<vmem>>
        %dma_start3A_499 = tpu.memref_squeeze %dma_start3A_498 : memref<1x25x80xi32, #tpu.memory_space<vmem>> -> memref<25x80xi32, #tpu.memory_space<vmem>>
        %dma_start3A_500 = arith.constant 0 : i32
        %dma_start3A_501 = arith.constant 0 : i32
        %dma_start3A_502 = tpu.memref_slice %arg4[%add3A, %dma_start3A_486, %dma_start3A_500, %dma_start3A_501] : memref<32x5x25x80xi32, #tpu.memory_space<hbm>> -> memref<1x1x25x80xi32, #tpu.memory_space<hbm>>
        %dma_start3A_503 = tpu.memref_squeeze %dma_start3A_502 : memref<1x1x25x80xi32, #tpu.memory_space<hbm>> -> memref<25x80xi32, #tpu.memory_space<hbm>>
        tpu.enqueue_dma source(%dma_start3A_503 : memref<25x80xi32, #tpu.memory_space<hbm>>) target(%dma_start3A_499 : memref<25x80xi32, #tpu.memory_space<vmem>>) target_semaphore(%arg13 : memref<!tpu.dma_semaphore, #tpu.memory_space<semaphore_mem>>)
      } else {
      }
      %add3A_461 = arith.constant 1 : i32
      %add3A_462 = arith.addi %scan3A_406, %add3A_461 : i32
      %lt3A_463 = arith.constant 25 : i32
      %lt3A_464 = arith.cmpi slt, %add3A_462, %lt3A_463 : i32
      %convert_element_type3A_465 = arith.extui %lt3A_464 : i1 to i32
      %cond3A_466 = arith.constant 0 : i32
      %cond3A_467 = arith.cmpi ne, %convert_element_type3A_465, %cond3A_466 : i32
      scf.if %cond3A_467 {
        %dma_wait3A_468 = arith.constant 0 : i32
        %dma_wait3A_469 = arith.constant 0 : i32
        %dma_wait3A_470 = arith.constant 0 : i32
        %dma_wait3A_471 = arith.constant 0 : i32
        %dma_wait3A_472 = arith.constant 0 : i32
        %dma_wait3A_473 = tpu.memref_slice %arg8[%dma_wait3A_468, %dma_wait3A_471, %dma_wait3A_472] : memref<3x80x128xf32, #tpu.memory_space<vmem>> -> memref<1x80x128xf32, #tpu.memory_space<vmem>>
        %dma_wait3A_474 = tpu.memref_squeeze %dma_wait3A_473 : memref<1x80x128xf32, #tpu.memory_space<vmem>> -> memref<80x128xf32, #tpu.memory_space<vmem>>
        %dma_wait3A_475 = arith.constant 0 : i32
        %dma_wait3A_476 = tpu.memref_slice %arg7[%dma_wait3A_469, %dma_wait3A_470, %dma_wait3A_475] : memref<2x25x80xi32, #tpu.memory_space<vmem>> -> memref<1x1x80xi32, #tpu.memory_space<vmem>>
        %dma_wait3A_477 = tpu.memref_squeeze %dma_wait3A_476 : memref<1x1x80xi32, #tpu.memory_space<vmem>> -> memref<80xi32, #tpu.memory_space<vmem>>
        %dma_wait3A_478 = arith.constant 0 : i32
        %dma_wait3A_479 = arith.constant 0 : i32
        %dma_wait3A_480 = tpu.memref_slice %arg10[%dma_wait3A_478, %dma_wait3A_479] : memref<10240x128xf32, #tpu.memory_space<vmem_shared>> -> memref<10240x128xf32, #tpu.memory_space<vmem_shared>>
        tpu.wait_indirect_dma semaphore(%arg12 : memref<!tpu.dma_semaphore, #tpu.memory_space<semaphore_mem>>) src(%dma_wait3A_474 : memref<80x128xf32, #tpu.memory_space<vmem>>) dst(%dma_wait3A_480 : memref<10240x128xf32, #tpu.memory_space<vmem_shared>>)
        %add3A_481 = arith.constant 1 : i32
        %add3A_482 = arith.addi %scan3A_406, %add3A_481 : i32
        %add3A_483 = arith.constant 50 : i32
        %add3A_484 = arith.addi %add3A_483, %add3A_482 : i32
        %jit3A_485 = arith.constant 3 : i32
        %eq3A_486 = arith.constant 0 : i32
        %eq3A_487 = arith.cmpi eq, %jit3A_485, %eq3A_486 : i32
        %jit3A_488 = arith.constant 1 : i32
        %select_n3A_489 = arith.select %eq3A_487, %jit3A_488, %jit3A_485 : i32
        %rem3A_490 = arith.remsi %add3A_484, %select_n3A_489 : i32
        %ne3A_491 = arith.constant 0 : i32
        %ne3A_492 = arith.cmpi ne, %rem3A_490, %ne3A_491 : i32
        %lt3A_493 = arith.constant 0 : i32
        %lt3A_494 = arith.cmpi slt, %rem3A_490, %lt3A_493 : i32
        %lt3A_495 = arith.constant 0 : i32
        %lt3A_496 = arith.cmpi slt, %select_n3A_489, %lt3A_495 : i32
        %ne3A_497 = arith.xori %lt3A_494, %lt3A_496 : i1
        %and3A_498 = arith.andi %ne3A_497, %ne3A_492 : i1
        %add3A_499 = arith.addi %rem3A_490, %select_n3A_489 : i32
        %select_n3A_500 = arith.select %and3A_498, %add3A_499, %rem3A_490 : i32
        %dma_start3A_501 = arith.constant 0 : i32
        %dma_start3A_502 = arith.constant 0 : i32
        %dma_start3A_503 = arith.constant 0 : i32
        %dma_start3A_504 = tpu.memref_slice %arg8[%select_n3A_500, %dma_start3A_502, %dma_start3A_503] : memref<3x80x128xf32, #tpu.memory_space<vmem>> -> memref<1x80x128xf32, #tpu.memory_space<vmem>>
        %dma_start3A_505 = tpu.memref_squeeze %dma_start3A_504 : memref<1x80x128xf32, #tpu.memory_space<vmem>> -> memref<80x128xf32, #tpu.memory_space<vmem>>
        %dma_start3A_506 = arith.constant 0 : i32
        %dma_start3A_507 = tpu.memref_slice %arg6[%dma_start3A_501, %add3A_482, %dma_start3A_506] : memref<2x25x80xi32, #tpu.memory_space<vmem>> -> memref<1x1x80xi32, #tpu.memory_space<vmem>>
        %dma_start3A_508 = tpu.memref_squeeze %dma_start3A_507 : memref<1x1x80xi32, #tpu.memory_space<vmem>> -> memref<80xi32, #tpu.memory_space<vmem>>
        %dma_start3A_509 = arith.constant 0 : i32
        %dma_start3A_510 = arith.constant 0 : i32
        %dma_start3A_511 = tpu.memref_slice %arg2[%dma_start3A_509, %dma_start3A_510] : memref<10240x128xf32, #tpu.memory_space<hbm>> -> memref<10240x128xf32, #tpu.memory_space<hbm>>
        tpu.enqueue_indirect_dma source(%dma_start3A_511 : memref<10240x128xf32, #tpu.memory_space<hbm>>) target(%dma_start3A_505 : memref<80x128xf32, #tpu.memory_space<vmem>>) offsets(%dma_start3A_508 : memref<80xi32, #tpu.memory_space<vmem>>) semaphore(%arg11 : memref<!tpu.dma_semaphore, #tpu.memory_space<semaphore_mem>>)
      } else {
      }
    }
    %scan3A_239 = arith.constant 25 : i32
    %dma_wait3A_240 = arith.constant 3 : i32
    %dma_wait3A_241 = arith.constant 1 : i32
    %dma_wait3A_242 = arith.constant 0 : i32
    %dma_wait3A_243 = arith.constant 0 : i32
    %dma_wait3A_244 = tpu.memref_slice %arg6[%dma_wait3A_241, %dma_wait3A_242, %dma_wait3A_243] : memref<2x25x80xi32, #tpu.memory_space<vmem>> -> memref<1x25x80xi32, #tpu.memory_space<vmem>>
    %dma_wait3A_245 = tpu.memref_squeeze %dma_wait3A_244 : memref<1x25x80xi32, #tpu.memory_space<vmem>> -> memref<25x80xi32, #tpu.memory_space<vmem>>
    %dma_wait3A_246 = arith.constant 0 : i32
    %dma_wait3A_247 = arith.constant 0 : i32
    %dma_wait3A_248 = tpu.memref_slice %arg3[%add3A, %dma_wait3A_240, %dma_wait3A_246, %dma_wait3A_247] : memref<32x5x25x80xi32, #tpu.memory_space<hbm>> -> memref<1x1x25x80xi32, #tpu.memory_space<hbm>>
    %dma_wait3A_249 = tpu.memref_squeeze %dma_wait3A_248 : memref<1x1x25x80xi32, #tpu.memory_space<hbm>> -> memref<25x80xi32, #tpu.memory_space<hbm>>
    %dma_wait3A_250 = arith.constant 0 : i32
    %dma_wait3A_251 = arith.constant 0 : i32
    %dma_wait3A_252 = tpu.memref_slice %arg6[%dma_wait3A_241, %dma_wait3A_250, %dma_wait3A_251] : memref<2x25x80xi32, #tpu.memory_space<vmem>> -> memref<1x25x80xi32, #tpu.memory_space<vmem>>
    %dma_wait3A_253 = tpu.memref_squeeze %dma_wait3A_252 : memref<1x25x80xi32, #tpu.memory_space<vmem>> -> memref<25x80xi32, #tpu.memory_space<vmem>>
    %dma_wait3A_254 = arith.constant 0 : i32
    %dma_wait3A_255 = arith.constant 0 : i32
    %dma_wait3A_256 = tpu.memref_slice %arg3[%add3A, %dma_wait3A_240, %dma_wait3A_254, %dma_wait3A_255] : memref<32x5x25x80xi32, #tpu.memory_space<hbm>> -> memref<1x1x25x80xi32, #tpu.memory_space<hbm>>
    %dma_wait3A_257 = tpu.memref_squeeze %dma_wait3A_256 : memref<1x1x25x80xi32, #tpu.memory_space<hbm>> -> memref<25x80xi32, #tpu.memory_space<hbm>>
    tpu.wait_dma2 semaphore(%arg13 : memref<!tpu.dma_semaphore, #tpu.memory_space<semaphore_mem>>) src(%dma_wait3A_257 : memref<25x80xi32, #tpu.memory_space<hbm>>) dst(%dma_wait3A_253 : memref<25x80xi32, #tpu.memory_space<vmem>>)
    %dma_wait3A_258 = arith.constant 3 : i32
    %dma_wait3A_259 = arith.constant 1 : i32
    %dma_wait3A_260 = arith.constant 0 : i32
    %dma_wait3A_261 = arith.constant 0 : i32
    %dma_wait3A_262 = tpu.memref_slice %arg7[%dma_wait3A_259, %dma_wait3A_260, %dma_wait3A_261] : memref<2x25x80xi32, #tpu.memory_space<vmem>> -> memref<1x25x80xi32, #tpu.memory_space<vmem>>
    %dma_wait3A_263 = tpu.memref_squeeze %dma_wait3A_262 : memref<1x25x80xi32, #tpu.memory_space<vmem>> -> memref<25x80xi32, #tpu.memory_space<vmem>>
    %dma_wait3A_264 = arith.constant 0 : i32
    %dma_wait3A_265 = arith.constant 0 : i32
    %dma_wait3A_266 = tpu.memref_slice %arg4[%add3A, %dma_wait3A_258, %dma_wait3A_264, %dma_wait3A_265] : memref<32x5x25x80xi32, #tpu.memory_space<hbm>> -> memref<1x1x25x80xi32, #tpu.memory_space<hbm>>
    %dma_wait3A_267 = tpu.memref_squeeze %dma_wait3A_266 : memref<1x1x25x80xi32, #tpu.memory_space<hbm>> -> memref<25x80xi32, #tpu.memory_space<hbm>>
    %dma_wait3A_268 = arith.constant 0 : i32
    %dma_wait3A_269 = arith.constant 0 : i32
    %dma_wait3A_270 = tpu.memref_slice %arg7[%dma_wait3A_259, %dma_wait3A_268, %dma_wait3A_269] : memref<2x25x80xi32, #tpu.memory_space<vmem>> -> memref<1x25x80xi32, #tpu.memory_space<vmem>>
    %dma_wait3A_271 = tpu.memref_squeeze %dma_wait3A_270 : memref<1x25x80xi32, #tpu.memory_space<vmem>> -> memref<25x80xi32, #tpu.memory_space<vmem>>
    %dma_wait3A_272 = arith.constant 0 : i32
    %dma_wait3A_273 = arith.constant 0 : i32
    %dma_wait3A_274 = tpu.memref_slice %arg4[%add3A, %dma_wait3A_258, %dma_wait3A_272, %dma_wait3A_273] : memref<32x5x25x80xi32, #tpu.memory_space<hbm>> -> memref<1x1x25x80xi32, #tpu.memory_space<hbm>>
    %dma_wait3A_275 = tpu.memref_squeeze %dma_wait3A_274 : memref<1x1x25x80xi32, #tpu.memory_space<hbm>> -> memref<25x80xi32, #tpu.memory_space<hbm>>
    tpu.wait_dma2 semaphore(%arg13 : memref<!tpu.dma_semaphore, #tpu.memory_space<semaphore_mem>>) src(%dma_wait3A_275 : memref<25x80xi32, #tpu.memory_space<hbm>>) dst(%dma_wait3A_271 : memref<25x80xi32, #tpu.memory_space<vmem>>)
    %dma_wait3A_276 = arith.constant 0 : i32
    %dma_wait3A_277 = arith.constant 0 : i32
    %dma_wait3A_278 = arith.constant 0 : i32
    %dma_wait3A_279 = arith.constant 0 : i32
    %dma_wait3A_280 = arith.constant 0 : i32
    %dma_wait3A_281 = tpu.memref_slice %arg8[%dma_wait3A_276, %dma_wait3A_279, %dma_wait3A_280] : memref<3x80x128xf32, #tpu.memory_space<vmem>> -> memref<1x80x128xf32, #tpu.memory_space<vmem>>
    %dma_wait3A_282 = tpu.memref_squeeze %dma_wait3A_281 : memref<1x80x128xf32, #tpu.memory_space<vmem>> -> memref<80x128xf32, #tpu.memory_space<vmem>>
    %dma_wait3A_283 = arith.constant 0 : i32
    %dma_wait3A_284 = tpu.memref_slice %arg7[%dma_wait3A_277, %dma_wait3A_278, %dma_wait3A_283] : memref<2x25x80xi32, #tpu.memory_space<vmem>> -> memref<1x1x80xi32, #tpu.memory_space<vmem>>
    %dma_wait3A_285 = tpu.memref_squeeze %dma_wait3A_284 : memref<1x1x80xi32, #tpu.memory_space<vmem>> -> memref<80xi32, #tpu.memory_space<vmem>>
    %dma_wait3A_286 = arith.constant 0 : i32
    %dma_wait3A_287 = arith.constant 0 : i32
    %dma_wait3A_288 = tpu.memref_slice %arg10[%dma_wait3A_286, %dma_wait3A_287] : memref<10240x128xf32, #tpu.memory_space<vmem_shared>> -> memref<10240x128xf32, #tpu.memory_space<vmem_shared>>
    tpu.wait_indirect_dma semaphore(%arg12 : memref<!tpu.dma_semaphore, #tpu.memory_space<semaphore_mem>>) src(%dma_wait3A_282 : memref<80x128xf32, #tpu.memory_space<vmem>>) dst(%dma_wait3A_288 : memref<10240x128xf32, #tpu.memory_space<vmem_shared>>)
    %dma_start3A_289 = arith.constant 1 : i32
    %dma_start3A_290 = arith.constant 0 : i32
    %dma_start3A_291 = arith.constant 0 : i32
    %dma_start3A_292 = arith.constant 0 : i32
    %dma_start3A_293 = arith.constant 0 : i32
    %dma_start3A_294 = tpu.memref_slice %arg8[%dma_start3A_291, %dma_start3A_292, %dma_start3A_293] : memref<3x80x128xf32, #tpu.memory_space<vmem>> -> memref<1x80x128xf32, #tpu.memory_space<vmem>>
    %dma_start3A_295 = tpu.memref_squeeze %dma_start3A_294 : memref<1x80x128xf32, #tpu.memory_space<vmem>> -> memref<80x128xf32, #tpu.memory_space<vmem>>
    %dma_start3A_296 = arith.constant 0 : i32
    %dma_start3A_297 = tpu.memref_slice %arg6[%dma_start3A_289, %dma_start3A_290, %dma_start3A_296] : memref<2x25x80xi32, #tpu.memory_space<vmem>> -> memref<1x1x80xi32, #tpu.memory_space<vmem>>
    %dma_start3A_298 = tpu.memref_squeeze %dma_start3A_297 : memref<1x1x80xi32, #tpu.memory_space<vmem>> -> memref<80xi32, #tpu.memory_space<vmem>>
    %dma_start3A_299 = arith.constant 0 : i32
    %dma_start3A_300 = arith.constant 0 : i32
    %dma_start3A_301 = tpu.memref_slice %arg2[%dma_start3A_299, %dma_start3A_300] : memref<10240x128xf32, #tpu.memory_space<hbm>> -> memref<10240x128xf32, #tpu.memory_space<hbm>>
    tpu.enqueue_indirect_dma source(%dma_start3A_301 : memref<10240x128xf32, #tpu.memory_space<hbm>>) target(%dma_start3A_295 : memref<80x128xf32, #tpu.memory_space<vmem>>) offsets(%dma_start3A_298 : memref<80xi32, #tpu.memory_space<vmem>>) semaphore(%arg11 : memref<!tpu.dma_semaphore, #tpu.memory_space<semaphore_mem>>)
    %scan3A_302 = arith.constant 0 : i32
    %scan3A_303 = arith.constant 0 : i32
    %scan3A_304 = arith.constant 25 : i32
    %scan3A_305 = arith.addi %scan3A_303, %scan3A_304 : i32
    %scan3A_306 = arith.constant 1 : i32
    scf.for %scan3A_406 = %scan3A_303 to %scan3A_305 step %scan3A_306  : i32 {
      %add3A_407 = arith.constant 75 : i32
      %add3A_408 = arith.addi %add3A_407, %scan3A_406 : i32
      %jit3A = arith.constant 3 : i32
      %eq3A = arith.constant 0 : i32
      %eq3A_409 = arith.cmpi eq, %jit3A, %eq3A : i32
      %jit3A_410 = arith.constant 1 : i32
      %select_n3A = arith.select %eq3A_409, %jit3A_410, %jit3A : i32
      %rem3A = arith.remsi %add3A_408, %select_n3A : i32
      %ne3A = arith.constant 0 : i32
      %ne3A_411 = arith.cmpi ne, %rem3A, %ne3A : i32
      %lt3A = arith.constant 0 : i32
      %lt3A_412 = arith.cmpi slt, %rem3A, %lt3A : i32
      %lt3A_413 = arith.constant 0 : i32
      %lt3A_414 = arith.cmpi slt, %select_n3A, %lt3A_413 : i32
      %ne3A_415 = arith.xori %lt3A_412, %lt3A_414 : i1
      %and3A = arith.andi %ne3A_415, %ne3A_411 : i1
      %add3A_416 = arith.addi %rem3A, %select_n3A : i32
      %select_n3A_417 = arith.select %and3A, %add3A_416, %rem3A : i32
      %dma_wait3A_418 = arith.constant 1 : i32
      %dma_wait3A_419 = arith.constant 0 : i32
      %dma_wait3A_420 = arith.constant 0 : i32
      %dma_wait3A_421 = tpu.memref_slice %arg8[%select_n3A_417, %dma_wait3A_419, %dma_wait3A_420] : memref<3x80x128xf32, #tpu.memory_space<vmem>> -> memref<1x80x128xf32, #tpu.memory_space<vmem>>
      %dma_wait3A_422 = tpu.memref_squeeze %dma_wait3A_421 : memref<1x80x128xf32, #tpu.memory_space<vmem>> -> memref<80x128xf32, #tpu.memory_space<vmem>>
      %dma_wait3A_423 = arith.constant 0 : i32
      %dma_wait3A_424 = tpu.memref_slice %arg6[%dma_wait3A_418, %scan3A_406, %dma_wait3A_423] : memref<2x25x80xi32, #tpu.memory_space<vmem>> -> memref<1x1x80xi32, #tpu.memory_space<vmem>>
      %dma_wait3A_425 = tpu.memref_squeeze %dma_wait3A_424 : memref<1x1x80xi32, #tpu.memory_space<vmem>> -> memref<80xi32, #tpu.memory_space<vmem>>
      %dma_wait3A_426 = arith.constant 0 : i32
      %dma_wait3A_427 = arith.constant 0 : i32
      %dma_wait3A_428 = tpu.memref_slice %arg2[%dma_wait3A_426, %dma_wait3A_427] : memref<10240x128xf32, #tpu.memory_space<hbm>> -> memref<10240x128xf32, #tpu.memory_space<hbm>>
      tpu.wait_indirect_dma semaphore(%arg11 : memref<!tpu.dma_semaphore, #tpu.memory_space<semaphore_mem>>) src(%dma_wait3A_428 : memref<10240x128xf32, #tpu.memory_space<hbm>>) dst(%dma_wait3A_422 : memref<80x128xf32, #tpu.memory_space<vmem>>)
      %add3A_429 = arith.constant 75 : i32
      %add3A_430 = arith.addi %add3A_429, %scan3A_406 : i32
      %jit3A_431 = arith.constant 3 : i32
      %eq3A_432 = arith.constant 0 : i32
      %eq3A_433 = arith.cmpi eq, %jit3A_431, %eq3A_432 : i32
      %jit3A_434 = arith.constant 1 : i32
      %select_n3A_435 = arith.select %eq3A_433, %jit3A_434, %jit3A_431 : i32
      %rem3A_436 = arith.remsi %add3A_430, %select_n3A_435 : i32
      %ne3A_437 = arith.constant 0 : i32
      %ne3A_438 = arith.cmpi ne, %rem3A_436, %ne3A_437 : i32
      %lt3A_439 = arith.constant 0 : i32
      %lt3A_440 = arith.cmpi slt, %rem3A_436, %lt3A_439 : i32
      %lt3A_441 = arith.constant 0 : i32
      %lt3A_442 = arith.cmpi slt, %select_n3A_435, %lt3A_441 : i32
      %ne3A_443 = arith.xori %lt3A_440, %lt3A_442 : i1
      %and3A_444 = arith.andi %ne3A_443, %ne3A_438 : i1
      %add3A_445 = arith.addi %rem3A_436, %select_n3A_435 : i32
      %select_n3A_446 = arith.select %and3A_444, %add3A_445, %rem3A_436 : i32
      %dma_start3A_447 = arith.constant 1 : i32
      %dma_start3A_448 = arith.constant 0 : i32
      %dma_start3A_449 = arith.constant 0 : i32
      %dma_start3A_450 = tpu.memref_slice %arg8[%select_n3A_446, %dma_start3A_448, %dma_start3A_449] : memref<3x80x128xf32, #tpu.memory_space<vmem>> -> memref<1x80x128xf32, #tpu.memory_space<vmem>>
      %dma_start3A_451 = tpu.memref_squeeze %dma_start3A_450 : memref<1x80x128xf32, #tpu.memory_space<vmem>> -> memref<80x128xf32, #tpu.memory_space<vmem>>
      %dma_start3A_452 = arith.constant 0 : i32
      %dma_start3A_453 = tpu.memref_slice %arg7[%dma_start3A_447, %scan3A_406, %dma_start3A_452] : memref<2x25x80xi32, #tpu.memory_space<vmem>> -> memref<1x1x80xi32, #tpu.memory_space<vmem>>
      %dma_start3A_454 = tpu.memref_squeeze %dma_start3A_453 : memref<1x1x80xi32, #tpu.memory_space<vmem>> -> memref<80xi32, #tpu.memory_space<vmem>>
      %dma_start3A_455 = arith.constant 0 : i32
      %dma_start3A_456 = arith.constant 0 : i32
      %dma_start3A_457 = tpu.memref_slice %arg10[%dma_start3A_455, %dma_start3A_456] : memref<10240x128xf32, #tpu.memory_space<vmem_shared>> -> memref<10240x128xf32, #tpu.memory_space<vmem_shared>>
      tpu.enqueue_indirect_dma source(%dma_start3A_451 : memref<80x128xf32, #tpu.memory_space<vmem>>) target(%dma_start3A_457 : memref<10240x128xf32, #tpu.memory_space<vmem_shared>>) offsets(%dma_start3A_454 : memref<80xi32, #tpu.memory_space<vmem>>) semaphore(%arg12 : memref<!tpu.dma_semaphore, #tpu.memory_space<semaphore_mem>>) {add = true}
      %eq3A_458 = arith.constant 2 : i32
      %eq3A_459 = arith.cmpi eq, %scan3A_406, %eq3A_458 : i32
      %convert_element_type3A = arith.extui %eq3A_459 : i1 to i32
      %cond3A = arith.constant 0 : i32
      %cond3A_460 = arith.cmpi ne, %convert_element_type3A, %cond3A : i32
      scf.if %cond3A_460 {
        %dma_start3A_468 = arith.constant 4 : i32
        %dma_start3A_469 = arith.constant 0 : i32
        %dma_start3A_470 = arith.constant 0 : i32
        %dma_start3A_471 = arith.constant 0 : i32
        %dma_start3A_472 = tpu.memref_slice %arg6[%dma_start3A_469, %dma_start3A_470, %dma_start3A_471] : memref<2x25x80xi32, #tpu.memory_space<vmem>> -> memref<1x25x80xi32, #tpu.memory_space<vmem>>
        %dma_start3A_473 = tpu.memref_squeeze %dma_start3A_472 : memref<1x25x80xi32, #tpu.memory_space<vmem>> -> memref<25x80xi32, #tpu.memory_space<vmem>>
        %dma_start3A_474 = arith.constant 0 : i32
        %dma_start3A_475 = arith.constant 0 : i32
        %dma_start3A_476 = tpu.memref_slice %arg3[%add3A, %dma_start3A_468, %dma_start3A_474, %dma_start3A_475] : memref<32x5x25x80xi32, #tpu.memory_space<hbm>> -> memref<1x1x25x80xi32, #tpu.memory_space<hbm>>
        %dma_start3A_477 = tpu.memref_squeeze %dma_start3A_476 : memref<1x1x25x80xi32, #tpu.memory_space<hbm>> -> memref<25x80xi32, #tpu.memory_space<hbm>>
        %dma_start3A_478 = arith.constant 0 : i32
        %dma_start3A_479 = arith.constant 0 : i32
        %dma_start3A_480 = tpu.memref_slice %arg6[%dma_start3A_469, %dma_start3A_478, %dma_start3A_479] : memref<2x25x80xi32, #tpu.memory_space<vmem>> -> memref<1x25x80xi32, #tpu.memory_space<vmem>>
        %dma_start3A_481 = tpu.memref_squeeze %dma_start3A_480 : memref<1x25x80xi32, #tpu.memory_space<vmem>> -> memref<25x80xi32, #tpu.memory_space<vmem>>
        %dma_start3A_482 = arith.constant 0 : i32
        %dma_start3A_483 = arith.constant 0 : i32
        %dma_start3A_484 = tpu.memref_slice %arg3[%add3A, %dma_start3A_468, %dma_start3A_482, %dma_start3A_483] : memref<32x5x25x80xi32, #tpu.memory_space<hbm>> -> memref<1x1x25x80xi32, #tpu.memory_space<hbm>>
        %dma_start3A_485 = tpu.memref_squeeze %dma_start3A_484 : memref<1x1x25x80xi32, #tpu.memory_space<hbm>> -> memref<25x80xi32, #tpu.memory_space<hbm>>
        tpu.enqueue_dma source(%dma_start3A_485 : memref<25x80xi32, #tpu.memory_space<hbm>>) target(%dma_start3A_481 : memref<25x80xi32, #tpu.memory_space<vmem>>) target_semaphore(%arg13 : memref<!tpu.dma_semaphore, #tpu.memory_space<semaphore_mem>>)
        %dma_start3A_486 = arith.constant 4 : i32
        %dma_start3A_487 = arith.constant 0 : i32
        %dma_start3A_488 = arith.constant 0 : i32
        %dma_start3A_489 = arith.constant 0 : i32
        %dma_start3A_490 = tpu.memref_slice %arg7[%dma_start3A_487, %dma_start3A_488, %dma_start3A_489] : memref<2x25x80xi32, #tpu.memory_space<vmem>> -> memref<1x25x80xi32, #tpu.memory_space<vmem>>
        %dma_start3A_491 = tpu.memref_squeeze %dma_start3A_490 : memref<1x25x80xi32, #tpu.memory_space<vmem>> -> memref<25x80xi32, #tpu.memory_space<vmem>>
        %dma_start3A_492 = arith.constant 0 : i32
        %dma_start3A_493 = arith.constant 0 : i32
        %dma_start3A_494 = tpu.memref_slice %arg4[%add3A, %dma_start3A_486, %dma_start3A_492, %dma_start3A_493] : memref<32x5x25x80xi32, #tpu.memory_space<hbm>> -> memref<1x1x25x80xi32, #tpu.memory_space<hbm>>
        %dma_start3A_495 = tpu.memref_squeeze %dma_start3A_494 : memref<1x1x25x80xi32, #tpu.memory_space<hbm>> -> memref<25x80xi32, #tpu.memory_space<hbm>>
        %dma_start3A_496 = arith.constant 0 : i32
        %dma_start3A_497 = arith.constant 0 : i32
        %dma_start3A_498 = tpu.memref_slice %arg7[%dma_start3A_487, %dma_start3A_496, %dma_start3A_497] : memref<2x25x80xi32, #tpu.memory_space<vmem>> -> memref<1x25x80xi32, #tpu.memory_space<vmem>>
        %dma_start3A_499 = tpu.memref_squeeze %dma_start3A_498 : memref<1x25x80xi32, #tpu.memory_space<vmem>> -> memref<25x80xi32, #tpu.memory_space<vmem>>
        %dma_start3A_500 = arith.constant 0 : i32
        %dma_start3A_501 = arith.constant 0 : i32
        %dma_start3A_502 = tpu.memref_slice %arg4[%add3A, %dma_start3A_486, %dma_start3A_500, %dma_start3A_501] : memref<32x5x25x80xi32, #tpu.memory_space<hbm>> -> memref<1x1x25x80xi32, #tpu.memory_space<hbm>>
        %dma_start3A_503 = tpu.memref_squeeze %dma_start3A_502 : memref<1x1x25x80xi32, #tpu.memory_space<hbm>> -> memref<25x80xi32, #tpu.memory_space<hbm>>
        tpu.enqueue_dma source(%dma_start3A_503 : memref<25x80xi32, #tpu.memory_space<hbm>>) target(%dma_start3A_499 : memref<25x80xi32, #tpu.memory_space<vmem>>) target_semaphore(%arg13 : memref<!tpu.dma_semaphore, #tpu.memory_space<semaphore_mem>>)
      } else {
      }
      %add3A_461 = arith.constant 1 : i32
      %add3A_462 = arith.addi %scan3A_406, %add3A_461 : i32
      %lt3A_463 = arith.constant 25 : i32
      %lt3A_464 = arith.cmpi slt, %add3A_462, %lt3A_463 : i32
      %convert_element_type3A_465 = arith.extui %lt3A_464 : i1 to i32
      %cond3A_466 = arith.constant 0 : i32
      %cond3A_467 = arith.cmpi ne, %convert_element_type3A_465, %cond3A_466 : i32
      scf.if %cond3A_467 {
        %dma_wait3A_468 = arith.constant 0 : i32
        %dma_wait3A_469 = arith.constant 0 : i32
        %dma_wait3A_470 = arith.constant 0 : i32
        %dma_wait3A_471 = arith.constant 0 : i32
        %dma_wait3A_472 = arith.constant 0 : i32
        %dma_wait3A_473 = tpu.memref_slice %arg8[%dma_wait3A_468, %dma_wait3A_471, %dma_wait3A_472] : memref<3x80x128xf32, #tpu.memory_space<vmem>> -> memref<1x80x128xf32, #tpu.memory_space<vmem>>
        %dma_wait3A_474 = tpu.memref_squeeze %dma_wait3A_473 : memref<1x80x128xf32, #tpu.memory_space<vmem>> -> memref<80x128xf32, #tpu.memory_space<vmem>>
        %dma_wait3A_475 = arith.constant 0 : i32
        %dma_wait3A_476 = tpu.memref_slice %arg7[%dma_wait3A_469, %dma_wait3A_470, %dma_wait3A_475] : memref<2x25x80xi32, #tpu.memory_space<vmem>> -> memref<1x1x80xi32, #tpu.memory_space<vmem>>
        %dma_wait3A_477 = tpu.memref_squeeze %dma_wait3A_476 : memref<1x1x80xi32, #tpu.memory_space<vmem>> -> memref<80xi32, #tpu.memory_space<vmem>>
        %dma_wait3A_478 = arith.constant 0 : i32
        %dma_wait3A_479 = arith.constant 0 : i32
        %dma_wait3A_480 = tpu.memref_slice %arg10[%dma_wait3A_478, %dma_wait3A_479] : memref<10240x128xf32, #tpu.memory_space<vmem_shared>> -> memref<10240x128xf32, #tpu.memory_space<vmem_shared>>
        tpu.wait_indirect_dma semaphore(%arg12 : memref<!tpu.dma_semaphore, #tpu.memory_space<semaphore_mem>>) src(%dma_wait3A_474 : memref<80x128xf32, #tpu.memory_space<vmem>>) dst(%dma_wait3A_480 : memref<10240x128xf32, #tpu.memory_space<vmem_shared>>)
        %add3A_481 = arith.constant 1 : i32
        %add3A_482 = arith.addi %scan3A_406, %add3A_481 : i32
        %add3A_483 = arith.constant 75 : i32
        %add3A_484 = arith.addi %add3A_483, %add3A_482 : i32
        %jit3A_485 = arith.constant 3 : i32
        %eq3A_486 = arith.constant 0 : i32
        %eq3A_487 = arith.cmpi eq, %jit3A_485, %eq3A_486 : i32
        %jit3A_488 = arith.constant 1 : i32
        %select_n3A_489 = arith.select %eq3A_487, %jit3A_488, %jit3A_485 : i32
        %rem3A_490 = arith.remsi %add3A_484, %select_n3A_489 : i32
        %ne3A_491 = arith.constant 0 : i32
        %ne3A_492 = arith.cmpi ne, %rem3A_490, %ne3A_491 : i32
        %lt3A_493 = arith.constant 0 : i32
        %lt3A_494 = arith.cmpi slt, %rem3A_490, %lt3A_493 : i32
        %lt3A_495 = arith.constant 0 : i32
        %lt3A_496 = arith.cmpi slt, %select_n3A_489, %lt3A_495 : i32
        %ne3A_497 = arith.xori %lt3A_494, %lt3A_496 : i1
        %and3A_498 = arith.andi %ne3A_497, %ne3A_492 : i1
        %add3A_499 = arith.addi %rem3A_490, %select_n3A_489 : i32
        %select_n3A_500 = arith.select %and3A_498, %add3A_499, %rem3A_490 : i32
        %dma_start3A_501 = arith.constant 1 : i32
        %dma_start3A_502 = arith.constant 0 : i32
        %dma_start3A_503 = arith.constant 0 : i32
        %dma_start3A_504 = tpu.memref_slice %arg8[%select_n3A_500, %dma_start3A_502, %dma_start3A_503] : memref<3x80x128xf32, #tpu.memory_space<vmem>> -> memref<1x80x128xf32, #tpu.memory_space<vmem>>
        %dma_start3A_505 = tpu.memref_squeeze %dma_start3A_504 : memref<1x80x128xf32, #tpu.memory_space<vmem>> -> memref<80x128xf32, #tpu.memory_space<vmem>>
        %dma_start3A_506 = arith.constant 0 : i32
        %dma_start3A_507 = tpu.memref_slice %arg6[%dma_start3A_501, %add3A_482, %dma_start3A_506] : memref<2x25x80xi32, #tpu.memory_space<vmem>> -> memref<1x1x80xi32, #tpu.memory_space<vmem>>
        %dma_start3A_508 = tpu.memref_squeeze %dma_start3A_507 : memref<1x1x80xi32, #tpu.memory_space<vmem>> -> memref<80xi32, #tpu.memory_space<vmem>>
        %dma_start3A_509 = arith.constant 0 : i32
        %dma_start3A_510 = arith.constant 0 : i32
        %dma_start3A_511 = tpu.memref_slice %arg2[%dma_start3A_509, %dma_start3A_510] : memref<10240x128xf32, #tpu.memory_space<hbm>> -> memref<10240x128xf32, #tpu.memory_space<hbm>>
        tpu.enqueue_indirect_dma source(%dma_start3A_511 : memref<10240x128xf32, #tpu.memory_space<hbm>>) target(%dma_start3A_505 : memref<80x128xf32, #tpu.memory_space<vmem>>) offsets(%dma_start3A_508 : memref<80xi32, #tpu.memory_space<vmem>>) semaphore(%arg11 : memref<!tpu.dma_semaphore, #tpu.memory_space<semaphore_mem>>)
      } else {
      }
    }
    %scan3A_307 = arith.constant 25 : i32
    %dma_wait3A_308 = arith.constant 4 : i32
    %dma_wait3A_309 = arith.constant 0 : i32
    %dma_wait3A_310 = arith.constant 0 : i32
    %dma_wait3A_311 = arith.constant 0 : i32
    %dma_wait3A_312 = tpu.memref_slice %arg6[%dma_wait3A_309, %dma_wait3A_310, %dma_wait3A_311] : memref<2x25x80xi32, #tpu.memory_space<vmem>> -> memref<1x25x80xi32, #tpu.memory_space<vmem>>
    %dma_wait3A_313 = tpu.memref_squeeze %dma_wait3A_312 : memref<1x25x80xi32, #tpu.memory_space<vmem>> -> memref<25x80xi32, #tpu.memory_space<vmem>>
    %dma_wait3A_314 = arith.constant 0 : i32
    %dma_wait3A_315 = arith.constant 0 : i32
    %dma_wait3A_316 = tpu.memref_slice %arg3[%add3A, %dma_wait3A_308, %dma_wait3A_314, %dma_wait3A_315] : memref<32x5x25x80xi32, #tpu.memory_space<hbm>> -> memref<1x1x25x80xi32, #tpu.memory_space<hbm>>
    %dma_wait3A_317 = tpu.memref_squeeze %dma_wait3A_316 : memref<1x1x25x80xi32, #tpu.memory_space<hbm>> -> memref<25x80xi32, #tpu.memory_space<hbm>>
    %dma_wait3A_318 = arith.constant 0 : i32
    %dma_wait3A_319 = arith.constant 0 : i32
    %dma_wait3A_320 = tpu.memref_slice %arg6[%dma_wait3A_309, %dma_wait3A_318, %dma_wait3A_319] : memref<2x25x80xi32, #tpu.memory_space<vmem>> -> memref<1x25x80xi32, #tpu.memory_space<vmem>>
    %dma_wait3A_321 = tpu.memref_squeeze %dma_wait3A_320 : memref<1x25x80xi32, #tpu.memory_space<vmem>> -> memref<25x80xi32, #tpu.memory_space<vmem>>
    %dma_wait3A_322 = arith.constant 0 : i32
    %dma_wait3A_323 = arith.constant 0 : i32
    %dma_wait3A_324 = tpu.memref_slice %arg3[%add3A, %dma_wait3A_308, %dma_wait3A_322, %dma_wait3A_323] : memref<32x5x25x80xi32, #tpu.memory_space<hbm>> -> memref<1x1x25x80xi32, #tpu.memory_space<hbm>>
    %dma_wait3A_325 = tpu.memref_squeeze %dma_wait3A_324 : memref<1x1x25x80xi32, #tpu.memory_space<hbm>> -> memref<25x80xi32, #tpu.memory_space<hbm>>
    tpu.wait_dma2 semaphore(%arg13 : memref<!tpu.dma_semaphore, #tpu.memory_space<semaphore_mem>>) src(%dma_wait3A_325 : memref<25x80xi32, #tpu.memory_space<hbm>>) dst(%dma_wait3A_321 : memref<25x80xi32, #tpu.memory_space<vmem>>)
    %dma_wait3A_326 = arith.constant 4 : i32
    %dma_wait3A_327 = arith.constant 0 : i32
    %dma_wait3A_328 = arith.constant 0 : i32
    %dma_wait3A_329 = arith.constant 0 : i32
    %dma_wait3A_330 = tpu.memref_slice %arg7[%dma_wait3A_327, %dma_wait3A_328, %dma_wait3A_329] : memref<2x25x80xi32, #tpu.memory_space<vmem>> -> memref<1x25x80xi32, #tpu.memory_space<vmem>>
    %dma_wait3A_331 = tpu.memref_squeeze %dma_wait3A_330 : memref<1x25x80xi32, #tpu.memory_space<vmem>> -> memref<25x80xi32, #tpu.memory_space<vmem>>
    %dma_wait3A_332 = arith.constant 0 : i32
    %dma_wait3A_333 = arith.constant 0 : i32
    %dma_wait3A_334 = tpu.memref_slice %arg4[%add3A, %dma_wait3A_326, %dma_wait3A_332, %dma_wait3A_333] : memref<32x5x25x80xi32, #tpu.memory_space<hbm>> -> memref<1x1x25x80xi32, #tpu.memory_space<hbm>>
    %dma_wait3A_335 = tpu.memref_squeeze %dma_wait3A_334 : memref<1x1x25x80xi32, #tpu.memory_space<hbm>> -> memref<25x80xi32, #tpu.memory_space<hbm>>
    %dma_wait3A_336 = arith.constant 0 : i32
    %dma_wait3A_337 = arith.constant 0 : i32
    %dma_wait3A_338 = tpu.memref_slice %arg7[%dma_wait3A_327, %dma_wait3A_336, %dma_wait3A_337] : memref<2x25x80xi32, #tpu.memory_space<vmem>> -> memref<1x25x80xi32, #tpu.memory_space<vmem>>
    %dma_wait3A_339 = tpu.memref_squeeze %dma_wait3A_338 : memref<1x25x80xi32, #tpu.memory_space<vmem>> -> memref<25x80xi32, #tpu.memory_space<vmem>>
    %dma_wait3A_340 = arith.constant 0 : i32
    %dma_wait3A_341 = arith.constant 0 : i32
    %dma_wait3A_342 = tpu.memref_slice %arg4[%add3A, %dma_wait3A_326, %dma_wait3A_340, %dma_wait3A_341] : memref<32x5x25x80xi32, #tpu.memory_space<hbm>> -> memref<1x1x25x80xi32, #tpu.memory_space<hbm>>
    %dma_wait3A_343 = tpu.memref_squeeze %dma_wait3A_342 : memref<1x1x25x80xi32, #tpu.memory_space<hbm>> -> memref<25x80xi32, #tpu.memory_space<hbm>>
    tpu.wait_dma2 semaphore(%arg13 : memref<!tpu.dma_semaphore, #tpu.memory_space<semaphore_mem>>) src(%dma_wait3A_343 : memref<25x80xi32, #tpu.memory_space<hbm>>) dst(%dma_wait3A_339 : memref<25x80xi32, #tpu.memory_space<vmem>>)
    %dma_wait3A_344 = arith.constant 0 : i32
    %dma_wait3A_345 = arith.constant 0 : i32
    %dma_wait3A_346 = arith.constant 0 : i32
    %dma_wait3A_347 = arith.constant 0 : i32
    %dma_wait3A_348 = arith.constant 0 : i32
    %dma_wait3A_349 = tpu.memref_slice %arg8[%dma_wait3A_344, %dma_wait3A_347, %dma_wait3A_348] : memref<3x80x128xf32, #tpu.memory_space<vmem>> -> memref<1x80x128xf32, #tpu.memory_space<vmem>>
    %dma_wait3A_350 = tpu.memref_squeeze %dma_wait3A_349 : memref<1x80x128xf32, #tpu.memory_space<vmem>> -> memref<80x128xf32, #tpu.memory_space<vmem>>
    %dma_wait3A_351 = arith.constant 0 : i32
    %dma_wait3A_352 = tpu.memref_slice %arg7[%dma_wait3A_345, %dma_wait3A_346, %dma_wait3A_351] : memref<2x25x80xi32, #tpu.memory_space<vmem>> -> memref<1x1x80xi32, #tpu.memory_space<vmem>>
    %dma_wait3A_353 = tpu.memref_squeeze %dma_wait3A_352 : memref<1x1x80xi32, #tpu.memory_space<vmem>> -> memref<80xi32, #tpu.memory_space<vmem>>
    %dma_wait3A_354 = arith.constant 0 : i32
    %dma_wait3A_355 = arith.constant 0 : i32
    %dma_wait3A_356 = tpu.memref_slice %arg10[%dma_wait3A_354, %dma_wait3A_355] : memref<10240x128xf32, #tpu.memory_space<vmem_shared>> -> memref<10240x128xf32, #tpu.memory_space<vmem_shared>>
    tpu.wait_indirect_dma semaphore(%arg12 : memref<!tpu.dma_semaphore, #tpu.memory_space<semaphore_mem>>) src(%dma_wait3A_350 : memref<80x128xf32, #tpu.memory_space<vmem>>) dst(%dma_wait3A_356 : memref<10240x128xf32, #tpu.memory_space<vmem_shared>>)
    %dma_start3A_357 = arith.constant 0 : i32
    %dma_start3A_358 = arith.constant 0 : i32
    %dma_start3A_359 = arith.constant 1 : i32
    %dma_start3A_360 = arith.constant 0 : i32
    %dma_start3A_361 = arith.constant 0 : i32
    %dma_start3A_362 = tpu.memref_slice %arg8[%dma_start3A_359, %dma_start3A_360, %dma_start3A_361] : memref<3x80x128xf32, #tpu.memory_space<vmem>> -> memref<1x80x128xf32, #tpu.memory_space<vmem>>
    %dma_start3A_363 = tpu.memref_squeeze %dma_start3A_362 : memref<1x80x128xf32, #tpu.memory_space<vmem>> -> memref<80x128xf32, #tpu.memory_space<vmem>>
    %dma_start3A_364 = arith.constant 0 : i32
    %dma_start3A_365 = tpu.memref_slice %arg6[%dma_start3A_357, %dma_start3A_358, %dma_start3A_364] : memref<2x25x80xi32, #tpu.memory_space<vmem>> -> memref<1x1x80xi32, #tpu.memory_space<vmem>>
    %dma_start3A_366 = tpu.memref_squeeze %dma_start3A_365 : memref<1x1x80xi32, #tpu.memory_space<vmem>> -> memref<80xi32, #tpu.memory_space<vmem>>
    %dma_start3A_367 = arith.constant 0 : i32
    %dma_start3A_368 = arith.constant 0 : i32
    %dma_start3A_369 = tpu.memref_slice %arg2[%dma_start3A_367, %dma_start3A_368] : memref<10240x128xf32, #tpu.memory_space<hbm>> -> memref<10240x128xf32, #tpu.memory_space<hbm>>
    tpu.enqueue_indirect_dma source(%dma_start3A_369 : memref<10240x128xf32, #tpu.memory_space<hbm>>) target(%dma_start3A_363 : memref<80x128xf32, #tpu.memory_space<vmem>>) offsets(%dma_start3A_366 : memref<80xi32, #tpu.memory_space<vmem>>) semaphore(%arg11 : memref<!tpu.dma_semaphore, #tpu.memory_space<semaphore_mem>>)
    %scan3A_370 = arith.constant 0 : i32
    %scan3A_371 = arith.constant 0 : i32
    %scan3A_372 = arith.constant 25 : i32
    %scan3A_373 = arith.addi %scan3A_371, %scan3A_372 : i32
    %scan3A_374 = arith.constant 1 : i32
    scf.for %scan3A_406 = %scan3A_371 to %scan3A_373 step %scan3A_374  : i32 {
      %add3A_407 = arith.constant 100 : i32
      %add3A_408 = arith.addi %add3A_407, %scan3A_406 : i32
      %jit3A = arith.constant 3 : i32
      %eq3A = arith.constant 0 : i32
      %eq3A_409 = arith.cmpi eq, %jit3A, %eq3A : i32
      %jit3A_410 = arith.constant 1 : i32
      %select_n3A = arith.select %eq3A_409, %jit3A_410, %jit3A : i32
      %rem3A = arith.remsi %add3A_408, %select_n3A : i32
      %ne3A = arith.constant 0 : i32
      %ne3A_411 = arith.cmpi ne, %rem3A, %ne3A : i32
      %lt3A = arith.constant 0 : i32
      %lt3A_412 = arith.cmpi slt, %rem3A, %lt3A : i32
      %lt3A_413 = arith.constant 0 : i32
      %lt3A_414 = arith.cmpi slt, %select_n3A, %lt3A_413 : i32
      %ne3A_415 = arith.xori %lt3A_412, %lt3A_414 : i1
      %and3A = arith.andi %ne3A_415, %ne3A_411 : i1
      %add3A_416 = arith.addi %rem3A, %select_n3A : i32
      %select_n3A_417 = arith.select %and3A, %add3A_416, %rem3A : i32
      %dma_wait3A_418 = arith.constant 0 : i32
      %dma_wait3A_419 = arith.constant 0 : i32
      %dma_wait3A_420 = arith.constant 0 : i32
      %dma_wait3A_421 = tpu.memref_slice %arg8[%select_n3A_417, %dma_wait3A_419, %dma_wait3A_420] : memref<3x80x128xf32, #tpu.memory_space<vmem>> -> memref<1x80x128xf32, #tpu.memory_space<vmem>>
      %dma_wait3A_422 = tpu.memref_squeeze %dma_wait3A_421 : memref<1x80x128xf32, #tpu.memory_space<vmem>> -> memref<80x128xf32, #tpu.memory_space<vmem>>
      %dma_wait3A_423 = arith.constant 0 : i32
      %dma_wait3A_424 = tpu.memref_slice %arg6[%dma_wait3A_418, %scan3A_406, %dma_wait3A_423] : memref<2x25x80xi32, #tpu.memory_space<vmem>> -> memref<1x1x80xi32, #tpu.memory_space<vmem>>
      %dma_wait3A_425 = tpu.memref_squeeze %dma_wait3A_424 : memref<1x1x80xi32, #tpu.memory_space<vmem>> -> memref<80xi32, #tpu.memory_space<vmem>>
      %dma_wait3A_426 = arith.constant 0 : i32
      %dma_wait3A_427 = arith.constant 0 : i32
      %dma_wait3A_428 = tpu.memref_slice %arg2[%dma_wait3A_426, %dma_wait3A_427] : memref<10240x128xf32, #tpu.memory_space<hbm>> -> memref<10240x128xf32, #tpu.memory_space<hbm>>
      tpu.wait_indirect_dma semaphore(%arg11 : memref<!tpu.dma_semaphore, #tpu.memory_space<semaphore_mem>>) src(%dma_wait3A_428 : memref<10240x128xf32, #tpu.memory_space<hbm>>) dst(%dma_wait3A_422 : memref<80x128xf32, #tpu.memory_space<vmem>>)
      %add3A_429 = arith.constant 100 : i32
      %add3A_430 = arith.addi %add3A_429, %scan3A_406 : i32
      %jit3A_431 = arith.constant 3 : i32
      %eq3A_432 = arith.constant 0 : i32
      %eq3A_433 = arith.cmpi eq, %jit3A_431, %eq3A_432 : i32
      %jit3A_434 = arith.constant 1 : i32
      %select_n3A_435 = arith.select %eq3A_433, %jit3A_434, %jit3A_431 : i32
      %rem3A_436 = arith.remsi %add3A_430, %select_n3A_435 : i32
      %ne3A_437 = arith.constant 0 : i32
      %ne3A_438 = arith.cmpi ne, %rem3A_436, %ne3A_437 : i32
      %lt3A_439 = arith.constant 0 : i32
      %lt3A_440 = arith.cmpi slt, %rem3A_436, %lt3A_439 : i32
      %lt3A_441 = arith.constant 0 : i32
      %lt3A_442 = arith.cmpi slt, %select_n3A_435, %lt3A_441 : i32
      %ne3A_443 = arith.xori %lt3A_440, %lt3A_442 : i1
      %and3A_444 = arith.andi %ne3A_443, %ne3A_438 : i1
      %add3A_445 = arith.addi %rem3A_436, %select_n3A_435 : i32
      %select_n3A_446 = arith.select %and3A_444, %add3A_445, %rem3A_436 : i32
      %dma_start3A_447 = arith.constant 0 : i32
      %dma_start3A_448 = arith.constant 0 : i32
      %dma_start3A_449 = arith.constant 0 : i32
      %dma_start3A_450 = tpu.memref_slice %arg8[%select_n3A_446, %dma_start3A_448, %dma_start3A_449] : memref<3x80x128xf32, #tpu.memory_space<vmem>> -> memref<1x80x128xf32, #tpu.memory_space<vmem>>
      %dma_start3A_451 = tpu.memref_squeeze %dma_start3A_450 : memref<1x80x128xf32, #tpu.memory_space<vmem>> -> memref<80x128xf32, #tpu.memory_space<vmem>>
      %dma_start3A_452 = arith.constant 0 : i32
      %dma_start3A_453 = tpu.memref_slice %arg7[%dma_start3A_447, %scan3A_406, %dma_start3A_452] : memref<2x25x80xi32, #tpu.memory_space<vmem>> -> memref<1x1x80xi32, #tpu.memory_space<vmem>>
      %dma_start3A_454 = tpu.memref_squeeze %dma_start3A_453 : memref<1x1x80xi32, #tpu.memory_space<vmem>> -> memref<80xi32, #tpu.memory_space<vmem>>
      %dma_start3A_455 = arith.constant 0 : i32
      %dma_start3A_456 = arith.constant 0 : i32
      %dma_start3A_457 = tpu.memref_slice %arg10[%dma_start3A_455, %dma_start3A_456] : memref<10240x128xf32, #tpu.memory_space<vmem_shared>> -> memref<10240x128xf32, #tpu.memory_space<vmem_shared>>
      tpu.enqueue_indirect_dma source(%dma_start3A_451 : memref<80x128xf32, #tpu.memory_space<vmem>>) target(%dma_start3A_457 : memref<10240x128xf32, #tpu.memory_space<vmem_shared>>) offsets(%dma_start3A_454 : memref<80xi32, #tpu.memory_space<vmem>>) semaphore(%arg12 : memref<!tpu.dma_semaphore, #tpu.memory_space<semaphore_mem>>) {add = true}
      %add3A_458 = arith.constant 1 : i32
      %add3A_459 = arith.addi %scan3A_406, %add3A_458 : i32
      %lt3A_460 = arith.constant 25 : i32
      %lt3A_461 = arith.cmpi slt, %add3A_459, %lt3A_460 : i32
      %convert_element_type3A = arith.extui %lt3A_461 : i1 to i32
      %cond3A = arith.constant 0 : i32
      %cond3A_462 = arith.cmpi ne, %convert_element_type3A, %cond3A : i32
      scf.if %cond3A_462 {
        %dma_wait3A_463 = arith.constant 0 : i32
        %dma_wait3A_464 = arith.constant 0 : i32
        %dma_wait3A_465 = arith.constant 0 : i32
        %dma_wait3A_466 = arith.constant 0 : i32
        %dma_wait3A_467 = arith.constant 0 : i32
        %dma_wait3A_468 = tpu.memref_slice %arg8[%dma_wait3A_463, %dma_wait3A_466, %dma_wait3A_467] : memref<3x80x128xf32, #tpu.memory_space<vmem>> -> memref<1x80x128xf32, #tpu.memory_space<vmem>>
        %dma_wait3A_469 = tpu.memref_squeeze %dma_wait3A_468 : memref<1x80x128xf32, #tpu.memory_space<vmem>> -> memref<80x128xf32, #tpu.memory_space<vmem>>
        %dma_wait3A_470 = arith.constant 0 : i32
        %dma_wait3A_471 = tpu.memref_slice %arg7[%dma_wait3A_464, %dma_wait3A_465, %dma_wait3A_470] : memref<2x25x80xi32, #tpu.memory_space<vmem>> -> memref<1x1x80xi32, #tpu.memory_space<vmem>>
        %dma_wait3A_472 = tpu.memref_squeeze %dma_wait3A_471 : memref<1x1x80xi32, #tpu.memory_space<vmem>> -> memref<80xi32, #tpu.memory_space<vmem>>
        %dma_wait3A_473 = arith.constant 0 : i32
        %dma_wait3A_474 = arith.constant 0 : i32
        %dma_wait3A_475 = tpu.memref_slice %arg10[%dma_wait3A_473, %dma_wait3A_474] : memref<10240x128xf32, #tpu.memory_space<vmem_shared>> -> memref<10240x128xf32, #tpu.memory_space<vmem_shared>>
        tpu.wait_indirect_dma semaphore(%arg12 : memref<!tpu.dma_semaphore, #tpu.memory_space<semaphore_mem>>) src(%dma_wait3A_469 : memref<80x128xf32, #tpu.memory_space<vmem>>) dst(%dma_wait3A_475 : memref<10240x128xf32, #tpu.memory_space<vmem_shared>>)
        %add3A_476 = arith.constant 1 : i32
        %add3A_477 = arith.addi %scan3A_406, %add3A_476 : i32
        %add3A_478 = arith.constant 100 : i32
        %add3A_479 = arith.addi %add3A_478, %add3A_477 : i32
        %jit3A_480 = arith.constant 3 : i32
        %eq3A_481 = arith.constant 0 : i32
        %eq3A_482 = arith.cmpi eq, %jit3A_480, %eq3A_481 : i32
        %jit3A_483 = arith.constant 1 : i32
        %select_n3A_484 = arith.select %eq3A_482, %jit3A_483, %jit3A_480 : i32
        %rem3A_485 = arith.remsi %add3A_479, %select_n3A_484 : i32
        %ne3A_486 = arith.constant 0 : i32
        %ne3A_487 = arith.cmpi ne, %rem3A_485, %ne3A_486 : i32
        %lt3A_488 = arith.constant 0 : i32
        %lt3A_489 = arith.cmpi slt, %rem3A_485, %lt3A_488 : i32
        %lt3A_490 = arith.constant 0 : i32
        %lt3A_491 = arith.cmpi slt, %select_n3A_484, %lt3A_490 : i32
        %ne3A_492 = arith.xori %lt3A_489, %lt3A_491 : i1
        %and3A_493 = arith.andi %ne3A_492, %ne3A_487 : i1
        %add3A_494 = arith.addi %rem3A_485, %select_n3A_484 : i32
        %select_n3A_495 = arith.select %and3A_493, %add3A_494, %rem3A_485 : i32
        %dma_start3A_496 = arith.constant 0 : i32
        %dma_start3A_497 = arith.constant 0 : i32
        %dma_start3A_498 = arith.constant 0 : i32
        %dma_start3A_499 = tpu.memref_slice %arg8[%select_n3A_495, %dma_start3A_497, %dma_start3A_498] : memref<3x80x128xf32, #tpu.memory_space<vmem>> -> memref<1x80x128xf32, #tpu.memory_space<vmem>>
        %dma_start3A_500 = tpu.memref_squeeze %dma_start3A_499 : memref<1x80x128xf32, #tpu.memory_space<vmem>> -> memref<80x128xf32, #tpu.memory_space<vmem>>
        %dma_start3A_501 = arith.constant 0 : i32
        %dma_start3A_502 = tpu.memref_slice %arg6[%dma_start3A_496, %add3A_477, %dma_start3A_501] : memref<2x25x80xi32, #tpu.memory_space<vmem>> -> memref<1x1x80xi32, #tpu.memory_space<vmem>>
        %dma_start3A_503 = tpu.memref_squeeze %dma_start3A_502 : memref<1x1x80xi32, #tpu.memory_space<vmem>> -> memref<80xi32, #tpu.memory_space<vmem>>
        %dma_start3A_504 = arith.constant 0 : i32
        %dma_start3A_505 = arith.constant 0 : i32
        %dma_start3A_506 = tpu.memref_slice %arg2[%dma_start3A_504, %dma_start3A_505] : memref<10240x128xf32, #tpu.memory_space<hbm>> -> memref<10240x128xf32, #tpu.memory_space<hbm>>
        tpu.enqueue_indirect_dma source(%dma_start3A_506 : memref<10240x128xf32, #tpu.memory_space<hbm>>) target(%dma_start3A_500 : memref<80x128xf32, #tpu.memory_space<vmem>>) offsets(%dma_start3A_503 : memref<80xi32, #tpu.memory_space<vmem>>) semaphore(%arg11 : memref<!tpu.dma_semaphore, #tpu.memory_space<semaphore_mem>>)
      } else {
      }
    }
    %scan3A_375 = arith.constant 25 : i32
    %dma_wait3A_376 = arith.constant 0 : i32
    %dma_wait3A_377 = arith.constant 0 : i32
    %dma_wait3A_378 = arith.constant 0 : i32
    %dma_wait3A_379 = arith.constant 0 : i32
    %dma_wait3A_380 = arith.constant 0 : i32
    %dma_wait3A_381 = tpu.memref_slice %arg8[%dma_wait3A_376, %dma_wait3A_379, %dma_wait3A_380] : memref<3x80x128xf32, #tpu.memory_space<vmem>> -> memref<1x80x128xf32, #tpu.memory_space<vmem>>
    %dma_wait3A_382 = tpu.memref_squeeze %dma_wait3A_381 : memref<1x80x128xf32, #tpu.memory_space<vmem>> -> memref<80x128xf32, #tpu.memory_space<vmem>>
    %dma_wait3A_383 = arith.constant 0 : i32
    %dma_wait3A_384 = tpu.memref_slice %arg7[%dma_wait3A_377, %dma_wait3A_378, %dma_wait3A_383] : memref<2x25x80xi32, #tpu.memory_space<vmem>> -> memref<1x1x80xi32, #tpu.memory_space<vmem>>
    %dma_wait3A_385 = tpu.memref_squeeze %dma_wait3A_384 : memref<1x1x80xi32, #tpu.memory_space<vmem>> -> memref<80xi32, #tpu.memory_space<vmem>>
    %dma_wait3A_386 = arith.constant 0 : i32
    %dma_wait3A_387 = arith.constant 0 : i32
    %dma_wait3A_388 = tpu.memref_slice %arg10[%dma_wait3A_386, %dma_wait3A_387] : memref<10240x128xf32, #tpu.memory_space<vmem_shared>> -> memref<10240x128xf32, #tpu.memory_space<vmem_shared>>
    tpu.wait_indirect_dma semaphore(%arg12 : memref<!tpu.dma_semaphore, #tpu.memory_space<semaphore_mem>>) src(%dma_wait3A_382 : memref<80x128xf32, #tpu.memory_space<vmem>>) dst(%dma_wait3A_388 : memref<10240x128xf32, #tpu.memory_space<vmem_shared>>)
    %dma_wait3A_389 = arith.constant 0 : i32
    %dma_wait3A_390 = arith.constant 0 : i32
    %dma_wait3A_391 = arith.constant 0 : i32
    %dma_wait3A_392 = arith.constant 0 : i32
    %dma_wait3A_393 = arith.constant 0 : i32
    %dma_wait3A_394 = tpu.memref_slice %arg8[%dma_wait3A_389, %dma_wait3A_392, %dma_wait3A_393] : memref<3x80x128xf32, #tpu.memory_space<vmem>> -> memref<1x80x128xf32, #tpu.memory_space<vmem>>
    %dma_wait3A_395 = tpu.memref_squeeze %dma_wait3A_394 : memref<1x80x128xf32, #tpu.memory_space<vmem>> -> memref<80x128xf32, #tpu.memory_space<vmem>>
    %dma_wait3A_396 = arith.constant 0 : i32
    %dma_wait3A_397 = tpu.memref_slice %arg7[%dma_wait3A_390, %dma_wait3A_391, %dma_wait3A_396] : memref<2x25x80xi32, #tpu.memory_space<vmem>> -> memref<1x1x80xi32, #tpu.memory_space<vmem>>
    %dma_wait3A_398 = tpu.memref_squeeze %dma_wait3A_397 : memref<1x1x80xi32, #tpu.memory_space<vmem>> -> memref<80xi32, #tpu.memory_space<vmem>>
    %dma_wait3A_399 = arith.constant 0 : i32
    %dma_wait3A_400 = arith.constant 0 : i32
    %dma_wait3A_401 = tpu.memref_slice %arg10[%dma_wait3A_399, %dma_wait3A_400] : memref<10240x128xf32, #tpu.memory_space<vmem_shared>> -> memref<10240x128xf32, #tpu.memory_space<vmem_shared>>
    tpu.wait_indirect_dma semaphore(%arg12 : memref<!tpu.dma_semaphore, #tpu.memory_space<semaphore_mem>>) src(%dma_wait3A_395 : memref<80x128xf32, #tpu.memory_space<vmem>>) dst(%dma_wait3A_401 : memref<10240x128xf32, #tpu.memory_space<vmem_shared>>)
    %barrier3A_402 = arith.constant 0 : index
    tpu.barrier barrier_id(%barrier3A_402)
    %mul3A_403 = arith.constant 10240 : i32
    %mul3A_404 = arith.muli %arg0, %mul3A_403 : i32
    %add3A_405 = arith.addi %mul3A_404, %mul3A_43 : i32
    "tpu.region"() ({
      %run_scoped3A = tpu.sem_alloc : memref<!tpu.dma_semaphore, #tpu.memory_space<semaphore_mem>>
      %dma_start3A_406 = arith.constant 0 : i32
      %dma_start3A_407 = tpu.memref_slice %arg5[%add3A_405, %dma_start3A_406] : memref<20480x128xf32, #tpu.memory_space<hbm>> -> memref<640x128xf32, #tpu.memory_space<hbm>>
      %dma_start3A_408 = arith.constant 0 : i32
      %dma_start3A_409 = tpu.memref_slice %arg10[%mul3A_43, %dma_start3A_408] : memref<10240x128xf32, #tpu.memory_space<vmem_shared>> -> memref<640x128xf32, #tpu.memory_space<vmem_shared>>
      tpu.enqueue_dma source(%dma_start3A_409 : memref<640x128xf32, #tpu.memory_space<vmem_shared>>) target(%dma_start3A_407 : memref<640x128xf32, #tpu.memory_space<hbm>>) target_semaphore(%run_scoped3A : memref<!tpu.dma_semaphore, #tpu.memory_space<semaphore_mem>>)
      %dma_wait3A_410 = arith.constant 0 : i32
      %dma_wait3A_411 = tpu.memref_slice %arg5[%add3A_405, %dma_wait3A_410] : memref<20480x128xf32, #tpu.memory_space<hbm>> -> memref<640x128xf32, #tpu.memory_space<hbm>>
      %dma_wait3A_412 = arith.constant 0 : i32
      %dma_wait3A_413 = tpu.memref_slice %arg10[%mul3A_43, %dma_wait3A_412] : memref<10240x128xf32, #tpu.memory_space<vmem_shared>> -> memref<640x128xf32, #tpu.memory_space<vmem_shared>>
      tpu.wait_dma2 semaphore(%run_scoped3A : memref<!tpu.dma_semaphore, #tpu.memory_space<semaphore_mem>>) src(%dma_wait3A_413 : memref<640x128xf32, #tpu.memory_space<vmem_shared>>) dst(%dma_wait3A_411 : memref<640x128xf32, #tpu.memory_space<hbm>>)
      tpu.yield
    }) : () -> ()
    return
  }
}

#map = affine_map<(d0, d1) -> (0, 0)>
#map1 = affine_map<(d0, d1) -> (0, 0, 0, 0)>
module attributes {stable_mosaic.version = 14 : i64} {
  func.func @_agg_body(%arg0: i32, %arg1: i32, %arg2: memref<10240x128xf32, #tpu.memory_space<hbm>>, %arg3: memref<32x5x25x80xi32, #tpu.memory_space<hbm>>, %arg4: memref<32x5x25x80xi32, #tpu.memory_space<hbm>>, %arg5: memref<20480x128xf32, #tpu.memory_space<hbm>>, %arg6: memref<2x25x80xi32, #tpu.memory_space<vmem>>, %arg7: memref<2x25x80xi32, #tpu.memory_space<vmem>>, %arg8: memref<3x80x128xf32, #tpu.memory_space<vmem>>, %arg9: memref<16x128xf32, #tpu.memory_space<vmem>>, %arg10: memref<10240x128xf32, #tpu.memory_space<vmem_shared>>, %arg11: memref<!tpu.dma_semaphore, #tpu.memory_space<semaphore_mem>>, %arg12: memref<!tpu.dma_semaphore, #tpu.memory_space<semaphore_mem>>, %arg13: memref<!tpu.dma_semaphore, #tpu.memory_space<semaphore_mem>>) attributes {dimension_semantics = [#tpu.dimension_semantics<core_parallel>, #tpu.dimension_semantics<subcore_parallel>], iteration_bounds = array<i64: 2, 16>, scalar_prefetch = 0 : i64, scratch_operands = 8 : i64, tpu.core_type = #tpu.core_type<sc_vector_subcore>, window_params = [{transform_indices = #map}, {transform_indices = #map1}, {transform_indices = #map1}, {transform_indices = #map}]} {
    %mul3A = arith.constant 16 : i32
    %mul3A_0 = arith.muli %arg0, %mul3A : i32
    %add3A = arith.addi %mul3A_0, %arg1 : i32
    %dma_start3A = arith.constant 0 : i32
    %dma_start3A_1 = arith.constant 0 : i32
    %dma_start3A_2 = arith.constant 0 : i32
    %dma_start3A_3 = arith.constant 0 : i32
    %dma_start3A_4 = tpu.memref_slice %arg6[%dma_start3A_1, %dma_start3A_2, %dma_start3A_3] : memref<2x25x80xi32, #tpu.memory_space<vmem>> -> memref<1x25x80xi32, #tpu.memory_space<vmem>>
    %dma_start3A_5 = tpu.memref_squeeze %dma_start3A_4 : memref<1x25x80xi32, #tpu.memory_space<vmem>> -> memref<25x80xi32, #tpu.memory_space<vmem>>
    %dma_start3A_6 = arith.constant 0 : i32
    %dma_start3A_7 = arith.constant 0 : i32
    %dma_start3A_8 = tpu.memref_slice %arg3[%add3A, %dma_start3A, %dma_start3A_6, %dma_start3A_7] : memref<32x5x25x80xi32, #tpu.memory_space<hbm>> -> memref<1x1x25x80xi32, #tpu.memory_space<hbm>>
    %dma_start3A_9 = tpu.memref_squeeze %dma_start3A_8 : memref<1x1x25x80xi32, #tpu.memory_space<hbm>> -> memref<25x80xi32, #tpu.memory_space<hbm>>
    %dma_start3A_10 = arith.constant 0 : i32
    %dma_start3A_11 = arith.constant 0 : i32
    %dma_start3A_12 = tpu.memref_slice %arg6[%dma_start3A_1, %dma_start3A_10, %dma_start3A_11] : memref<2x25x80xi32, #tpu.memory_space<vmem>> -> memref<1x25x80xi32, #tpu.memory_space<vmem>>
    %dma_start3A_13 = tpu.memref_squeeze %dma_start3A_12 : memref<1x25x80xi32, #tpu.memory_space<vmem>> -> memref<25x80xi32, #tpu.memory_space<vmem>>
    %dma_start3A_14 = arith.constant 0 : i32
    %dma_start3A_15 = arith.constant 0 : i32
    %dma_start3A_16 = tpu.memref_slice %arg3[%add3A, %dma_start3A, %dma_start3A_14, %dma_start3A_15] : memref<32x5x25x80xi32, #tpu.memory_space<hbm>> -> memref<1x1x25x80xi32, #tpu.memory_space<hbm>>
    %dma_start3A_17 = tpu.memref_squeeze %dma_start3A_16 : memref<1x1x25x80xi32, #tpu.memory_space<hbm>> -> memref<25x80xi32, #tpu.memory_space<hbm>>
    tpu.enqueue_dma source(%dma_start3A_17 : memref<25x80xi32, #tpu.memory_space<hbm>>) target(%dma_start3A_13 : memref<25x80xi32, #tpu.memory_space<vmem>>) target_semaphore(%arg13 : memref<!tpu.dma_semaphore, #tpu.memory_space<semaphore_mem>>)
    %dma_start3A_18 = arith.constant 0 : i32
    %dma_start3A_19 = arith.constant 0 : i32
    %dma_start3A_20 = arith.constant 0 : i32
    %dma_start3A_21 = arith.constant 0 : i32
    %dma_start3A_22 = tpu.memref_slice %arg7[%dma_start3A_19, %dma_start3A_20, %dma_start3A_21] : memref<2x25x80xi32, #tpu.memory_space<vmem>> -> memref<1x25x80xi32, #tpu.memory_space<vmem>>
    %dma_start3A_23 = tpu.memref_squeeze %dma_start3A_22 : memref<1x25x80xi32, #tpu.memory_space<vmem>> -> memref<25x80xi32, #tpu.memory_space<vmem>>
    %dma_start3A_24 = arith.constant 0 : i32
    %dma_start3A_25 = arith.constant 0 : i32
    %dma_start3A_26 = tpu.memref_slice %arg4[%add3A, %dma_start3A_18, %dma_start3A_24, %dma_start3A_25] : memref<32x5x25x80xi32, #tpu.memory_space<hbm>> -> memref<1x1x25x80xi32, #tpu.memory_space<hbm>>
    %dma_start3A_27 = tpu.memref_squeeze %dma_start3A_26 : memref<1x1x25x80xi32, #tpu.memory_space<hbm>> -> memref<25x80xi32, #tpu.memory_space<hbm>>
    %dma_start3A_28 = arith.constant 0 : i32
    %dma_start3A_29 = arith.constant 0 : i32
    %dma_start3A_30 = tpu.memref_slice %arg7[%dma_start3A_19, %dma_start3A_28, %dma_start3A_29] : memref<2x25x80xi32, #tpu.memory_space<vmem>> -> memref<1x25x80xi32, #tpu.memory_space<vmem>>
    %dma_start3A_31 = tpu.memref_squeeze %dma_start3A_30 : memref<1x25x80xi32, #tpu.memory_space<vmem>> -> memref<25x80xi32, #tpu.memory_space<vmem>>
    %dma_start3A_32 = arith.constant 0 : i32
    %dma_start3A_33 = arith.constant 0 : i32
    %dma_start3A_34 = tpu.memref_slice %arg4[%add3A, %dma_start3A_18, %dma_start3A_32, %dma_start3A_33] : memref<32x5x25x80xi32, #tpu.memory_space<hbm>> -> memref<1x1x25x80xi32, #tpu.memory_space<hbm>>
    %dma_start3A_35 = tpu.memref_squeeze %dma_start3A_34 : memref<1x1x25x80xi32, #tpu.memory_space<hbm>> -> memref<25x80xi32, #tpu.memory_space<hbm>>
    tpu.enqueue_dma source(%dma_start3A_35 : memref<25x80xi32, #tpu.memory_space<hbm>>) target(%dma_start3A_31 : memref<25x80xi32, #tpu.memory_space<vmem>>) target_semaphore(%arg13 : memref<!tpu.dma_semaphore, #tpu.memory_space<semaphore_mem>>)
    %broadcast_in_dim3A = arith.constant 0.000000e+00 : f32
    %broadcast_in_dim3A_36 = vector.broadcast %broadcast_in_dim3A : f32 to vector<16xf32>
    %scan3A = arith.constant 0 : i32
    %scan3A_37 = arith.constant 0 : i32
    %scan3A_38 = arith.constant 128 : i32
    %scan3A_39 = arith.addi %scan3A_37, %scan3A_38 : i32
    %scan3A_40 = arith.constant 1 : i32
    scf.for %scan3A_406 = %scan3A_37 to %scan3A_39 step %scan3A_40  : i32 {
      %jit3A = arith.constant 8 : i32
      %div3A = arith.divsi %scan3A_406, %jit3A : i32
      %sign3A = arith.constant 0 : i32
      %sign3A_407 = arith.cmpi sgt, %scan3A_406, %sign3A : i32
      %sign3A_408 = arith.extui %sign3A_407 : i1 to i32
      %sign3A_409 = arith.constant 0 : i32
      %sign3A_410 = arith.cmpi slt, %scan3A_406, %sign3A_409 : i32
      %sign3A_411 = arith.extui %sign3A_410 : i1 to i32
      %sign3A_412 = arith.subi %sign3A_408, %sign3A_411 : i32
      %sign3A_413 = arith.constant 0 : i32
      %sign3A_414 = arith.cmpi sgt, %jit3A, %sign3A_413 : i32
      %sign3A_415 = arith.extui %sign3A_414 : i1 to i32
      %sign3A_416 = arith.constant 0 : i32
      %sign3A_417 = arith.cmpi slt, %jit3A, %sign3A_416 : i32
      %sign3A_418 = arith.extui %sign3A_417 : i1 to i32
      %sign3A_419 = arith.subi %sign3A_415, %sign3A_418 : i32
      %ne3A = arith.cmpi ne, %sign3A_412, %sign3A_419 : i32
      %rem3A = arith.remsi %scan3A_406, %jit3A : i32
      %ne3A_420 = arith.constant 0 : i32
      %ne3A_421 = arith.cmpi ne, %rem3A, %ne3A_420 : i32
      %and3A = arith.andi %ne3A, %ne3A_421 : i1
      %sub3A = arith.constant 1 : i32
      %sub3A_422 = arith.subi %div3A, %sub3A : i32
      %select_n3A = arith.select %and3A, %sub3A_422, %div3A : i32
      %jit3A_423 = arith.constant 8 : i32
      %eq3A = arith.constant 0 : i32
      %eq3A_424 = arith.cmpi eq, %jit3A_423, %eq3A : i32
      %jit3A_425 = arith.constant 1 : i32
      %select_n3A_426 = arith.select %eq3A_424, %jit3A_425, %jit3A_423 : i32
      %rem3A_427 = arith.remsi %scan3A_406, %select_n3A_426 : i32
      %ne3A_428 = arith.constant 0 : i32
      %ne3A_429 = arith.cmpi ne, %rem3A_427, %ne3A_428 : i32
      %lt3A = arith.constant 0 : i32
      %lt3A_430 = arith.cmpi slt, %rem3A_427, %lt3A : i32
      %lt3A_431 = arith.constant 0 : i32
      %lt3A_432 = arith.cmpi slt, %select_n3A_426, %lt3A_431 : i32
      %ne3A_433 = arith.xori %lt3A_430, %lt3A_432 : i1
      %and3A_434 = arith.andi %ne3A_433, %ne3A_429 : i1
      %add3A_435 = arith.addi %rem3A_427, %select_n3A_426 : i32
      %select_n3A_436 = arith.select %and3A_434, %add3A_435, %rem3A_427 : i32
      %mul3A_437 = arith.constant 16 : i32
      %mul3A_438 = arith.muli %select_n3A_436, %mul3A_437 : i32
      %swap3A = arith.index_cast %select_n3A : i32 to index
      %swap3A_439 = arith.index_cast %mul3A_438 : i32 to index
      %swap3A_440 = tpu.vector_load %arg9[%swap3A, %swap3A_439] {strides = array<i32>} : memref<16x128xf32, #tpu.memory_space<vmem>>, vector<16xf32>,
      tpu.vector_store %arg9[%swap3A, %swap3A_439], %broadcast_in_dim3A_36 {strides = array<i32>} : memref<16x128xf32, #tpu.memory_space<vmem>>, vector<16xf32>,
    }
    %scan3A_41 = arith.constant 128 : i32
    %mul3A_42 = arith.constant 640 : i32
    %mul3A_43 = arith.muli %arg1, %mul3A_42 : i32
    %scan3A_44 = arith.constant 0 : i32
    %scan3A_45 = arith.constant 0 : i32
    %scan3A_46 = arith.constant 40 : i32
    %scan3A_47 = arith.addi %scan3A_45, %scan3A_46 : i32
    %scan3A_48 = arith.constant 1 : i32
    scf.for %scan3A_406 = %scan3A_45 to %scan3A_47 step %scan3A_48  : i32 {
      %mul3A_407 = arith.constant 16 : i32
      %mul3A_408 = arith.muli %scan3A_406, %mul3A_407 : i32
      %add3A_409 = arith.addi %mul3A_43, %mul3A_408 : i32
      "tpu.region"() ({
        %run_scoped3A = tpu.sem_alloc : memref<!tpu.dma_semaphore, #tpu.memory_space<semaphore_mem>>
        %dma_start3A_410 = arith.constant 0 : i32
        %dma_start3A_411 = tpu.memref_slice %arg10[%add3A_409, %dma_start3A_410] : memref<10240x128xf32, #tpu.memory_space<vmem_shared>> -> memref<16x128xf32, #tpu.memory_space<vmem_shared>>
        %dma_start3A_412 = arith.constant 0 : i32
        %dma_start3A_413 = tpu.memref_slice %arg10[%add3A_409, %dma_start3A_412] : memref<10240x128xf32, #tpu.memory_space<vmem_shared>> -> memref<16x128xf32, #tpu.memory_space<vmem_shared>>
        tpu.enqueue_dma source(%arg9 : memref<16x128xf32, #tpu.memory_space<vmem>>) target(%dma_start3A_413 : memref<16x128xf32, #tpu.memory_space<vmem_shared>>) target_semaphore(%run_scoped3A : memref<!tpu.dma_semaphore, #tpu.memory_space<semaphore_mem>>)
        %dma_wait3A_414 = arith.constant 0 : i32
        %dma_wait3A_415 = tpu.memref_slice %arg10[%add3A_409, %dma_wait3A_414] : memref<10240x128xf32, #tpu.memory_space<vmem_shared>> -> memref<16x128xf32, #tpu.memory_space<vmem_shared>>
        %dma_wait3A_416 = arith.constant 0 : i32
        %dma_wait3A_417 = tpu.memref_slice %arg10[%add3A_409, %dma_wait3A_416] : memref<10240x128xf32, #tpu.memory_space<vmem_shared>> -> memref<16x128xf32, #tpu.memory_space<vmem_shared>>
        tpu.wait_dma2 semaphore(%run_scoped3A : memref<!tpu.dma_semaphore, #tpu.memory_space<semaphore_mem>>) src(%arg9 : memref<16x128xf32, #tpu.memory_space<vmem>>) dst(%dma_wait3A_417 : memref<16x128xf32, #tpu.memory_space<vmem_shared>>)
        tpu.yield
      }) : () -> ()
    }
    %scan3A_49 = arith.constant 40 : i32
    %barrier3A = arith.constant 0 : index
    tpu.barrier barrier_id(%barrier3A)
    %dma_wait3A = arith.constant 0 : i32
    %dma_wait3A_50 = arith.constant 0 : i32
    %dma_wait3A_51 = arith.constant 0 : i32
    %dma_wait3A_52 = arith.constant 0 : i32
    %dma_wait3A_53 = tpu.memref_slice %arg6[%dma_wait3A_50, %dma_wait3A_51, %dma_wait3A_52] : memref<2x25x80xi32, #tpu.memory_space<vmem>> -> memref<1x25x80xi32, #tpu.memory_space<vmem>>
    %dma_wait3A_54 = tpu.memref_squeeze %dma_wait3A_53 : memref<1x25x80xi32, #tpu.memory_space<vmem>> -> memref<25x80xi32, #tpu.memory_space<vmem>>
    %dma_wait3A_55 = arith.constant 0 : i32
    %dma_wait3A_56 = arith.constant 0 : i32
    %dma_wait3A_57 = tpu.memref_slice %arg3[%add3A, %dma_wait3A, %dma_wait3A_55, %dma_wait3A_56] : memref<32x5x25x80xi32, #tpu.memory_space<hbm>> -> memref<1x1x25x80xi32, #tpu.memory_space<hbm>>
    %dma_wait3A_58 = tpu.memref_squeeze %dma_wait3A_57 : memref<1x1x25x80xi32, #tpu.memory_space<hbm>> -> memref<25x80xi32, #tpu.memory_space<hbm>>
    %dma_wait3A_59 = arith.constant 0 : i32
    %dma_wait3A_60 = arith.constant 0 : i32
    %dma_wait3A_61 = tpu.memref_slice %arg6[%dma_wait3A_50, %dma_wait3A_59, %dma_wait3A_60] : memref<2x25x80xi32, #tpu.memory_space<vmem>> -> memref<1x25x80xi32, #tpu.memory_space<vmem>>
    %dma_wait3A_62 = tpu.memref_squeeze %dma_wait3A_61 : memref<1x25x80xi32, #tpu.memory_space<vmem>> -> memref<25x80xi32, #tpu.memory_space<vmem>>
    %dma_wait3A_63 = arith.constant 0 : i32
    %dma_wait3A_64 = arith.constant 0 : i32
    %dma_wait3A_65 = tpu.memref_slice %arg3[%add3A, %dma_wait3A, %dma_wait3A_63, %dma_wait3A_64] : memref<32x5x25x80xi32, #tpu.memory_space<hbm>> -> memref<1x1x25x80xi32, #tpu.memory_space<hbm>>
    %dma_wait3A_66 = tpu.memref_squeeze %dma_wait3A_65 : memref<1x1x25x80xi32, #tpu.memory_space<hbm>> -> memref<25x80xi32, #tpu.memory_space<hbm>>
    tpu.wait_dma2 semaphore(%arg13 : memref<!tpu.dma_semaphore, #tpu.memory_space<semaphore_mem>>) src(%dma_wait3A_66 : memref<25x80xi32, #tpu.memory_space<hbm>>) dst(%dma_wait3A_62 : memref<25x80xi32, #tpu.memory_space<vmem>>)
    %dma_wait3A_67 = arith.constant 0 : i32
    %dma_wait3A_68 = arith.constant 0 : i32
    %dma_wait3A_69 = arith.constant 0 : i32
    %dma_wait3A_70 = arith.constant 0 : i32
    %dma_wait3A_71 = tpu.memref_slice %arg7[%dma_wait3A_68, %dma_wait3A_69, %dma_wait3A_70] : memref<2x25x80xi32, #tpu.memory_space<vmem>> -> memref<1x25x80xi32, #tpu.memory_space<vmem>>
    %dma_wait3A_72 = tpu.memref_squeeze %dma_wait3A_71 : memref<1x25x80xi32, #tpu.memory_space<vmem>> -> memref<25x80xi32, #tpu.memory_space<vmem>>
    %dma_wait3A_73 = arith.constant 0 : i32
    %dma_wait3A_74 = arith.constant 0 : i32
    %dma_wait3A_75 = tpu.memref_slice %arg4[%add3A, %dma_wait3A_67, %dma_wait3A_73, %dma_wait3A_74] : memref<32x5x25x80xi32, #tpu.memory_space<hbm>> -> memref<1x1x25x80xi32, #tpu.memory_space<hbm>>
    %dma_wait3A_76 = tpu.memref_squeeze %dma_wait3A_75 : memref<1x1x25x80xi32, #tpu.memory_space<hbm>> -> memref<25x80xi32, #tpu.memory_space<hbm>>
    %dma_wait3A_77 = arith.constant 0 : i32
    %dma_wait3A_78 = arith.constant 0 : i32
    %dma_wait3A_79 = tpu.memref_slice %arg7[%dma_wait3A_68, %dma_wait3A_77, %dma_wait3A_78] : memref<2x25x80xi32, #tpu.memory_space<vmem>> -> memref<1x25x80xi32, #tpu.memory_space<vmem>>
    %dma_wait3A_80 = tpu.memref_squeeze %dma_wait3A_79 : memref<1x25x80xi32, #tpu.memory_space<vmem>> -> memref<25x80xi32, #tpu.memory_space<vmem>>
    %dma_wait3A_81 = arith.constant 0 : i32
    %dma_wait3A_82 = arith.constant 0 : i32
    %dma_wait3A_83 = tpu.memref_slice %arg4[%add3A, %dma_wait3A_67, %dma_wait3A_81, %dma_wait3A_82] : memref<32x5x25x80xi32, #tpu.memory_space<hbm>> -> memref<1x1x25x80xi32, #tpu.memory_space<hbm>>
    %dma_wait3A_84 = tpu.memref_squeeze %dma_wait3A_83 : memref<1x1x25x80xi32, #tpu.memory_space<hbm>> -> memref<25x80xi32, #tpu.memory_space<hbm>>
    tpu.wait_dma2 semaphore(%arg13 : memref<!tpu.dma_semaphore, #tpu.memory_space<semaphore_mem>>) src(%dma_wait3A_84 : memref<25x80xi32, #tpu.memory_space<hbm>>) dst(%dma_wait3A_80 : memref<25x80xi32, #tpu.memory_space<vmem>>)
    %dma_start3A_85 = arith.constant 0 : i32
    %dma_start3A_86 = arith.constant 0 : i32
    %dma_start3A_87 = arith.constant 0 : i32
    %dma_start3A_88 = arith.constant 0 : i32
    %dma_start3A_89 = arith.constant 0 : i32
    %dma_start3A_90 = tpu.memref_slice %arg8[%dma_start3A_87, %dma_start3A_88, %dma_start3A_89] : memref<3x80x128xf32, #tpu.memory_space<vmem>> -> memref<1x80x128xf32, #tpu.memory_space<vmem>>
    %dma_start3A_91 = tpu.memref_squeeze %dma_start3A_90 : memref<1x80x128xf32, #tpu.memory_space<vmem>> -> memref<80x128xf32, #tpu.memory_space<vmem>>
    %dma_start3A_92 = arith.constant 0 : i32
    %dma_start3A_93 = tpu.memref_slice %arg6[%dma_start3A_85, %dma_start3A_86, %dma_start3A_92] : memref<2x25x80xi32, #tpu.memory_space<vmem>> -> memref<1x1x80xi32, #tpu.memory_space<vmem>>
    %dma_start3A_94 = tpu.memref_squeeze %dma_start3A_93 : memref<1x1x80xi32, #tpu.memory_space<vmem>> -> memref<80xi32, #tpu.memory_space<vmem>>
    %dma_start3A_95 = arith.constant 0 : i32
    %dma_start3A_96 = arith.constant 0 : i32
    %dma_start3A_97 = tpu.memref_slice %arg2[%dma_start3A_95, %dma_start3A_96] : memref<10240x128xf32, #tpu.memory_space<hbm>> -> memref<10240x128xf32, #tpu.memory_space<hbm>>
    tpu.enqueue_indirect_dma source(%dma_start3A_97 : memref<10240x128xf32, #tpu.memory_space<hbm>>) target(%dma_start3A_91 : memref<80x128xf32, #tpu.memory_space<vmem>>) offsets(%dma_start3A_94 : memref<80xi32, #tpu.memory_space<vmem>>) semaphore(%arg11 : memref<!tpu.dma_semaphore, #tpu.memory_space<semaphore_mem>>)
    %scan3A_98 = arith.constant 0 : i32
    %scan3A_99 = arith.constant 0 : i32
    %scan3A_100 = arith.constant 25 : i32
    %scan3A_101 = arith.addi %scan3A_99, %scan3A_100 : i32
    %scan3A_102 = arith.constant 1 : i32
    scf.for %scan3A_406 = %scan3A_99 to %scan3A_101 step %scan3A_102  : i32 {
      %add3A_407 = arith.constant 0 : i32
      %add3A_408 = arith.addi %add3A_407, %scan3A_406 : i32
      %jit3A = arith.constant 3 : i32
      %eq3A = arith.constant 0 : i32
      %eq3A_409 = arith.cmpi eq, %jit3A, %eq3A : i32
      %jit3A_410 = arith.constant 1 : i32
      %select_n3A = arith.select %eq3A_409, %jit3A_410, %jit3A : i32
      %rem3A = arith.remsi %add3A_408, %select_n3A : i32
      %ne3A = arith.constant 0 : i32
      %ne3A_411 = arith.cmpi ne, %rem3A, %ne3A : i32
      %lt3A = arith.constant 0 : i32
      %lt3A_412 = arith.cmpi slt, %rem3A, %lt3A : i32
      %lt3A_413 = arith.constant 0 : i32
      %lt3A_414 = arith.cmpi slt, %select_n3A, %lt3A_413 : i32
      %ne3A_415 = arith.xori %lt3A_412, %lt3A_414 : i1
      %and3A = arith.andi %ne3A_415, %ne3A_411 : i1
      %add3A_416 = arith.addi %rem3A, %select_n3A : i32
      %select_n3A_417 = arith.select %and3A, %add3A_416, %rem3A : i32
      %dma_wait3A_418 = arith.constant 0 : i32
      %dma_wait3A_419 = arith.constant 0 : i32
      %dma_wait3A_420 = arith.constant 0 : i32
      %dma_wait3A_421 = tpu.memref_slice %arg8[%select_n3A_417, %dma_wait3A_419, %dma_wait3A_420] : memref<3x80x128xf32, #tpu.memory_space<vmem>> -> memref<1x80x128xf32, #tpu.memory_space<vmem>>
      %dma_wait3A_422 = tpu.memref_squeeze %dma_wait3A_421 : memref<1x80x128xf32, #tpu.memory_space<vmem>> -> memref<80x128xf32, #tpu.memory_space<vmem>>
      %dma_wait3A_423 = arith.constant 0 : i32
      %dma_wait3A_424 = tpu.memref_slice %arg6[%dma_wait3A_418, %scan3A_406, %dma_wait3A_423] : memref<2x25x80xi32, #tpu.memory_space<vmem>> -> memref<1x1x80xi32, #tpu.memory_space<vmem>>
      %dma_wait3A_425 = tpu.memref_squeeze %dma_wait3A_424 : memref<1x1x80xi32, #tpu.memory_space<vmem>> -> memref<80xi32, #tpu.memory_space<vmem>>
      %dma_wait3A_426 = arith.constant 0 : i32
      %dma_wait3A_427 = arith.constant 0 : i32
      %dma_wait3A_428 = tpu.memref_slice %arg2[%dma_wait3A_426, %dma_wait3A_427] : memref<10240x128xf32, #tpu.memory_space<hbm>> -> memref<10240x128xf32, #tpu.memory_space<hbm>>
      tpu.wait_indirect_dma semaphore(%arg11 : memref<!tpu.dma_semaphore, #tpu.memory_space<semaphore_mem>>) src(%dma_wait3A_428 : memref<10240x128xf32, #tpu.memory_space<hbm>>) dst(%dma_wait3A_422 : memref<80x128xf32, #tpu.memory_space<vmem>>)
      %add3A_429 = arith.constant 0 : i32
      %add3A_430 = arith.addi %add3A_429, %scan3A_406 : i32
      %jit3A_431 = arith.constant 3 : i32
      %eq3A_432 = arith.constant 0 : i32
      %eq3A_433 = arith.cmpi eq, %jit3A_431, %eq3A_432 : i32
      %jit3A_434 = arith.constant 1 : i32
      %select_n3A_435 = arith.select %eq3A_433, %jit3A_434, %jit3A_431 : i32
      %rem3A_436 = arith.remsi %add3A_430, %select_n3A_435 : i32
      %ne3A_437 = arith.constant 0 : i32
      %ne3A_438 = arith.cmpi ne, %rem3A_436, %ne3A_437 : i32
      %lt3A_439 = arith.constant 0 : i32
      %lt3A_440 = arith.cmpi slt, %rem3A_436, %lt3A_439 : i32
      %lt3A_441 = arith.constant 0 : i32
      %lt3A_442 = arith.cmpi slt, %select_n3A_435, %lt3A_441 : i32
      %ne3A_443 = arith.xori %lt3A_440, %lt3A_442 : i1
      %and3A_444 = arith.andi %ne3A_443, %ne3A_438 : i1
      %add3A_445 = arith.addi %rem3A_436, %select_n3A_435 : i32
      %select_n3A_446 = arith.select %and3A_444, %add3A_445, %rem3A_436 : i32
      %dma_start3A_447 = arith.constant 0 : i32
      %dma_start3A_448 = arith.constant 0 : i32
      %dma_start3A_449 = arith.constant 0 : i32
      %dma_start3A_450 = tpu.memref_slice %arg8[%select_n3A_446, %dma_start3A_448, %dma_start3A_449] : memref<3x80x128xf32, #tpu.memory_space<vmem>> -> memref<1x80x128xf32, #tpu.memory_space<vmem>>
      %dma_start3A_451 = tpu.memref_squeeze %dma_start3A_450 : memref<1x80x128xf32, #tpu.memory_space<vmem>> -> memref<80x128xf32, #tpu.memory_space<vmem>>
      %dma_start3A_452 = arith.constant 0 : i32
      %dma_start3A_453 = tpu.memref_slice %arg7[%dma_start3A_447, %scan3A_406, %dma_start3A_452] : memref<2x25x80xi32, #tpu.memory_space<vmem>> -> memref<1x1x80xi32, #tpu.memory_space<vmem>>
      %dma_start3A_454 = tpu.memref_squeeze %dma_start3A_453 : memref<1x1x80xi32, #tpu.memory_space<vmem>> -> memref<80xi32, #tpu.memory_space<vmem>>
      %dma_start3A_455 = arith.constant 0 : i32
      %dma_start3A_456 = arith.constant 0 : i32
      %dma_start3A_457 = tpu.memref_slice %arg10[%dma_start3A_455, %dma_start3A_456] : memref<10240x128xf32, #tpu.memory_space<vmem_shared>> -> memref<10240x128xf32, #tpu.memory_space<vmem_shared>>
      tpu.enqueue_indirect_dma source(%dma_start3A_451 : memref<80x128xf32, #tpu.memory_space<vmem>>) target(%dma_start3A_457 : memref<10240x128xf32, #tpu.memory_space<vmem_shared>>) offsets(%dma_start3A_454 : memref<80xi32, #tpu.memory_space<vmem>>) semaphore(%arg12 : memref<!tpu.dma_semaphore, #tpu.memory_space<semaphore_mem>>) {add = true}
      %eq3A_458 = arith.constant 2 : i32
      %eq3A_459 = arith.cmpi eq, %scan3A_406, %eq3A_458 : i32
      %convert_element_type3A = arith.extui %eq3A_459 : i1 to i32
      %cond3A = arith.constant 0 : i32
      %cond3A_460 = arith.cmpi ne, %convert_element_type3A, %cond3A : i32
      scf.if %cond3A_460 {
        %dma_start3A_468 = arith.constant 1 : i32
        %dma_start3A_469 = arith.constant 1 : i32
        %dma_start3A_470 = arith.constant 0 : i32
        %dma_start3A_471 = arith.constant 0 : i32
        %dma_start3A_472 = tpu.memref_slice %arg6[%dma_start3A_469, %dma_start3A_470, %dma_start3A_471] : memref<2x25x80xi32, #tpu.memory_space<vmem>> -> memref<1x25x80xi32, #tpu.memory_space<vmem>>
        %dma_start3A_473 = tpu.memref_squeeze %dma_start3A_472 : memref<1x25x80xi32, #tpu.memory_space<vmem>> -> memref<25x80xi32, #tpu.memory_space<vmem>>
        %dma_start3A_474 = arith.constant 0 : i32
        %dma_start3A_475 = arith.constant 0 : i32
        %dma_start3A_476 = tpu.memref_slice %arg3[%add3A, %dma_start3A_468, %dma_start3A_474, %dma_start3A_475] : memref<32x5x25x80xi32, #tpu.memory_space<hbm>> -> memref<1x1x25x80xi32, #tpu.memory_space<hbm>>
        %dma_start3A_477 = tpu.memref_squeeze %dma_start3A_476 : memref<1x1x25x80xi32, #tpu.memory_space<hbm>> -> memref<25x80xi32, #tpu.memory_space<hbm>>
        %dma_start3A_478 = arith.constant 0 : i32
        %dma_start3A_479 = arith.constant 0 : i32
        %dma_start3A_480 = tpu.memref_slice %arg6[%dma_start3A_469, %dma_start3A_478, %dma_start3A_479] : memref<2x25x80xi32, #tpu.memory_space<vmem>> -> memref<1x25x80xi32, #tpu.memory_space<vmem>>
        %dma_start3A_481 = tpu.memref_squeeze %dma_start3A_480 : memref<1x25x80xi32, #tpu.memory_space<vmem>> -> memref<25x80xi32, #tpu.memory_space<vmem>>
        %dma_start3A_482 = arith.constant 0 : i32
        %dma_start3A_483 = arith.constant 0 : i32
        %dma_start3A_484 = tpu.memref_slice %arg3[%add3A, %dma_start3A_468, %dma_start3A_482, %dma_start3A_483] : memref<32x5x25x80xi32, #tpu.memory_space<hbm>> -> memref<1x1x25x80xi32, #tpu.memory_space<hbm>>
        %dma_start3A_485 = tpu.memref_squeeze %dma_start3A_484 : memref<1x1x25x80xi32, #tpu.memory_space<hbm>> -> memref<25x80xi32, #tpu.memory_space<hbm>>
        tpu.enqueue_dma source(%dma_start3A_485 : memref<25x80xi32, #tpu.memory_space<hbm>>) target(%dma_start3A_481 : memref<25x80xi32, #tpu.memory_space<vmem>>) target_semaphore(%arg13 : memref<!tpu.dma_semaphore, #tpu.memory_space<semaphore_mem>>)
        %dma_start3A_486 = arith.constant 1 : i32
        %dma_start3A_487 = arith.constant 1 : i32
        %dma_start3A_488 = arith.constant 0 : i32
        %dma_start3A_489 = arith.constant 0 : i32
        %dma_start3A_490 = tpu.memref_slice %arg7[%dma_start3A_487, %dma_start3A_488, %dma_start3A_489] : memref<2x25x80xi32, #tpu.memory_space<vmem>> -> memref<1x25x80xi32, #tpu.memory_space<vmem>>
        %dma_start3A_491 = tpu.memref_squeeze %dma_start3A_490 : memref<1x25x80xi32, #tpu.memory_space<vmem>> -> memref<25x80xi32, #tpu.memory_space<vmem>>
        %dma_start3A_492 = arith.constant 0 : i32
        %dma_start3A_493 = arith.constant 0 : i32
        %dma_start3A_494 = tpu.memref_slice %arg4[%add3A, %dma_start3A_486, %dma_start3A_492, %dma_start3A_493] : memref<32x5x25x80xi32, #tpu.memory_space<hbm>> -> memref<1x1x25x80xi32, #tpu.memory_space<hbm>>
        %dma_start3A_495 = tpu.memref_squeeze %dma_start3A_494 : memref<1x1x25x80xi32, #tpu.memory_space<hbm>> -> memref<25x80xi32, #tpu.memory_space<hbm>>
        %dma_start3A_496 = arith.constant 0 : i32
        %dma_start3A_497 = arith.constant 0 : i32
        %dma_start3A_498 = tpu.memref_slice %arg7[%dma_start3A_487, %dma_start3A_496, %dma_start3A_497] : memref<2x25x80xi32, #tpu.memory_space<vmem>> -> memref<1x25x80xi32, #tpu.memory_space<vmem>>
        %dma_start3A_499 = tpu.memref_squeeze %dma_start3A_498 : memref<1x25x80xi32, #tpu.memory_space<vmem>> -> memref<25x80xi32, #tpu.memory_space<vmem>>
        %dma_start3A_500 = arith.constant 0 : i32
        %dma_start3A_501 = arith.constant 0 : i32
        %dma_start3A_502 = tpu.memref_slice %arg4[%add3A, %dma_start3A_486, %dma_start3A_500, %dma_start3A_501] : memref<32x5x25x80xi32, #tpu.memory_space<hbm>> -> memref<1x1x25x80xi32, #tpu.memory_space<hbm>>
        %dma_start3A_503 = tpu.memref_squeeze %dma_start3A_502 : memref<1x1x25x80xi32, #tpu.memory_space<hbm>> -> memref<25x80xi32, #tpu.memory_space<hbm>>
        tpu.enqueue_dma source(%dma_start3A_503 : memref<25x80xi32, #tpu.memory_space<hbm>>) target(%dma_start3A_499 : memref<25x80xi32, #tpu.memory_space<vmem>>) target_semaphore(%arg13 : memref<!tpu.dma_semaphore, #tpu.memory_space<semaphore_mem>>)
      } else {
      }
      %add3A_461 = arith.constant 1 : i32
      %add3A_462 = arith.addi %scan3A_406, %add3A_461 : i32
      %lt3A_463 = arith.constant 25 : i32
      %lt3A_464 = arith.cmpi slt, %add3A_462, %lt3A_463 : i32
      %convert_element_type3A_465 = arith.extui %lt3A_464 : i1 to i32
      %cond3A_466 = arith.constant 0 : i32
      %cond3A_467 = arith.cmpi ne, %convert_element_type3A_465, %cond3A_466 : i32
      scf.if %cond3A_467 {
        %ge3A = arith.constant 1 : i32
        %ge3A_468 = arith.cmpi sge, %scan3A_406, %ge3A : i32
        %convert_element_type3A_469 = arith.extui %ge3A_468 : i1 to i32
        %cond3A_470 = arith.constant 0 : i32
        %cond3A_471 = arith.cmpi ne, %convert_element_type3A_469, %cond3A_470 : i32
        scf.if %cond3A_471 {
          %dma_wait3A_503 = arith.constant 0 : i32
          %dma_wait3A_504 = arith.constant 0 : i32
          %dma_wait3A_505 = arith.constant 0 : i32
          %dma_wait3A_506 = arith.constant 0 : i32
          %dma_wait3A_507 = arith.constant 0 : i32
          %dma_wait3A_508 = tpu.memref_slice %arg8[%dma_wait3A_503, %dma_wait3A_506, %dma_wait3A_507] : memref<3x80x128xf32, #tpu.memory_space<vmem>> -> memref<1x80x128xf32, #tpu.memory_space<vmem>>
          %dma_wait3A_509 = tpu.memref_squeeze %dma_wait3A_508 : memref<1x80x128xf32, #tpu.memory_space<vmem>> -> memref<80x128xf32, #tpu.memory_space<vmem>>
          %dma_wait3A_510 = arith.constant 0 : i32
          %dma_wait3A_511 = tpu.memref_slice %arg7[%dma_wait3A_504, %dma_wait3A_505, %dma_wait3A_510] : memref<2x25x80xi32, #tpu.memory_space<vmem>> -> memref<1x1x80xi32, #tpu.memory_space<vmem>>
          %dma_wait3A_512 = tpu.memref_squeeze %dma_wait3A_511 : memref<1x1x80xi32, #tpu.memory_space<vmem>> -> memref<80xi32, #tpu.memory_space<vmem>>
          %dma_wait3A_513 = arith.constant 0 : i32
          %dma_wait3A_514 = arith.constant 0 : i32
          %dma_wait3A_515 = tpu.memref_slice %arg10[%dma_wait3A_513, %dma_wait3A_514] : memref<10240x128xf32, #tpu.memory_space<vmem_shared>> -> memref<10240x128xf32, #tpu.memory_space<vmem_shared>>
          tpu.wait_indirect_dma semaphore(%arg12 : memref<!tpu.dma_semaphore, #tpu.memory_space<semaphore_mem>>) src(%dma_wait3A_509 : memref<80x128xf32, #tpu.memory_space<vmem>>) dst(%dma_wait3A_515 : memref<10240x128xf32, #tpu.memory_space<vmem_shared>>)
        } else {
        }
        %add3A_472 = arith.constant 1 : i32
        %add3A_473 = arith.addi %scan3A_406, %add3A_472 : i32
        %add3A_474 = arith.constant 0 : i32
        %add3A_475 = arith.addi %add3A_474, %add3A_473 : i32
        %jit3A_476 = arith.constant 3 : i32
        %eq3A_477 = arith.constant 0 : i32
        %eq3A_478 = arith.cmpi eq, %jit3A_476, %eq3A_477 : i32
        %jit3A_479 = arith.constant 1 : i32
        %select_n3A_480 = arith.select %eq3A_478, %jit3A_479, %jit3A_476 : i32
        %rem3A_481 = arith.remsi %add3A_475, %select_n3A_480 : i32
        %ne3A_482 = arith.constant 0 : i32
        %ne3A_483 = arith.cmpi ne, %rem3A_481, %ne3A_482 : i32
        %lt3A_484 = arith.constant 0 : i32
        %lt3A_485 = arith.cmpi slt, %rem3A_481, %lt3A_484 : i32
        %lt3A_486 = arith.constant 0 : i32
        %lt3A_487 = arith.cmpi slt, %select_n3A_480, %lt3A_486 : i32
        %ne3A_488 = arith.xori %lt3A_485, %lt3A_487 : i1
        %and3A_489 = arith.andi %ne3A_488, %ne3A_483 : i1
        %add3A_490 = arith.addi %rem3A_481, %select_n3A_480 : i32
        %select_n3A_491 = arith.select %and3A_489, %add3A_490, %rem3A_481 : i32
        %dma_start3A_492 = arith.constant 0 : i32
        %dma_start3A_493 = arith.constant 0 : i32
        %dma_start3A_494 = arith.constant 0 : i32
        %dma_start3A_495 = tpu.memref_slice %arg8[%select_n3A_491, %dma_start3A_493, %dma_start3A_494] : memref<3x80x128xf32, #tpu.memory_space<vmem>> -> memref<1x80x128xf32, #tpu.memory_space<vmem>>
        %dma_start3A_496 = tpu.memref_squeeze %dma_start3A_495 : memref<1x80x128xf32, #tpu.memory_space<vmem>> -> memref<80x128xf32, #tpu.memory_space<vmem>>
        %dma_start3A_497 = arith.constant 0 : i32
        %dma_start3A_498 = tpu.memref_slice %arg6[%dma_start3A_492, %add3A_473, %dma_start3A_497] : memref<2x25x80xi32, #tpu.memory_space<vmem>> -> memref<1x1x80xi32, #tpu.memory_space<vmem>>
        %dma_start3A_499 = tpu.memref_squeeze %dma_start3A_498 : memref<1x1x80xi32, #tpu.memory_space<vmem>> -> memref<80xi32, #tpu.memory_space<vmem>>
        %dma_start3A_500 = arith.constant 0 : i32
        %dma_start3A_501 = arith.constant 0 : i32
        %dma_start3A_502 = tpu.memref_slice %arg2[%dma_start3A_500, %dma_start3A_501] : memref<10240x128xf32, #tpu.memory_space<hbm>> -> memref<10240x128xf32, #tpu.memory_space<hbm>>
        tpu.enqueue_indirect_dma source(%dma_start3A_502 : memref<10240x128xf32, #tpu.memory_space<hbm>>) target(%dma_start3A_496 : memref<80x128xf32, #tpu.memory_space<vmem>>) offsets(%dma_start3A_499 : memref<80xi32, #tpu.memory_space<vmem>>) semaphore(%arg11 : memref<!tpu.dma_semaphore, #tpu.memory_space<semaphore_mem>>)
      } else {
      }
    }
    %scan3A_103 = arith.constant 25 : i32
    %dma_wait3A_104 = arith.constant 1 : i32
    %dma_wait3A_105 = arith.constant 1 : i32
    %dma_wait3A_106 = arith.constant 0 : i32
    %dma_wait3A_107 = arith.constant 0 : i32
    %dma_wait3A_108 = tpu.memref_slice %arg6[%dma_wait3A_105, %dma_wait3A_106, %dma_wait3A_107] : memref<2x25x80xi32, #tpu.memory_space<vmem>> -> memref<1x25x80xi32, #tpu.memory_space<vmem>>
    %dma_wait3A_109 = tpu.memref_squeeze %dma_wait3A_108 : memref<1x25x80xi32, #tpu.memory_space<vmem>> -> memref<25x80xi32, #tpu.memory_space<vmem>>
    %dma_wait3A_110 = arith.constant 0 : i32
    %dma_wait3A_111 = arith.constant 0 : i32
    %dma_wait3A_112 = tpu.memref_slice %arg3[%add3A, %dma_wait3A_104, %dma_wait3A_110, %dma_wait3A_111] : memref<32x5x25x80xi32, #tpu.memory_space<hbm>> -> memref<1x1x25x80xi32, #tpu.memory_space<hbm>>
    %dma_wait3A_113 = tpu.memref_squeeze %dma_wait3A_112 : memref<1x1x25x80xi32, #tpu.memory_space<hbm>> -> memref<25x80xi32, #tpu.memory_space<hbm>>
    %dma_wait3A_114 = arith.constant 0 : i32
    %dma_wait3A_115 = arith.constant 0 : i32
    %dma_wait3A_116 = tpu.memref_slice %arg6[%dma_wait3A_105, %dma_wait3A_114, %dma_wait3A_115] : memref<2x25x80xi32, #tpu.memory_space<vmem>> -> memref<1x25x80xi32, #tpu.memory_space<vmem>>
    %dma_wait3A_117 = tpu.memref_squeeze %dma_wait3A_116 : memref<1x25x80xi32, #tpu.memory_space<vmem>> -> memref<25x80xi32, #tpu.memory_space<vmem>>
    %dma_wait3A_118 = arith.constant 0 : i32
    %dma_wait3A_119 = arith.constant 0 : i32
    %dma_wait3A_120 = tpu.memref_slice %arg3[%add3A, %dma_wait3A_104, %dma_wait3A_118, %dma_wait3A_119] : memref<32x5x25x80xi32, #tpu.memory_space<hbm>> -> memref<1x1x25x80xi32, #tpu.memory_space<hbm>>
    %dma_wait3A_121 = tpu.memref_squeeze %dma_wait3A_120 : memref<1x1x25x80xi32, #tpu.memory_space<hbm>> -> memref<25x80xi32, #tpu.memory_space<hbm>>
    tpu.wait_dma2 semaphore(%arg13 : memref<!tpu.dma_semaphore, #tpu.memory_space<semaphore_mem>>) src(%dma_wait3A_121 : memref<25x80xi32, #tpu.memory_space<hbm>>) dst(%dma_wait3A_117 : memref<25x80xi32, #tpu.memory_space<vmem>>)
    %dma_wait3A_122 = arith.constant 1 : i32
    %dma_wait3A_123 = arith.constant 1 : i32
    %dma_wait3A_124 = arith.constant 0 : i32
    %dma_wait3A_125 = arith.constant 0 : i32
    %dma_wait3A_126 = tpu.memref_slice %arg7[%dma_wait3A_123, %dma_wait3A_124, %dma_wait3A_125] : memref<2x25x80xi32, #tpu.memory_space<vmem>> -> memref<1x25x80xi32, #tpu.memory_space<vmem>>
    %dma_wait3A_127 = tpu.memref_squeeze %dma_wait3A_126 : memref<1x25x80xi32, #tpu.memory_space<vmem>> -> memref<25x80xi32, #tpu.memory_space<vmem>>
    %dma_wait3A_128 = arith.constant 0 : i32
    %dma_wait3A_129 = arith.constant 0 : i32
    %dma_wait3A_130 = tpu.memref_slice %arg4[%add3A, %dma_wait3A_122, %dma_wait3A_128, %dma_wait3A_129] : memref<32x5x25x80xi32, #tpu.memory_space<hbm>> -> memref<1x1x25x80xi32, #tpu.memory_space<hbm>>
    %dma_wait3A_131 = tpu.memref_squeeze %dma_wait3A_130 : memref<1x1x25x80xi32, #tpu.memory_space<hbm>> -> memref<25x80xi32, #tpu.memory_space<hbm>>
    %dma_wait3A_132 = arith.constant 0 : i32
    %dma_wait3A_133 = arith.constant 0 : i32
    %dma_wait3A_134 = tpu.memref_slice %arg7[%dma_wait3A_123, %dma_wait3A_132, %dma_wait3A_133] : memref<2x25x80xi32, #tpu.memory_space<vmem>> -> memref<1x25x80xi32, #tpu.memory_space<vmem>>
    %dma_wait3A_135 = tpu.memref_squeeze %dma_wait3A_134 : memref<1x25x80xi32, #tpu.memory_space<vmem>> -> memref<25x80xi32, #tpu.memory_space<vmem>>
    %dma_wait3A_136 = arith.constant 0 : i32
    %dma_wait3A_137 = arith.constant 0 : i32
    %dma_wait3A_138 = tpu.memref_slice %arg4[%add3A, %dma_wait3A_122, %dma_wait3A_136, %dma_wait3A_137] : memref<32x5x25x80xi32, #tpu.memory_space<hbm>> -> memref<1x1x25x80xi32, #tpu.memory_space<hbm>>
    %dma_wait3A_139 = tpu.memref_squeeze %dma_wait3A_138 : memref<1x1x25x80xi32, #tpu.memory_space<hbm>> -> memref<25x80xi32, #tpu.memory_space<hbm>>
    tpu.wait_dma2 semaphore(%arg13 : memref<!tpu.dma_semaphore, #tpu.memory_space<semaphore_mem>>) src(%dma_wait3A_139 : memref<25x80xi32, #tpu.memory_space<hbm>>) dst(%dma_wait3A_135 : memref<25x80xi32, #tpu.memory_space<vmem>>)
    %dma_wait3A_140 = arith.constant 0 : i32
    %dma_wait3A_141 = arith.constant 0 : i32
    %dma_wait3A_142 = arith.constant 0 : i32
    %dma_wait3A_143 = arith.constant 0 : i32
    %dma_wait3A_144 = arith.constant 0 : i32
    %dma_wait3A_145 = tpu.memref_slice %arg8[%dma_wait3A_140, %dma_wait3A_143, %dma_wait3A_144] : memref<3x80x128xf32, #tpu.memory_space<vmem>> -> memref<1x80x128xf32, #tpu.memory_space<vmem>>
    %dma_wait3A_146 = tpu.memref_squeeze %dma_wait3A_145 : memref<1x80x128xf32, #tpu.memory_space<vmem>> -> memref<80x128xf32, #tpu.memory_space<vmem>>
    %dma_wait3A_147 = arith.constant 0 : i32
    %dma_wait3A_148 = tpu.memref_slice %arg7[%dma_wait3A_141, %dma_wait3A_142, %dma_wait3A_147] : memref<2x25x80xi32, #tpu.memory_space<vmem>> -> memref<1x1x80xi32, #tpu.memory_space<vmem>>
    %dma_wait3A_149 = tpu.memref_squeeze %dma_wait3A_148 : memref<1x1x80xi32, #tpu.memory_space<vmem>> -> memref<80xi32, #tpu.memory_space<vmem>>
    %dma_wait3A_150 = arith.constant 0 : i32
    %dma_wait3A_151 = arith.constant 0 : i32
    %dma_wait3A_152 = tpu.memref_slice %arg10[%dma_wait3A_150, %dma_wait3A_151] : memref<10240x128xf32, #tpu.memory_space<vmem_shared>> -> memref<10240x128xf32, #tpu.memory_space<vmem_shared>>
    tpu.wait_indirect_dma semaphore(%arg12 : memref<!tpu.dma_semaphore, #tpu.memory_space<semaphore_mem>>) src(%dma_wait3A_146 : memref<80x128xf32, #tpu.memory_space<vmem>>) dst(%dma_wait3A_152 : memref<10240x128xf32, #tpu.memory_space<vmem_shared>>)
    %dma_start3A_153 = arith.constant 1 : i32
    %dma_start3A_154 = arith.constant 0 : i32
    %dma_start3A_155 = arith.constant 1 : i32
    %dma_start3A_156 = arith.constant 0 : i32
    %dma_start3A_157 = arith.constant 0 : i32
    %dma_start3A_158 = tpu.memref_slice %arg8[%dma_start3A_155, %dma_start3A_156, %dma_start3A_157] : memref<3x80x128xf32, #tpu.memory_space<vmem>> -> memref<1x80x128xf32, #tpu.memory_space<vmem>>
    %dma_start3A_159 = tpu.memref_squeeze %dma_start3A_158 : memref<1x80x128xf32, #tpu.memory_space<vmem>> -> memref<80x128xf32, #tpu.memory_space<vmem>>
    %dma_start3A_160 = arith.constant 0 : i32
    %dma_start3A_161 = tpu.memref_slice %arg6[%dma_start3A_153, %dma_start3A_154, %dma_start3A_160] : memref<2x25x80xi32, #tpu.memory_space<vmem>> -> memref<1x1x80xi32, #tpu.memory_space<vmem>>
    %dma_start3A_162 = tpu.memref_squeeze %dma_start3A_161 : memref<1x1x80xi32, #tpu.memory_space<vmem>> -> memref<80xi32, #tpu.memory_space<vmem>>
    %dma_start3A_163 = arith.constant 0 : i32
    %dma_start3A_164 = arith.constant 0 : i32
    %dma_start3A_165 = tpu.memref_slice %arg2[%dma_start3A_163, %dma_start3A_164] : memref<10240x128xf32, #tpu.memory_space<hbm>> -> memref<10240x128xf32, #tpu.memory_space<hbm>>
    tpu.enqueue_indirect_dma source(%dma_start3A_165 : memref<10240x128xf32, #tpu.memory_space<hbm>>) target(%dma_start3A_159 : memref<80x128xf32, #tpu.memory_space<vmem>>) offsets(%dma_start3A_162 : memref<80xi32, #tpu.memory_space<vmem>>) semaphore(%arg11 : memref<!tpu.dma_semaphore, #tpu.memory_space<semaphore_mem>>)
    %scan3A_166 = arith.constant 0 : i32
    %scan3A_167 = arith.constant 0 : i32
    %scan3A_168 = arith.constant 25 : i32
    %scan3A_169 = arith.addi %scan3A_167, %scan3A_168 : i32
    %scan3A_170 = arith.constant 1 : i32
    scf.for %scan3A_406 = %scan3A_167 to %scan3A_169 step %scan3A_170  : i32 {
      %add3A_407 = arith.constant 25 : i32
      %add3A_408 = arith.addi %add3A_407, %scan3A_406 : i32
      %jit3A = arith.constant 3 : i32
      %eq3A = arith.constant 0 : i32
      %eq3A_409 = arith.cmpi eq, %jit3A, %eq3A : i32
      %jit3A_410 = arith.constant 1 : i32
      %select_n3A = arith.select %eq3A_409, %jit3A_410, %jit3A : i32
      %rem3A = arith.remsi %add3A_408, %select_n3A : i32
      %ne3A = arith.constant 0 : i32
      %ne3A_411 = arith.cmpi ne, %rem3A, %ne3A : i32
      %lt3A = arith.constant 0 : i32
      %lt3A_412 = arith.cmpi slt, %rem3A, %lt3A : i32
      %lt3A_413 = arith.constant 0 : i32
      %lt3A_414 = arith.cmpi slt, %select_n3A, %lt3A_413 : i32
      %ne3A_415 = arith.xori %lt3A_412, %lt3A_414 : i1
      %and3A = arith.andi %ne3A_415, %ne3A_411 : i1
      %add3A_416 = arith.addi %rem3A, %select_n3A : i32
      %select_n3A_417 = arith.select %and3A, %add3A_416, %rem3A : i32
      %dma_wait3A_418 = arith.constant 1 : i32
      %dma_wait3A_419 = arith.constant 0 : i32
      %dma_wait3A_420 = arith.constant 0 : i32
      %dma_wait3A_421 = tpu.memref_slice %arg8[%select_n3A_417, %dma_wait3A_419, %dma_wait3A_420] : memref<3x80x128xf32, #tpu.memory_space<vmem>> -> memref<1x80x128xf32, #tpu.memory_space<vmem>>
      %dma_wait3A_422 = tpu.memref_squeeze %dma_wait3A_421 : memref<1x80x128xf32, #tpu.memory_space<vmem>> -> memref<80x128xf32, #tpu.memory_space<vmem>>
      %dma_wait3A_423 = arith.constant 0 : i32
      %dma_wait3A_424 = tpu.memref_slice %arg6[%dma_wait3A_418, %scan3A_406, %dma_wait3A_423] : memref<2x25x80xi32, #tpu.memory_space<vmem>> -> memref<1x1x80xi32, #tpu.memory_space<vmem>>
      %dma_wait3A_425 = tpu.memref_squeeze %dma_wait3A_424 : memref<1x1x80xi32, #tpu.memory_space<vmem>> -> memref<80xi32, #tpu.memory_space<vmem>>
      %dma_wait3A_426 = arith.constant 0 : i32
      %dma_wait3A_427 = arith.constant 0 : i32
      %dma_wait3A_428 = tpu.memref_slice %arg2[%dma_wait3A_426, %dma_wait3A_427] : memref<10240x128xf32, #tpu.memory_space<hbm>> -> memref<10240x128xf32, #tpu.memory_space<hbm>>
      tpu.wait_indirect_dma semaphore(%arg11 : memref<!tpu.dma_semaphore, #tpu.memory_space<semaphore_mem>>) src(%dma_wait3A_428 : memref<10240x128xf32, #tpu.memory_space<hbm>>) dst(%dma_wait3A_422 : memref<80x128xf32, #tpu.memory_space<vmem>>)
      %add3A_429 = arith.constant 25 : i32
      %add3A_430 = arith.addi %add3A_429, %scan3A_406 : i32
      %jit3A_431 = arith.constant 3 : i32
      %eq3A_432 = arith.constant 0 : i32
      %eq3A_433 = arith.cmpi eq, %jit3A_431, %eq3A_432 : i32
      %jit3A_434 = arith.constant 1 : i32
      %select_n3A_435 = arith.select %eq3A_433, %jit3A_434, %jit3A_431 : i32
      %rem3A_436 = arith.remsi %add3A_430, %select_n3A_435 : i32
      %ne3A_437 = arith.constant 0 : i32
      %ne3A_438 = arith.cmpi ne, %rem3A_436, %ne3A_437 : i32
      %lt3A_439 = arith.constant 0 : i32
      %lt3A_440 = arith.cmpi slt, %rem3A_436, %lt3A_439 : i32
      %lt3A_441 = arith.constant 0 : i32
      %lt3A_442 = arith.cmpi slt, %select_n3A_435, %lt3A_441 : i32
      %ne3A_443 = arith.xori %lt3A_440, %lt3A_442 : i1
      %and3A_444 = arith.andi %ne3A_443, %ne3A_438 : i1
      %add3A_445 = arith.addi %rem3A_436, %select_n3A_435 : i32
      %select_n3A_446 = arith.select %and3A_444, %add3A_445, %rem3A_436 : i32
      %dma_start3A_447 = arith.constant 1 : i32
      %dma_start3A_448 = arith.constant 0 : i32
      %dma_start3A_449 = arith.constant 0 : i32
      %dma_start3A_450 = tpu.memref_slice %arg8[%select_n3A_446, %dma_start3A_448, %dma_start3A_449] : memref<3x80x128xf32, #tpu.memory_space<vmem>> -> memref<1x80x128xf32, #tpu.memory_space<vmem>>
      %dma_start3A_451 = tpu.memref_squeeze %dma_start3A_450 : memref<1x80x128xf32, #tpu.memory_space<vmem>> -> memref<80x128xf32, #tpu.memory_space<vmem>>
      %dma_start3A_452 = arith.constant 0 : i32
      %dma_start3A_453 = tpu.memref_slice %arg7[%dma_start3A_447, %scan3A_406, %dma_start3A_452] : memref<2x25x80xi32, #tpu.memory_space<vmem>> -> memref<1x1x80xi32, #tpu.memory_space<vmem>>
      %dma_start3A_454 = tpu.memref_squeeze %dma_start3A_453 : memref<1x1x80xi32, #tpu.memory_space<vmem>> -> memref<80xi32, #tpu.memory_space<vmem>>
      %dma_start3A_455 = arith.constant 0 : i32
      %dma_start3A_456 = arith.constant 0 : i32
      %dma_start3A_457 = tpu.memref_slice %arg10[%dma_start3A_455, %dma_start3A_456] : memref<10240x128xf32, #tpu.memory_space<vmem_shared>> -> memref<10240x128xf32, #tpu.memory_space<vmem_shared>>
      tpu.enqueue_indirect_dma source(%dma_start3A_451 : memref<80x128xf32, #tpu.memory_space<vmem>>) target(%dma_start3A_457 : memref<10240x128xf32, #tpu.memory_space<vmem_shared>>) offsets(%dma_start3A_454 : memref<80xi32, #tpu.memory_space<vmem>>) semaphore(%arg12 : memref<!tpu.dma_semaphore, #tpu.memory_space<semaphore_mem>>) {add = true}
      %eq3A_458 = arith.constant 2 : i32
      %eq3A_459 = arith.cmpi eq, %scan3A_406, %eq3A_458 : i32
      %convert_element_type3A = arith.extui %eq3A_459 : i1 to i32
      %cond3A = arith.constant 0 : i32
      %cond3A_460 = arith.cmpi ne, %convert_element_type3A, %cond3A : i32
      scf.if %cond3A_460 {
        %dma_start3A_468 = arith.constant 2 : i32
        %dma_start3A_469 = arith.constant 0 : i32
        %dma_start3A_470 = arith.constant 0 : i32
        %dma_start3A_471 = arith.constant 0 : i32
        %dma_start3A_472 = tpu.memref_slice %arg6[%dma_start3A_469, %dma_start3A_470, %dma_start3A_471] : memref<2x25x80xi32, #tpu.memory_space<vmem>> -> memref<1x25x80xi32, #tpu.memory_space<vmem>>
        %dma_start3A_473 = tpu.memref_squeeze %dma_start3A_472 : memref<1x25x80xi32, #tpu.memory_space<vmem>> -> memref<25x80xi32, #tpu.memory_space<vmem>>
        %dma_start3A_474 = arith.constant 0 : i32
        %dma_start3A_475 = arith.constant 0 : i32
        %dma_start3A_476 = tpu.memref_slice %arg3[%add3A, %dma_start3A_468, %dma_start3A_474, %dma_start3A_475] : memref<32x5x25x80xi32, #tpu.memory_space<hbm>> -> memref<1x1x25x80xi32, #tpu.memory_space<hbm>>
        %dma_start3A_477 = tpu.memref_squeeze %dma_start3A_476 : memref<1x1x25x80xi32, #tpu.memory_space<hbm>> -> memref<25x80xi32, #tpu.memory_space<hbm>>
        %dma_start3A_478 = arith.constant 0 : i32
        %dma_start3A_479 = arith.constant 0 : i32
        %dma_start3A_480 = tpu.memref_slice %arg6[%dma_start3A_469, %dma_start3A_478, %dma_start3A_479] : memref<2x25x80xi32, #tpu.memory_space<vmem>> -> memref<1x25x80xi32, #tpu.memory_space<vmem>>
        %dma_start3A_481 = tpu.memref_squeeze %dma_start3A_480 : memref<1x25x80xi32, #tpu.memory_space<vmem>> -> memref<25x80xi32, #tpu.memory_space<vmem>>
        %dma_start3A_482 = arith.constant 0 : i32
        %dma_start3A_483 = arith.constant 0 : i32
        %dma_start3A_484 = tpu.memref_slice %arg3[%add3A, %dma_start3A_468, %dma_start3A_482, %dma_start3A_483] : memref<32x5x25x80xi32, #tpu.memory_space<hbm>> -> memref<1x1x25x80xi32, #tpu.memory_space<hbm>>
        %dma_start3A_485 = tpu.memref_squeeze %dma_start3A_484 : memref<1x1x25x80xi32, #tpu.memory_space<hbm>> -> memref<25x80xi32, #tpu.memory_space<hbm>>
        tpu.enqueue_dma source(%dma_start3A_485 : memref<25x80xi32, #tpu.memory_space<hbm>>) target(%dma_start3A_481 : memref<25x80xi32, #tpu.memory_space<vmem>>) target_semaphore(%arg13 : memref<!tpu.dma_semaphore, #tpu.memory_space<semaphore_mem>>)
        %dma_start3A_486 = arith.constant 2 : i32
        %dma_start3A_487 = arith.constant 0 : i32
        %dma_start3A_488 = arith.constant 0 : i32
        %dma_start3A_489 = arith.constant 0 : i32
        %dma_start3A_490 = tpu.memref_slice %arg7[%dma_start3A_487, %dma_start3A_488, %dma_start3A_489] : memref<2x25x80xi32, #tpu.memory_space<vmem>> -> memref<1x25x80xi32, #tpu.memory_space<vmem>>
        %dma_start3A_491 = tpu.memref_squeeze %dma_start3A_490 : memref<1x25x80xi32, #tpu.memory_space<vmem>> -> memref<25x80xi32, #tpu.memory_space<vmem>>
        %dma_start3A_492 = arith.constant 0 : i32
        %dma_start3A_493 = arith.constant 0 : i32
        %dma_start3A_494 = tpu.memref_slice %arg4[%add3A, %dma_start3A_486, %dma_start3A_492, %dma_start3A_493] : memref<32x5x25x80xi32, #tpu.memory_space<hbm>> -> memref<1x1x25x80xi32, #tpu.memory_space<hbm>>
        %dma_start3A_495 = tpu.memref_squeeze %dma_start3A_494 : memref<1x1x25x80xi32, #tpu.memory_space<hbm>> -> memref<25x80xi32, #tpu.memory_space<hbm>>
        %dma_start3A_496 = arith.constant 0 : i32
        %dma_start3A_497 = arith.constant 0 : i32
        %dma_start3A_498 = tpu.memref_slice %arg7[%dma_start3A_487, %dma_start3A_496, %dma_start3A_497] : memref<2x25x80xi32, #tpu.memory_space<vmem>> -> memref<1x25x80xi32, #tpu.memory_space<vmem>>
        %dma_start3A_499 = tpu.memref_squeeze %dma_start3A_498 : memref<1x25x80xi32, #tpu.memory_space<vmem>> -> memref<25x80xi32, #tpu.memory_space<vmem>>
        %dma_start3A_500 = arith.constant 0 : i32
        %dma_start3A_501 = arith.constant 0 : i32
        %dma_start3A_502 = tpu.memref_slice %arg4[%add3A, %dma_start3A_486, %dma_start3A_500, %dma_start3A_501] : memref<32x5x25x80xi32, #tpu.memory_space<hbm>> -> memref<1x1x25x80xi32, #tpu.memory_space<hbm>>
        %dma_start3A_503 = tpu.memref_squeeze %dma_start3A_502 : memref<1x1x25x80xi32, #tpu.memory_space<hbm>> -> memref<25x80xi32, #tpu.memory_space<hbm>>
        tpu.enqueue_dma source(%dma_start3A_503 : memref<25x80xi32, #tpu.memory_space<hbm>>) target(%dma_start3A_499 : memref<25x80xi32, #tpu.memory_space<vmem>>) target_semaphore(%arg13 : memref<!tpu.dma_semaphore, #tpu.memory_space<semaphore_mem>>)
      } else {
      }
      %add3A_461 = arith.constant 1 : i32
      %add3A_462 = arith.addi %scan3A_406, %add3A_461 : i32
      %lt3A_463 = arith.constant 25 : i32
      %lt3A_464 = arith.cmpi slt, %add3A_462, %lt3A_463 : i32
      %convert_element_type3A_465 = arith.extui %lt3A_464 : i1 to i32
      %cond3A_466 = arith.constant 0 : i32
      %cond3A_467 = arith.cmpi ne, %convert_element_type3A_465, %cond3A_466 : i32
      scf.if %cond3A_467 {
        %dma_wait3A_468 = arith.constant 0 : i32
        %dma_wait3A_469 = arith.constant 0 : i32
        %dma_wait3A_470 = arith.constant 0 : i32
        %dma_wait3A_471 = arith.constant 0 : i32
        %dma_wait3A_472 = arith.constant 0 : i32
        %dma_wait3A_473 = tpu.memref_slice %arg8[%dma_wait3A_468, %dma_wait3A_471, %dma_wait3A_472] : memref<3x80x128xf32, #tpu.memory_space<vmem>> -> memref<1x80x128xf32, #tpu.memory_space<vmem>>
        %dma_wait3A_474 = tpu.memref_squeeze %dma_wait3A_473 : memref<1x80x128xf32, #tpu.memory_space<vmem>> -> memref<80x128xf32, #tpu.memory_space<vmem>>
        %dma_wait3A_475 = arith.constant 0 : i32
        %dma_wait3A_476 = tpu.memref_slice %arg7[%dma_wait3A_469, %dma_wait3A_470, %dma_wait3A_475] : memref<2x25x80xi32, #tpu.memory_space<vmem>> -> memref<1x1x80xi32, #tpu.memory_space<vmem>>
        %dma_wait3A_477 = tpu.memref_squeeze %dma_wait3A_476 : memref<1x1x80xi32, #tpu.memory_space<vmem>> -> memref<80xi32, #tpu.memory_space<vmem>>
        %dma_wait3A_478 = arith.constant 0 : i32
        %dma_wait3A_479 = arith.constant 0 : i32
        %dma_wait3A_480 = tpu.memref_slice %arg10[%dma_wait3A_478, %dma_wait3A_479] : memref<10240x128xf32, #tpu.memory_space<vmem_shared>> -> memref<10240x128xf32, #tpu.memory_space<vmem_shared>>
        tpu.wait_indirect_dma semaphore(%arg12 : memref<!tpu.dma_semaphore, #tpu.memory_space<semaphore_mem>>) src(%dma_wait3A_474 : memref<80x128xf32, #tpu.memory_space<vmem>>) dst(%dma_wait3A_480 : memref<10240x128xf32, #tpu.memory_space<vmem_shared>>)
        %add3A_481 = arith.constant 1 : i32
        %add3A_482 = arith.addi %scan3A_406, %add3A_481 : i32
        %add3A_483 = arith.constant 25 : i32
        %add3A_484 = arith.addi %add3A_483, %add3A_482 : i32
        %jit3A_485 = arith.constant 3 : i32
        %eq3A_486 = arith.constant 0 : i32
        %eq3A_487 = arith.cmpi eq, %jit3A_485, %eq3A_486 : i32
        %jit3A_488 = arith.constant 1 : i32
        %select_n3A_489 = arith.select %eq3A_487, %jit3A_488, %jit3A_485 : i32
        %rem3A_490 = arith.remsi %add3A_484, %select_n3A_489 : i32
        %ne3A_491 = arith.constant 0 : i32
        %ne3A_492 = arith.cmpi ne, %rem3A_490, %ne3A_491 : i32
        %lt3A_493 = arith.constant 0 : i32
        %lt3A_494 = arith.cmpi slt, %rem3A_490, %lt3A_493 : i32
        %lt3A_495 = arith.constant 0 : i32
        %lt3A_496 = arith.cmpi slt, %select_n3A_489, %lt3A_495 : i32
        %ne3A_497 = arith.xori %lt3A_494, %lt3A_496 : i1
        %and3A_498 = arith.andi %ne3A_497, %ne3A_492 : i1
        %add3A_499 = arith.addi %rem3A_490, %select_n3A_489 : i32
        %select_n3A_500 = arith.select %and3A_498, %add3A_499, %rem3A_490 : i32
        %dma_start3A_501 = arith.constant 1 : i32
        %dma_start3A_502 = arith.constant 0 : i32
        %dma_start3A_503 = arith.constant 0 : i32
        %dma_start3A_504 = tpu.memref_slice %arg8[%select_n3A_500, %dma_start3A_502, %dma_start3A_503] : memref<3x80x128xf32, #tpu.memory_space<vmem>> -> memref<1x80x128xf32, #tpu.memory_space<vmem>>
        %dma_start3A_505 = tpu.memref_squeeze %dma_start3A_504 : memref<1x80x128xf32, #tpu.memory_space<vmem>> -> memref<80x128xf32, #tpu.memory_space<vmem>>
        %dma_start3A_506 = arith.constant 0 : i32
        %dma_start3A_507 = tpu.memref_slice %arg6[%dma_start3A_501, %add3A_482, %dma_start3A_506] : memref<2x25x80xi32, #tpu.memory_space<vmem>> -> memref<1x1x80xi32, #tpu.memory_space<vmem>>
        %dma_start3A_508 = tpu.memref_squeeze %dma_start3A_507 : memref<1x1x80xi32, #tpu.memory_space<vmem>> -> memref<80xi32, #tpu.memory_space<vmem>>
        %dma_start3A_509 = arith.constant 0 : i32
        %dma_start3A_510 = arith.constant 0 : i32
        %dma_start3A_511 = tpu.memref_slice %arg2[%dma_start3A_509, %dma_start3A_510] : memref<10240x128xf32, #tpu.memory_space<hbm>> -> memref<10240x128xf32, #tpu.memory_space<hbm>>
        tpu.enqueue_indirect_dma source(%dma_start3A_511 : memref<10240x128xf32, #tpu.memory_space<hbm>>) target(%dma_start3A_505 : memref<80x128xf32, #tpu.memory_space<vmem>>) offsets(%dma_start3A_508 : memref<80xi32, #tpu.memory_space<vmem>>) semaphore(%arg11 : memref<!tpu.dma_semaphore, #tpu.memory_space<semaphore_mem>>)
      } else {
      }
    }
    %scan3A_171 = arith.constant 25 : i32
    %dma_wait3A_172 = arith.constant 2 : i32
    %dma_wait3A_173 = arith.constant 0 : i32
    %dma_wait3A_174 = arith.constant 0 : i32
    %dma_wait3A_175 = arith.constant 0 : i32
    %dma_wait3A_176 = tpu.memref_slice %arg6[%dma_wait3A_173, %dma_wait3A_174, %dma_wait3A_175] : memref<2x25x80xi32, #tpu.memory_space<vmem>> -> memref<1x25x80xi32, #tpu.memory_space<vmem>>
    %dma_wait3A_177 = tpu.memref_squeeze %dma_wait3A_176 : memref<1x25x80xi32, #tpu.memory_space<vmem>> -> memref<25x80xi32, #tpu.memory_space<vmem>>
    %dma_wait3A_178 = arith.constant 0 : i32
    %dma_wait3A_179 = arith.constant 0 : i32
    %dma_wait3A_180 = tpu.memref_slice %arg3[%add3A, %dma_wait3A_172, %dma_wait3A_178, %dma_wait3A_179] : memref<32x5x25x80xi32, #tpu.memory_space<hbm>> -> memref<1x1x25x80xi32, #tpu.memory_space<hbm>>
    %dma_wait3A_181 = tpu.memref_squeeze %dma_wait3A_180 : memref<1x1x25x80xi32, #tpu.memory_space<hbm>> -> memref<25x80xi32, #tpu.memory_space<hbm>>
    %dma_wait3A_182 = arith.constant 0 : i32
    %dma_wait3A_183 = arith.constant 0 : i32
    %dma_wait3A_184 = tpu.memref_slice %arg6[%dma_wait3A_173, %dma_wait3A_182, %dma_wait3A_183] : memref<2x25x80xi32, #tpu.memory_space<vmem>> -> memref<1x25x80xi32, #tpu.memory_space<vmem>>
    %dma_wait3A_185 = tpu.memref_squeeze %dma_wait3A_184 : memref<1x25x80xi32, #tpu.memory_space<vmem>> -> memref<25x80xi32, #tpu.memory_space<vmem>>
    %dma_wait3A_186 = arith.constant 0 : i32
    %dma_wait3A_187 = arith.constant 0 : i32
    %dma_wait3A_188 = tpu.memref_slice %arg3[%add3A, %dma_wait3A_172, %dma_wait3A_186, %dma_wait3A_187] : memref<32x5x25x80xi32, #tpu.memory_space<hbm>> -> memref<1x1x25x80xi32, #tpu.memory_space<hbm>>
    %dma_wait3A_189 = tpu.memref_squeeze %dma_wait3A_188 : memref<1x1x25x80xi32, #tpu.memory_space<hbm>> -> memref<25x80xi32, #tpu.memory_space<hbm>>
    tpu.wait_dma2 semaphore(%arg13 : memref<!tpu.dma_semaphore, #tpu.memory_space<semaphore_mem>>) src(%dma_wait3A_189 : memref<25x80xi32, #tpu.memory_space<hbm>>) dst(%dma_wait3A_185 : memref<25x80xi32, #tpu.memory_space<vmem>>)
    %dma_wait3A_190 = arith.constant 2 : i32
    %dma_wait3A_191 = arith.constant 0 : i32
    %dma_wait3A_192 = arith.constant 0 : i32
    %dma_wait3A_193 = arith.constant 0 : i32
    %dma_wait3A_194 = tpu.memref_slice %arg7[%dma_wait3A_191, %dma_wait3A_192, %dma_wait3A_193] : memref<2x25x80xi32, #tpu.memory_space<vmem>> -> memref<1x25x80xi32, #tpu.memory_space<vmem>>
    %dma_wait3A_195 = tpu.memref_squeeze %dma_wait3A_194 : memref<1x25x80xi32, #tpu.memory_space<vmem>> -> memref<25x80xi32, #tpu.memory_space<vmem>>
    %dma_wait3A_196 = arith.constant 0 : i32
    %dma_wait3A_197 = arith.constant 0 : i32
    %dma_wait3A_198 = tpu.memref_slice %arg4[%add3A, %dma_wait3A_190, %dma_wait3A_196, %dma_wait3A_197] : memref<32x5x25x80xi32, #tpu.memory_space<hbm>> -> memref<1x1x25x80xi32, #tpu.memory_space<hbm>>
    %dma_wait3A_199 = tpu.memref_squeeze %dma_wait3A_198 : memref<1x1x25x80xi32, #tpu.memory_space<hbm>> -> memref<25x80xi32, #tpu.memory_space<hbm>>
    %dma_wait3A_200 = arith.constant 0 : i32
    %dma_wait3A_201 = arith.constant 0 : i32
    %dma_wait3A_202 = tpu.memref_slice %arg7[%dma_wait3A_191, %dma_wait3A_200, %dma_wait3A_201] : memref<2x25x80xi32, #tpu.memory_space<vmem>> -> memref<1x25x80xi32, #tpu.memory_space<vmem>>
    %dma_wait3A_203 = tpu.memref_squeeze %dma_wait3A_202 : memref<1x25x80xi32, #tpu.memory_space<vmem>> -> memref<25x80xi32, #tpu.memory_space<vmem>>
    %dma_wait3A_204 = arith.constant 0 : i32
    %dma_wait3A_205 = arith.constant 0 : i32
    %dma_wait3A_206 = tpu.memref_slice %arg4[%add3A, %dma_wait3A_190, %dma_wait3A_204, %dma_wait3A_205] : memref<32x5x25x80xi32, #tpu.memory_space<hbm>> -> memref<1x1x25x80xi32, #tpu.memory_space<hbm>>
    %dma_wait3A_207 = tpu.memref_squeeze %dma_wait3A_206 : memref<1x1x25x80xi32, #tpu.memory_space<hbm>> -> memref<25x80xi32, #tpu.memory_space<hbm>>
    tpu.wait_dma2 semaphore(%arg13 : memref<!tpu.dma_semaphore, #tpu.memory_space<semaphore_mem>>) src(%dma_wait3A_207 : memref<25x80xi32, #tpu.memory_space<hbm>>) dst(%dma_wait3A_203 : memref<25x80xi32, #tpu.memory_space<vmem>>)
    %dma_wait3A_208 = arith.constant 0 : i32
    %dma_wait3A_209 = arith.constant 0 : i32
    %dma_wait3A_210 = arith.constant 0 : i32
    %dma_wait3A_211 = arith.constant 0 : i32
    %dma_wait3A_212 = arith.constant 0 : i32
    %dma_wait3A_213 = tpu.memref_slice %arg8[%dma_wait3A_208, %dma_wait3A_211, %dma_wait3A_212] : memref<3x80x128xf32, #tpu.memory_space<vmem>> -> memref<1x80x128xf32, #tpu.memory_space<vmem>>
    %dma_wait3A_214 = tpu.memref_squeeze %dma_wait3A_213 : memref<1x80x128xf32, #tpu.memory_space<vmem>> -> memref<80x128xf32, #tpu.memory_space<vmem>>
    %dma_wait3A_215 = arith.constant 0 : i32
    %dma_wait3A_216 = tpu.memref_slice %arg7[%dma_wait3A_209, %dma_wait3A_210, %dma_wait3A_215] : memref<2x25x80xi32, #tpu.memory_space<vmem>> -> memref<1x1x80xi32, #tpu.memory_space<vmem>>
    %dma_wait3A_217 = tpu.memref_squeeze %dma_wait3A_216 : memref<1x1x80xi32, #tpu.memory_space<vmem>> -> memref<80xi32, #tpu.memory_space<vmem>>
    %dma_wait3A_218 = arith.constant 0 : i32
    %dma_wait3A_219 = arith.constant 0 : i32
    %dma_wait3A_220 = tpu.memref_slice %arg10[%dma_wait3A_218, %dma_wait3A_219] : memref<10240x128xf32, #tpu.memory_space<vmem_shared>> -> memref<10240x128xf32, #tpu.memory_space<vmem_shared>>
    tpu.wait_indirect_dma semaphore(%arg12 : memref<!tpu.dma_semaphore, #tpu.memory_space<semaphore_mem>>) src(%dma_wait3A_214 : memref<80x128xf32, #tpu.memory_space<vmem>>) dst(%dma_wait3A_220 : memref<10240x128xf32, #tpu.memory_space<vmem_shared>>)
    %dma_start3A_221 = arith.constant 0 : i32
    %dma_start3A_222 = arith.constant 0 : i32
    %dma_start3A_223 = arith.constant 2 : i32
    %dma_start3A_224 = arith.constant 0 : i32
    %dma_start3A_225 = arith.constant 0 : i32
    %dma_start3A_226 = tpu.memref_slice %arg8[%dma_start3A_223, %dma_start3A_224, %dma_start3A_225] : memref<3x80x128xf32, #tpu.memory_space<vmem>> -> memref<1x80x128xf32, #tpu.memory_space<vmem>>
    %dma_start3A_227 = tpu.memref_squeeze %dma_start3A_226 : memref<1x80x128xf32, #tpu.memory_space<vmem>> -> memref<80x128xf32, #tpu.memory_space<vmem>>
    %dma_start3A_228 = arith.constant 0 : i32
    %dma_start3A_229 = tpu.memref_slice %arg6[%dma_start3A_221, %dma_start3A_222, %dma_start3A_228] : memref<2x25x80xi32, #tpu.memory_space<vmem>> -> memref<1x1x80xi32, #tpu.memory_space<vmem>>
    %dma_start3A_230 = tpu.memref_squeeze %dma_start3A_229 : memref<1x1x80xi32, #tpu.memory_space<vmem>> -> memref<80xi32, #tpu.memory_space<vmem>>
    %dma_start3A_231 = arith.constant 0 : i32
    %dma_start3A_232 = arith.constant 0 : i32
    %dma_start3A_233 = tpu.memref_slice %arg2[%dma_start3A_231, %dma_start3A_232] : memref<10240x128xf32, #tpu.memory_space<hbm>> -> memref<10240x128xf32, #tpu.memory_space<hbm>>
    tpu.enqueue_indirect_dma source(%dma_start3A_233 : memref<10240x128xf32, #tpu.memory_space<hbm>>) target(%dma_start3A_227 : memref<80x128xf32, #tpu.memory_space<vmem>>) offsets(%dma_start3A_230 : memref<80xi32, #tpu.memory_space<vmem>>) semaphore(%arg11 : memref<!tpu.dma_semaphore, #tpu.memory_space<semaphore_mem>>)
    %scan3A_234 = arith.constant 0 : i32
    %scan3A_235 = arith.constant 0 : i32
    %scan3A_236 = arith.constant 25 : i32
    %scan3A_237 = arith.addi %scan3A_235, %scan3A_236 : i32
    %scan3A_238 = arith.constant 1 : i32
    scf.for %scan3A_406 = %scan3A_235 to %scan3A_237 step %scan3A_238  : i32 {
      %add3A_407 = arith.constant 50 : i32
      %add3A_408 = arith.addi %add3A_407, %scan3A_406 : i32
      %jit3A = arith.constant 3 : i32
      %eq3A = arith.constant 0 : i32
      %eq3A_409 = arith.cmpi eq, %jit3A, %eq3A : i32
      %jit3A_410 = arith.constant 1 : i32
      %select_n3A = arith.select %eq3A_409, %jit3A_410, %jit3A : i32
      %rem3A = arith.remsi %add3A_408, %select_n3A : i32
      %ne3A = arith.constant 0 : i32
      %ne3A_411 = arith.cmpi ne, %rem3A, %ne3A : i32
      %lt3A = arith.constant 0 : i32
      %lt3A_412 = arith.cmpi slt, %rem3A, %lt3A : i32
      %lt3A_413 = arith.constant 0 : i32
      %lt3A_414 = arith.cmpi slt, %select_n3A, %lt3A_413 : i32
      %ne3A_415 = arith.xori %lt3A_412, %lt3A_414 : i1
      %and3A = arith.andi %ne3A_415, %ne3A_411 : i1
      %add3A_416 = arith.addi %rem3A, %select_n3A : i32
      %select_n3A_417 = arith.select %and3A, %add3A_416, %rem3A : i32
      %dma_wait3A_418 = arith.constant 0 : i32
      %dma_wait3A_419 = arith.constant 0 : i32
      %dma_wait3A_420 = arith.constant 0 : i32
      %dma_wait3A_421 = tpu.memref_slice %arg8[%select_n3A_417, %dma_wait3A_419, %dma_wait3A_420] : memref<3x80x128xf32, #tpu.memory_space<vmem>> -> memref<1x80x128xf32, #tpu.memory_space<vmem>>
      %dma_wait3A_422 = tpu.memref_squeeze %dma_wait3A_421 : memref<1x80x128xf32, #tpu.memory_space<vmem>> -> memref<80x128xf32, #tpu.memory_space<vmem>>
      %dma_wait3A_423 = arith.constant 0 : i32
      %dma_wait3A_424 = tpu.memref_slice %arg6[%dma_wait3A_418, %scan3A_406, %dma_wait3A_423] : memref<2x25x80xi32, #tpu.memory_space<vmem>> -> memref<1x1x80xi32, #tpu.memory_space<vmem>>
      %dma_wait3A_425 = tpu.memref_squeeze %dma_wait3A_424 : memref<1x1x80xi32, #tpu.memory_space<vmem>> -> memref<80xi32, #tpu.memory_space<vmem>>
      %dma_wait3A_426 = arith.constant 0 : i32
      %dma_wait3A_427 = arith.constant 0 : i32
      %dma_wait3A_428 = tpu.memref_slice %arg2[%dma_wait3A_426, %dma_wait3A_427] : memref<10240x128xf32, #tpu.memory_space<hbm>> -> memref<10240x128xf32, #tpu.memory_space<hbm>>
      tpu.wait_indirect_dma semaphore(%arg11 : memref<!tpu.dma_semaphore, #tpu.memory_space<semaphore_mem>>) src(%dma_wait3A_428 : memref<10240x128xf32, #tpu.memory_space<hbm>>) dst(%dma_wait3A_422 : memref<80x128xf32, #tpu.memory_space<vmem>>)
      %add3A_429 = arith.constant 50 : i32
      %add3A_430 = arith.addi %add3A_429, %scan3A_406 : i32
      %jit3A_431 = arith.constant 3 : i32
      %eq3A_432 = arith.constant 0 : i32
      %eq3A_433 = arith.cmpi eq, %jit3A_431, %eq3A_432 : i32
      %jit3A_434 = arith.constant 1 : i32
      %select_n3A_435 = arith.select %eq3A_433, %jit3A_434, %jit3A_431 : i32
      %rem3A_436 = arith.remsi %add3A_430, %select_n3A_435 : i32
      %ne3A_437 = arith.constant 0 : i32
      %ne3A_438 = arith.cmpi ne, %rem3A_436, %ne3A_437 : i32
      %lt3A_439 = arith.constant 0 : i32
      %lt3A_440 = arith.cmpi slt, %rem3A_436, %lt3A_439 : i32
      %lt3A_441 = arith.constant 0 : i32
      %lt3A_442 = arith.cmpi slt, %select_n3A_435, %lt3A_441 : i32
      %ne3A_443 = arith.xori %lt3A_440, %lt3A_442 : i1
      %and3A_444 = arith.andi %ne3A_443, %ne3A_438 : i1
      %add3A_445 = arith.addi %rem3A_436, %select_n3A_435 : i32
      %select_n3A_446 = arith.select %and3A_444, %add3A_445, %rem3A_436 : i32
      %dma_start3A_447 = arith.constant 0 : i32
      %dma_start3A_448 = arith.constant 0 : i32
      %dma_start3A_449 = arith.constant 0 : i32
      %dma_start3A_450 = tpu.memref_slice %arg8[%select_n3A_446, %dma_start3A_448, %dma_start3A_449] : memref<3x80x128xf32, #tpu.memory_space<vmem>> -> memref<1x80x128xf32, #tpu.memory_space<vmem>>
      %dma_start3A_451 = tpu.memref_squeeze %dma_start3A_450 : memref<1x80x128xf32, #tpu.memory_space<vmem>> -> memref<80x128xf32, #tpu.memory_space<vmem>>
      %dma_start3A_452 = arith.constant 0 : i32
      %dma_start3A_453 = tpu.memref_slice %arg7[%dma_start3A_447, %scan3A_406, %dma_start3A_452] : memref<2x25x80xi32, #tpu.memory_space<vmem>> -> memref<1x1x80xi32, #tpu.memory_space<vmem>>
      %dma_start3A_454 = tpu.memref_squeeze %dma_start3A_453 : memref<1x1x80xi32, #tpu.memory_space<vmem>> -> memref<80xi32, #tpu.memory_space<vmem>>
      %dma_start3A_455 = arith.constant 0 : i32
      %dma_start3A_456 = arith.constant 0 : i32
      %dma_start3A_457 = tpu.memref_slice %arg10[%dma_start3A_455, %dma_start3A_456] : memref<10240x128xf32, #tpu.memory_space<vmem_shared>> -> memref<10240x128xf32, #tpu.memory_space<vmem_shared>>
      tpu.enqueue_indirect_dma source(%dma_start3A_451 : memref<80x128xf32, #tpu.memory_space<vmem>>) target(%dma_start3A_457 : memref<10240x128xf32, #tpu.memory_space<vmem_shared>>) offsets(%dma_start3A_454 : memref<80xi32, #tpu.memory_space<vmem>>) semaphore(%arg12 : memref<!tpu.dma_semaphore, #tpu.memory_space<semaphore_mem>>) {add = true}
      %eq3A_458 = arith.constant 2 : i32
      %eq3A_459 = arith.cmpi eq, %scan3A_406, %eq3A_458 : i32
      %convert_element_type3A = arith.extui %eq3A_459 : i1 to i32
      %cond3A = arith.constant 0 : i32
      %cond3A_460 = arith.cmpi ne, %convert_element_type3A, %cond3A : i32
      scf.if %cond3A_460 {
        %dma_start3A_468 = arith.constant 3 : i32
        %dma_start3A_469 = arith.constant 1 : i32
        %dma_start3A_470 = arith.constant 0 : i32
        %dma_start3A_471 = arith.constant 0 : i32
        %dma_start3A_472 = tpu.memref_slice %arg6[%dma_start3A_469, %dma_start3A_470, %dma_start3A_471] : memref<2x25x80xi32, #tpu.memory_space<vmem>> -> memref<1x25x80xi32, #tpu.memory_space<vmem>>
        %dma_start3A_473 = tpu.memref_squeeze %dma_start3A_472 : memref<1x25x80xi32, #tpu.memory_space<vmem>> -> memref<25x80xi32, #tpu.memory_space<vmem>>
        %dma_start3A_474 = arith.constant 0 : i32
        %dma_start3A_475 = arith.constant 0 : i32
        %dma_start3A_476 = tpu.memref_slice %arg3[%add3A, %dma_start3A_468, %dma_start3A_474, %dma_start3A_475] : memref<32x5x25x80xi32, #tpu.memory_space<hbm>> -> memref<1x1x25x80xi32, #tpu.memory_space<hbm>>
        %dma_start3A_477 = tpu.memref_squeeze %dma_start3A_476 : memref<1x1x25x80xi32, #tpu.memory_space<hbm>> -> memref<25x80xi32, #tpu.memory_space<hbm>>
        %dma_start3A_478 = arith.constant 0 : i32
        %dma_start3A_479 = arith.constant 0 : i32
        %dma_start3A_480 = tpu.memref_slice %arg6[%dma_start3A_469, %dma_start3A_478, %dma_start3A_479] : memref<2x25x80xi32, #tpu.memory_space<vmem>> -> memref<1x25x80xi32, #tpu.memory_space<vmem>>
        %dma_start3A_481 = tpu.memref_squeeze %dma_start3A_480 : memref<1x25x80xi32, #tpu.memory_space<vmem>> -> memref<25x80xi32, #tpu.memory_space<vmem>>
        %dma_start3A_482 = arith.constant 0 : i32
        %dma_start3A_483 = arith.constant 0 : i32
        %dma_start3A_484 = tpu.memref_slice %arg3[%add3A, %dma_start3A_468, %dma_start3A_482, %dma_start3A_483] : memref<32x5x25x80xi32, #tpu.memory_space<hbm>> -> memref<1x1x25x80xi32, #tpu.memory_space<hbm>>
        %dma_start3A_485 = tpu.memref_squeeze %dma_start3A_484 : memref<1x1x25x80xi32, #tpu.memory_space<hbm>> -> memref<25x80xi32, #tpu.memory_space<hbm>>
        tpu.enqueue_dma source(%dma_start3A_485 : memref<25x80xi32, #tpu.memory_space<hbm>>) target(%dma_start3A_481 : memref<25x80xi32, #tpu.memory_space<vmem>>) target_semaphore(%arg13 : memref<!tpu.dma_semaphore, #tpu.memory_space<semaphore_mem>>)
        %dma_start3A_486 = arith.constant 3 : i32
        %dma_start3A_487 = arith.constant 1 : i32
        %dma_start3A_488 = arith.constant 0 : i32
        %dma_start3A_489 = arith.constant 0 : i32
        %dma_start3A_490 = tpu.memref_slice %arg7[%dma_start3A_487, %dma_start3A_488, %dma_start3A_489] : memref<2x25x80xi32, #tpu.memory_space<vmem>> -> memref<1x25x80xi32, #tpu.memory_space<vmem>>
        %dma_start3A_491 = tpu.memref_squeeze %dma_start3A_490 : memref<1x25x80xi32, #tpu.memory_space<vmem>> -> memref<25x80xi32, #tpu.memory_space<vmem>>
        %dma_start3A_492 = arith.constant 0 : i32
        %dma_start3A_493 = arith.constant 0 : i32
        %dma_start3A_494 = tpu.memref_slice %arg4[%add3A, %dma_start3A_486, %dma_start3A_492, %dma_start3A_493] : memref<32x5x25x80xi32, #tpu.memory_space<hbm>> -> memref<1x1x25x80xi32, #tpu.memory_space<hbm>>
        %dma_start3A_495 = tpu.memref_squeeze %dma_start3A_494 : memref<1x1x25x80xi32, #tpu.memory_space<hbm>> -> memref<25x80xi32, #tpu.memory_space<hbm>>
        %dma_start3A_496 = arith.constant 0 : i32
        %dma_start3A_497 = arith.constant 0 : i32
        %dma_start3A_498 = tpu.memref_slice %arg7[%dma_start3A_487, %dma_start3A_496, %dma_start3A_497] : memref<2x25x80xi32, #tpu.memory_space<vmem>> -> memref<1x25x80xi32, #tpu.memory_space<vmem>>
        %dma_start3A_499 = tpu.memref_squeeze %dma_start3A_498 : memref<1x25x80xi32, #tpu.memory_space<vmem>> -> memref<25x80xi32, #tpu.memory_space<vmem>>
        %dma_start3A_500 = arith.constant 0 : i32
        %dma_start3A_501 = arith.constant 0 : i32
        %dma_start3A_502 = tpu.memref_slice %arg4[%add3A, %dma_start3A_486, %dma_start3A_500, %dma_start3A_501] : memref<32x5x25x80xi32, #tpu.memory_space<hbm>> -> memref<1x1x25x80xi32, #tpu.memory_space<hbm>>
        %dma_start3A_503 = tpu.memref_squeeze %dma_start3A_502 : memref<1x1x25x80xi32, #tpu.memory_space<hbm>> -> memref<25x80xi32, #tpu.memory_space<hbm>>
        tpu.enqueue_dma source(%dma_start3A_503 : memref<25x80xi32, #tpu.memory_space<hbm>>) target(%dma_start3A_499 : memref<25x80xi32, #tpu.memory_space<vmem>>) target_semaphore(%arg13 : memref<!tpu.dma_semaphore, #tpu.memory_space<semaphore_mem>>)
      } else {
      }
      %add3A_461 = arith.constant 1 : i32
      %add3A_462 = arith.addi %scan3A_406, %add3A_461 : i32
      %lt3A_463 = arith.constant 25 : i32
      %lt3A_464 = arith.cmpi slt, %add3A_462, %lt3A_463 : i32
      %convert_element_type3A_465 = arith.extui %lt3A_464 : i1 to i32
      %cond3A_466 = arith.constant 0 : i32
      %cond3A_467 = arith.cmpi ne, %convert_element_type3A_465, %cond3A_466 : i32
      scf.if %cond3A_467 {
        %dma_wait3A_468 = arith.constant 0 : i32
        %dma_wait3A_469 = arith.constant 0 : i32
        %dma_wait3A_470 = arith.constant 0 : i32
        %dma_wait3A_471 = arith.constant 0 : i32
        %dma_wait3A_472 = arith.constant 0 : i32
        %dma_wait3A_473 = tpu.memref_slice %arg8[%dma_wait3A_468, %dma_wait3A_471, %dma_wait3A_472] : memref<3x80x128xf32, #tpu.memory_space<vmem>> -> memref<1x80x128xf32, #tpu.memory_space<vmem>>
        %dma_wait3A_474 = tpu.memref_squeeze %dma_wait3A_473 : memref<1x80x128xf32, #tpu.memory_space<vmem>> -> memref<80x128xf32, #tpu.memory_space<vmem>>
        %dma_wait3A_475 = arith.constant 0 : i32
        %dma_wait3A_476 = tpu.memref_slice %arg7[%dma_wait3A_469, %dma_wait3A_470, %dma_wait3A_475] : memref<2x25x80xi32, #tpu.memory_space<vmem>> -> memref<1x1x80xi32, #tpu.memory_space<vmem>>
        %dma_wait3A_477 = tpu.memref_squeeze %dma_wait3A_476 : memref<1x1x80xi32, #tpu.memory_space<vmem>> -> memref<80xi32, #tpu.memory_space<vmem>>
        %dma_wait3A_478 = arith.constant 0 : i32
        %dma_wait3A_479 = arith.constant 0 : i32
        %dma_wait3A_480 = tpu.memref_slice %arg10[%dma_wait3A_478, %dma_wait3A_479] : memref<10240x128xf32, #tpu.memory_space<vmem_shared>> -> memref<10240x128xf32, #tpu.memory_space<vmem_shared>>
        tpu.wait_indirect_dma semaphore(%arg12 : memref<!tpu.dma_semaphore, #tpu.memory_space<semaphore_mem>>) src(%dma_wait3A_474 : memref<80x128xf32, #tpu.memory_space<vmem>>) dst(%dma_wait3A_480 : memref<10240x128xf32, #tpu.memory_space<vmem_shared>>)
        %add3A_481 = arith.constant 1 : i32
        %add3A_482 = arith.addi %scan3A_406, %add3A_481 : i32
        %add3A_483 = arith.constant 50 : i32
        %add3A_484 = arith.addi %add3A_483, %add3A_482 : i32
        %jit3A_485 = arith.constant 3 : i32
        %eq3A_486 = arith.constant 0 : i32
        %eq3A_487 = arith.cmpi eq, %jit3A_485, %eq3A_486 : i32
        %jit3A_488 = arith.constant 1 : i32
        %select_n3A_489 = arith.select %eq3A_487, %jit3A_488, %jit3A_485 : i32
        %rem3A_490 = arith.remsi %add3A_484, %select_n3A_489 : i32
        %ne3A_491 = arith.constant 0 : i32
        %ne3A_492 = arith.cmpi ne, %rem3A_490, %ne3A_491 : i32
        %lt3A_493 = arith.constant 0 : i32
        %lt3A_494 = arith.cmpi slt, %rem3A_490, %lt3A_493 : i32
        %lt3A_495 = arith.constant 0 : i32
        %lt3A_496 = arith.cmpi slt, %select_n3A_489, %lt3A_495 : i32
        %ne3A_497 = arith.xori %lt3A_494, %lt3A_496 : i1
        %and3A_498 = arith.andi %ne3A_497, %ne3A_492 : i1
        %add3A_499 = arith.addi %rem3A_490, %select_n3A_489 : i32
        %select_n3A_500 = arith.select %and3A_498, %add3A_499, %rem3A_490 : i32
        %dma_start3A_501 = arith.constant 0 : i32
        %dma_start3A_502 = arith.constant 0 : i32
        %dma_start3A_503 = arith.constant 0 : i32
        %dma_start3A_504 = tpu.memref_slice %arg8[%select_n3A_500, %dma_start3A_502, %dma_start3A_503] : memref<3x80x128xf32, #tpu.memory_space<vmem>> -> memref<1x80x128xf32, #tpu.memory_space<vmem>>
        %dma_start3A_505 = tpu.memref_squeeze %dma_start3A_504 : memref<1x80x128xf32, #tpu.memory_space<vmem>> -> memref<80x128xf32, #tpu.memory_space<vmem>>
        %dma_start3A_506 = arith.constant 0 : i32
        %dma_start3A_507 = tpu.memref_slice %arg6[%dma_start3A_501, %add3A_482, %dma_start3A_506] : memref<2x25x80xi32, #tpu.memory_space<vmem>> -> memref<1x1x80xi32, #tpu.memory_space<vmem>>
        %dma_start3A_508 = tpu.memref_squeeze %dma_start3A_507 : memref<1x1x80xi32, #tpu.memory_space<vmem>> -> memref<80xi32, #tpu.memory_space<vmem>>
        %dma_start3A_509 = arith.constant 0 : i32
        %dma_start3A_510 = arith.constant 0 : i32
        %dma_start3A_511 = tpu.memref_slice %arg2[%dma_start3A_509, %dma_start3A_510] : memref<10240x128xf32, #tpu.memory_space<hbm>> -> memref<10240x128xf32, #tpu.memory_space<hbm>>
        tpu.enqueue_indirect_dma source(%dma_start3A_511 : memref<10240x128xf32, #tpu.memory_space<hbm>>) target(%dma_start3A_505 : memref<80x128xf32, #tpu.memory_space<vmem>>) offsets(%dma_start3A_508 : memref<80xi32, #tpu.memory_space<vmem>>) semaphore(%arg11 : memref<!tpu.dma_semaphore, #tpu.memory_space<semaphore_mem>>)
      } else {
      }
    }
    %scan3A_239 = arith.constant 25 : i32
    %dma_wait3A_240 = arith.constant 3 : i32
    %dma_wait3A_241 = arith.constant 1 : i32
    %dma_wait3A_242 = arith.constant 0 : i32
    %dma_wait3A_243 = arith.constant 0 : i32
    %dma_wait3A_244 = tpu.memref_slice %arg6[%dma_wait3A_241, %dma_wait3A_242, %dma_wait3A_243] : memref<2x25x80xi32, #tpu.memory_space<vmem>> -> memref<1x25x80xi32, #tpu.memory_space<vmem>>
    %dma_wait3A_245 = tpu.memref_squeeze %dma_wait3A_244 : memref<1x25x80xi32, #tpu.memory_space<vmem>> -> memref<25x80xi32, #tpu.memory_space<vmem>>
    %dma_wait3A_246 = arith.constant 0 : i32
    %dma_wait3A_247 = arith.constant 0 : i32
    %dma_wait3A_248 = tpu.memref_slice %arg3[%add3A, %dma_wait3A_240, %dma_wait3A_246, %dma_wait3A_247] : memref<32x5x25x80xi32, #tpu.memory_space<hbm>> -> memref<1x1x25x80xi32, #tpu.memory_space<hbm>>
    %dma_wait3A_249 = tpu.memref_squeeze %dma_wait3A_248 : memref<1x1x25x80xi32, #tpu.memory_space<hbm>> -> memref<25x80xi32, #tpu.memory_space<hbm>>
    %dma_wait3A_250 = arith.constant 0 : i32
    %dma_wait3A_251 = arith.constant 0 : i32
    %dma_wait3A_252 = tpu.memref_slice %arg6[%dma_wait3A_241, %dma_wait3A_250, %dma_wait3A_251] : memref<2x25x80xi32, #tpu.memory_space<vmem>> -> memref<1x25x80xi32, #tpu.memory_space<vmem>>
    %dma_wait3A_253 = tpu.memref_squeeze %dma_wait3A_252 : memref<1x25x80xi32, #tpu.memory_space<vmem>> -> memref<25x80xi32, #tpu.memory_space<vmem>>
    %dma_wait3A_254 = arith.constant 0 : i32
    %dma_wait3A_255 = arith.constant 0 : i32
    %dma_wait3A_256 = tpu.memref_slice %arg3[%add3A, %dma_wait3A_240, %dma_wait3A_254, %dma_wait3A_255] : memref<32x5x25x80xi32, #tpu.memory_space<hbm>> -> memref<1x1x25x80xi32, #tpu.memory_space<hbm>>
    %dma_wait3A_257 = tpu.memref_squeeze %dma_wait3A_256 : memref<1x1x25x80xi32, #tpu.memory_space<hbm>> -> memref<25x80xi32, #tpu.memory_space<hbm>>
    tpu.wait_dma2 semaphore(%arg13 : memref<!tpu.dma_semaphore, #tpu.memory_space<semaphore_mem>>) src(%dma_wait3A_257 : memref<25x80xi32, #tpu.memory_space<hbm>>) dst(%dma_wait3A_253 : memref<25x80xi32, #tpu.memory_space<vmem>>)
    %dma_wait3A_258 = arith.constant 3 : i32
    %dma_wait3A_259 = arith.constant 1 : i32
    %dma_wait3A_260 = arith.constant 0 : i32
    %dma_wait3A_261 = arith.constant 0 : i32
    %dma_wait3A_262 = tpu.memref_slice %arg7[%dma_wait3A_259, %dma_wait3A_260, %dma_wait3A_261] : memref<2x25x80xi32, #tpu.memory_space<vmem>> -> memref<1x25x80xi32, #tpu.memory_space<vmem>>
    %dma_wait3A_263 = tpu.memref_squeeze %dma_wait3A_262 : memref<1x25x80xi32, #tpu.memory_space<vmem>> -> memref<25x80xi32, #tpu.memory_space<vmem>>
    %dma_wait3A_264 = arith.constant 0 : i32
    %dma_wait3A_265 = arith.constant 0 : i32
    %dma_wait3A_266 = tpu.memref_slice %arg4[%add3A, %dma_wait3A_258, %dma_wait3A_264, %dma_wait3A_265] : memref<32x5x25x80xi32, #tpu.memory_space<hbm>> -> memref<1x1x25x80xi32, #tpu.memory_space<hbm>>
    %dma_wait3A_267 = tpu.memref_squeeze %dma_wait3A_266 : memref<1x1x25x80xi32, #tpu.memory_space<hbm>> -> memref<25x80xi32, #tpu.memory_space<hbm>>
    %dma_wait3A_268 = arith.constant 0 : i32
    %dma_wait3A_269 = arith.constant 0 : i32
    %dma_wait3A_270 = tpu.memref_slice %arg7[%dma_wait3A_259, %dma_wait3A_268, %dma_wait3A_269] : memref<2x25x80xi32, #tpu.memory_space<vmem>> -> memref<1x25x80xi32, #tpu.memory_space<vmem>>
    %dma_wait3A_271 = tpu.memref_squeeze %dma_wait3A_270 : memref<1x25x80xi32, #tpu.memory_space<vmem>> -> memref<25x80xi32, #tpu.memory_space<vmem>>
    %dma_wait3A_272 = arith.constant 0 : i32
    %dma_wait3A_273 = arith.constant 0 : i32
    %dma_wait3A_274 = tpu.memref_slice %arg4[%add3A, %dma_wait3A_258, %dma_wait3A_272, %dma_wait3A_273] : memref<32x5x25x80xi32, #tpu.memory_space<hbm>> -> memref<1x1x25x80xi32, #tpu.memory_space<hbm>>
    %dma_wait3A_275 = tpu.memref_squeeze %dma_wait3A_274 : memref<1x1x25x80xi32, #tpu.memory_space<hbm>> -> memref<25x80xi32, #tpu.memory_space<hbm>>
    tpu.wait_dma2 semaphore(%arg13 : memref<!tpu.dma_semaphore, #tpu.memory_space<semaphore_mem>>) src(%dma_wait3A_275 : memref<25x80xi32, #tpu.memory_space<hbm>>) dst(%dma_wait3A_271 : memref<25x80xi32, #tpu.memory_space<vmem>>)
    %dma_wait3A_276 = arith.constant 0 : i32
    %dma_wait3A_277 = arith.constant 0 : i32
    %dma_wait3A_278 = arith.constant 0 : i32
    %dma_wait3A_279 = arith.constant 0 : i32
    %dma_wait3A_280 = arith.constant 0 : i32
    %dma_wait3A_281 = tpu.memref_slice %arg8[%dma_wait3A_276, %dma_wait3A_279, %dma_wait3A_280] : memref<3x80x128xf32, #tpu.memory_space<vmem>> -> memref<1x80x128xf32, #tpu.memory_space<vmem>>
    %dma_wait3A_282 = tpu.memref_squeeze %dma_wait3A_281 : memref<1x80x128xf32, #tpu.memory_space<vmem>> -> memref<80x128xf32, #tpu.memory_space<vmem>>
    %dma_wait3A_283 = arith.constant 0 : i32
    %dma_wait3A_284 = tpu.memref_slice %arg7[%dma_wait3A_277, %dma_wait3A_278, %dma_wait3A_283] : memref<2x25x80xi32, #tpu.memory_space<vmem>> -> memref<1x1x80xi32, #tpu.memory_space<vmem>>
    %dma_wait3A_285 = tpu.memref_squeeze %dma_wait3A_284 : memref<1x1x80xi32, #tpu.memory_space<vmem>> -> memref<80xi32, #tpu.memory_space<vmem>>
    %dma_wait3A_286 = arith.constant 0 : i32
    %dma_wait3A_287 = arith.constant 0 : i32
    %dma_wait3A_288 = tpu.memref_slice %arg10[%dma_wait3A_286, %dma_wait3A_287] : memref<10240x128xf32, #tpu.memory_space<vmem_shared>> -> memref<10240x128xf32, #tpu.memory_space<vmem_shared>>
    tpu.wait_indirect_dma semaphore(%arg12 : memref<!tpu.dma_semaphore, #tpu.memory_space<semaphore_mem>>) src(%dma_wait3A_282 : memref<80x128xf32, #tpu.memory_space<vmem>>) dst(%dma_wait3A_288 : memref<10240x128xf32, #tpu.memory_space<vmem_shared>>)
    %dma_start3A_289 = arith.constant 1 : i32
    %dma_start3A_290 = arith.constant 0 : i32
    %dma_start3A_291 = arith.constant 0 : i32
    %dma_start3A_292 = arith.constant 0 : i32
    %dma_start3A_293 = arith.constant 0 : i32
    %dma_start3A_294 = tpu.memref_slice %arg8[%dma_start3A_291, %dma_start3A_292, %dma_start3A_293] : memref<3x80x128xf32, #tpu.memory_space<vmem>> -> memref<1x80x128xf32, #tpu.memory_space<vmem>>
    %dma_start3A_295 = tpu.memref_squeeze %dma_start3A_294 : memref<1x80x128xf32, #tpu.memory_space<vmem>> -> memref<80x128xf32, #tpu.memory_space<vmem>>
    %dma_start3A_296 = arith.constant 0 : i32
    %dma_start3A_297 = tpu.memref_slice %arg6[%dma_start3A_289, %dma_start3A_290, %dma_start3A_296] : memref<2x25x80xi32, #tpu.memory_space<vmem>> -> memref<1x1x80xi32, #tpu.memory_space<vmem>>
    %dma_start3A_298 = tpu.memref_squeeze %dma_start3A_297 : memref<1x1x80xi32, #tpu.memory_space<vmem>> -> memref<80xi32, #tpu.memory_space<vmem>>
    %dma_start3A_299 = arith.constant 0 : i32
    %dma_start3A_300 = arith.constant 0 : i32
    %dma_start3A_301 = tpu.memref_slice %arg2[%dma_start3A_299, %dma_start3A_300] : memref<10240x128xf32, #tpu.memory_space<hbm>> -> memref<10240x128xf32, #tpu.memory_space<hbm>>
    tpu.enqueue_indirect_dma source(%dma_start3A_301 : memref<10240x128xf32, #tpu.memory_space<hbm>>) target(%dma_start3A_295 : memref<80x128xf32, #tpu.memory_space<vmem>>) offsets(%dma_start3A_298 : memref<80xi32, #tpu.memory_space<vmem>>) semaphore(%arg11 : memref<!tpu.dma_semaphore, #tpu.memory_space<semaphore_mem>>)
    %scan3A_302 = arith.constant 0 : i32
    %scan3A_303 = arith.constant 0 : i32
    %scan3A_304 = arith.constant 25 : i32
    %scan3A_305 = arith.addi %scan3A_303, %scan3A_304 : i32
    %scan3A_306 = arith.constant 1 : i32
    scf.for %scan3A_406 = %scan3A_303 to %scan3A_305 step %scan3A_306  : i32 {
      %add3A_407 = arith.constant 75 : i32
      %add3A_408 = arith.addi %add3A_407, %scan3A_406 : i32
      %jit3A = arith.constant 3 : i32
      %eq3A = arith.constant 0 : i32
      %eq3A_409 = arith.cmpi eq, %jit3A, %eq3A : i32
      %jit3A_410 = arith.constant 1 : i32
      %select_n3A = arith.select %eq3A_409, %jit3A_410, %jit3A : i32
      %rem3A = arith.remsi %add3A_408, %select_n3A : i32
      %ne3A = arith.constant 0 : i32
      %ne3A_411 = arith.cmpi ne, %rem3A, %ne3A : i32
      %lt3A = arith.constant 0 : i32
      %lt3A_412 = arith.cmpi slt, %rem3A, %lt3A : i32
      %lt3A_413 = arith.constant 0 : i32
      %lt3A_414 = arith.cmpi slt, %select_n3A, %lt3A_413 : i32
      %ne3A_415 = arith.xori %lt3A_412, %lt3A_414 : i1
      %and3A = arith.andi %ne3A_415, %ne3A_411 : i1
      %add3A_416 = arith.addi %rem3A, %select_n3A : i32
      %select_n3A_417 = arith.select %and3A, %add3A_416, %rem3A : i32
      %dma_wait3A_418 = arith.constant 1 : i32
      %dma_wait3A_419 = arith.constant 0 : i32
      %dma_wait3A_420 = arith.constant 0 : i32
      %dma_wait3A_421 = tpu.memref_slice %arg8[%select_n3A_417, %dma_wait3A_419, %dma_wait3A_420] : memref<3x80x128xf32, #tpu.memory_space<vmem>> -> memref<1x80x128xf32, #tpu.memory_space<vmem>>
      %dma_wait3A_422 = tpu.memref_squeeze %dma_wait3A_421 : memref<1x80x128xf32, #tpu.memory_space<vmem>> -> memref<80x128xf32, #tpu.memory_space<vmem>>
      %dma_wait3A_423 = arith.constant 0 : i32
      %dma_wait3A_424 = tpu.memref_slice %arg6[%dma_wait3A_418, %scan3A_406, %dma_wait3A_423] : memref<2x25x80xi32, #tpu.memory_space<vmem>> -> memref<1x1x80xi32, #tpu.memory_space<vmem>>
      %dma_wait3A_425 = tpu.memref_squeeze %dma_wait3A_424 : memref<1x1x80xi32, #tpu.memory_space<vmem>> -> memref<80xi32, #tpu.memory_space<vmem>>
      %dma_wait3A_426 = arith.constant 0 : i32
      %dma_wait3A_427 = arith.constant 0 : i32
      %dma_wait3A_428 = tpu.memref_slice %arg2[%dma_wait3A_426, %dma_wait3A_427] : memref<10240x128xf32, #tpu.memory_space<hbm>> -> memref<10240x128xf32, #tpu.memory_space<hbm>>
      tpu.wait_indirect_dma semaphore(%arg11 : memref<!tpu.dma_semaphore, #tpu.memory_space<semaphore_mem>>) src(%dma_wait3A_428 : memref<10240x128xf32, #tpu.memory_space<hbm>>) dst(%dma_wait3A_422 : memref<80x128xf32, #tpu.memory_space<vmem>>)
      %add3A_429 = arith.constant 75 : i32
      %add3A_430 = arith.addi %add3A_429, %scan3A_406 : i32
      %jit3A_431 = arith.constant 3 : i32
      %eq3A_432 = arith.constant 0 : i32
      %eq3A_433 = arith.cmpi eq, %jit3A_431, %eq3A_432 : i32
      %jit3A_434 = arith.constant 1 : i32
      %select_n3A_435 = arith.select %eq3A_433, %jit3A_434, %jit3A_431 : i32
      %rem3A_436 = arith.remsi %add3A_430, %select_n3A_435 : i32
      %ne3A_437 = arith.constant 0 : i32
      %ne3A_438 = arith.cmpi ne, %rem3A_436, %ne3A_437 : i32
      %lt3A_439 = arith.constant 0 : i32
      %lt3A_440 = arith.cmpi slt, %rem3A_436, %lt3A_439 : i32
      %lt3A_441 = arith.constant 0 : i32
      %lt3A_442 = arith.cmpi slt, %select_n3A_435, %lt3A_441 : i32
      %ne3A_443 = arith.xori %lt3A_440, %lt3A_442 : i1
      %and3A_444 = arith.andi %ne3A_443, %ne3A_438 : i1
      %add3A_445 = arith.addi %rem3A_436, %select_n3A_435 : i32
      %select_n3A_446 = arith.select %and3A_444, %add3A_445, %rem3A_436 : i32
      %dma_start3A_447 = arith.constant 1 : i32
      %dma_start3A_448 = arith.constant 0 : i32
      %dma_start3A_449 = arith.constant 0 : i32
      %dma_start3A_450 = tpu.memref_slice %arg8[%select_n3A_446, %dma_start3A_448, %dma_start3A_449] : memref<3x80x128xf32, #tpu.memory_space<vmem>> -> memref<1x80x128xf32, #tpu.memory_space<vmem>>
      %dma_start3A_451 = tpu.memref_squeeze %dma_start3A_450 : memref<1x80x128xf32, #tpu.memory_space<vmem>> -> memref<80x128xf32, #tpu.memory_space<vmem>>
      %dma_start3A_452 = arith.constant 0 : i32
      %dma_start3A_453 = tpu.memref_slice %arg7[%dma_start3A_447, %scan3A_406, %dma_start3A_452] : memref<2x25x80xi32, #tpu.memory_space<vmem>> -> memref<1x1x80xi32, #tpu.memory_space<vmem>>
      %dma_start3A_454 = tpu.memref_squeeze %dma_start3A_453 : memref<1x1x80xi32, #tpu.memory_space<vmem>> -> memref<80xi32, #tpu.memory_space<vmem>>
      %dma_start3A_455 = arith.constant 0 : i32
      %dma_start3A_456 = arith.constant 0 : i32
      %dma_start3A_457 = tpu.memref_slice %arg10[%dma_start3A_455, %dma_start3A_456] : memref<10240x128xf32, #tpu.memory_space<vmem_shared>> -> memref<10240x128xf32, #tpu.memory_space<vmem_shared>>
      tpu.enqueue_indirect_dma source(%dma_start3A_451 : memref<80x128xf32, #tpu.memory_space<vmem>>) target(%dma_start3A_457 : memref<10240x128xf32, #tpu.memory_space<vmem_shared>>) offsets(%dma_start3A_454 : memref<80xi32, #tpu.memory_space<vmem>>) semaphore(%arg12 : memref<!tpu.dma_semaphore, #tpu.memory_space<semaphore_mem>>) {add = true}
      %eq3A_458 = arith.constant 2 : i32
      %eq3A_459 = arith.cmpi eq, %scan3A_406, %eq3A_458 : i32
      %convert_element_type3A = arith.extui %eq3A_459 : i1 to i32
      %cond3A = arith.constant 0 : i32
      %cond3A_460 = arith.cmpi ne, %convert_element_type3A, %cond3A : i32
      scf.if %cond3A_460 {
        %dma_start3A_468 = arith.constant 4 : i32
        %dma_start3A_469 = arith.constant 0 : i32
        %dma_start3A_470 = arith.constant 0 : i32
        %dma_start3A_471 = arith.constant 0 : i32
        %dma_start3A_472 = tpu.memref_slice %arg6[%dma_start3A_469, %dma_start3A_470, %dma_start3A_471] : memref<2x25x80xi32, #tpu.memory_space<vmem>> -> memref<1x25x80xi32, #tpu.memory_space<vmem>>
        %dma_start3A_473 = tpu.memref_squeeze %dma_start3A_472 : memref<1x25x80xi32, #tpu.memory_space<vmem>> -> memref<25x80xi32, #tpu.memory_space<vmem>>
        %dma_start3A_474 = arith.constant 0 : i32
        %dma_start3A_475 = arith.constant 0 : i32
        %dma_start3A_476 = tpu.memref_slice %arg3[%add3A, %dma_start3A_468, %dma_start3A_474, %dma_start3A_475] : memref<32x5x25x80xi32, #tpu.memory_space<hbm>> -> memref<1x1x25x80xi32, #tpu.memory_space<hbm>>
        %dma_start3A_477 = tpu.memref_squeeze %dma_start3A_476 : memref<1x1x25x80xi32, #tpu.memory_space<hbm>> -> memref<25x80xi32, #tpu.memory_space<hbm>>
        %dma_start3A_478 = arith.constant 0 : i32
        %dma_start3A_479 = arith.constant 0 : i32
        %dma_start3A_480 = tpu.memref_slice %arg6[%dma_start3A_469, %dma_start3A_478, %dma_start3A_479] : memref<2x25x80xi32, #tpu.memory_space<vmem>> -> memref<1x25x80xi32, #tpu.memory_space<vmem>>
        %dma_start3A_481 = tpu.memref_squeeze %dma_start3A_480 : memref<1x25x80xi32, #tpu.memory_space<vmem>> -> memref<25x80xi32, #tpu.memory_space<vmem>>
        %dma_start3A_482 = arith.constant 0 : i32
        %dma_start3A_483 = arith.constant 0 : i32
        %dma_start3A_484 = tpu.memref_slice %arg3[%add3A, %dma_start3A_468, %dma_start3A_482, %dma_start3A_483] : memref<32x5x25x80xi32, #tpu.memory_space<hbm>> -> memref<1x1x25x80xi32, #tpu.memory_space<hbm>>
        %dma_start3A_485 = tpu.memref_squeeze %dma_start3A_484 : memref<1x1x25x80xi32, #tpu.memory_space<hbm>> -> memref<25x80xi32, #tpu.memory_space<hbm>>
        tpu.enqueue_dma source(%dma_start3A_485 : memref<25x80xi32, #tpu.memory_space<hbm>>) target(%dma_start3A_481 : memref<25x80xi32, #tpu.memory_space<vmem>>) target_semaphore(%arg13 : memref<!tpu.dma_semaphore, #tpu.memory_space<semaphore_mem>>)
        %dma_start3A_486 = arith.constant 4 : i32
        %dma_start3A_487 = arith.constant 0 : i32
        %dma_start3A_488 = arith.constant 0 : i32
        %dma_start3A_489 = arith.constant 0 : i32
        %dma_start3A_490 = tpu.memref_slice %arg7[%dma_start3A_487, %dma_start3A_488, %dma_start3A_489] : memref<2x25x80xi32, #tpu.memory_space<vmem>> -> memref<1x25x80xi32, #tpu.memory_space<vmem>>
        %dma_start3A_491 = tpu.memref_squeeze %dma_start3A_490 : memref<1x25x80xi32, #tpu.memory_space<vmem>> -> memref<25x80xi32, #tpu.memory_space<vmem>>
        %dma_start3A_492 = arith.constant 0 : i32
        %dma_start3A_493 = arith.constant 0 : i32
        %dma_start3A_494 = tpu.memref_slice %arg4[%add3A, %dma_start3A_486, %dma_start3A_492, %dma_start3A_493] : memref<32x5x25x80xi32, #tpu.memory_space<hbm>> -> memref<1x1x25x80xi32, #tpu.memory_space<hbm>>
        %dma_start3A_495 = tpu.memref_squeeze %dma_start3A_494 : memref<1x1x25x80xi32, #tpu.memory_space<hbm>> -> memref<25x80xi32, #tpu.memory_space<hbm>>
        %dma_start3A_496 = arith.constant 0 : i32
        %dma_start3A_497 = arith.constant 0 : i32
        %dma_start3A_498 = tpu.memref_slice %arg7[%dma_start3A_487, %dma_start3A_496, %dma_start3A_497] : memref<2x25x80xi32, #tpu.memory_space<vmem>> -> memref<1x25x80xi32, #tpu.memory_space<vmem>>
        %dma_start3A_499 = tpu.memref_squeeze %dma_start3A_498 : memref<1x25x80xi32, #tpu.memory_space<vmem>> -> memref<25x80xi32, #tpu.memory_space<vmem>>
        %dma_start3A_500 = arith.constant 0 : i32
        %dma_start3A_501 = arith.constant 0 : i32
        %dma_start3A_502 = tpu.memref_slice %arg4[%add3A, %dma_start3A_486, %dma_start3A_500, %dma_start3A_501] : memref<32x5x25x80xi32, #tpu.memory_space<hbm>> -> memref<1x1x25x80xi32, #tpu.memory_space<hbm>>
        %dma_start3A_503 = tpu.memref_squeeze %dma_start3A_502 : memref<1x1x25x80xi32, #tpu.memory_space<hbm>> -> memref<25x80xi32, #tpu.memory_space<hbm>>
        tpu.enqueue_dma source(%dma_start3A_503 : memref<25x80xi32, #tpu.memory_space<hbm>>) target(%dma_start3A_499 : memref<25x80xi32, #tpu.memory_space<vmem>>) target_semaphore(%arg13 : memref<!tpu.dma_semaphore, #tpu.memory_space<semaphore_mem>>)
      } else {
      }
      %add3A_461 = arith.constant 1 : i32
      %add3A_462 = arith.addi %scan3A_406, %add3A_461 : i32
      %lt3A_463 = arith.constant 25 : i32
      %lt3A_464 = arith.cmpi slt, %add3A_462, %lt3A_463 : i32
      %convert_element_type3A_465 = arith.extui %lt3A_464 : i1 to i32
      %cond3A_466 = arith.constant 0 : i32
      %cond3A_467 = arith.cmpi ne, %convert_element_type3A_465, %cond3A_466 : i32
      scf.if %cond3A_467 {
        %dma_wait3A_468 = arith.constant 0 : i32
        %dma_wait3A_469 = arith.constant 0 : i32
        %dma_wait3A_470 = arith.constant 0 : i32
        %dma_wait3A_471 = arith.constant 0 : i32
        %dma_wait3A_472 = arith.constant 0 : i32
        %dma_wait3A_473 = tpu.memref_slice %arg8[%dma_wait3A_468, %dma_wait3A_471, %dma_wait3A_472] : memref<3x80x128xf32, #tpu.memory_space<vmem>> -> memref<1x80x128xf32, #tpu.memory_space<vmem>>
        %dma_wait3A_474 = tpu.memref_squeeze %dma_wait3A_473 : memref<1x80x128xf32, #tpu.memory_space<vmem>> -> memref<80x128xf32, #tpu.memory_space<vmem>>
        %dma_wait3A_475 = arith.constant 0 : i32
        %dma_wait3A_476 = tpu.memref_slice %arg7[%dma_wait3A_469, %dma_wait3A_470, %dma_wait3A_475] : memref<2x25x80xi32, #tpu.memory_space<vmem>> -> memref<1x1x80xi32, #tpu.memory_space<vmem>>
        %dma_wait3A_477 = tpu.memref_squeeze %dma_wait3A_476 : memref<1x1x80xi32, #tpu.memory_space<vmem>> -> memref<80xi32, #tpu.memory_space<vmem>>
        %dma_wait3A_478 = arith.constant 0 : i32
        %dma_wait3A_479 = arith.constant 0 : i32
        %dma_wait3A_480 = tpu.memref_slice %arg10[%dma_wait3A_478, %dma_wait3A_479] : memref<10240x128xf32, #tpu.memory_space<vmem_shared>> -> memref<10240x128xf32, #tpu.memory_space<vmem_shared>>
        tpu.wait_indirect_dma semaphore(%arg12 : memref<!tpu.dma_semaphore, #tpu.memory_space<semaphore_mem>>) src(%dma_wait3A_474 : memref<80x128xf32, #tpu.memory_space<vmem>>) dst(%dma_wait3A_480 : memref<10240x128xf32, #tpu.memory_space<vmem_shared>>)
        %add3A_481 = arith.constant 1 : i32
        %add3A_482 = arith.addi %scan3A_406, %add3A_481 : i32
        %add3A_483 = arith.constant 75 : i32
        %add3A_484 = arith.addi %add3A_483, %add3A_482 : i32
        %jit3A_485 = arith.constant 3 : i32
        %eq3A_486 = arith.constant 0 : i32
        %eq3A_487 = arith.cmpi eq, %jit3A_485, %eq3A_486 : i32
        %jit3A_488 = arith.constant 1 : i32
        %select_n3A_489 = arith.select %eq3A_487, %jit3A_488, %jit3A_485 : i32
        %rem3A_490 = arith.remsi %add3A_484, %select_n3A_489 : i32
        %ne3A_491 = arith.constant 0 : i32
        %ne3A_492 = arith.cmpi ne, %rem3A_490, %ne3A_491 : i32
        %lt3A_493 = arith.constant 0 : i32
        %lt3A_494 = arith.cmpi slt, %rem3A_490, %lt3A_493 : i32
        %lt3A_495 = arith.constant 0 : i32
        %lt3A_496 = arith.cmpi slt, %select_n3A_489, %lt3A_495 : i32
        %ne3A_497 = arith.xori %lt3A_494, %lt3A_496 : i1
        %and3A_498 = arith.andi %ne3A_497, %ne3A_492 : i1
        %add3A_499 = arith.addi %rem3A_490, %select_n3A_489 : i32
        %select_n3A_500 = arith.select %and3A_498, %add3A_499, %rem3A_490 : i32
        %dma_start3A_501 = arith.constant 1 : i32
        %dma_start3A_502 = arith.constant 0 : i32
        %dma_start3A_503 = arith.constant 0 : i32
        %dma_start3A_504 = tpu.memref_slice %arg8[%select_n3A_500, %dma_start3A_502, %dma_start3A_503] : memref<3x80x128xf32, #tpu.memory_space<vmem>> -> memref<1x80x128xf32, #tpu.memory_space<vmem>>
        %dma_start3A_505 = tpu.memref_squeeze %dma_start3A_504 : memref<1x80x128xf32, #tpu.memory_space<vmem>> -> memref<80x128xf32, #tpu.memory_space<vmem>>
        %dma_start3A_506 = arith.constant 0 : i32
        %dma_start3A_507 = tpu.memref_slice %arg6[%dma_start3A_501, %add3A_482, %dma_start3A_506] : memref<2x25x80xi32, #tpu.memory_space<vmem>> -> memref<1x1x80xi32, #tpu.memory_space<vmem>>
        %dma_start3A_508 = tpu.memref_squeeze %dma_start3A_507 : memref<1x1x80xi32, #tpu.memory_space<vmem>> -> memref<80xi32, #tpu.memory_space<vmem>>
        %dma_start3A_509 = arith.constant 0 : i32
        %dma_start3A_510 = arith.constant 0 : i32
        %dma_start3A_511 = tpu.memref_slice %arg2[%dma_start3A_509, %dma_start3A_510] : memref<10240x128xf32, #tpu.memory_space<hbm>> -> memref<10240x128xf32, #tpu.memory_space<hbm>>
        tpu.enqueue_indirect_dma source(%dma_start3A_511 : memref<10240x128xf32, #tpu.memory_space<hbm>>) target(%dma_start3A_505 : memref<80x128xf32, #tpu.memory_space<vmem>>) offsets(%dma_start3A_508 : memref<80xi32, #tpu.memory_space<vmem>>) semaphore(%arg11 : memref<!tpu.dma_semaphore, #tpu.memory_space<semaphore_mem>>)
      } else {
      }
    }
    %scan3A_307 = arith.constant 25 : i32
    %dma_wait3A_308 = arith.constant 4 : i32
    %dma_wait3A_309 = arith.constant 0 : i32
    %dma_wait3A_310 = arith.constant 0 : i32
    %dma_wait3A_311 = arith.constant 0 : i32
    %dma_wait3A_312 = tpu.memref_slice %arg6[%dma_wait3A_309, %dma_wait3A_310, %dma_wait3A_311] : memref<2x25x80xi32, #tpu.memory_space<vmem>> -> memref<1x25x80xi32, #tpu.memory_space<vmem>>
    %dma_wait3A_313 = tpu.memref_squeeze %dma_wait3A_312 : memref<1x25x80xi32, #tpu.memory_space<vmem>> -> memref<25x80xi32, #tpu.memory_space<vmem>>
    %dma_wait3A_314 = arith.constant 0 : i32
    %dma_wait3A_315 = arith.constant 0 : i32
    %dma_wait3A_316 = tpu.memref_slice %arg3[%add3A, %dma_wait3A_308, %dma_wait3A_314, %dma_wait3A_315] : memref<32x5x25x80xi32, #tpu.memory_space<hbm>> -> memref<1x1x25x80xi32, #tpu.memory_space<hbm>>
    %dma_wait3A_317 = tpu.memref_squeeze %dma_wait3A_316 : memref<1x1x25x80xi32, #tpu.memory_space<hbm>> -> memref<25x80xi32, #tpu.memory_space<hbm>>
    %dma_wait3A_318 = arith.constant 0 : i32
    %dma_wait3A_319 = arith.constant 0 : i32
    %dma_wait3A_320 = tpu.memref_slice %arg6[%dma_wait3A_309, %dma_wait3A_318, %dma_wait3A_319] : memref<2x25x80xi32, #tpu.memory_space<vmem>> -> memref<1x25x80xi32, #tpu.memory_space<vmem>>
    %dma_wait3A_321 = tpu.memref_squeeze %dma_wait3A_320 : memref<1x25x80xi32, #tpu.memory_space<vmem>> -> memref<25x80xi32, #tpu.memory_space<vmem>>
    %dma_wait3A_322 = arith.constant 0 : i32
    %dma_wait3A_323 = arith.constant 0 : i32
    %dma_wait3A_324 = tpu.memref_slice %arg3[%add3A, %dma_wait3A_308, %dma_wait3A_322, %dma_wait3A_323] : memref<32x5x25x80xi32, #tpu.memory_space<hbm>> -> memref<1x1x25x80xi32, #tpu.memory_space<hbm>>
    %dma_wait3A_325 = tpu.memref_squeeze %dma_wait3A_324 : memref<1x1x25x80xi32, #tpu.memory_space<hbm>> -> memref<25x80xi32, #tpu.memory_space<hbm>>
    tpu.wait_dma2 semaphore(%arg13 : memref<!tpu.dma_semaphore, #tpu.memory_space<semaphore_mem>>) src(%dma_wait3A_325 : memref<25x80xi32, #tpu.memory_space<hbm>>) dst(%dma_wait3A_321 : memref<25x80xi32, #tpu.memory_space<vmem>>)
    %dma_wait3A_326 = arith.constant 4 : i32
    %dma_wait3A_327 = arith.constant 0 : i32
    %dma_wait3A_328 = arith.constant 0 : i32
    %dma_wait3A_329 = arith.constant 0 : i32
    %dma_wait3A_330 = tpu.memref_slice %arg7[%dma_wait3A_327, %dma_wait3A_328, %dma_wait3A_329] : memref<2x25x80xi32, #tpu.memory_space<vmem>> -> memref<1x25x80xi32, #tpu.memory_space<vmem>>
    %dma_wait3A_331 = tpu.memref_squeeze %dma_wait3A_330 : memref<1x25x80xi32, #tpu.memory_space<vmem>> -> memref<25x80xi32, #tpu.memory_space<vmem>>
    %dma_wait3A_332 = arith.constant 0 : i32
    %dma_wait3A_333 = arith.constant 0 : i32
    %dma_wait3A_334 = tpu.memref_slice %arg4[%add3A, %dma_wait3A_326, %dma_wait3A_332, %dma_wait3A_333] : memref<32x5x25x80xi32, #tpu.memory_space<hbm>> -> memref<1x1x25x80xi32, #tpu.memory_space<hbm>>
    %dma_wait3A_335 = tpu.memref_squeeze %dma_wait3A_334 : memref<1x1x25x80xi32, #tpu.memory_space<hbm>> -> memref<25x80xi32, #tpu.memory_space<hbm>>
    %dma_wait3A_336 = arith.constant 0 : i32
    %dma_wait3A_337 = arith.constant 0 : i32
    %dma_wait3A_338 = tpu.memref_slice %arg7[%dma_wait3A_327, %dma_wait3A_336, %dma_wait3A_337] : memref<2x25x80xi32, #tpu.memory_space<vmem>> -> memref<1x25x80xi32, #tpu.memory_space<vmem>>
    %dma_wait3A_339 = tpu.memref_squeeze %dma_wait3A_338 : memref<1x25x80xi32, #tpu.memory_space<vmem>> -> memref<25x80xi32, #tpu.memory_space<vmem>>
    %dma_wait3A_340 = arith.constant 0 : i32
    %dma_wait3A_341 = arith.constant 0 : i32
    %dma_wait3A_342 = tpu.memref_slice %arg4[%add3A, %dma_wait3A_326, %dma_wait3A_340, %dma_wait3A_341] : memref<32x5x25x80xi32, #tpu.memory_space<hbm>> -> memref<1x1x25x80xi32, #tpu.memory_space<hbm>>
    %dma_wait3A_343 = tpu.memref_squeeze %dma_wait3A_342 : memref<1x1x25x80xi32, #tpu.memory_space<hbm>> -> memref<25x80xi32, #tpu.memory_space<hbm>>
    tpu.wait_dma2 semaphore(%arg13 : memref<!tpu.dma_semaphore, #tpu.memory_space<semaphore_mem>>) src(%dma_wait3A_343 : memref<25x80xi32, #tpu.memory_space<hbm>>) dst(%dma_wait3A_339 : memref<25x80xi32, #tpu.memory_space<vmem>>)
    %dma_wait3A_344 = arith.constant 0 : i32
    %dma_wait3A_345 = arith.constant 0 : i32
    %dma_wait3A_346 = arith.constant 0 : i32
    %dma_wait3A_347 = arith.constant 0 : i32
    %dma_wait3A_348 = arith.constant 0 : i32
    %dma_wait3A_349 = tpu.memref_slice %arg8[%dma_wait3A_344, %dma_wait3A_347, %dma_wait3A_348] : memref<3x80x128xf32, #tpu.memory_space<vmem>> -> memref<1x80x128xf32, #tpu.memory_space<vmem>>
    %dma_wait3A_350 = tpu.memref_squeeze %dma_wait3A_349 : memref<1x80x128xf32, #tpu.memory_space<vmem>> -> memref<80x128xf32, #tpu.memory_space<vmem>>
    %dma_wait3A_351 = arith.constant 0 : i32
    %dma_wait3A_352 = tpu.memref_slice %arg7[%dma_wait3A_345, %dma_wait3A_346, %dma_wait3A_351] : memref<2x25x80xi32, #tpu.memory_space<vmem>> -> memref<1x1x80xi32, #tpu.memory_space<vmem>>
    %dma_wait3A_353 = tpu.memref_squeeze %dma_wait3A_352 : memref<1x1x80xi32, #tpu.memory_space<vmem>> -> memref<80xi32, #tpu.memory_space<vmem>>
    %dma_wait3A_354 = arith.constant 0 : i32
    %dma_wait3A_355 = arith.constant 0 : i32
    %dma_wait3A_356 = tpu.memref_slice %arg10[%dma_wait3A_354, %dma_wait3A_355] : memref<10240x128xf32, #tpu.memory_space<vmem_shared>> -> memref<10240x128xf32, #tpu.memory_space<vmem_shared>>
    tpu.wait_indirect_dma semaphore(%arg12 : memref<!tpu.dma_semaphore, #tpu.memory_space<semaphore_mem>>) src(%dma_wait3A_350 : memref<80x128xf32, #tpu.memory_space<vmem>>) dst(%dma_wait3A_356 : memref<10240x128xf32, #tpu.memory_space<vmem_shared>>)
    %dma_start3A_357 = arith.constant 0 : i32
    %dma_start3A_358 = arith.constant 0 : i32
    %dma_start3A_359 = arith.constant 1 : i32
    %dma_start3A_360 = arith.constant 0 : i32
    %dma_start3A_361 = arith.constant 0 : i32
    %dma_start3A_362 = tpu.memref_slice %arg8[%dma_start3A_359, %dma_start3A_360, %dma_start3A_361] : memref<3x80x128xf32, #tpu.memory_space<vmem>> -> memref<1x80x128xf32, #tpu.memory_space<vmem>>
    %dma_start3A_363 = tpu.memref_squeeze %dma_start3A_362 : memref<1x80x128xf32, #tpu.memory_space<vmem>> -> memref<80x128xf32, #tpu.memory_space<vmem>>
    %dma_start3A_364 = arith.constant 0 : i32
    %dma_start3A_365 = tpu.memref_slice %arg6[%dma_start3A_357, %dma_start3A_358, %dma_start3A_364] : memref<2x25x80xi32, #tpu.memory_space<vmem>> -> memref<1x1x80xi32, #tpu.memory_space<vmem>>
    %dma_start3A_366 = tpu.memref_squeeze %dma_start3A_365 : memref<1x1x80xi32, #tpu.memory_space<vmem>> -> memref<80xi32, #tpu.memory_space<vmem>>
    %dma_start3A_367 = arith.constant 0 : i32
    %dma_start3A_368 = arith.constant 0 : i32
    %dma_start3A_369 = tpu.memref_slice %arg2[%dma_start3A_367, %dma_start3A_368] : memref<10240x128xf32, #tpu.memory_space<hbm>> -> memref<10240x128xf32, #tpu.memory_space<hbm>>
    tpu.enqueue_indirect_dma source(%dma_start3A_369 : memref<10240x128xf32, #tpu.memory_space<hbm>>) target(%dma_start3A_363 : memref<80x128xf32, #tpu.memory_space<vmem>>) offsets(%dma_start3A_366 : memref<80xi32, #tpu.memory_space<vmem>>) semaphore(%arg11 : memref<!tpu.dma_semaphore, #tpu.memory_space<semaphore_mem>>)
    %scan3A_370 = arith.constant 0 : i32
    %scan3A_371 = arith.constant 0 : i32
    %scan3A_372 = arith.constant 25 : i32
    %scan3A_373 = arith.addi %scan3A_371, %scan3A_372 : i32
    %scan3A_374 = arith.constant 1 : i32
    scf.for %scan3A_406 = %scan3A_371 to %scan3A_373 step %scan3A_374  : i32 {
      %add3A_407 = arith.constant 100 : i32
      %add3A_408 = arith.addi %add3A_407, %scan3A_406 : i32
      %jit3A = arith.constant 3 : i32
      %eq3A = arith.constant 0 : i32
      %eq3A_409 = arith.cmpi eq, %jit3A, %eq3A : i32
      %jit3A_410 = arith.constant 1 : i32
      %select_n3A = arith.select %eq3A_409, %jit3A_410, %jit3A : i32
      %rem3A = arith.remsi %add3A_408, %select_n3A : i32
      %ne3A = arith.constant 0 : i32
      %ne3A_411 = arith.cmpi ne, %rem3A, %ne3A : i32
      %lt3A = arith.constant 0 : i32
      %lt3A_412 = arith.cmpi slt, %rem3A, %lt3A : i32
      %lt3A_413 = arith.constant 0 : i32
      %lt3A_414 = arith.cmpi slt, %select_n3A, %lt3A_413 : i32
      %ne3A_415 = arith.xori %lt3A_412, %lt3A_414 : i1
      %and3A = arith.andi %ne3A_415, %ne3A_411 : i1
      %add3A_416 = arith.addi %rem3A, %select_n3A : i32
      %select_n3A_417 = arith.select %and3A, %add3A_416, %rem3A : i32
      %dma_wait3A_418 = arith.constant 0 : i32
      %dma_wait3A_419 = arith.constant 0 : i32
      %dma_wait3A_420 = arith.constant 0 : i32
      %dma_wait3A_421 = tpu.memref_slice %arg8[%select_n3A_417, %dma_wait3A_419, %dma_wait3A_420] : memref<3x80x128xf32, #tpu.memory_space<vmem>> -> memref<1x80x128xf32, #tpu.memory_space<vmem>>
      %dma_wait3A_422 = tpu.memref_squeeze %dma_wait3A_421 : memref<1x80x128xf32, #tpu.memory_space<vmem>> -> memref<80x128xf32, #tpu.memory_space<vmem>>
      %dma_wait3A_423 = arith.constant 0 : i32
      %dma_wait3A_424 = tpu.memref_slice %arg6[%dma_wait3A_418, %scan3A_406, %dma_wait3A_423] : memref<2x25x80xi32, #tpu.memory_space<vmem>> -> memref<1x1x80xi32, #tpu.memory_space<vmem>>
      %dma_wait3A_425 = tpu.memref_squeeze %dma_wait3A_424 : memref<1x1x80xi32, #tpu.memory_space<vmem>> -> memref<80xi32, #tpu.memory_space<vmem>>
      %dma_wait3A_426 = arith.constant 0 : i32
      %dma_wait3A_427 = arith.constant 0 : i32
      %dma_wait3A_428 = tpu.memref_slice %arg2[%dma_wait3A_426, %dma_wait3A_427] : memref<10240x128xf32, #tpu.memory_space<hbm>> -> memref<10240x128xf32, #tpu.memory_space<hbm>>
      tpu.wait_indirect_dma semaphore(%arg11 : memref<!tpu.dma_semaphore, #tpu.memory_space<semaphore_mem>>) src(%dma_wait3A_428 : memref<10240x128xf32, #tpu.memory_space<hbm>>) dst(%dma_wait3A_422 : memref<80x128xf32, #tpu.memory_space<vmem>>)
      %add3A_429 = arith.constant 100 : i32
      %add3A_430 = arith.addi %add3A_429, %scan3A_406 : i32
      %jit3A_431 = arith.constant 3 : i32
      %eq3A_432 = arith.constant 0 : i32
      %eq3A_433 = arith.cmpi eq, %jit3A_431, %eq3A_432 : i32
      %jit3A_434 = arith.constant 1 : i32
      %select_n3A_435 = arith.select %eq3A_433, %jit3A_434, %jit3A_431 : i32
      %rem3A_436 = arith.remsi %add3A_430, %select_n3A_435 : i32
      %ne3A_437 = arith.constant 0 : i32
      %ne3A_438 = arith.cmpi ne, %rem3A_436, %ne3A_437 : i32
      %lt3A_439 = arith.constant 0 : i32
      %lt3A_440 = arith.cmpi slt, %rem3A_436, %lt3A_439 : i32
      %lt3A_441 = arith.constant 0 : i32
      %lt3A_442 = arith.cmpi slt, %select_n3A_435, %lt3A_441 : i32
      %ne3A_443 = arith.xori %lt3A_440, %lt3A_442 : i1
      %and3A_444 = arith.andi %ne3A_443, %ne3A_438 : i1
      %add3A_445 = arith.addi %rem3A_436, %select_n3A_435 : i32
      %select_n3A_446 = arith.select %and3A_444, %add3A_445, %rem3A_436 : i32
      %dma_start3A_447 = arith.constant 0 : i32
      %dma_start3A_448 = arith.constant 0 : i32
      %dma_start3A_449 = arith.constant 0 : i32
      %dma_start3A_450 = tpu.memref_slice %arg8[%select_n3A_446, %dma_start3A_448, %dma_start3A_449] : memref<3x80x128xf32, #tpu.memory_space<vmem>> -> memref<1x80x128xf32, #tpu.memory_space<vmem>>
      %dma_start3A_451 = tpu.memref_squeeze %dma_start3A_450 : memref<1x80x128xf32, #tpu.memory_space<vmem>> -> memref<80x128xf32, #tpu.memory_space<vmem>>
      %dma_start3A_452 = arith.constant 0 : i32
      %dma_start3A_453 = tpu.memref_slice %arg7[%dma_start3A_447, %scan3A_406, %dma_start3A_452] : memref<2x25x80xi32, #tpu.memory_space<vmem>> -> memref<1x1x80xi32, #tpu.memory_space<vmem>>
      %dma_start3A_454 = tpu.memref_squeeze %dma_start3A_453 : memref<1x1x80xi32, #tpu.memory_space<vmem>> -> memref<80xi32, #tpu.memory_space<vmem>>
      %dma_start3A_455 = arith.constant 0 : i32
      %dma_start3A_456 = arith.constant 0 : i32
      %dma_start3A_457 = tpu.memref_slice %arg10[%dma_start3A_455, %dma_start3A_456] : memref<10240x128xf32, #tpu.memory_space<vmem_shared>> -> memref<10240x128xf32, #tpu.memory_space<vmem_shared>>
      tpu.enqueue_indirect_dma source(%dma_start3A_451 : memref<80x128xf32, #tpu.memory_space<vmem>>) target(%dma_start3A_457 : memref<10240x128xf32, #tpu.memory_space<vmem_shared>>) offsets(%dma_start3A_454 : memref<80xi32, #tpu.memory_space<vmem>>) semaphore(%arg12 : memref<!tpu.dma_semaphore, #tpu.memory_space<semaphore_mem>>) {add = true}
      %add3A_458 = arith.constant 1 : i32
      %add3A_459 = arith.addi %scan3A_406, %add3A_458 : i32
      %lt3A_460 = arith.constant 25 : i32
      %lt3A_461 = arith.cmpi slt, %add3A_459, %lt3A_460 : i32
      %convert_element_type3A = arith.extui %lt3A_461 : i1 to i32
      %cond3A = arith.constant 0 : i32
      %cond3A_462 = arith.cmpi ne, %convert_element_type3A, %cond3A : i32
      scf.if %cond3A_462 {
        %dma_wait3A_463 = arith.constant 0 : i32
        %dma_wait3A_464 = arith.constant 0 : i32
        %dma_wait3A_465 = arith.constant 0 : i32
        %dma_wait3A_466 = arith.constant 0 : i32
        %dma_wait3A_467 = arith.constant 0 : i32
        %dma_wait3A_468 = tpu.memref_slice %arg8[%dma_wait3A_463, %dma_wait3A_466, %dma_wait3A_467] : memref<3x80x128xf32, #tpu.memory_space<vmem>> -> memref<1x80x128xf32, #tpu.memory_space<vmem>>
        %dma_wait3A_469 = tpu.memref_squeeze %dma_wait3A_468 : memref<1x80x128xf32, #tpu.memory_space<vmem>> -> memref<80x128xf32, #tpu.memory_space<vmem>>
        %dma_wait3A_470 = arith.constant 0 : i32
        %dma_wait3A_471 = tpu.memref_slice %arg7[%dma_wait3A_464, %dma_wait3A_465, %dma_wait3A_470] : memref<2x25x80xi32, #tpu.memory_space<vmem>> -> memref<1x1x80xi32, #tpu.memory_space<vmem>>
        %dma_wait3A_472 = tpu.memref_squeeze %dma_wait3A_471 : memref<1x1x80xi32, #tpu.memory_space<vmem>> -> memref<80xi32, #tpu.memory_space<vmem>>
        %dma_wait3A_473 = arith.constant 0 : i32
        %dma_wait3A_474 = arith.constant 0 : i32
        %dma_wait3A_475 = tpu.memref_slice %arg10[%dma_wait3A_473, %dma_wait3A_474] : memref<10240x128xf32, #tpu.memory_space<vmem_shared>> -> memref<10240x128xf32, #tpu.memory_space<vmem_shared>>
        tpu.wait_indirect_dma semaphore(%arg12 : memref<!tpu.dma_semaphore, #tpu.memory_space<semaphore_mem>>) src(%dma_wait3A_469 : memref<80x128xf32, #tpu.memory_space<vmem>>) dst(%dma_wait3A_475 : memref<10240x128xf32, #tpu.memory_space<vmem_shared>>)
        %add3A_476 = arith.constant 1 : i32
        %add3A_477 = arith.addi %scan3A_406, %add3A_476 : i32
        %add3A_478 = arith.constant 100 : i32
        %add3A_479 = arith.addi %add3A_478, %add3A_477 : i32
        %jit3A_480 = arith.constant 3 : i32
        %eq3A_481 = arith.constant 0 : i32
        %eq3A_482 = arith.cmpi eq, %jit3A_480, %eq3A_481 : i32
        %jit3A_483 = arith.constant 1 : i32
        %select_n3A_484 = arith.select %eq3A_482, %jit3A_483, %jit3A_480 : i32
        %rem3A_485 = arith.remsi %add3A_479, %select_n3A_484 : i32
        %ne3A_486 = arith.constant 0 : i32
        %ne3A_487 = arith.cmpi ne, %rem3A_485, %ne3A_486 : i32
        %lt3A_488 = arith.constant 0 : i32
        %lt3A_489 = arith.cmpi slt, %rem3A_485, %lt3A_488 : i32
        %lt3A_490 = arith.constant 0 : i32
        %lt3A_491 = arith.cmpi slt, %select_n3A_484, %lt3A_490 : i32
        %ne3A_492 = arith.xori %lt3A_489, %lt3A_491 : i1
        %and3A_493 = arith.andi %ne3A_492, %ne3A_487 : i1
        %add3A_494 = arith.addi %rem3A_485, %select_n3A_484 : i32
        %select_n3A_495 = arith.select %and3A_493, %add3A_494, %rem3A_485 : i32
        %dma_start3A_496 = arith.constant 0 : i32
        %dma_start3A_497 = arith.constant 0 : i32
        %dma_start3A_498 = arith.constant 0 : i32
        %dma_start3A_499 = tpu.memref_slice %arg8[%select_n3A_495, %dma_start3A_497, %dma_start3A_498] : memref<3x80x128xf32, #tpu.memory_space<vmem>> -> memref<1x80x128xf32, #tpu.memory_space<vmem>>
        %dma_start3A_500 = tpu.memref_squeeze %dma_start3A_499 : memref<1x80x128xf32, #tpu.memory_space<vmem>> -> memref<80x128xf32, #tpu.memory_space<vmem>>
        %dma_start3A_501 = arith.constant 0 : i32
        %dma_start3A_502 = tpu.memref_slice %arg6[%dma_start3A_496, %add3A_477, %dma_start3A_501] : memref<2x25x80xi32, #tpu.memory_space<vmem>> -> memref<1x1x80xi32, #tpu.memory_space<vmem>>
        %dma_start3A_503 = tpu.memref_squeeze %dma_start3A_502 : memref<1x1x80xi32, #tpu.memory_space<vmem>> -> memref<80xi32, #tpu.memory_space<vmem>>
        %dma_start3A_504 = arith.constant 0 : i32
        %dma_start3A_505 = arith.constant 0 : i32
        %dma_start3A_506 = tpu.memref_slice %arg2[%dma_start3A_504, %dma_start3A_505] : memref<10240x128xf32, #tpu.memory_space<hbm>> -> memref<10240x128xf32, #tpu.memory_space<hbm>>
        tpu.enqueue_indirect_dma source(%dma_start3A_506 : memref<10240x128xf32, #tpu.memory_space<hbm>>) target(%dma_start3A_500 : memref<80x128xf32, #tpu.memory_space<vmem>>) offsets(%dma_start3A_503 : memref<80xi32, #tpu.memory_space<vmem>>) semaphore(%arg11 : memref<!tpu.dma_semaphore, #tpu.memory_space<semaphore_mem>>)
      } else {
      }
    }
    %scan3A_375 = arith.constant 25 : i32
    %dma_wait3A_376 = arith.constant 0 : i32
    %dma_wait3A_377 = arith.constant 0 : i32
    %dma_wait3A_378 = arith.constant 0 : i32
    %dma_wait3A_379 = arith.constant 0 : i32
    %dma_wait3A_380 = arith.constant 0 : i32
    %dma_wait3A_381 = tpu.memref_slice %arg8[%dma_wait3A_376, %dma_wait3A_379, %dma_wait3A_380] : memref<3x80x128xf32, #tpu.memory_space<vmem>> -> memref<1x80x128xf32, #tpu.memory_space<vmem>>
    %dma_wait3A_382 = tpu.memref_squeeze %dma_wait3A_381 : memref<1x80x128xf32, #tpu.memory_space<vmem>> -> memref<80x128xf32, #tpu.memory_space<vmem>>
    %dma_wait3A_383 = arith.constant 0 : i32
    %dma_wait3A_384 = tpu.memref_slice %arg7[%dma_wait3A_377, %dma_wait3A_378, %dma_wait3A_383] : memref<2x25x80xi32, #tpu.memory_space<vmem>> -> memref<1x1x80xi32, #tpu.memory_space<vmem>>
    %dma_wait3A_385 = tpu.memref_squeeze %dma_wait3A_384 : memref<1x1x80xi32, #tpu.memory_space<vmem>> -> memref<80xi32, #tpu.memory_space<vmem>>
    %dma_wait3A_386 = arith.constant 0 : i32
    %dma_wait3A_387 = arith.constant 0 : i32
    %dma_wait3A_388 = tpu.memref_slice %arg10[%dma_wait3A_386, %dma_wait3A_387] : memref<10240x128xf32, #tpu.memory_space<vmem_shared>> -> memref<10240x128xf32, #tpu.memory_space<vmem_shared>>
    tpu.wait_indirect_dma semaphore(%arg12 : memref<!tpu.dma_semaphore, #tpu.memory_space<semaphore_mem>>) src(%dma_wait3A_382 : memref<80x128xf32, #tpu.memory_space<vmem>>) dst(%dma_wait3A_388 : memref<10240x128xf32, #tpu.memory_space<vmem_shared>>)
    %dma_wait3A_389 = arith.constant 0 : i32
    %dma_wait3A_390 = arith.constant 0 : i32
    %dma_wait3A_391 = arith.constant 0 : i32
    %dma_wait3A_392 = arith.constant 0 : i32
    %dma_wait3A_393 = arith.constant 0 : i32
    %dma_wait3A_394 = tpu.memref_slice %arg8[%dma_wait3A_389, %dma_wait3A_392, %dma_wait3A_393] : memref<3x80x128xf32, #tpu.memory_space<vmem>> -> memref<1x80x128xf32, #tpu.memory_space<vmem>>
    %dma_wait3A_395 = tpu.memref_squeeze %dma_wait3A_394 : memref<1x80x128xf32, #tpu.memory_space<vmem>> -> memref<80x128xf32, #tpu.memory_space<vmem>>
    %dma_wait3A_396 = arith.constant 0 : i32
    %dma_wait3A_397 = tpu.memref_slice %arg7[%dma_wait3A_390, %dma_wait3A_391, %dma_wait3A_396] : memref<2x25x80xi32, #tpu.memory_space<vmem>> -> memref<1x1x80xi32, #tpu.memory_space<vmem>>
    %dma_wait3A_398 = tpu.memref_squeeze %dma_wait3A_397 : memref<1x1x80xi32, #tpu.memory_space<vmem>> -> memref<80xi32, #tpu.memory_space<vmem>>
    %dma_wait3A_399 = arith.constant 0 : i32
    %dma_wait3A_400 = arith.constant 0 : i32
    %dma_wait3A_401 = tpu.memref_slice %arg10[%dma_wait3A_399, %dma_wait3A_400] : memref<10240x128xf32, #tpu.memory_space<vmem_shared>> -> memref<10240x128xf32, #tpu.memory_space<vmem_shared>>
    tpu.wait_indirect_dma semaphore(%arg12 : memref<!tpu.dma_semaphore, #tpu.memory_space<semaphore_mem>>) src(%dma_wait3A_395 : memref<80x128xf32, #tpu.memory_space<vmem>>) dst(%dma_wait3A_401 : memref<10240x128xf32, #tpu.memory_space<vmem_shared>>)
    %barrier3A_402 = arith.constant 0 : index
    tpu.barrier barrier_id(%barrier3A_402)
    %mul3A_403 = arith.constant 10240 : i32
    %mul3A_404 = arith.muli %arg0, %mul3A_403 : i32
    %add3A_405 = arith.addi %mul3A_404, %mul3A_43 : i32
    "tpu.region"() ({
      %run_scoped3A = tpu.sem_alloc : memref<!tpu.dma_semaphore, #tpu.memory_space<semaphore_mem>>
      %dma_start3A_406 = arith.constant 0 : i32
      %dma_start3A_407 = tpu.memref_slice %arg5[%add3A_405, %dma_start3A_406] : memref<20480x128xf32, #tpu.memory_space<hbm>> -> memref<640x128xf32, #tpu.memory_space<hbm>>
      %dma_start3A_408 = arith.constant 0 : i32
      %dma_start3A_409 = tpu.memref_slice %arg10[%mul3A_43, %dma_start3A_408] : memref<10240x128xf32, #tpu.memory_space<vmem_shared>> -> memref<640x128xf32, #tpu.memory_space<vmem_shared>>
      tpu.enqueue_dma source(%dma_start3A_409 : memref<640x128xf32, #tpu.memory_space<vmem_shared>>) target(%dma_start3A_407 : memref<640x128xf32, #tpu.memory_space<hbm>>) target_semaphore(%run_scoped3A : memref<!tpu.dma_semaphore, #tpu.memory_space<semaphore_mem>>)
      %dma_wait3A_410 = arith.constant 0 : i32
      %dma_wait3A_411 = tpu.memref_slice %arg5[%add3A_405, %dma_wait3A_410] : memref<20480x128xf32, #tpu.memory_space<hbm>> -> memref<640x128xf32, #tpu.memory_space<hbm>>
      %dma_wait3A_412 = arith.constant 0 : i32
      %dma_wait3A_413 = tpu.memref_slice %arg10[%mul3A_43, %dma_wait3A_412] : memref<10240x128xf32, #tpu.memory_space<vmem_shared>> -> memref<640x128xf32, #tpu.memory_space<vmem_shared>>
      tpu.wait_dma2 semaphore(%run_scoped3A : memref<!tpu.dma_semaphore, #tpu.memory_space<semaphore_mem>>) src(%dma_wait3A_413 : memref<640x128xf32, #tpu.memory_space<vmem_shared>>) dst(%dma_wait3A_411 : memref<640x128xf32, #tpu.memory_space<hbm>>)
      tpu.yield
    }) : () -> ()
    return
  }
}

module attributes {stable_mosaic.version = 14 : i64} {
  func.func @_dinv_y_body(%arg0: i32, %arg1: memref<32x1024xf32, #tpu.memory_space<vmem>>, %arg2: memref<1024x128xf32, #tpu.memory_space<vmem>>, %arg3: memref<1024x1xf32, #tpu.memory_space<vmem>>, %arg4: memref<1024x128xf32, #tpu.memory_space<vmem>>) attributes {dimension_semantics = [#tpu.dimension_semantics<arbitrary>], iteration_bounds = array<i64: 10>, scalar_prefetch = 0 : i64, scratch_operands = 0 : i64, tpu.core_type = #tpu.core_type<tc>, window_params = [{transform_indices = @transform_0, window_bounds = array<i64: 32, 1024>}, {transform_indices = @transform_1, window_bounds = array<i64: 1024, 128>}, {transform_indices = @transform_2, window_bounds = array<i64: 1024, 1>}, {transform_indices = @transform_3, window_bounds = array<i64: 1024, 128>}]} {
    %get3A = arith.constant 0 : index
    %get3A_0 = arith.constant 0 : index
    %get3A_1 = vector.load %arg1[%get3A, %get3A_0] : memref<32x1024xf32, #tpu.memory_space<vmem>>, vector<32x1024xf32>
    %reduce_sum3A = arith.constant dense<0.000000e+00> : vector<1024xf32>
    %reduce_sum3A_2 = vector.multi_reduction <add>, %get3A_1, %reduce_sum3A [0] : vector<32x1024xf32> to vector<1024xf32>
    %broadcast_in_dim3A = vector.shape_cast %reduce_sum3A_2 : vector<1024xf32> to vector<1x1024xf32>
    %add3A = arith.constant 1.000000e+00 : f32
    %add3A_3 = vector.broadcast %add3A : f32 to vector<1x1024xf32>
    %add3A_4 = arith.addf %broadcast_in_dim3A, %add3A_3 : vector<1x1024xf32>
    %rsqrt3A = math.rsqrt %add3A_4 : vector<1x1024xf32>
    %reshape3A = vector.shape_cast %rsqrt3A : vector<1x1024xf32> to vector<1024x1xf32>
    %swap3A = arith.constant 0 : index
    %swap3A_5 = arith.constant 0 : index
    %swap3A_6 = vector.load %arg3[%swap3A, %swap3A_5] : memref<1024x1xf32, #tpu.memory_space<vmem>>, vector<1024x1xf32>
    tpu.vector_store %arg3[%swap3A, %swap3A_5], %reshape3A {strides = array<i32>} : memref<1024x1xf32, #tpu.memory_space<vmem>>, vector<1024x1xf32>,
    %get3A_7 = arith.constant 0 : index
    %get3A_8 = arith.constant 0 : index
    %get3A_9 = vector.load %arg2[%get3A_7, %get3A_8] : memref<1024x128xf32, #tpu.memory_space<vmem>>, vector<1024x128xf32>
    %mul3A = vector.broadcast %reshape3A : vector<1024x1xf32> to vector<1024x128xf32>
    %mul3A_10 = arith.mulf %get3A_9, %mul3A : vector<1024x128xf32>
    %swap3A_11 = arith.constant 0 : index
    %swap3A_12 = arith.constant 0 : index
    %swap3A_13 = vector.load %arg4[%swap3A_11, %swap3A_12] : memref<1024x128xf32, #tpu.memory_space<vmem>>, vector<1024x128xf32>
    tpu.vector_store %arg4[%swap3A_11, %swap3A_12], %mul3A_10 {strides = array<i32>} : memref<1024x128xf32, #tpu.memory_space<vmem>>, vector<1024x128xf32>,
    return
  }
  func.func @transform_0(%arg0: i32) -> (i32, i32) {
    %c0_i32 = arith.constant 0 : i32
    %c0_i32_0 = arith.constant 0 : i32
    return %c0_i32, %arg0 : i32, i32
  }
  func.func @transform_1(%arg0: i32) -> (i32, i32) {
    %c0_i32 = arith.constant 0 : i32
    %c0_i32_0 = arith.constant 0 : i32
    return %arg0, %c0_i32 : i32, i32
  }
  func.func @transform_2(%arg0: i32) -> (i32, i32) {
    %c0_i32 = arith.constant 0 : i32
    %c0_i32_0 = arith.constant 0 : i32
    return %arg0, %c0_i32 : i32, i32
  }
  func.func @transform_3(%arg0: i32) -> (i32, i32) {
    %c0_i32 = arith.constant 0 : i32
    %c0_i32_0 = arith.constant 0 : i32
    return %arg0, %c0_i32 : i32, i32
  }
}

module attributes {stable_mosaic.version = 14 : i64} {
  func.func @_mm_body(%arg0: i32, %arg1: memref<1024x128xf32, #tpu.memory_space<vmem>>, %arg2: memref<1024x128xf32, #tpu.memory_space<vmem>>, %arg3: memref<1024x128xf32, #tpu.memory_space<vmem>>, %arg4: memref<1024x1xf32, #tpu.memory_space<vmem>>, %arg5: memref<128x256xf32, #tpu.memory_space<vmem>>, %arg6: memref<1x256xf32, #tpu.memory_space<vmem>>, %arg7: memref<256x128xf32, #tpu.memory_space<vmem>>, %arg8: memref<1024x128xf32, #tpu.memory_space<vmem>>) attributes {dimension_semantics = [#tpu.dimension_semantics<arbitrary>], iteration_bounds = array<i64: 10>, scalar_prefetch = 0 : i64, scratch_operands = 0 : i64, tpu.core_type = #tpu.core_type<tc>, window_params = [{transform_indices = @transform_0, window_bounds = array<i64: 1024, 128>}, {transform_indices = @transform_1, window_bounds = array<i64: 1024, 128>}, {transform_indices = @transform_2, window_bounds = array<i64: 1024, 128>}, {transform_indices = @transform_3, window_bounds = array<i64: 1024, 1>}, {pipeline_mode = #tpu.pipeline_mode<synchronous>, transform_indices = @transform_4, window_bounds = array<i64: 128, 256>}, {pipeline_mode = #tpu.pipeline_mode<synchronous>, transform_indices = @transform_5, window_bounds = array<i64: 1, 256>}, {pipeline_mode = #tpu.pipeline_mode<synchronous>, transform_indices = @transform_6, window_bounds = array<i64: 256, 128>}, {transform_indices = @transform_7, window_bounds = array<i64: 1024, 128>}]} {
    %get3A = arith.constant 0 : index
    %get3A_0 = arith.constant 0 : index
    %get3A_1 = vector.load %arg1[%get3A, %get3A_0] : memref<1024x128xf32, #tpu.memory_space<vmem>>, vector<1024x128xf32>
    %get3A_2 = arith.constant 0 : index
    %get3A_3 = arith.constant 0 : index
    %get3A_4 = vector.load %arg2[%get3A_2, %get3A_3] : memref<1024x128xf32, #tpu.memory_space<vmem>>, vector<1024x128xf32>
    %add3A = arith.addf %get3A_1, %get3A_4 : vector<1024x128xf32>
    %get3A_5 = arith.constant 0 : index
    %get3A_6 = arith.constant 0 : index
    %get3A_7 = vector.load %arg3[%get3A_5, %get3A_6] : memref<1024x128xf32, #tpu.memory_space<vmem>>, vector<1024x128xf32>
    %add3A_8 = arith.addf %add3A, %get3A_7 : vector<1024x128xf32>
    %get3A_9 = arith.constant 0 : index
    %get3A_10 = arith.constant 0 : index
    %get3A_11 = vector.load %arg4[%get3A_9, %get3A_10] : memref<1024x1xf32, #tpu.memory_space<vmem>>, vector<1024x1xf32>
    %mul3A = vector.broadcast %get3A_11 : vector<1024x1xf32> to vector<1024x128xf32>
    %mul3A_12 = arith.mulf %add3A_8, %mul3A : vector<1024x128xf32>
    %get3A_13 = arith.constant 0 : index
    %get3A_14 = arith.constant 0 : index
    %get3A_15 = vector.load %arg5[%get3A_13, %get3A_14] : memref<128x256xf32, #tpu.memory_space<vmem>>, vector<128x256xf32>
    %dot_general3A = arith.constant dense<0.000000e+00> : vector<1024x256xf32>
    %dot_general3A_16 = tpu.matmul %mul3A_12, %get3A_15, %dot_general3A {dimension_numbers = #tpu.dot_dimension_numbers<[1], [0], [0], [1], [0, 0, 1, 1], [], []>, transpose_lhs_hint = false} : vector<1024x128xf32>, vector<128x256xf32>, vector<1024x256xf32> -> vector<1024x256xf32>
    %get3A_17 = arith.constant 0 : index
    %get3A_18 = arith.constant 0 : index
    %get3A_19 = vector.load %arg6[%get3A_17, %get3A_18] : memref<1x256xf32, #tpu.memory_space<vmem>>, vector<1x256xf32>
    %add3A_20 = vector.broadcast %get3A_19 : vector<1x256xf32> to vector<1024x256xf32>
    %add3A_21 = arith.addf %dot_general3A_16, %add3A_20 : vector<1024x256xf32>
    %max3A = arith.constant 0.000000e+00 : f32
    %max3A_22 = vector.broadcast %max3A : f32 to vector<1024x256xf32>
    %max3A_23 = arith.maximumf %add3A_21, %max3A_22 : vector<1024x256xf32>
    %get3A_24 = arith.constant 0 : index
    %get3A_25 = arith.constant 0 : index
    %get3A_26 = vector.load %arg7[%get3A_24, %get3A_25] : memref<256x128xf32, #tpu.memory_space<vmem>>, vector<256x128xf32>
    %dot_general3A_27 = arith.constant dense<0.000000e+00> : vector<1024x128xf32>
    %dot_general3A_28 = tpu.matmul %max3A_23, %get3A_26, %dot_general3A_27 {dimension_numbers = #tpu.dot_dimension_numbers<[1], [0], [0], [1], [0, 0, 1, 1], [], []>, transpose_lhs_hint = false} : vector<1024x256xf32>, vector<256x128xf32>, vector<1024x128xf32> -> vector<1024x128xf32>
    %get3A_29 = arith.constant 0 : index
    %get3A_30 = arith.constant 0 : index
    %get3A_31 = vector.load %arg4[%get3A_29, %get3A_30] : memref<1024x1xf32, #tpu.memory_space<vmem>>, vector<1024x1xf32>
    %mul3A_32 = vector.broadcast %get3A_31 : vector<1024x1xf32> to vector<1024x128xf32>
    %mul3A_33 = arith.mulf %dot_general3A_28, %mul3A_32 : vector<1024x128xf32>
    %swap3A = arith.constant 0 : index
    %swap3A_34 = arith.constant 0 : index
    %swap3A_35 = vector.load %arg8[%swap3A, %swap3A_34] : memref<1024x128xf32, #tpu.memory_space<vmem>>, vector<1024x128xf32>
    tpu.vector_store %arg8[%swap3A, %swap3A_34], %mul3A_33 {strides = array<i32>} : memref<1024x128xf32, #tpu.memory_space<vmem>>, vector<1024x128xf32>,
    return
  }
  func.func @transform_0(%arg0: i32) -> (i32, i32) {
    %c0_i32 = arith.constant 0 : i32
    %c0_i32_0 = arith.constant 0 : i32
    return %arg0, %c0_i32 : i32, i32
  }
  func.func @transform_1(%arg0: i32) -> (i32, i32) {
    %add3A = arith.constant 10 : i32
    %add3A_0 = arith.addi %add3A, %arg0 : i32
    %c0_i32 = arith.constant 0 : i32
    %c0_i32_1 = arith.constant 0 : i32
    return %add3A_0, %c0_i32 : i32, i32
  }
  func.func @transform_2(%arg0: i32) -> (i32, i32) {
    %c0_i32 = arith.constant 0 : i32
    %c0_i32_0 = arith.constant 0 : i32
    return %arg0, %c0_i32 : i32, i32
  }
  func.func @transform_3(%arg0: i32) -> (i32, i32) {
    %c0_i32 = arith.constant 0 : i32
    %c0_i32_0 = arith.constant 0 : i32
    return %arg0, %c0_i32 : i32, i32
  }
  func.func @transform_4(%arg0: i32) -> (i32, i32) {
    %c0_i32 = arith.constant 0 : i32
    %c0_i32_0 = arith.constant 0 : i32
    %c0_i32_1 = arith.constant 0 : i32
    return %c0_i32, %c0_i32_0 : i32, i32
  }
  func.func @transform_5(%arg0: i32) -> (i32, i32) {
    %c0_i32 = arith.constant 0 : i32
    %c0_i32_0 = arith.constant 0 : i32
    %c0_i32_1 = arith.constant 0 : i32
    return %c0_i32, %c0_i32_0 : i32, i32
  }
  func.func @transform_6(%arg0: i32) -> (i32, i32) {
    %c0_i32 = arith.constant 0 : i32
    %c0_i32_0 = arith.constant 0 : i32
    %c0_i32_1 = arith.constant 0 : i32
    return %c0_i32, %c0_i32_0 : i32, i32
  }
  func.func @transform_7(%arg0: i32) -> (i32, i32) {
    %c0_i32 = arith.constant 0 : i32
    %c0_i32_0 = arith.constant 0 : i32
    return %arg0, %c0_i32 : i32, i32
  }
}

module attributes {stable_mosaic.version = 14 : i64} {
  func.func @_final_body(%arg0: i32, %arg1: memref<1024x128xf32, #tpu.memory_space<vmem>>, %arg2: memref<1024x128xf32, #tpu.memory_space<vmem>>, %arg3: memref<1024x128xf32, #tpu.memory_space<vmem>>, %arg4: memref<1024x1xf32, #tpu.memory_space<vmem>>, %arg5: memref<1x128xf32, #tpu.memory_space<vmem>>, %arg6: memref<1024x128xf32, #tpu.memory_space<vmem>>) attributes {dimension_semantics = [#tpu.dimension_semantics<arbitrary>], iteration_bounds = array<i64: 10>, scalar_prefetch = 0 : i64, scratch_operands = 0 : i64, tpu.core_type = #tpu.core_type<tc>, window_params = [{transform_indices = @transform_0, window_bounds = array<i64: 1024, 128>}, {transform_indices = @transform_1, window_bounds = array<i64: 1024, 128>}, {transform_indices = @transform_2, window_bounds = array<i64: 1024, 128>}, {transform_indices = @transform_3, window_bounds = array<i64: 1024, 1>}, {pipeline_mode = #tpu.pipeline_mode<synchronous>, transform_indices = @transform_4, window_bounds = array<i64: 1, 128>}, {transform_indices = @transform_5, window_bounds = array<i64: 1024, 128>}]} {
    %get3A = arith.constant 0 : index
    %get3A_0 = arith.constant 0 : index
    %get3A_1 = vector.load %arg1[%get3A, %get3A_0] : memref<1024x128xf32, #tpu.memory_space<vmem>>, vector<1024x128xf32>
    %get3A_2 = arith.constant 0 : index
    %get3A_3 = arith.constant 0 : index
    %get3A_4 = vector.load %arg2[%get3A_2, %get3A_3] : memref<1024x128xf32, #tpu.memory_space<vmem>>, vector<1024x128xf32>
    %add3A = arith.addf %get3A_1, %get3A_4 : vector<1024x128xf32>
    %get3A_5 = arith.constant 0 : index
    %get3A_6 = arith.constant 0 : index
    %get3A_7 = vector.load %arg3[%get3A_5, %get3A_6] : memref<1024x128xf32, #tpu.memory_space<vmem>>, vector<1024x128xf32>
    %add3A_8 = arith.addf %add3A, %get3A_7 : vector<1024x128xf32>
    %get3A_9 = arith.constant 0 : index
    %get3A_10 = arith.constant 0 : index
    %get3A_11 = vector.load %arg4[%get3A_9, %get3A_10] : memref<1024x1xf32, #tpu.memory_space<vmem>>, vector<1024x1xf32>
    %mul3A = vector.broadcast %get3A_11 : vector<1024x1xf32> to vector<1024x128xf32>
    %mul3A_12 = arith.mulf %add3A_8, %mul3A : vector<1024x128xf32>
    %get3A_13 = arith.constant 0 : index
    %get3A_14 = arith.constant 0 : index
    %get3A_15 = vector.load %arg5[%get3A_13, %get3A_14] : memref<1x128xf32, #tpu.memory_space<vmem>>, vector<1x128xf32>
    %add3A_16 = vector.broadcast %get3A_15 : vector<1x128xf32> to vector<1024x128xf32>
    %add3A_17 = arith.addf %mul3A_12, %add3A_16 : vector<1024x128xf32>
    %max3A = arith.constant 0.000000e+00 : f32
    %max3A_18 = vector.broadcast %max3A : f32 to vector<1024x128xf32>
    %max3A_19 = arith.maximumf %add3A_17, %max3A_18 : vector<1024x128xf32>
    %swap3A = arith.constant 0 : index
    %swap3A_20 = arith.constant 0 : index
    %swap3A_21 = vector.load %arg6[%swap3A, %swap3A_20] : memref<1024x128xf32, #tpu.memory_space<vmem>>, vector<1024x128xf32>
    tpu.vector_store %arg6[%swap3A, %swap3A_20], %max3A_19 {strides = array<i32>} : memref<1024x128xf32, #tpu.memory_space<vmem>>, vector<1024x128xf32>,
    return
  }
  func.func @transform_0(%arg0: i32) -> (i32, i32) {
    %c0_i32 = arith.constant 0 : i32
    %c0_i32_0 = arith.constant 0 : i32
    return %arg0, %c0_i32 : i32, i32
  }
  func.func @transform_1(%arg0: i32) -> (i32, i32) {
    %add3A = arith.constant 10 : i32
    %add3A_0 = arith.addi %add3A, %arg0 : i32
    %c0_i32 = arith.constant 0 : i32
    %c0_i32_1 = arith.constant 0 : i32
    return %add3A_0, %c0_i32 : i32, i32
  }
  func.func @transform_2(%arg0: i32) -> (i32, i32) {
    %c0_i32 = arith.constant 0 : i32
    %c0_i32_0 = arith.constant 0 : i32
    return %arg0, %c0_i32 : i32, i32
  }
  func.func @transform_3(%arg0: i32) -> (i32, i32) {
    %c0_i32 = arith.constant 0 : i32
    %c0_i32_0 = arith.constant 0 : i32
    return %arg0, %c0_i32 : i32, i32
  }
  func.func @transform_4(%arg0: i32) -> (i32, i32) {
    %c0_i32 = arith.constant 0 : i32
    %c0_i32_0 = arith.constant 0 : i32
    %c0_i32_1 = arith.constant 0 : i32
    return %c0_i32, %c0_i32_0 : i32, i32
  }
  func.func @transform_5(%arg0: i32) -> (i32, i32) {
    %c0_i32 = arith.constant 0 : i32
    %c0_i32_0 = arith.constant 0 : i32
    return %arg0, %c0_i32 : i32, i32
  }
}

</mosaic_0001>

<sc_bundles>
// kernel: kernel.11.cloned.1.call-start
scs
__scs_entry_jumppad:
0x0: {  	(pc) =	sbr.rel $0x88, $3  }
0x1: {  	(tag) =	ssettag $0x0;
	lr =	simm.s32 $0x1  }
0x2: {  	[smem:$0x3F9B] =	sst lr;
	_ =	strace $0xD0000000  }
0x3: {  	_ = 	snop  }
0x4: {  	_ = 	snop  }
0x5: {  	_ = 	snop  }
0x6: {  	_ = 	snop  }
0x7: {  	_ = 	snop  }
__scs_overlays_trampoline_lowered:
0x8: {  	[smem:$0x3FAA] =	sst s0  }
0x9: {  	[smem:$0x3FAB] =	sst s1  }
0xa: {  	[smem:$0x3FAC] =	sst s2  }
0xb: {  	[smem:$0x3FAD] =	sst s3  }
0xc: {  	[smem:$0x3FAE] =	sst s4  }
0xd: {  	[smem:$0x3FAF] =	sst s5  }
0xe: {  	[smem:$0x3FB0] =	sst s6  }
0xf: {  	[smem:$0x3FB1] =	sst s7  }
0x10: {  	[smem:$0x3FB2] =	sst s8  }
0x11: {  	[smem:$0x3FB3] =	sst s9;
	s0 =	simm.s32 @!p0 $0x0  }
0x12: {  	s1 =	sld [smem:$0x3F99];
	s0 =	simm.s32 @p0 $0x1  }
0x13: {  	[smem:$0x3FB4] =	sst s0;
	s0 =	simm.s32 @!p1 $0x0  }
0x14: {  	s2 =	sld [smem:$0x3F98];
	s0 =	simm.s32 @p1 $0x1  }
0x15: {  	[smem:$0x3FB5] =	sst s0;
	s0 =	simm.s32 @!p2 $0x0  }
0x16: {  	s3 =	sld [smem:$0x3FDB];
	s0 =	simm.s32 @p2 $0x1  }
0x17: {  	s4 =	simm.s32 $0x1BF5;
	[smem:$0x3FB7] =	sst s0  }
0x18: {  	s0 =	sld [smem:$0x3F9A];
	_ =	swait.ge [sflag:s4], $0x0  }
0x19: {  	s7 =	sld [smem:$0x3F9B]  }
0x1a: {  	s8 =	sadd.s32 $0xFFFFE003, lr  }
0x1b: {  	s9 =	sadd.s32 $0xFFFFFEF7, lr;
	s5 =	simm.s32 $0xFFFFFFFF;
	p2 =	slt.u32 s8, $0xFFFFF086  }
0x1c: {  	p1 =	slt.u32 s9, $0xF7A;
	s5 =	simm.s32 @!p2 $0x0  }
0x1d: {  	s5 =	simm.s32 @p1 $0x1;
	p0 =	seq.s32 s7, s2  }
0x1e: {  	s7 =	smul.u32 @!p0 $0xF7A, s2;
	p2 =	seq.s32 @!p0 s5, $0x0  }
0x1f: {  	s9 =	smul.u32 $0xF7A, s1;
	s8 =	simm.s32 @!p0 $0x1BF5;
	p2 =	por !p2, p0  }
0x20: {  	[sflag:s8] =	ssyncset.s32 @!p0 $0xFFFFF086;
	s6 =	sadd.s32 @!p0 s3, s7;
	s7 =	simm.s32 @!p0 $0x108  }
0x21: {  	s3 =	sadd.s32 s3, s9;
	s6 =	sadd.s32 @!p0 $0x88, s6;
	s7 =	simm.s32 @p2 $0x1082  }
0x22: {  	[simem:s7], [sflag:s8] =	dma.local @!p0 [hbm:s6], $0xF7A  }
0x23: {  	s9 =	sor.u32 $0xD0000000, s2;
	s6 =	simm.s32 $0x108;
	_ =	swait.ge @!p0 [sflag:s8], $0x0  }
0x24: {  	s3 =	sadd.s32 $0x88, s3;
	s6 =	simm.s32 @!p1 $0x1082;
	[sflag:s4] =	ssyncset.s32 $0xFFFFF086  }
0x25: {  	[simem:s6], [sflag:s4] =	dma.local [hbm:s3], $0xF7A  }
0x26: {  	[smem:$0x3F9B] =	sst s1;
	(tag) =	ssettag s2;
	_ =	strace s9  }
0x27: {  	s1 =	sld [smem:$0x3FAB]  }
0x28: {  	s2 =	sld [smem:$0x3FAC]  }
0x29: {  	s4 =	sld [smem:$0x3FAE]  }
0x2a: {  	p0 =	seq.s32 s5, $0x0;
	s5 =	sld [smem:$0x3FAF]  }
0x2b: {  	s6 =	sld [smem:$0x3FB0]  }
0x2c: {  	s7 =	sld [smem:$0x3FB1]  }
0x2d: {  	s3 =	simm.s32 $0x108;
	s8 =	sld [smem:$0x3FB2]  }
0x2e: {  	s3 =	simm.s32 @!p0 $0x1082;
	s9 =	sld [smem:$0x3FB3]  }
0x2f: {  	lr =	sadd.s32 s0, s3;
	s0 =	sld [smem:$0x3FAA]  }
0x30: {  	s3 =	sld [smem:$0x3FAD]  }
0x31: {  	[smem:$0x3FB6] =	sst s10  }
0x32: {  	s10 =	sld [smem:$0x3FB4];
	_ =	sdelay $0x3  }
0x33: {  	p0 =	seq.s32 s10, $0x1;
	s10 =	sld [smem:$0x3FB6];
	_ =	sdelay $0x3  }
0x34: {  	[smem:$0x3FB6] =	sst s10  }
0x35: {  	s10 =	sld [smem:$0x3FB5];
	_ =	sdelay $0x3  }
0x36: {  	p1 =	seq.s32 s10, $0x1;
	s10 =	sld [smem:$0x3FB6];
	_ =	sdelay $0x3  }
0x37: {  	[smem:$0x3FB6] =	sst s10  }
0x38: {  	s10 =	sld [smem:$0x3FB7]  }
0x39: {  	_ = 	snop;
	(pc) =	sbr.ind lr, $3  }
0x3a: {  	_ = 	snop  }
0x3b: {  	_ = 	snop  }
0x3c: {  	p2 =	seq.s32 s10, $0x1;
	s10 =	sld [smem:$0x3FB6]  }
0x3d: {  	_ =	shalt  }
0x3e: {  	_ =	shalt  }
0x3f: {  	_ =	shalt  }
0x40: {  	_ =	shalt  }
0x41: {  	_ =	shalt  }
0x42: {  	_ =	shalt  }
0x43: {  	_ =	shalt  }
0x44: {  	_ =	shalt  }
0x45: {  	_ =	shalt  }
0x46: {  	_ =	shalt  }
0x47: {  	_ =	shalt  }
0x48: {  	_ =	shalt  }
0x49: {  	_ =	shalt  }
0x4a: {  	_ =	shalt  }
0x4b: {  	_ =	shalt  }
0x4c: {  	_ =	shalt  }
0x4d: {  	_ =	shalt  }
0x4e: {  	_ =	shalt  }
0x4f: {  	_ =	shalt  }
0x50: {  	_ =	shalt  }
0x51: {  	_ =	shalt  }
0x52: {  	_ =	shalt  }
0x53: {  	_ =	shalt  }
0x54: {  	_ =	shalt  }
0x55: {  	_ =	shalt  }
0x56: {  	_ =	shalt  }
0x57: {  	_ =	shalt  }
0x58: {  	_ =	shalt  }
0x59: {  	_ =	shalt  }
0x5a: {  	_ =	shalt  }
0x5b: {  	_ =	shalt  }
0x5c: {  	_ =	shalt  }
0x5d: {  	_ =	shalt  }
0x5e: {  	_ =	shalt  }
0x5f: {  	_ =	shalt  }
0x60: {  	_ =	shalt  }
0x61: {  	_ =	shalt  }
0x62: {  	_ =	shalt  }
0x63: {  	_ =	shalt  }
0x64: {  	_ =	shalt  }
0x65: {  	_ =	shalt  }
0x66: {  	_ =	shalt  }
0x67: {  	_ =	shalt  }
0x68: {  	_ =	shalt  }
0x69: {  	_ =	shalt  }
0x6a: {  	_ =	shalt  }
0x6b: {  	_ =	shalt  }
0x6c: {  	_ =	shalt  }
0x6d: {  	_ =	shalt  }
0x6e: {  	_ =	shalt  }
0x6f: {  	_ =	shalt  }
0x70: {  	_ =	shalt  }
0x71: {  	_ =	shalt  }
0x72: {  	_ =	shalt  }
0x73: {  	_ =	shalt  }
0x74: {  	_ =	shalt  }
0x75: {  	_ =	shalt  }
0x76: {  	_ =	shalt  }
0x77: {  	_ =	shalt  }
0x78: {  	_ =	shalt  }
0x79: {  	_ =	shalt  }
0x7a: {  	_ =	shalt  }
0x7b: {  	_ =	shalt  }
0x7c: {  	_ =	shalt  }
0x7d: {  	_ =	shalt  }
0x7e: {  	_ =	shalt  }
0x7f: {  	_ =	shalt  }
0x80: {  	_ =	shalt  }
0x81: {  	_ =	shalt  }
0x82: {  	_ =	shalt  }
0x83: {  	_ =	shalt  }
0x84: {  	_ =	shalt  }
0x85: {  	_ =	shalt  }
0x86: {  	_ =	shalt  }
0x87: {  	_ =	shalt  }
.Lfunc_end0:
.L_simem_size_0:
called_computation.1_lowered:
.L_overlay_start_0:
0x88: {  	s2 =	sld [smem:$0x3FD9]  }
0x89: {  	s3 =	sld [smem:$0x3FFE];
	_ =	sdelay $0x1  }
0x8a: {  	s1 =	srdreg.scid  }
0x8b: {  	s0 =	sand.u32 $0x1, s1  }
0x8c: {  	s17 =	sshll.u32 s0, $0xA;
	s2 =	sadd.s32 s3, s2  }
0x8d: {  	s2 =	sadd.s32 s2, s17  }
0x8e: {  	[smem:$0x3FC2] =	sst s2  }
0x8f: {  	_ = 	snop  }
0x90: {  	s2 =	sld [smem:$0x3FD0];
	(tm) =	ssettm $0x1  }
0x91: {  	s18 =	sld [smem:$0x3FFB];
	_ =	sdelay $0x3  }
0x92: {  	_ =	strace s18  }
0x93: {  	s3 =	sld [smem:$0x3FFC];
	_ =	sdelay $0x3  }
0x94: {  	_ =	strace s3  }
0x95: {  	s3 =	sld [smem:$0x3FFD];
	_ =	sdelay $0x3  }
0x96: {  	_ =	strace s3  }
0x97: {  	_ =	strace $0x8FFFFFFF  }
0x98: {  	s19 =	sld [smem:$0x3FDB];
	_ =	sdelay $0x1  }
0x99: {  	s4 =	simm.s32 $_scs_section_size  }
0x9a: {  	s5 =	simm.s32 $_size__tile_overlayer_lowered;
	s6 =	simm.s32 $_tile_overlayer_lowered  }
0x9b: {  	s22 =	simm.s32 $0x1BFF;
	s21 =	sshll.u32 s6, $0x1;
	s3 =	sadd.s32 s4, s19  }
0x9c: {  	s7 =	simm.s32 $0x0;
	s20 =	sshll.u32 s5, $0x1;
	s5 =	sadd.s32 s21, s3  }
0x9d: {  	[timem:s7], [sflag:s22] =	dma.local [hbm:s5], s20  }
0x9e: {  	_ =	swait.ge [sflag:s22], s20  }
0x9f: {  	s4 =	ssub.s32 $0x0, s20;
	[sflag:s22] =	ssyncset.done $0x0  }
0xa0: {  	[sflag:s22] =	ssyncadd.s32 s4;
	_ =	sdelay $0x1  }
0xa1: {  	s23 =	simm.s32 $0x1B8B  }
0xa2: {  	_ =	swait.ge [sflag:s23], $0x1  }
0xa3: {  	[sflag:s23] =	ssyncset.done $0x0  }
0xa4: {  	s25 =	simm.s32 $0x1B8E;
	s24 =	sld [smem:$0x3FFE];
	[sflag:s23] =	ssyncadd.s32 $0xFFFFFFFF  }
0xa5: {  	s26 =	simm.s32 $execute0_lowered;
	[smem:$0x3FD2] =	sst s25  }
0xa6: {  	s5 =	sshll.u32 s26, $0x1;
	_ =	strace $0x80000049;
	[dreg:$0x1] =	wrdreg $0xFFFFFFFF  }
0xa7: {  	s28 =	simm.s32 $_size_execute0_lowered;
	s3 =	sadd.s32 s3, s5;
	[dreg:$0x0] =	wrdreg $0x0  }
0xa8: {  	s5 =	sshll.u32 s28, $0x1;
	[dreg:$0x2] =	wrdreg s3  }
0xa9: {  	[dreg:$0x3] =	wrdreg s5  }
0xaa: {  	[dreg:$0x4] =	wrdreg $0xC0  }
0xab: {  	_ =	task [dreg:s7], $0x5FFFF  }
0xac: {  	[dreg:$0x1] =	wrdreg $0xFFFFFFFF  }
0xad: {  	[dreg:$0x0] =	wrdreg $0x60  }
0xae: {  	[dreg:$0x2] =	wrdreg s24  }
0xaf: {  	[dreg:$0x3] =	wrdreg s2  }
0xb0: {  	[dreg:$0x4] =	wrdreg $0xC0000  }
0xb1: {  	[dreg:$0x5] =	wrdreg $0x9  }
0xb2: {  	_ =	task.clear_ibuf [dreg:s7], $0x6FFFF;
	_ =	strace $0x90000049  }
0xb3: {  	s29 =	simm.s32 $0x9;
	_ =	strace $0x8000004B  }
0xb4: {  	_ =	swait.ge [sflag:s29], $0x1  }
0xb5: {  	[sflag:s29] =	ssyncadd.s32 $0xFFFFFFFF  }
0xb6: {  	_ =	strace $0x9000004B  }
0xb7: {  	_ =	sfence  }
0xb8: {  	s30 =	sld [smem:$0x0];
	_ =	sdelay $0x2  }
0xb9: {  	s31 =	sshll.u32 s1, $0xD;
	s1 =	sshrl.u32 s1, $0x2  }
0xba: {  	s3 =	sand.u32 $0x4000, s31;
	s1 =	sadd.s32 s1, s30  }
0xbb: {  	s0 =	sor.u32 s3, s0;
	s1 =	sshll.u32 s1, $0x11  }
0xbc: {  	s0 =	sor.u32 s1, s0  }
0xbd: {  	s0 =	sadd.s32 $0x8F2B, s0  }
0xbe: {  	[sflag:s0] =	ssyncadd.remote.s32 $0x1  }
0xbf: {  	_ =	sfence.sel $0xFFFF  }
0xc0: {  	[dreg:$0x0] =	wrdreg $0xFFFFFFFF;
	(pc) =	sbr.abs _section_cstart, $3  }
0xc1: {  	[dreg:$0x1] =	wrdreg $0xFFFFFFFF  }
0xc2: {  	_ =	task.clear_ibuf [dreg:s7], $0x2FFFF;
	_ =	strace $0x9FFFFFFF  }
0xc3: {  	(tm) =	ssettm $0x7FFFFFFF  }
tec
execute0_lowered:
.L_overlay_start_1:
0x0: {  	(tag) =	ssettag $0x1  }
0x1: {  	s0 =	rddreg [dreg:$0x0]  }
0x2: {  	s1 =	rddreg [dreg:$0x1]  }
0x3: {  	s2 =	rddreg [dreg:$0x2]  }
0x4: {  	s3 =	srdreg.scid;
	s9 =	stileid.u32  }
0x5: {  	s18 =	simm.s32 $0x2000;
	s19 =	simm.s32 $0xB800;
	s20 =	simm.s32 $0x4  }
0x6: {  	s21 =	simm.s32 $0x3;
	s28 =	simm.s32 $0x2;
	s29 =	simm.s32 $0x6800  }
0x7: {  	s31 =	simm.s32 $0x0;
	s5 =	sand.u32 $0x1, s3;
	s6 =	smul.u32 $0x2800, s9  }
0x8: {  	s3 =	simm.s32 $0x0;
	s15 =	sadd.s32 $0x16400, s0;
	s23 =	smul.u32 $0x50000, s9  }
0x9: {  	s4 =	sshll.u32 s5, $0x4;
	[smem:$0x7FF] =	sst s3;
	s7 =	smul.u32 $0x28000, s5  }
0xa: {  	s5 =	ssub.s32 $0x2, s5;
	s8 =	sor.u32 s9, s4;
	_ =	strace $0x8000004A  }
0xb: {  	s4 =	sadd.s32 $0x2A400, s0;
	s22 =	sshrl.u32 s5, $0x1;
	s26 =	sshrl.u32 s23, $0x2  }
0xc: {  	s23 =	simm.s32 $0x4000;
	s8 =	smul.u32 $0x5000, s8;
	s6 =	sadd.s32 s6, s7  }
0xd: {  	s17 =	ssub.s32 s5, s22;
	s7 =	sadd.s32 s26, s2;
	s22 =	simm.s32 $0x50  }
0xe: {  	s26 =	simm.s32 $0x3000;
	s0 =	sadd.s32 s6, s0;
	s13 =	sshrl.u32 s8, $0x3  }
0xf: {  	s17 =	smax.u32 s17, $0x1;
	s0 =	sadd.s32 $0x52400, s0;
	s24 =	sadd.s32 s1, s13  }
0x10: {  	s25 =	sadd.s32 s15, s13;
	s30 =	sadd.s32 $0x200, s13;
	[dreg:$0x6] =	wrdreg s0  }
0x11: {  	s11 =	sadd.s32 $0x400, s13;
	s14 =	sadd.s32 $0x600, s13;
	[dreg:$0x4] =	wrdreg s24  }
0x12: {  	s16 =	sadd.s32 $0x800, s13;
	[dreg:$0x5] =	wrdreg s25;
	s8 =	sadd.s32 s1, s30  }
0x13: {  	s9 =	sadd.s32 s15, s30;
	s10 =	sadd.s32 s1, s11;
	s11 =	sadd.s32 s15, s11  }
0x14: {  	s12 =	sadd.s32 s1, s14;
	s13 =	sadd.s32 s15, s14;
	s14 =	sadd.s32 s1, s16  }
0x15: {  	v0 =	vimm.f32 $0.0e+00;
	s15 =	sadd.s32 s15, s16;
	s24 =	simm.s32 $0x1;
	s25 =	simm.s32 $0x1000  }
.LBB2_1:
0x16: {  	s0 =	rddreg [dreg:$0x4]  }
0x17: {  	[tilespmem:s3], [sflag:$0x3] =	stream.linear.gather [hbm4b:s0+s3], $0xC80, $0x38;
	v63 =	vld [tilespmem:$0x0]  }
0x18: {  	s30 =	rddreg [dreg:$0x5];
	s1 =	simm.s32 $0x0;
	s0 =	simm.s32 $0x0  }
0x19: {  	[tilespmem:s18], [sflag:$0x3] =	stream.linear.gather [hbm4b:s30+s3], $0xC80, $0x38;
	v63 =	vld [tilespmem:$0x0]  }
.LBB2_2:
0x1a: {  	p0 =	sne.s32 s1, $0x1FC0  }
.Ltmp0:
0x1b: {  	_ = 	snop;
	(pc) =	sbr.rel @p0 .LBB2_2-.Ltmp0, $4  }
0x1c: {  	s30 =	sand.u32 $0x1E00, s1  }
0x1d: {  	s5 =	sand.u32 $0x70, s0;
	s30 =	sshrl.u32 s30, $0x2  }
0x1e: {  	s5 =	sor.u32 s5, s30  }
0x1f: {  	s0 =	sadd.s32 $0x10, s0;
	s1 =	sadd.s32 $0x40, s1;
	[tilespmem:s5+$0xB800] =	vst v0  }
0x20: {  	s0 =	sadd.s32 $0x0, s7  }
0x21: {  	[spmem:s0] =	stream.linear.scatter [tilespmem:s19], [sflag:$0x4], $0x800, $0x38;
	v63 =	vld [tilespmem:$0x0]  }
0x22: {  	s0 =	simm.s32 $0x2000;
	_ =	swait.ge [sflag:s20], $0x800  }
.LBB2_4:
0x23: {  	s1 =	sshra.s32 s0, $0x2;
	[sflag:s20] =	ssyncset.done $0x0;
	p0 =	sne.s32 s0, $0x4E000  }
.Ltmp1:
0x24: {  	s1 =	sadd.s32 s1, s7;
	[sflag:s20] =	ssyncadd.s32 $0xFFFFF800;
	(pc) =	sbr.rel @p0 .LBB2_4-.Ltmp1, $3  }
0x25: {  	[spmem:s1] =	stream.linear.scatter [tilespmem:s19], [sflag:$0x4], $0x800, $0x38;
	v63 =	vld [tilespmem:$0x0]  }
0x26: {  	s0 =	sadd.s32 $0x2000, s0;
	_ =	sdelay $0x1  }
0x27: {  	_ =	swait.ge [sflag:s20], $0x800  }
0x28: {  	[sflag:s20] =	ssyncset.done $0x0  }
0x29: {  	[sflag:s20] =	ssyncadd.s32 $0xFFFFF800  }
0x2a: {  	[bflag:$0x0] =	sbarrier.arrive $0xFFFF  }
0x2b: {  	_ =	swait.ge [sflag:s21], $0xC80  }
0x2c: {  	[sflag:s21] =	ssyncset.done $0x0  }
.Ltmp2:
0x2d: {  	[sflag:s21] =	ssyncadd.s32 $0xFFFFF380;
	(pc) =	sbr.rel .LBB2_6-.Ltmp2, $4  }
0x2e: {  	_ =	swait.ge [sflag:s21], $0xC80  }
0x2f: {  	[sflag:s21] =	ssyncset.done $0x0  }
0x30: {  	s0 =	simm.s32 $0x0;
	[sflag:s21] =	ssyncadd.s32 $0xFFFFF380  }
0x31: {  	[tilespmem:s23], [sflag:$0x1] =	stream.indirect.gather [hbm4b:s4+s22], $0x80, s0, s22, $0xb8;
	v63 =	vld [tilespmem:$0x0]  }
.LBB2_7:
0x32: {  	[tilespmem:s25], [sflag:$0x3] =	stream.linear.gather [hbm4b:s8+s3], $0xC80, $0x38;
	v63 =	vld [tilespmem:$0x0]  }
0x33: {  	s1 =	simm.s32 $0x3  }
0x34: {  	[tilespmem:s26], [sflag:$0x3] =	stream.linear.gather [hbm4b:s9+s3], $0xC80, $0x38;
	v63 =	vld [tilespmem:$0x0]  }
.LBB2_11:
0x35: {  	_ =	swait.ge [sflag:s28], $0x2800  }
0x36: {  	[sflag:s28] =	ssyncset.done $0x0  }
0x37: {  	[sflag:s28] =	ssyncadd.s32 $0xFFFFD800  }
.LBB2_12:
0x38: {  	s0 =	smul.u32 $0xAB, s1;
	_ =	sdelay $0x1  }
0x39: {  	s0 =	sshrl.u32 s0, $0x9  }
0x3a: {  	s0 =	sand.u32 $0x7F, s0  }
0x3b: {  	s0 =	smul.u32 $0x3, s0;
	_ =	sdelay $0x1  }
0x3c: {  	s0 =	ssub.s32 s1, s0  }
0x3d: {  	s0 =	sand.u32 $0xFF, s0  }
0x3e: {  	p0 =	slt.u32 s1, $0x19;
	s0 =	smul.u32 $0xA000, s0  }
.Ltmp3:
0x3f: {  	_ = 	snop;
	(pc) =	sbr.rel @!p0 .LBB2_13-.Ltmp3, $4  }
0x40: {  	s5 =	sshll.u32 s1, $0x7;
	s0 =	sshrl.u32 s0, $0x2  }
0x41: {  	s5 =	sand.u32 $0x3FFFFF80, s5;
	s0 =	sadd.s32 $0x4000, s0  }
0x42: {  	[tilespmem:s0], [sflag:$0x1] =	stream.indirect.gather [hbm4b:s4+s22], $0x80, s5, s22, $0xb8;
	v63 =	vld [tilespmem:$0x0]  }
0x43: {  	s0 =	smov.u32 s1  }
.LBB2_6:
0x44: {  	s1 =	smul.u32 $0xAB, s0;
	_ =	sdelay $0x1  }
0x45: {  	s1 =	sshrl.u32 s1, $0x9  }
0x46: {  	s1 =	sand.u32 $0x7F, s1  }
0x47: {  	s1 =	smul.u32 $0x3, s1;
	_ =	sdelay $0x1  }
0x48: {  	s1 =	ssub.s32 s0, s1  }
0x49: {  	s1 =	sand.u32 $0xFF, s1  }
0x4a: {  	p0 =	sne.s32 s0, $0x2;
	s1 =	smul.u32 $0xA000, s1  }
.Ltmp4:
0x4b: {  	_ = 	snop;
	(pc) =	sbr.rel @!p0 .LBB2_7-.Ltmp4, $4  }
0x4c: {  	_ =	swait.ge [sflag:s24], $0x2800;
	s5 =	sshll.u32 s0, $0x7  }
0x4d: {  	[sflag:s24] =	ssyncset.done $0x0;
	s5 =	sand.u32 $0x3FFFFF80, s5;
	s1 =	sshrl.u32 s1, $0x2  }
0x4e: {  	[sflag:s24] =	ssyncadd.s32 $0xFFFFD800;
	s5 =	sadd.s32 $0x2000, s5;
	s1 =	sadd.s32 $0x4000, s1  }
0x4f: {  	[spmem:s2] =	stream.indirect.scatter.add.f32 [tilespmem:s1], [sflag:$0x2], $0x80, s5, s22, $0xb8;
	v63 =	vld [tilespmem:$0x0]  }
0x50: {  	p0 =	seq.s32 s0, $0x0  }
.Ltmp5:
0x51: {  	_ = 	snop;
	(pc) =	sbr.rel @p0 .LBB2_12-.Ltmp5, $2  }
0x52: {  	_ =	sdelay $0x2  }
0x53: {  	s1 =	simm.s32 $0x1  }
0x54: {  	p0 =	seq.s32 s0, $0x18  }
.Ltmp6:
0x55: {  	_ = 	snop;
	(pc) =	sbr.rel @p0 .LBB2_13-.Ltmp6, $1  }
0x56: {  	_ =	sdelay $0x3  }
.Ltmp7:
0x57: {  	(pc) =	sbr.rel .LBB2_11-.Ltmp7, $2  }
0x58: {  	_ =	sdelay $0x2  }
0x59: {  	s1 =	sadd.s32 $0x1, s0  }
.LBB2_13:
0x5a: {  	_ =	swait.ge [sflag:s21], $0xC80  }
0x5b: {  	[sflag:s21] =	ssyncset.done $0x0  }
0x5c: {  	[sflag:s21] =	ssyncadd.s32 $0xFFFFF380  }
0x5d: {  	_ =	swait.ge [sflag:s21], $0xC80  }
0x5e: {  	[sflag:s21] =	ssyncset.done $0x0  }
.Ltmp8:
0x5f: {  	[sflag:s21] =	ssyncadd.s32 $0xFFFFF380;
	(pc) =	sbr.rel .LBB2_14-.Ltmp8, $4  }
0x60: {  	_ =	swait.ge [sflag:s28], $0x2800  }
0x61: {  	[sflag:s28] =	ssyncset.done $0x0  }
0x62: {  	s0 =	simm.s32 $0x0;
	[sflag:s28] =	ssyncadd.s32 $0xFFFFD800  }
0x63: {  	[tilespmem:s29], [sflag:$0x1] =	stream.indirect.gather [hbm4b:s4+s22], $0x80, s25, s22, $0xb8;
	v63 =	vld [tilespmem:$0x0]  }
.LBB2_15:
0x64: {  	[tilespmem:s3], [sflag:$0x3] =	stream.linear.gather [hbm4b:s10+s3], $0xC80, $0x38;
	v63 =	vld [tilespmem:$0x0]  }
0x65: {  	s1 =	simm.s32 $0x3  }
0x66: {  	[tilespmem:s18], [sflag:$0x3] =	stream.linear.gather [hbm4b:s11+s3], $0xC80, $0x38;
	v63 =	vld [tilespmem:$0x0]  }
.LBB2_18:
0x67: {  	s0 =	sadd.s32 $0x1A, s0  }
0x68: {  	s5 =	sand.u32 $0xFF, s0  }
0x69: {  	s5 =	smul.u32 $0xAB, s5;
	_ =	sdelay $0x1  }
0x6a: {  	s5 =	sshrl.u32 s5, $0x9  }
0x6b: {  	s5 =	smul.u32 $0x3, s5;
	_ =	sdelay $0x1  }
0x6c: {  	s0 =	ssub.s32 s0, s5  }
0x6d: {  	s0 =	sand.u32 $0xFF, s0  }
0x6e: {  	s0 =	smul.u32 $0xA000, s0  }
0x6f: {  	_ =	swait.ge [sflag:s28], $0x2800;
	s30 =	sshll.u32 s1, $0x7  }
0x70: {  	[sflag:s28] =	ssyncset.done $0x0;
	s5 =	sand.u32 $0x3FFFFF80, s30;
	s0 =	sshrl.u32 s0, $0x2  }
0x71: {  	[sflag:s28] =	ssyncadd.s32 $0xFFFFD800;
	s5 =	sadd.s32 $0x1000, s5;
	s0 =	sadd.s32 $0x4000, s0  }
0x72: {  	[tilespmem:s0], [sflag:$0x1] =	stream.indirect.gather [hbm4b:s4+s22], $0x80, s5, s22, $0xb8;
	v63 =	vld [tilespmem:$0x0]  }
0x73: {  	s0 =	smov.u32 s1  }
.LBB2_14:
0x74: {  	s1 =	sadd.s32 $0x19, s0  }
0x75: {  	s5 =	sand.u32 $0xFF, s1  }
0x76: {  	s5 =	smul.u32 $0xAB, s5;
	_ =	sdelay $0x1  }
0x77: {  	s5 =	sshrl.u32 s5, $0x9  }
0x78: {  	s5 =	smul.u32 $0x3, s5;
	_ =	sdelay $0x1  }
0x79: {  	s1 =	ssub.s32 s1, s5  }
0x7a: {  	s1 =	sand.u32 $0xFF, s1  }
0x7b: {  	p0 =	sne.s32 s0, $0x2;
	s1 =	smul.u32 $0xA000, s1  }
.Ltmp9:
0x7c: {  	_ = 	snop;
	(pc) =	sbr.rel @!p0 .LBB2_15-.Ltmp9, $4  }
0x7d: {  	_ =	swait.ge [sflag:s24], $0x2800;
	s30 =	sshll.u32 s0, $0x7  }
0x7e: {  	[sflag:s24] =	ssyncset.done $0x0;
	s5 =	sand.u32 $0x3FFFFF80, s30;
	s1 =	sshrl.u32 s1, $0x2  }
0x7f: {  	[sflag:s24] =	ssyncadd.s32 $0xFFFFD800;
	s5 =	sadd.s32 $0x3000, s5;
	s1 =	sadd.s32 $0x4000, s1  }
0x80: {  	[spmem:s2] =	stream.indirect.scatter.add.f32 [tilespmem:s1], [sflag:$0x2], $0x80, s5, s22, $0xb8;
	v63 =	vld [tilespmem:$0x0]  }
0x81: {  	p0 =	seq.s32 s0, $0x18  }
.Ltmp10:
0x82: {  	_ = 	snop;
	(pc) =	sbr.rel @p0 .LBB2_19-.Ltmp10, $1  }
0x83: {  	_ =	sdelay $0x3  }
.Ltmp11:
0x84: {  	(pc) =	sbr.rel .LBB2_18-.Ltmp11, $2  }
0x85: {  	_ =	sdelay $0x2  }
0x86: {  	s1 =	sadd.s32 $0x1, s0  }
.LBB2_19:
0x87: {  	_ =	swait.ge [sflag:s21], $0xC80  }
0x88: {  	[sflag:s21] =	ssyncset.done $0x0  }
0x89: {  	[sflag:s21] =	ssyncadd.s32 $0xFFFFF380  }
0x8a: {  	_ =	swait.ge [sflag:s21], $0xC80  }
0x8b: {  	[sflag:s21] =	ssyncset.done $0x0  }
.Ltmp12:
0x8c: {  	[sflag:s21] =	ssyncadd.s32 $0xFFFFF380;
	(pc) =	sbr.rel .LBB2_20-.Ltmp12, $4  }
0x8d: {  	_ =	swait.ge [sflag:s28], $0x2800  }
0x8e: {  	[sflag:s28] =	ssyncset.done $0x0  }
0x8f: {  	s0 =	simm.s32 $0x0;
	s1 =	simm.s32 $0x9000;
	[sflag:s28] =	ssyncadd.s32 $0xFFFFD800  }
0x90: {  	[tilespmem:s1], [sflag:$0x1] =	stream.indirect.gather [hbm4b:s4+s22], $0x80, s0, s22, $0xb8;
	v63 =	vld [tilespmem:$0x0]  }
.LBB2_21:
0x91: {  	[tilespmem:s25], [sflag:$0x3] =	stream.linear.gather [hbm4b:s12+s3], $0xC80, $0x38;
	v63 =	vld [tilespmem:$0x0]  }
0x92: {  	s1 =	simm.s32 $0x3  }
0x93: {  	[tilespmem:s26], [sflag:$0x3] =	stream.linear.gather [hbm4b:s13+s3], $0xC80, $0x38;
	v63 =	vld [tilespmem:$0x0]  }
.LBB2_24:
0x94: {  	s0 =	sadd.s32 $0x33, s0  }
0x95: {  	s5 =	sand.u32 $0xFF, s0  }
0x96: {  	s5 =	smul.u32 $0xAB, s5;
	_ =	sdelay $0x1  }
0x97: {  	s5 =	sshrl.u32 s5, $0x9  }
0x98: {  	s5 =	smul.u32 $0x3, s5;
	_ =	sdelay $0x1  }
0x99: {  	s0 =	ssub.s32 s0, s5  }
0x9a: {  	s0 =	sand.u32 $0xFF, s0  }
0x9b: {  	s0 =	smul.u32 $0xA000, s0  }
0x9c: {  	_ =	swait.ge [sflag:s28], $0x2800  }
0x9d: {  	s30 =	sshll.u32 s1, $0x7;
	[sflag:s28] =	ssyncset.done $0x0;
	s0 =	sshrl.u32 s0, $0x2  }
0x9e: {  	[sflag:s28] =	ssyncadd.s32 $0xFFFFD800;
	s5 =	sand.u32 $0x3FFFFF80, s30;
	s0 =	sadd.s32 $0x4000, s0  }
0x9f: {  	[tilespmem:s0], [sflag:$0x1] =	stream.indirect.gather [hbm4b:s4+s22], $0x80, s5, s22, $0xb8;
	v63 =	vld [tilespmem:$0x0]  }
0xa0: {  	s0 =	smov.u32 s1  }
.LBB2_20:
0xa1: {  	s1 =	sadd.s32 $0x32, s0  }
0xa2: {  	s5 =	sand.u32 $0xFF, s1  }
0xa3: {  	s5 =	smul.u32 $0xAB, s5;
	_ =	sdelay $0x1  }
0xa4: {  	s5 =	sshrl.u32 s5, $0x9  }
0xa5: {  	s5 =	smul.u32 $0x3, s5;
	_ =	sdelay $0x1  }
0xa6: {  	s1 =	ssub.s32 s1, s5  }
0xa7: {  	s1 =	sand.u32 $0xFF, s1  }
0xa8: {  	p0 =	sne.s32 s0, $0x2;
	s1 =	smul.u32 $0xA000, s1  }
.Ltmp13:
0xa9: {  	_ = 	snop;
	(pc) =	sbr.rel @!p0 .LBB2_21-.Ltmp13, $4  }
0xaa: {  	_ =	swait.ge [sflag:s24], $0x2800;
	s30 =	sshll.u32 s0, $0x7  }
0xab: {  	[sflag:s24] =	ssyncset.done $0x0;
	s5 =	sand.u32 $0x3FFFFF80, s30;
	s1 =	sshrl.u32 s1, $0x2  }
0xac: {  	[sflag:s24] =	ssyncadd.s32 $0xFFFFD800;
	s5 =	sadd.s32 $0x2000, s5;
	s1 =	sadd.s32 $0x4000, s1  }
0xad: {  	[spmem:s2] =	stream.indirect.scatter.add.f32 [tilespmem:s1], [sflag:$0x2], $0x80, s5, s22, $0xb8;
	v63 =	vld [tilespmem:$0x0]  }
0xae: {  	p0 =	seq.s32 s0, $0x18  }
.Ltmp14:
0xaf: {  	_ = 	snop;
	(pc) =	sbr.rel @p0 .LBB2_25-.Ltmp14, $1  }
0xb0: {  	_ =	sdelay $0x3  }
.Ltmp15:
0xb1: {  	(pc) =	sbr.rel .LBB2_24-.Ltmp15, $2  }
0xb2: {  	_ =	sdelay $0x2  }
0xb3: {  	s1 =	sadd.s32 $0x1, s0  }
.LBB2_25:
0xb4: {  	_ =	swait.ge [sflag:s21], $0xC80  }
0xb5: {  	[sflag:s21] =	ssyncset.done $0x0  }
0xb6: {  	[sflag:s21] =	ssyncadd.s32 $0xFFFFF380  }
0xb7: {  	_ =	swait.ge [sflag:s21], $0xC80  }
0xb8: {  	[sflag:s21] =	ssyncset.done $0x0  }
.Ltmp16:
0xb9: {  	[sflag:s21] =	ssyncadd.s32 $0xFFFFF380;
	(pc) =	sbr.rel .LBB2_26-.Ltmp16, $4  }
0xba: {  	_ =	swait.ge [sflag:s28], $0x2800  }
0xbb: {  	[sflag:s28] =	ssyncset.done $0x0  }
0xbc: {  	s0 =	simm.s32 $0x0;
	[sflag:s28] =	ssyncadd.s32 $0xFFFFD800  }
0xbd: {  	[tilespmem:s23], [sflag:$0x1] =	stream.indirect.gather [hbm4b:s4+s22], $0x80, s25, s22, $0xb8;
	v63 =	vld [tilespmem:$0x0]  }
.LBB2_27:
0xbe: {  	[tilespmem:s3], [sflag:$0x3] =	stream.linear.gather [hbm4b:s14+s3], $0xC80, $0x38;
	v63 =	vld [tilespmem:$0x0]  }
0xbf: {  	s1 =	simm.s32 $0x3  }
0xc0: {  	[tilespmem:s18], [sflag:$0x3] =	stream.linear.gather [hbm4b:s15+s3], $0xC80, $0x38;
	v63 =	vld [tilespmem:$0x0]  }
.LBB2_30:
0xc1: {  	s0 =	sadd.s32 $0x4C, s0  }
0xc2: {  	s5 =	sand.u32 $0xFF, s0  }
0xc3: {  	s5 =	smul.u32 $0xAB, s5;
	_ =	sdelay $0x1  }
0xc4: {  	s5 =	sshrl.u32 s5, $0x9  }
0xc5: {  	s5 =	smul.u32 $0x3, s5;
	_ =	sdelay $0x1  }
0xc6: {  	s0 =	ssub.s32 s0, s5  }
0xc7: {  	s0 =	sand.u32 $0xFF, s0  }
0xc8: {  	s0 =	smul.u32 $0xA000, s0  }
0xc9: {  	_ =	swait.ge [sflag:s28], $0x2800;
	s30 =	sshll.u32 s1, $0x7  }
0xca: {  	[sflag:s28] =	ssyncset.done $0x0;
	s5 =	sand.u32 $0x3FFFFF80, s30;
	s0 =	sshrl.u32 s0, $0x2  }
0xcb: {  	[sflag:s28] =	ssyncadd.s32 $0xFFFFD800;
	s5 =	sadd.s32 $0x1000, s5;
	s0 =	sadd.s32 $0x4000, s0  }
0xcc: {  	[tilespmem:s0], [sflag:$0x1] =	stream.indirect.gather [hbm4b:s4+s22], $0x80, s5, s22, $0xb8;
	v63 =	vld [tilespmem:$0x0]  }
0xcd: {  	s0 =	smov.u32 s1  }
.LBB2_26:
0xce: {  	s1 =	sadd.s32 $0x4B, s0  }
0xcf: {  	s5 =	sand.u32 $0xFF, s1  }
0xd0: {  	s5 =	smul.u32 $0xAB, s5;
	_ =	sdelay $0x1  }
0xd1: {  	s5 =	sshrl.u32 s5, $0x9  }
0xd2: {  	s5 =	smul.u32 $0x3, s5;
	_ =	sdelay $0x1  }
0xd3: {  	s1 =	ssub.s32 s1, s5  }
0xd4: {  	s1 =	sand.u32 $0xFF, s1  }
0xd5: {  	p0 =	sne.s32 s0, $0x2;
	s1 =	smul.u32 $0xA000, s1  }
.Ltmp17:
0xd6: {  	_ = 	snop;
	(pc) =	sbr.rel @!p0 .LBB2_27-.Ltmp17, $4  }
0xd7: {  	_ =	swait.ge [sflag:s24], $0x2800;
	s30 =	sshll.u32 s0, $0x7  }
0xd8: {  	[sflag:s24] =	ssyncset.done $0x0;
	s5 =	sand.u32 $0x3FFFFF80, s30;
	s1 =	sshrl.u32 s1, $0x2  }
0xd9: {  	[sflag:s24] =	ssyncadd.s32 $0xFFFFD800;
	s5 =	sadd.s32 $0x3000, s5;
	s1 =	sadd.s32 $0x4000, s1  }
0xda: {  	[spmem:s2] =	stream.indirect.scatter.add.f32 [tilespmem:s1], [sflag:$0x2], $0x80, s5, s22, $0xb8;
	v63 =	vld [tilespmem:$0x0]  }
0xdb: {  	p0 =	seq.s32 s0, $0x18  }
.Ltmp18:
0xdc: {  	_ = 	snop;
	(pc) =	sbr.rel @p0 .LBB2_31-.Ltmp18, $1  }
0xdd: {  	_ =	sdelay $0x3  }
.Ltmp19:
0xde: {  	(pc) =	sbr.rel .LBB2_30-.Ltmp19, $2  }
0xdf: {  	_ =	sdelay $0x2  }
0xe0: {  	s1 =	sadd.s32 $0x1, s0  }
.LBB2_31:
0xe1: {  	_ =	swait.ge [sflag:s21], $0xC80  }
0xe2: {  	[sflag:s21] =	ssyncset.done $0x0  }
0xe3: {  	[sflag:s21] =	ssyncadd.s32 $0xFFFFF380  }
0xe4: {  	_ =	swait.ge [sflag:s21], $0xC80  }
0xe5: {  	[sflag:s21] =	ssyncset.done $0x0  }
0xe6: {  	[sflag:s21] =	ssyncadd.s32 $0xFFFFF380  }
0xe7: {  	_ =	swait.ge [sflag:s28], $0x2800  }
0xe8: {  	s30 =	simm.s32 $0x0;
	[sflag:s28] =	ssyncset.done $0x0  }
0xe9: {  	s0 =	simm.s32 $0x80;
	s1 =	simm.s32 $0x2000;
	[sflag:s28] =	ssyncadd.s32 $0xFFFFD800  }
0xea: {  	[tilespmem:s29], [sflag:$0x1] =	stream.indirect.gather [hbm4b:s4+s22], $0x80, s30, s22, $0xb8;
	v63 =	vld [tilespmem:$0x0]  }
.LBB2_32:
0xeb: {  	s5 =	sadd.s32 $0x64, s30  }
0xec: {  	s6 =	sand.u32 $0xFF, s5  }
0xed: {  	s6 =	smul.u32 $0xAB, s6;
	_ =	sdelay $0x1  }
0xee: {  	s6 =	sshrl.u32 s6, $0x9  }
0xef: {  	s6 =	smul.u32 $0x3, s6;
	_ =	sdelay $0x1  }
0xf0: {  	p0 =	seq.s32 s30, $0x18;
	s5 =	ssub.s32 s5, s6  }
0xf1: {  	s6 =	sadd.s32 @!p0 $0x65, s30;
	s5 =	sand.u32 $0xFF, s5  }
0xf2: {  	s16 =	sand.u32 @!p0 $0xFF, s6;
	s5 =	smul.u32 $0xA000, s5  }
0xf3: {  	s16 =	smul.u32 @!p0 $0xAB, s16  }
0xf4: {  	_ =	swait.ge [sflag:s24], $0x2800  }
0xf5: {  	[sflag:s24] =	ssyncset.done $0x0;
	s5 =	sshrl.u32 s5, $0x2;
	s16 =	sshrl.u32 @!p0 s16, $0x9  }
0xf6: {  	[sflag:s24] =	ssyncadd.s32 $0xFFFFD800;
	s5 =	sadd.s32 $0x4000, s5;
	s16 =	smul.u32 @!p0 $0x3, s16  }
0xf7: {  	[spmem:s2] =	stream.indirect.scatter.add.f32 [tilespmem:s5], [sflag:$0x2], $0x80, s1, s22, $0xb8;
	v63 =	vld [tilespmem:$0x0]  }
0xf8: {  	s30 =	sadd.s32 @!p0 $0x1, s30;
	s5 =	ssub.s32 @!p0 s6, s16  }
0xf9: {  	p1 =	sne.s32 @!p0 s30, $0x19;
	s5 =	sand.u32 @!p0 $0xFF, s5  }
0xfa: {  	p1 =	por p0, !p1;
	s6 =	simm.s32 @!p0 $0x2;
	s5 =	smul.u32 @!p0 $0xA000, s5  }
.Ltmp20:
0xfb: {  	_ =	swait.ge @!p0 [sflag:s6], $0x2800;
	(pc) =	sbr.rel @!p1 .LBB2_32-.Ltmp20, $4  }
0xfc: {  	[sflag:s6] =	ssyncset.done @!p0 $0x0;
	s5 =	sshrl.u32 @!p0 s5, $0x2  }
0xfd: {  	[sflag:s6] =	ssyncadd.s32 @!p0 $0xFFFFD800;
	s6 =	simm.s32 @!p0 $0x50;
	s5 =	sadd.s32 @!p0 $0x4000, s5  }
0xfe: {  	[tilespmem:s5], [sflag:$0x1] =	stream.indirect.gather @!p0 [hbm4b:s4+s6], $0x80, s0, s6, $0xb8;
	v63 =	vld [tilespmem:$0x0]  }
0xff: {  	s1 =	sadd.s32 @!p0 $0x80, s1;
	s0 =	sadd.s32 @!p0 $0x80, s0  }
0x100: {  	_ =	swait.ge [sflag:s28], $0x2800  }
0x101: {  	[sflag:s28] =	ssyncset.done $0x0  }
0x102: {  	[sflag:s28] =	ssyncadd.s32 $0xFFFFD800  }
0x103: {  	_ =	swait.ge [sflag:s28], $0x2800  }
0x104: {  	s0 =	stileid.u32;
	[sflag:s28] =	ssyncset.done $0x0  }
0x105: {  	s1 =	sshrl.u32 s7, $0x3;
	s31 =	sadd.s32 $0x1, s31;
	[sflag:s28] =	ssyncadd.s32 $0xFFFFD800  }
0x106: {  	s0 =	sshll.u32 s0, $0x6;
	p0 =	sne.s32 s31, s17;
	[bflag:$0x0] =	sbarrier.arrive $0xFFFF  }
.Ltmp21:
0x107: {  	s0 =	sor.u32 $0x1C04, s0;
	s5 =	rddreg [dreg:$0x6];
	(pc) =	sbr.rel @p0 .LBB2_1-.Ltmp21, $4  }
0x108: {  	[hbm:s5], [sflag:s0] =	dma.local [spmem:s1], $0x2800  }
0x109: {  	_ =	swait.ge [sflag:s20], $0x2800  }
0x10a: {  	[sflag:s20] =	ssyncset.done $0x0  }
0x10b: {  	[sflag:s20] =	ssyncadd.s32 $0xFFFFD800  }
0x10c: {  	_ =	sfence.sel $0x180000  }
0x10d: {  	[bflag:$0x0] =	sbarrier.arrive $0xFFFF  }
0x10e: {  	_ =	strace $0x9000004A  }
0x10f: {  	s0 =	stileid.u32;
	[bflag:$0x2] =	sbarrier.arrive $0xFFFF  }
0x110: {  	p0 =	sne.s32 s0, $0x0;
	s0 =	rddreg [dreg:$0x3]  }
0x111: {  	s0 =	sadd.s32 @!p0 $0x100000, s0  }
0x112: {  	[sflag:s0] =	ssyncadd.tile.s32 @!p0 $0x1;
	_ =	shalt  }
.Lfunc_end2:
_tile_overlayer_lowered:
.L_overlay_start_2:
0x113: {  	(tag) =	ssettag $0x2  }
0x114: {  	s0 =	rddreg [dreg:$0x0];
	s2 =	stileid.u32  }
0x115: {  	s1 =	rddreg [dreg:$0x1];
	p0 =	sne.s32 s2, $0x0  }
0x116: {  	s3 =	rddreg [dreg:$0x2];
	[bflag:$0x3] =	sbarrier.arrive $0xFFFF;
	s2 =	simm.s32 @!p0 $0x1C04  }
0x117: {  	[timem:s3], [sflag:s2] =	dma.local @!p0 [hbm:s0], s1  }
0x118: {  	s0 =	simm.s32 @!p0 $0x4  }
0x119: {  	_ =	swait.ge @!p0 [sflag:s0], s1  }
0x11a: {  	s1 =	ssub.s32 @!p0 $0x0, s1;
	[sflag:s0] =	ssyncset.done @!p0 $0x0  }
0x11b: {  	[sflag:s0] =	ssyncadd.s32 @!p0 s1  }
0x11c: {  	[bflag:$0x3] =	sbarrier.arrive $0xFFFF  }
0x11d: {  	_ =	shalt  }

// kernel: kernel.14.cloned.1.call-start
scs
__scs_entry_jumppad:
0x0: {  	(pc) =	sbr.rel $0x88, $3  }
0x1: {  	(tag) =	ssettag $0x0;
	lr =	simm.s32 $0x1  }
0x2: {  	[smem:$0x3F9B] =	sst lr;
	_ =	strace $0xD0000000  }
0x3: {  	_ = 	snop  }
0x4: {  	_ = 	snop  }
0x5: {  	_ = 	snop  }
0x6: {  	_ = 	snop  }
0x7: {  	_ = 	snop  }
__scs_overlays_trampoline_lowered:
0x8: {  	[smem:$0x3FAA] =	sst s0  }
0x9: {  	[smem:$0x3FAB] =	sst s1  }
0xa: {  	[smem:$0x3FAC] =	sst s2  }
0xb: {  	[smem:$0x3FAD] =	sst s3  }
0xc: {  	[smem:$0x3FAE] =	sst s4  }
0xd: {  	[smem:$0x3FAF] =	sst s5  }
0xe: {  	[smem:$0x3FB0] =	sst s6  }
0xf: {  	[smem:$0x3FB1] =	sst s7  }
0x10: {  	[smem:$0x3FB2] =	sst s8  }
0x11: {  	[smem:$0x3FB3] =	sst s9;
	s0 =	simm.s32 @!p0 $0x0  }
0x12: {  	s1 =	sld [smem:$0x3F99];
	s0 =	simm.s32 @p0 $0x1  }
0x13: {  	[smem:$0x3FB4] =	sst s0;
	s0 =	simm.s32 @!p1 $0x0  }
0x14: {  	s2 =	sld [smem:$0x3F98];
	s0 =	simm.s32 @p1 $0x1  }
0x15: {  	[smem:$0x3FB5] =	sst s0;
	s0 =	simm.s32 @!p2 $0x0  }
0x16: {  	s3 =	sld [smem:$0x3FDB];
	s0 =	simm.s32 @p2 $0x1  }
0x17: {  	s4 =	simm.s32 $0x1BF5;
	[smem:$0x3FB7] =	sst s0  }
0x18: {  	s0 =	sld [smem:$0x3F9A];
	_ =	swait.ge [sflag:s4], $0x0  }
0x19: {  	s7 =	sld [smem:$0x3F9B]  }
0x1a: {  	s8 =	sadd.s32 $0xFFFFE003, lr  }
0x1b: {  	s9 =	sadd.s32 $0xFFFFFEF7, lr;
	s5 =	simm.s32 $0xFFFFFFFF;
	p2 =	slt.u32 s8, $0xFFFFF086  }
0x1c: {  	p1 =	slt.u32 s9, $0xF7A;
	s5 =	simm.s32 @!p2 $0x0  }
0x1d: {  	s5 =	simm.s32 @p1 $0x1;
	p0 =	seq.s32 s7, s2  }
0x1e: {  	s7 =	smul.u32 @!p0 $0xF7A, s2;
	p2 =	seq.s32 @!p0 s5, $0x0  }
0x1f: {  	s9 =	smul.u32 $0xF7A, s1;
	s8 =	simm.s32 @!p0 $0x1BF5;
	p2 =	por !p2, p0  }
0x20: {  	[sflag:s8] =	ssyncset.s32 @!p0 $0xFFFFF086;
	s6 =	sadd.s32 @!p0 s3, s7;
	s7 =	simm.s32 @!p0 $0x108  }
0x21: {  	s3 =	sadd.s32 s3, s9;
	s6 =	sadd.s32 @!p0 $0x88, s6;
	s7 =	simm.s32 @p2 $0x1082  }
0x22: {  	[simem:s7], [sflag:s8] =	dma.local @!p0 [hbm:s6], $0xF7A  }
0x23: {  	s9 =	sor.u32 $0xD0000000, s2;
	s6 =	simm.s32 $0x108;
	_ =	swait.ge @!p0 [sflag:s8], $0x0  }
0x24: {  	s3 =	sadd.s32 $0x88, s3;
	s6 =	simm.s32 @!p1 $0x1082;
	[sflag:s4] =	ssyncset.s32 $0xFFFFF086  }
0x25: {  	[simem:s6], [sflag:s4] =	dma.local [hbm:s3], $0xF7A  }
0x26: {  	[smem:$0x3F9B] =	sst s1;
	(tag) =	ssettag s2;
	_ =	strace s9  }
0x27: {  	s1 =	sld [smem:$0x3FAB]  }
0x28: {  	s2 =	sld [smem:$0x3FAC]  }
0x29: {  	s4 =	sld [smem:$0x3FAE]  }
0x2a: {  	p0 =	seq.s32 s5, $0x0;
	s5 =	sld [smem:$0x3FAF]  }
0x2b: {  	s6 =	sld [smem:$0x3FB0]  }
0x2c: {  	s7 =	sld [smem:$0x3FB1]  }
0x2d: {  	s3 =	simm.s32 $0x108;
	s8 =	sld [smem:$0x3FB2]  }
0x2e: {  	s3 =	simm.s32 @!p0 $0x1082;
	s9 =	sld [smem:$0x3FB3]  }
0x2f: {  	lr =	sadd.s32 s0, s3;
	s0 =	sld [smem:$0x3FAA]  }
0x30: {  	s3 =	sld [smem:$0x3FAD]  }
0x31: {  	[smem:$0x3FB6] =	sst s10  }
0x32: {  	s10 =	sld [smem:$0x3FB4];
	_ =	sdelay $0x3  }
0x33: {  	p0 =	seq.s32 s10, $0x1;
	s10 =	sld [smem:$0x3FB6];
	_ =	sdelay $0x3  }
0x34: {  	[smem:$0x3FB6] =	sst s10  }
0x35: {  	s10 =	sld [smem:$0x3FB5];
	_ =	sdelay $0x3  }
0x36: {  	p1 =	seq.s32 s10, $0x1;
	s10 =	sld [smem:$0x3FB6];
	_ =	sdelay $0x3  }
0x37: {  	[smem:$0x3FB6] =	sst s10  }
0x38: {  	s10 =	sld [smem:$0x3FB7]  }
0x39: {  	_ = 	snop;
	(pc) =	sbr.ind lr, $3  }
0x3a: {  	_ = 	snop  }
0x3b: {  	_ = 	snop  }
0x3c: {  	p2 =	seq.s32 s10, $0x1;
	s10 =	sld [smem:$0x3FB6]  }
0x3d: {  	_ =	shalt  }
0x3e: {  	_ =	shalt  }
0x3f: {  	_ =	shalt  }
0x40: {  	_ =	shalt  }
0x41: {  	_ =	shalt  }
0x42: {  	_ =	shalt  }
0x43: {  	_ =	shalt  }
0x44: {  	_ =	shalt  }
0x45: {  	_ =	shalt  }
0x46: {  	_ =	shalt  }
0x47: {  	_ =	shalt  }
0x48: {  	_ =	shalt  }
0x49: {  	_ =	shalt  }
0x4a: {  	_ =	shalt  }
0x4b: {  	_ =	shalt  }
0x4c: {  	_ =	shalt  }
0x4d: {  	_ =	shalt  }
0x4e: {  	_ =	shalt  }
0x4f: {  	_ =	shalt  }
0x50: {  	_ =	shalt  }
0x51: {  	_ =	shalt  }
0x52: {  	_ =	shalt  }
0x53: {  	_ =	shalt  }
0x54: {  	_ =	shalt  }
0x55: {  	_ =	shalt  }
0x56: {  	_ =	shalt  }
0x57: {  	_ =	shalt  }
0x58: {  	_ =	shalt  }
0x59: {  	_ =	shalt  }
0x5a: {  	_ =	shalt  }
0x5b: {  	_ =	shalt  }
0x5c: {  	_ =	shalt  }
0x5d: {  	_ =	shalt  }
0x5e: {  	_ =	shalt  }
0x5f: {  	_ =	shalt  }
0x60: {  	_ =	shalt  }
0x61: {  	_ =	shalt  }
0x62: {  	_ =	shalt  }
0x63: {  	_ =	shalt  }
0x64: {  	_ =	shalt  }
0x65: {  	_ =	shalt  }
0x66: {  	_ =	shalt  }
0x67: {  	_ =	shalt  }
0x68: {  	_ =	shalt  }
0x69: {  	_ =	shalt  }
0x6a: {  	_ =	shalt  }
0x6b: {  	_ =	shalt  }
0x6c: {  	_ =	shalt  }
0x6d: {  	_ =	shalt  }
0x6e: {  	_ =	shalt  }
0x6f: {  	_ =	shalt  }
0x70: {  	_ =	shalt  }
0x71: {  	_ =	shalt  }
0x72: {  	_ =	shalt  }
0x73: {  	_ =	shalt  }
0x74: {  	_ =	shalt  }
0x75: {  	_ =	shalt  }
0x76: {  	_ =	shalt  }
0x77: {  	_ =	shalt  }
0x78: {  	_ =	shalt  }
0x79: {  	_ =	shalt  }
0x7a: {  	_ =	shalt  }
0x7b: {  	_ =	shalt  }
0x7c: {  	_ =	shalt  }
0x7d: {  	_ =	shalt  }
0x7e: {  	_ =	shalt  }
0x7f: {  	_ =	shalt  }
0x80: {  	_ =	shalt  }
0x81: {  	_ =	shalt  }
0x82: {  	_ =	shalt  }
0x83: {  	_ =	shalt  }
0x84: {  	_ =	shalt  }
0x85: {  	_ =	shalt  }
0x86: {  	_ =	shalt  }
0x87: {  	_ =	shalt  }
.Lfunc_end0:
.L_simem_size_0:
called_computation.2_lowered:
.L_overlay_start_0:
0x88: {  	s2 =	sld [smem:$0x3FD9]  }
0x89: {  	s3 =	sld [smem:$0x3FFE];
	_ =	sdelay $0x1  }
0x8a: {  	s1 =	srdreg.scid  }
0x8b: {  	s0 =	sand.u32 $0x1, s1  }
0x8c: {  	s17 =	sshll.u32 s0, $0xA;
	s2 =	sadd.s32 s3, s2  }
0x8d: {  	s2 =	sadd.s32 s2, s17  }
0x8e: {  	[smem:$0x3FC2] =	sst s2  }
0x8f: {  	_ = 	snop  }
0x90: {  	s2 =	sld [smem:$0x3FD0];
	(tm) =	ssettm $0x1  }
0x91: {  	s18 =	sld [smem:$0x3FFB];
	_ =	sdelay $0x3  }
0x92: {  	_ =	strace s18  }
0x93: {  	s3 =	sld [smem:$0x3FFC];
	_ =	sdelay $0x3  }
0x94: {  	_ =	strace s3  }
0x95: {  	s3 =	sld [smem:$0x3FFD];
	_ =	sdelay $0x3  }
0x96: {  	_ =	strace s3  }
0x97: {  	_ =	strace $0x8FFFFFFF  }
0x98: {  	s19 =	sld [smem:$0x3FDB];
	_ =	sdelay $0x1  }
0x99: {  	s4 =	simm.s32 $_scs_section_size  }
0x9a: {  	s5 =	simm.s32 $_size__tile_overlayer_lowered;
	s6 =	simm.s32 $_tile_overlayer_lowered  }
0x9b: {  	s22 =	simm.s32 $0x1BFF;
	s21 =	sshll.u32 s6, $0x1;
	s3 =	sadd.s32 s4, s19  }
0x9c: {  	s7 =	simm.s32 $0x0;
	s20 =	sshll.u32 s5, $0x1;
	s5 =	sadd.s32 s21, s3  }
0x9d: {  	[timem:s7], [sflag:s22] =	dma.local [hbm:s5], s20  }
0x9e: {  	_ =	swait.ge [sflag:s22], s20  }
0x9f: {  	s4 =	ssub.s32 $0x0, s20;
	[sflag:s22] =	ssyncset.done $0x0  }
0xa0: {  	[sflag:s22] =	ssyncadd.s32 s4;
	_ =	sdelay $0x1  }
0xa1: {  	s23 =	simm.s32 $0x1B8B  }
0xa2: {  	_ =	swait.ge [sflag:s23], $0x1  }
0xa3: {  	[sflag:s23] =	ssyncset.done $0x0  }
0xa4: {  	s25 =	simm.s32 $0x1B8E;
	s24 =	sld [smem:$0x3FFE];
	[sflag:s23] =	ssyncadd.s32 $0xFFFFFFFF  }
0xa5: {  	s26 =	simm.s32 $execute0_lowered;
	[smem:$0x3FD2] =	sst s25  }
0xa6: {  	s5 =	sshll.u32 s26, $0x1;
	_ =	strace $0x8000004C;
	[dreg:$0x1] =	wrdreg $0xFFFFFFFF  }
0xa7: {  	s28 =	simm.s32 $_size_execute0_lowered;
	s3 =	sadd.s32 s3, s5;
	[dreg:$0x0] =	wrdreg $0x0  }
0xa8: {  	s5 =	sshll.u32 s28, $0x1;
	[dreg:$0x2] =	wrdreg s3  }
0xa9: {  	[dreg:$0x3] =	wrdreg s5  }
0xaa: {  	[dreg:$0x4] =	wrdreg $0xC0  }
0xab: {  	_ =	task [dreg:s7], $0x5FFFF  }
0xac: {  	[dreg:$0x1] =	wrdreg $0xFFFFFFFF  }
0xad: {  	[dreg:$0x0] =	wrdreg $0x60  }
0xae: {  	[dreg:$0x2] =	wrdreg s24  }
0xaf: {  	[dreg:$0x3] =	wrdreg s2  }
0xb0: {  	[dreg:$0x4] =	wrdreg $0xC0000  }
0xb1: {  	[dreg:$0x5] =	wrdreg $0x9  }
0xb2: {  	_ =	task.clear_ibuf [dreg:s7], $0x6FFFF;
	_ =	strace $0x9000004C  }
0xb3: {  	s29 =	simm.s32 $0x9;
	_ =	strace $0x8000004E  }
0xb4: {  	_ =	swait.ge [sflag:s29], $0x1  }
0xb5: {  	[sflag:s29] =	ssyncadd.s32 $0xFFFFFFFF  }
0xb6: {  	_ =	strace $0x9000004E  }
0xb7: {  	_ =	sfence  }
0xb8: {  	s30 =	sld [smem:$0x0];
	_ =	sdelay $0x2  }
0xb9: {  	s31 =	sshll.u32 s1, $0xD;
	s1 =	sshrl.u32 s1, $0x2  }
0xba: {  	s3 =	sand.u32 $0x4000, s31;
	s1 =	sadd.s32 s1, s30  }
0xbb: {  	s0 =	sor.u32 s3, s0;
	s1 =	sshll.u32 s1, $0x11  }
0xbc: {  	s0 =	sor.u32 s1, s0  }
0xbd: {  	s0 =	sadd.s32 $0x8F2B, s0  }
0xbe: {  	[sflag:s0] =	ssyncadd.remote.s32 $0x1  }
0xbf: {  	_ =	sfence.sel $0xFFFF  }
0xc0: {  	[dreg:$0x0] =	wrdreg $0xFFFFFFFF;
	(pc) =	sbr.abs _section_cstart, $3  }
0xc1: {  	[dreg:$0x1] =	wrdreg $0xFFFFFFFF  }
0xc2: {  	_ =	task.clear_ibuf [dreg:s7], $0x2FFFF;
	_ =	strace $0x9FFFFFFF  }
0xc3: {  	(tm) =	ssettm $0x7FFFFFFF  }
tec
execute0_lowered:
.L_overlay_start_1:
0x0: {  	(tag) =	ssettag $0x1  }
0x1: {  	s0 =	rddreg [dreg:$0x0]  }
0x2: {  	s1 =	rddreg [dreg:$0x1]  }
0x3: {  	s2 =	rddreg [dreg:$0x2]  }
0x4: {  	s3 =	srdreg.scid;
	s9 =	stileid.u32  }
0x5: {  	s18 =	simm.s32 $0x2000;
	s19 =	simm.s32 $0xB800;
	s20 =	simm.s32 $0x4  }
0x6: {  	s21 =	simm.s32 $0x3;
	s28 =	simm.s32 $0x2;
	s29 =	simm.s32 $0x6800  }
0x7: {  	s31 =	simm.s32 $0x0;
	s5 =	sand.u32 $0x1, s3;
	s6 =	smul.u32 $0x2800, s9  }
0x8: {  	s3 =	simm.s32 $0x0;
	s15 =	sadd.s32 $0x16400, s0;
	s23 =	smul.u32 $0x50000, s9  }
0x9: {  	s4 =	sshll.u32 s5, $0x4;
	[smem:$0x7FF] =	sst s3;
	s7 =	smul.u32 $0x28000, s5  }
0xa: {  	s5 =	ssub.s32 $0x2, s5;
	s8 =	sor.u32 s9, s4;
	_ =	strace $0x8000004D  }
0xb: {  	s4 =	sadd.s32 $0x2A400, s0;
	s22 =	sshrl.u32 s5, $0x1;
	s26 =	sshrl.u32 s23, $0x2  }
0xc: {  	s23 =	simm.s32 $0x4000;
	s8 =	smul.u32 $0x5000, s8;
	s6 =	sadd.s32 s6, s7  }
0xd: {  	s17 =	ssub.s32 s5, s22;
	s7 =	sadd.s32 s26, s2;
	s22 =	simm.s32 $0x50  }
0xe: {  	s26 =	simm.s32 $0x3000;
	s0 =	sadd.s32 s6, s0;
	s13 =	sshrl.u32 s8, $0x3  }
0xf: {  	s17 =	smax.u32 s17, $0x1;
	s0 =	sadd.s32 $0x52400, s0;
	s24 =	sadd.s32 s1, s13  }
0x10: {  	s25 =	sadd.s32 s15, s13;
	s30 =	sadd.s32 $0x200, s13;
	[dreg:$0x6] =	wrdreg s0  }
0x11: {  	s11 =	sadd.s32 $0x400, s13;
	s14 =	sadd.s32 $0x600, s13;
	[dreg:$0x4] =	wrdreg s24  }
0x12: {  	s16 =	sadd.s32 $0x800, s13;
	[dreg:$0x5] =	wrdreg s25;
	s8 =	sadd.s32 s1, s30  }
0x13: {  	s9 =	sadd.s32 s15, s30;
	s10 =	sadd.s32 s1, s11;
	s11 =	sadd.s32 s15, s11  }
0x14: {  	s12 =	sadd.s32 s1, s14;
	s13 =	sadd.s32 s15, s14;
	s14 =	sadd.s32 s1, s16  }
0x15: {  	v0 =	vimm.f32 $0.0e+00;
	s15 =	sadd.s32 s15, s16;
	s24 =	simm.s32 $0x1;
	s25 =	simm.s32 $0x1000  }
.LBB2_1:
0x16: {  	s0 =	rddreg [dreg:$0x4]  }
0x17: {  	[tilespmem:s3], [sflag:$0x3] =	stream.linear.gather [hbm4b:s0+s3], $0xC80, $0x38;
	v63 =	vld [tilespmem:$0x0]  }
0x18: {  	s30 =	rddreg [dreg:$0x5];
	s1 =	simm.s32 $0x0;
	s0 =	simm.s32 $0x0  }
0x19: {  	[tilespmem:s18], [sflag:$0x3] =	stream.linear.gather [hbm4b:s30+s3], $0xC80, $0x38;
	v63 =	vld [tilespmem:$0x0]  }
.LBB2_2:
0x1a: {  	p0 =	sne.s32 s1, $0x1FC0  }
.Ltmp0:
0x1b: {  	_ = 	snop;
	(pc) =	sbr.rel @p0 .LBB2_2-.Ltmp0, $4  }
0x1c: {  	s30 =	sand.u32 $0x1E00, s1  }
0x1d: {  	s5 =	sand.u32 $0x70, s0;
	s30 =	sshrl.u32 s30, $0x2  }
0x1e: {  	s5 =	sor.u32 s5, s30  }
0x1f: {  	s0 =	sadd.s32 $0x10, s0;
	s1 =	sadd.s32 $0x40, s1;
	[tilespmem:s5+$0xB800] =	vst v0  }
0x20: {  	s0 =	sadd.s32 $0x0, s7  }
0x21: {  	[spmem:s0] =	stream.linear.scatter [tilespmem:s19], [sflag:$0x4], $0x800, $0x38;
	v63 =	vld [tilespmem:$0x0]  }
0x22: {  	s0 =	simm.s32 $0x2000;
	_ =	swait.ge [sflag:s20], $0x800  }
.LBB2_4:
0x23: {  	s1 =	sshra.s32 s0, $0x2;
	[sflag:s20] =	ssyncset.done $0x0;
	p0 =	sne.s32 s0, $0x4E000  }
.Ltmp1:
0x24: {  	s1 =	sadd.s32 s1, s7;
	[sflag:s20] =	ssyncadd.s32 $0xFFFFF800;
	(pc) =	sbr.rel @p0 .LBB2_4-.Ltmp1, $3  }
0x25: {  	[spmem:s1] =	stream.linear.scatter [tilespmem:s19], [sflag:$0x4], $0x800, $0x38;
	v63 =	vld [tilespmem:$0x0]  }
0x26: {  	s0 =	sadd.s32 $0x2000, s0;
	_ =	sdelay $0x1  }
0x27: {  	_ =	swait.ge [sflag:s20], $0x800  }
0x28: {  	[sflag:s20] =	ssyncset.done $0x0  }
0x29: {  	[sflag:s20] =	ssyncadd.s32 $0xFFFFF800  }
0x2a: {  	[bflag:$0x0] =	sbarrier.arrive $0xFFFF  }
0x2b: {  	_ =	swait.ge [sflag:s21], $0xC80  }
0x2c: {  	[sflag:s21] =	ssyncset.done $0x0  }
.Ltmp2:
0x2d: {  	[sflag:s21] =	ssyncadd.s32 $0xFFFFF380;
	(pc) =	sbr.rel .LBB2_6-.Ltmp2, $4  }
0x2e: {  	_ =	swait.ge [sflag:s21], $0xC80  }
0x2f: {  	[sflag:s21] =	ssyncset.done $0x0  }
0x30: {  	s0 =	simm.s32 $0x0;
	[sflag:s21] =	ssyncadd.s32 $0xFFFFF380  }
0x31: {  	[tilespmem:s23], [sflag:$0x1] =	stream.indirect.gather [hbm4b:s4+s22], $0x80, s0, s22, $0xb8;
	v63 =	vld [tilespmem:$0x0]  }
.LBB2_7:
0x32: {  	[tilespmem:s25], [sflag:$0x3] =	stream.linear.gather [hbm4b:s8+s3], $0xC80, $0x38;
	v63 =	vld [tilespmem:$0x0]  }
0x33: {  	s1 =	simm.s32 $0x3  }
0x34: {  	[tilespmem:s26], [sflag:$0x3] =	stream.linear.gather [hbm4b:s9+s3], $0xC80, $0x38;
	v63 =	vld [tilespmem:$0x0]  }
.LBB2_11:
0x35: {  	_ =	swait.ge [sflag:s28], $0x2800  }
0x36: {  	[sflag:s28] =	ssyncset.done $0x0  }
0x37: {  	[sflag:s28] =	ssyncadd.s32 $0xFFFFD800  }
.LBB2_12:
0x38: {  	s0 =	smul.u32 $0xAB, s1;
	_ =	sdelay $0x1  }
0x39: {  	s0 =	sshrl.u32 s0, $0x9  }
0x3a: {  	s0 =	sand.u32 $0x7F, s0  }
0x3b: {  	s0 =	smul.u32 $0x3, s0;
	_ =	sdelay $0x1  }
0x3c: {  	s0 =	ssub.s32 s1, s0  }
0x3d: {  	s0 =	sand.u32 $0xFF, s0  }
0x3e: {  	p0 =	slt.u32 s1, $0x19;
	s0 =	smul.u32 $0xA000, s0  }
.Ltmp3:
0x3f: {  	_ = 	snop;
	(pc) =	sbr.rel @!p0 .LBB2_13-.Ltmp3, $4  }
0x40: {  	s5 =	sshll.u32 s1, $0x7;
	s0 =	sshrl.u32 s0, $0x2  }
0x41: {  	s5 =	sand.u32 $0x3FFFFF80, s5;
	s0 =	sadd.s32 $0x4000, s0  }
0x42: {  	[tilespmem:s0], [sflag:$0x1] =	stream.indirect.gather [hbm4b:s4+s22], $0x80, s5, s22, $0xb8;
	v63 =	vld [tilespmem:$0x0]  }
0x43: {  	s0 =	smov.u32 s1  }
.LBB2_6:
0x44: {  	s1 =	smul.u32 $0xAB, s0;
	_ =	sdelay $0x1  }
0x45: {  	s1 =	sshrl.u32 s1, $0x9  }
0x46: {  	s1 =	sand.u32 $0x7F, s1  }
0x47: {  	s1 =	smul.u32 $0x3, s1;
	_ =	sdelay $0x1  }
0x48: {  	s1 =	ssub.s32 s0, s1  }
0x49: {  	s1 =	sand.u32 $0xFF, s1  }
0x4a: {  	p0 =	sne.s32 s0, $0x2;
	s1 =	smul.u32 $0xA000, s1  }
.Ltmp4:
0x4b: {  	_ = 	snop;
	(pc) =	sbr.rel @!p0 .LBB2_7-.Ltmp4, $4  }
0x4c: {  	_ =	swait.ge [sflag:s24], $0x2800;
	s5 =	sshll.u32 s0, $0x7  }
0x4d: {  	[sflag:s24] =	ssyncset.done $0x0;
	s5 =	sand.u32 $0x3FFFFF80, s5;
	s1 =	sshrl.u32 s1, $0x2  }
0x4e: {  	[sflag:s24] =	ssyncadd.s32 $0xFFFFD800;
	s5 =	sadd.s32 $0x2000, s5;
	s1 =	sadd.s32 $0x4000, s1  }
0x4f: {  	[spmem:s2] =	stream.indirect.scatter.add.f32 [tilespmem:s1], [sflag:$0x2], $0x80, s5, s22, $0xb8;
	v63 =	vld [tilespmem:$0x0]  }
0x50: {  	p0 =	seq.s32 s0, $0x0  }
.Ltmp5:
0x51: {  	_ = 	snop;
	(pc) =	sbr.rel @p0 .LBB2_12-.Ltmp5, $2  }
0x52: {  	_ =	sdelay $0x2  }
0x53: {  	s1 =	simm.s32 $0x1  }
0x54: {  	p0 =	seq.s32 s0, $0x18  }
.Ltmp6:
0x55: {  	_ = 	snop;
	(pc) =	sbr.rel @p0 .LBB2_13-.Ltmp6, $1  }
0x56: {  	_ =	sdelay $0x3  }
.Ltmp7:
0x57: {  	(pc) =	sbr.rel .LBB2_11-.Ltmp7, $2  }
0x58: {  	_ =	sdelay $0x2  }
0x59: {  	s1 =	sadd.s32 $0x1, s0  }
.LBB2_13:
0x5a: {  	_ =	swait.ge [sflag:s21], $0xC80  }
0x5b: {  	[sflag:s21] =	ssyncset.done $0x0  }
0x5c: {  	[sflag:s21] =	ssyncadd.s32 $0xFFFFF380  }
0x5d: {  	_ =	swait.ge [sflag:s21], $0xC80  }
0x5e: {  	[sflag:s21] =	ssyncset.done $0x0  }
.Ltmp8:
0x5f: {  	[sflag:s21] =	ssyncadd.s32 $0xFFFFF380;
	(pc) =	sbr.rel .LBB2_14-.Ltmp8, $4  }
0x60: {  	_ =	swait.ge [sflag:s28], $0x2800  }
0x61: {  	[sflag:s28] =	ssyncset.done $0x0  }
0x62: {  	s0 =	simm.s32 $0x0;
	[sflag:s28] =	ssyncadd.s32 $0xFFFFD800  }
0x63: {  	[tilespmem:s29], [sflag:$0x1] =	stream.indirect.gather [hbm4b:s4+s22], $0x80, s25, s22, $0xb8;
	v63 =	vld [tilespmem:$0x0]  }
.LBB2_15:
0x64: {  	[tilespmem:s3], [sflag:$0x3] =	stream.linear.gather [hbm4b:s10+s3], $0xC80, $0x38;
	v63 =	vld [tilespmem:$0x0]  }
0x65: {  	s1 =	simm.s32 $0x3  }
0x66: {  	[tilespmem:s18], [sflag:$0x3] =	stream.linear.gather [hbm4b:s11+s3], $0xC80, $0x38;
	v63 =	vld [tilespmem:$0x0]  }
.LBB2_18:
0x67: {  	s0 =	sadd.s32 $0x1A, s0  }
0x68: {  	s5 =	sand.u32 $0xFF, s0  }
0x69: {  	s5 =	smul.u32 $0xAB, s5;
	_ =	sdelay $0x1  }
0x6a: {  	s5 =	sshrl.u32 s5, $0x9  }
0x6b: {  	s5 =	smul.u32 $0x3, s5;
	_ =	sdelay $0x1  }
0x6c: {  	s0 =	ssub.s32 s0, s5  }
0x6d: {  	s0 =	sand.u32 $0xFF, s0  }
0x6e: {  	s0 =	smul.u32 $0xA000, s0  }
0x6f: {  	_ =	swait.ge [sflag:s28], $0x2800;
	s30 =	sshll.u32 s1, $0x7  }
0x70: {  	[sflag:s28] =	ssyncset.done $0x0;
	s5 =	sand.u32 $0x3FFFFF80, s30;
	s0 =	sshrl.u32 s0, $0x2  }
0x71: {  	[sflag:s28] =	ssyncadd.s32 $0xFFFFD800;
	s5 =	sadd.s32 $0x1000, s5;
	s0 =	sadd.s32 $0x4000, s0  }
0x72: {  	[tilespmem:s0], [sflag:$0x1] =	stream.indirect.gather [hbm4b:s4+s22], $0x80, s5, s22, $0xb8;
	v63 =	vld [tilespmem:$0x0]  }
0x73: {  	s0 =	smov.u32 s1  }
.LBB2_14:
0x74: {  	s1 =	sadd.s32 $0x19, s0  }
0x75: {  	s5 =	sand.u32 $0xFF, s1  }
0x76: {  	s5 =	smul.u32 $0xAB, s5;
	_ =	sdelay $0x1  }
0x77: {  	s5 =	sshrl.u32 s5, $0x9  }
0x78: {  	s5 =	smul.u32 $0x3, s5;
	_ =	sdelay $0x1  }
0x79: {  	s1 =	ssub.s32 s1, s5  }
0x7a: {  	s1 =	sand.u32 $0xFF, s1  }
0x7b: {  	p0 =	sne.s32 s0, $0x2;
	s1 =	smul.u32 $0xA000, s1  }
.Ltmp9:
0x7c: {  	_ = 	snop;
	(pc) =	sbr.rel @!p0 .LBB2_15-.Ltmp9, $4  }
0x7d: {  	_ =	swait.ge [sflag:s24], $0x2800;
	s30 =	sshll.u32 s0, $0x7  }
0x7e: {  	[sflag:s24] =	ssyncset.done $0x0;
	s5 =	sand.u32 $0x3FFFFF80, s30;
	s1 =	sshrl.u32 s1, $0x2  }
0x7f: {  	[sflag:s24] =	ssyncadd.s32 $0xFFFFD800;
	s5 =	sadd.s32 $0x3000, s5;
	s1 =	sadd.s32 $0x4000, s1  }
0x80: {  	[spmem:s2] =	stream.indirect.scatter.add.f32 [tilespmem:s1], [sflag:$0x2], $0x80, s5, s22, $0xb8;
	v63 =	vld [tilespmem:$0x0]  }
0x81: {  	p0 =	seq.s32 s0, $0x18  }
.Ltmp10:
0x82: {  	_ = 	snop;
	(pc) =	sbr.rel @p0 .LBB2_19-.Ltmp10, $1  }
0x83: {  	_ =	sdelay $0x3  }
.Ltmp11:
0x84: {  	(pc) =	sbr.rel .LBB2_18-.Ltmp11, $2  }
0x85: {  	_ =	sdelay $0x2  }
0x86: {  	s1 =	sadd.s32 $0x1, s0  }
.LBB2_19:
0x87: {  	_ =	swait.ge [sflag:s21], $0xC80  }
0x88: {  	[sflag:s21] =	ssyncset.done $0x0  }
0x89: {  	[sflag:s21] =	ssyncadd.s32 $0xFFFFF380  }
0x8a: {  	_ =	swait.ge [sflag:s21], $0xC80  }
0x8b: {  	[sflag:s21] =	ssyncset.done $0x0  }
.Ltmp12:
0x8c: {  	[sflag:s21] =	ssyncadd.s32 $0xFFFFF380;
	(pc) =	sbr.rel .LBB2_20-.Ltmp12, $4  }
0x8d: {  	_ =	swait.ge [sflag:s28], $0x2800  }
0x8e: {  	[sflag:s28] =	ssyncset.done $0x0  }
0x8f: {  	s0 =	simm.s32 $0x0;
	s1 =	simm.s32 $0x9000;
	[sflag:s28] =	ssyncadd.s32 $0xFFFFD800  }
0x90: {  	[tilespmem:s1], [sflag:$0x1] =	stream.indirect.gather [hbm4b:s4+s22], $0x80, s0, s22, $0xb8;
	v63 =	vld [tilespmem:$0x0]  }
.LBB2_21:
0x91: {  	[tilespmem:s25], [sflag:$0x3] =	stream.linear.gather [hbm4b:s12+s3], $0xC80, $0x38;
	v63 =	vld [tilespmem:$0x0]  }
0x92: {  	s1 =	simm.s32 $0x3  }
0x93: {  	[tilespmem:s26], [sflag:$0x3] =	stream.linear.gather [hbm4b:s13+s3], $0xC80, $0x38;
	v63 =	vld [tilespmem:$0x0]  }
.LBB2_24:
0x94: {  	s0 =	sadd.s32 $0x33, s0  }
0x95: {  	s5 =	sand.u32 $0xFF, s0  }
0x96: {  	s5 =	smul.u32 $0xAB, s5;
	_ =	sdelay $0x1  }
0x97: {  	s5 =	sshrl.u32 s5, $0x9  }
0x98: {  	s5 =	smul.u32 $0x3, s5;
	_ =	sdelay $0x1  }
0x99: {  	s0 =	ssub.s32 s0, s5  }
0x9a: {  	s0 =	sand.u32 $0xFF, s0  }
0x9b: {  	s0 =	smul.u32 $0xA000, s0  }
0x9c: {  	_ =	swait.ge [sflag:s28], $0x2800  }
0x9d: {  	s30 =	sshll.u32 s1, $0x7;
	[sflag:s28] =	ssyncset.done $0x0;
	s0 =	sshrl.u32 s0, $0x2  }
0x9e: {  	[sflag:s28] =	ssyncadd.s32 $0xFFFFD800;
	s5 =	sand.u32 $0x3FFFFF80, s30;
	s0 =	sadd.s32 $0x4000, s0  }
0x9f: {  	[tilespmem:s0], [sflag:$0x1] =	stream.indirect.gather [hbm4b:s4+s22], $0x80, s5, s22, $0xb8;
	v63 =	vld [tilespmem:$0x0]  }
0xa0: {  	s0 =	smov.u32 s1  }
.LBB2_20:
0xa1: {  	s1 =	sadd.s32 $0x32, s0  }
0xa2: {  	s5 =	sand.u32 $0xFF, s1  }
0xa3: {  	s5 =	smul.u32 $0xAB, s5;
	_ =	sdelay $0x1  }
0xa4: {  	s5 =	sshrl.u32 s5, $0x9  }
0xa5: {  	s5 =	smul.u32 $0x3, s5;
	_ =	sdelay $0x1  }
0xa6: {  	s1 =	ssub.s32 s1, s5  }
0xa7: {  	s1 =	sand.u32 $0xFF, s1  }
0xa8: {  	p0 =	sne.s32 s0, $0x2;
	s1 =	smul.u32 $0xA000, s1  }
.Ltmp13:
0xa9: {  	_ = 	snop;
	(pc) =	sbr.rel @!p0 .LBB2_21-.Ltmp13, $4  }
0xaa: {  	_ =	swait.ge [sflag:s24], $0x2800;
	s30 =	sshll.u32 s0, $0x7  }
0xab: {  	[sflag:s24] =	ssyncset.done $0x0;
	s5 =	sand.u32 $0x3FFFFF80, s30;
	s1 =	sshrl.u32 s1, $0x2  }
0xac: {  	[sflag:s24] =	ssyncadd.s32 $0xFFFFD800;
	s5 =	sadd.s32 $0x2000, s5;
	s1 =	sadd.s32 $0x4000, s1  }
0xad: {  	[spmem:s2] =	stream.indirect.scatter.add.f32 [tilespmem:s1], [sflag:$0x2], $0x80, s5, s22, $0xb8;
	v63 =	vld [tilespmem:$0x0]  }
0xae: {  	p0 =	seq.s32 s0, $0x18  }
.Ltmp14:
0xaf: {  	_ = 	snop;
	(pc) =	sbr.rel @p0 .LBB2_25-.Ltmp14, $1  }
0xb0: {  	_ =	sdelay $0x3  }
.Ltmp15:
0xb1: {  	(pc) =	sbr.rel .LBB2_24-.Ltmp15, $2  }
0xb2: {  	_ =	sdelay $0x2  }
0xb3: {  	s1 =	sadd.s32 $0x1, s0  }
.LBB2_25:
0xb4: {  	_ =	swait.ge [sflag:s21], $0xC80  }
0xb5: {  	[sflag:s21] =	ssyncset.done $0x0  }
0xb6: {  	[sflag:s21] =	ssyncadd.s32 $0xFFFFF380  }
0xb7: {  	_ =	swait.ge [sflag:s21], $0xC80  }
0xb8: {  	[sflag:s21] =	ssyncset.done $0x0  }
.Ltmp16:
0xb9: {  	[sflag:s21] =	ssyncadd.s32 $0xFFFFF380;
	(pc) =	sbr.rel .LBB2_26-.Ltmp16, $4  }
0xba: {  	_ =	swait.ge [sflag:s28], $0x2800  }
0xbb: {  	[sflag:s28] =	ssyncset.done $0x0  }
0xbc: {  	s0 =	simm.s32 $0x0;
	[sflag:s28] =	ssyncadd.s32 $0xFFFFD800  }
0xbd: {  	[tilespmem:s23], [sflag:$0x1] =	stream.indirect.gather [hbm4b:s4+s22], $0x80, s25, s22, $0xb8;
	v63 =	vld [tilespmem:$0x0]  }
.LBB2_27:
0xbe: {  	[tilespmem:s3], [sflag:$0x3] =	stream.linear.gather [hbm4b:s14+s3], $0xC80, $0x38;
	v63 =	vld [tilespmem:$0x0]  }
0xbf: {  	s1 =	simm.s32 $0x3  }
0xc0: {  	[tilespmem:s18], [sflag:$0x3] =	stream.linear.gather [hbm4b:s15+s3], $0xC80, $0x38;
	v63 =	vld [tilespmem:$0x0]  }
.LBB2_30:
0xc1: {  	s0 =	sadd.s32 $0x4C, s0  }
0xc2: {  	s5 =	sand.u32 $0xFF, s0  }
0xc3: {  	s5 =	smul.u32 $0xAB, s5;
	_ =	sdelay $0x1  }
0xc4: {  	s5 =	sshrl.u32 s5, $0x9  }
0xc5: {  	s5 =	smul.u32 $0x3, s5;
	_ =	sdelay $0x1  }
0xc6: {  	s0 =	ssub.s32 s0, s5  }
0xc7: {  	s0 =	sand.u32 $0xFF, s0  }
0xc8: {  	s0 =	smul.u32 $0xA000, s0  }
0xc9: {  	_ =	swait.ge [sflag:s28], $0x2800;
	s30 =	sshll.u32 s1, $0x7  }
0xca: {  	[sflag:s28] =	ssyncset.done $0x0;
	s5 =	sand.u32 $0x3FFFFF80, s30;
	s0 =	sshrl.u32 s0, $0x2  }
0xcb: {  	[sflag:s28] =	ssyncadd.s32 $0xFFFFD800;
	s5 =	sadd.s32 $0x1000, s5;
	s0 =	sadd.s32 $0x4000, s0  }
0xcc: {  	[tilespmem:s0], [sflag:$0x1] =	stream.indirect.gather [hbm4b:s4+s22], $0x80, s5, s22, $0xb8;
	v63 =	vld [tilespmem:$0x0]  }
0xcd: {  	s0 =	smov.u32 s1  }
.LBB2_26:
0xce: {  	s1 =	sadd.s32 $0x4B, s0  }
0xcf: {  	s5 =	sand.u32 $0xFF, s1  }
0xd0: {  	s5 =	smul.u32 $0xAB, s5;
	_ =	sdelay $0x1  }
0xd1: {  	s5 =	sshrl.u32 s5, $0x9  }
0xd2: {  	s5 =	smul.u32 $0x3, s5;
	_ =	sdelay $0x1  }
0xd3: {  	s1 =	ssub.s32 s1, s5  }
0xd4: {  	s1 =	sand.u32 $0xFF, s1  }
0xd5: {  	p0 =	sne.s32 s0, $0x2;
	s1 =	smul.u32 $0xA000, s1  }
.Ltmp17:
0xd6: {  	_ = 	snop;
	(pc) =	sbr.rel @!p0 .LBB2_27-.Ltmp17, $4  }
0xd7: {  	_ =	swait.ge [sflag:s24], $0x2800;
	s30 =	sshll.u32 s0, $0x7  }
0xd8: {  	[sflag:s24] =	ssyncset.done $0x0;
	s5 =	sand.u32 $0x3FFFFF80, s30;
	s1 =	sshrl.u32 s1, $0x2  }
0xd9: {  	[sflag:s24] =	ssyncadd.s32 $0xFFFFD800;
	s5 =	sadd.s32 $0x3000, s5;
	s1 =	sadd.s32 $0x4000, s1  }
0xda: {  	[spmem:s2] =	stream.indirect.scatter.add.f32 [tilespmem:s1], [sflag:$0x2], $0x80, s5, s22, $0xb8;
	v63 =	vld [tilespmem:$0x0]  }
0xdb: {  	p0 =	seq.s32 s0, $0x18  }
.Ltmp18:
0xdc: {  	_ = 	snop;
	(pc) =	sbr.rel @p0 .LBB2_31-.Ltmp18, $1  }
0xdd: {  	_ =	sdelay $0x3  }
.Ltmp19:
0xde: {  	(pc) =	sbr.rel .LBB2_30-.Ltmp19, $2  }
0xdf: {  	_ =	sdelay $0x2  }
0xe0: {  	s1 =	sadd.s32 $0x1, s0  }
.LBB2_31:
0xe1: {  	_ =	swait.ge [sflag:s21], $0xC80  }
0xe2: {  	[sflag:s21] =	ssyncset.done $0x0  }
0xe3: {  	[sflag:s21] =	ssyncadd.s32 $0xFFFFF380  }
0xe4: {  	_ =	swait.ge [sflag:s21], $0xC80  }
0xe5: {  	[sflag:s21] =	ssyncset.done $0x0  }
0xe6: {  	[sflag:s21] =	ssyncadd.s32 $0xFFFFF380  }
0xe7: {  	_ =	swait.ge [sflag:s28], $0x2800  }
0xe8: {  	s30 =	simm.s32 $0x0;
	[sflag:s28] =	ssyncset.done $0x0  }
0xe9: {  	s0 =	simm.s32 $0x80;
	s1 =	simm.s32 $0x2000;
	[sflag:s28] =	ssyncadd.s32 $0xFFFFD800  }
0xea: {  	[tilespmem:s29], [sflag:$0x1] =	stream.indirect.gather [hbm4b:s4+s22], $0x80, s30, s22, $0xb8;
	v63 =	vld [tilespmem:$0x0]  }
.LBB2_32:
0xeb: {  	s5 =	sadd.s32 $0x64, s30  }
0xec: {  	s6 =	sand.u32 $0xFF, s5  }
0xed: {  	s6 =	smul.u32 $0xAB, s6;
	_ =	sdelay $0x1  }
0xee: {  	s6 =	sshrl.u32 s6, $0x9  }
0xef: {  	s6 =	smul.u32 $0x3, s6;
	_ =	sdelay $0x1  }
0xf0: {  	p0 =	seq.s32 s30, $0x18;
	s5 =	ssub.s32 s5, s6  }
0xf1: {  	s6 =	sadd.s32 @!p0 $0x65, s30;
	s5 =	sand.u32 $0xFF, s5  }
0xf2: {  	s16 =	sand.u32 @!p0 $0xFF, s6;
	s5 =	smul.u32 $0xA000, s5  }
0xf3: {  	s16 =	smul.u32 @!p0 $0xAB, s16  }
0xf4: {  	_ =	swait.ge [sflag:s24], $0x2800  }
0xf5: {  	[sflag:s24] =	ssyncset.done $0x0;
	s5 =	sshrl.u32 s5, $0x2;
	s16 =	sshrl.u32 @!p0 s16, $0x9  }
0xf6: {  	[sflag:s24] =	ssyncadd.s32 $0xFFFFD800;
	s5 =	sadd.s32 $0x4000, s5;
	s16 =	smul.u32 @!p0 $0x3, s16  }
0xf7: {  	[spmem:s2] =	stream.indirect.scatter.add.f32 [tilespmem:s5], [sflag:$0x2], $0x80, s1, s22, $0xb8;
	v63 =	vld [tilespmem:$0x0]  }
0xf8: {  	s30 =	sadd.s32 @!p0 $0x1, s30;
	s5 =	ssub.s32 @!p0 s6, s16  }
0xf9: {  	p1 =	sne.s32 @!p0 s30, $0x19;
	s5 =	sand.u32 @!p0 $0xFF, s5  }
0xfa: {  	p1 =	por p0, !p1;
	s6 =	simm.s32 @!p0 $0x2;
	s5 =	smul.u32 @!p0 $0xA000, s5  }
.Ltmp20:
0xfb: {  	_ =	swait.ge @!p0 [sflag:s6], $0x2800;
	(pc) =	sbr.rel @!p1 .LBB2_32-.Ltmp20, $4  }
0xfc: {  	[sflag:s6] =	ssyncset.done @!p0 $0x0;
	s5 =	sshrl.u32 @!p0 s5, $0x2  }
0xfd: {  	[sflag:s6] =	ssyncadd.s32 @!p0 $0xFFFFD800;
	s6 =	simm.s32 @!p0 $0x50;
	s5 =	sadd.s32 @!p0 $0x4000, s5  }
0xfe: {  	[tilespmem:s5], [sflag:$0x1] =	stream.indirect.gather @!p0 [hbm4b:s4+s6], $0x80, s0, s6, $0xb8;
	v63 =	vld [tilespmem:$0x0]  }
0xff: {  	s1 =	sadd.s32 @!p0 $0x80, s1;
	s0 =	sadd.s32 @!p0 $0x80, s0  }
0x100: {  	_ =	swait.ge [sflag:s28], $0x2800  }
0x101: {  	[sflag:s28] =	ssyncset.done $0x0  }
0x102: {  	[sflag:s28] =	ssyncadd.s32 $0xFFFFD800  }
0x103: {  	_ =	swait.ge [sflag:s28], $0x2800  }
0x104: {  	s0 =	stileid.u32;
	[sflag:s28] =	ssyncset.done $0x0  }
0x105: {  	s1 =	sshrl.u32 s7, $0x3;
	s31 =	sadd.s32 $0x1, s31;
	[sflag:s28] =	ssyncadd.s32 $0xFFFFD800  }
0x106: {  	s0 =	sshll.u32 s0, $0x6;
	p0 =	sne.s32 s31, s17;
	[bflag:$0x0] =	sbarrier.arrive $0xFFFF  }
.Ltmp21:
0x107: {  	s0 =	sor.u32 $0x1C04, s0;
	s5 =	rddreg [dreg:$0x6];
	(pc) =	sbr.rel @p0 .LBB2_1-.Ltmp21, $4  }
0x108: {  	[hbm:s5], [sflag:s0] =	dma.local [spmem:s1], $0x2800  }
0x109: {  	_ =	swait.ge [sflag:s20], $0x2800  }
0x10a: {  	[sflag:s20] =	ssyncset.done $0x0  }
0x10b: {  	[sflag:s20] =	ssyncadd.s32 $0xFFFFD800  }
0x10c: {  	_ =	sfence.sel $0x180000  }
0x10d: {  	[bflag:$0x0] =	sbarrier.arrive $0xFFFF  }
0x10e: {  	_ =	strace $0x9000004D  }
0x10f: {  	s0 =	stileid.u32;
	[bflag:$0x2] =	sbarrier.arrive $0xFFFF  }
0x110: {  	p0 =	sne.s32 s0, $0x0;
	s0 =	rddreg [dreg:$0x3]  }
0x111: {  	s0 =	sadd.s32 @!p0 $0x100000, s0  }
0x112: {  	[sflag:s0] =	ssyncadd.tile.s32 @!p0 $0x1;
	_ =	shalt  }
.Lfunc_end2:
_tile_overlayer_lowered:
.L_overlay_start_2:
0x113: {  	(tag) =	ssettag $0x2  }
0x114: {  	s0 =	rddreg [dreg:$0x0];
	s2 =	stileid.u32  }
0x115: {  	s1 =	rddreg [dreg:$0x1];
	p0 =	sne.s32 s2, $0x0  }
0x116: {  	s3 =	rddreg [dreg:$0x2];
	[bflag:$0x3] =	sbarrier.arrive $0xFFFF;
	s2 =	simm.s32 @!p0 $0x1C04  }
0x117: {  	[timem:s3], [sflag:s2] =	dma.local @!p0 [hbm:s0], s1  }
0x118: {  	s0 =	simm.s32 @!p0 $0x4  }
0x119: {  	_ =	swait.ge @!p0 [sflag:s0], s1  }
0x11a: {  	s1 =	ssub.s32 @!p0 $0x0, s1;
	[sflag:s0] =	ssyncset.done @!p0 $0x0  }
0x11b: {  	[sflag:s0] =	ssyncadd.s32 @!p0 s1  }
0x11c: {  	[bflag:$0x3] =	sbarrier.arrive $0xFFFF  }
0x11d: {  	_ =	shalt  }

// kernel: kernel.8.cloned.1.call-start
scs
__scs_entry_jumppad:
0x0: {  	(pc) =	sbr.rel $0x88, $3  }
0x1: {  	(tag) =	ssettag $0x0;
	lr =	simm.s32 $0x1  }
0x2: {  	[smem:$0x3F9B] =	sst lr;
	_ =	strace $0xD0000000  }
0x3: {  	_ = 	snop  }
0x4: {  	_ = 	snop  }
0x5: {  	_ = 	snop  }
0x6: {  	_ = 	snop  }
0x7: {  	_ = 	snop  }
__scs_overlays_trampoline_lowered:
0x8: {  	[smem:$0x3FAA] =	sst s0  }
0x9: {  	[smem:$0x3FAB] =	sst s1  }
0xa: {  	[smem:$0x3FAC] =	sst s2  }
0xb: {  	[smem:$0x3FAD] =	sst s3  }
0xc: {  	[smem:$0x3FAE] =	sst s4  }
0xd: {  	[smem:$0x3FAF] =	sst s5  }
0xe: {  	[smem:$0x3FB0] =	sst s6  }
0xf: {  	[smem:$0x3FB1] =	sst s7  }
0x10: {  	[smem:$0x3FB2] =	sst s8  }
0x11: {  	[smem:$0x3FB3] =	sst s9;
	s0 =	simm.s32 @!p0 $0x0  }
0x12: {  	s1 =	sld [smem:$0x3F99];
	s0 =	simm.s32 @p0 $0x1  }
0x13: {  	[smem:$0x3FB4] =	sst s0;
	s0 =	simm.s32 @!p1 $0x0  }
0x14: {  	s2 =	sld [smem:$0x3F98];
	s0 =	simm.s32 @p1 $0x1  }
0x15: {  	[smem:$0x3FB5] =	sst s0;
	s0 =	simm.s32 @!p2 $0x0  }
0x16: {  	s3 =	sld [smem:$0x3FDB];
	s0 =	simm.s32 @p2 $0x1  }
0x17: {  	s4 =	simm.s32 $0x1BF5;
	[smem:$0x3FB7] =	sst s0  }
0x18: {  	s0 =	sld [smem:$0x3F9A];
	_ =	swait.ge [sflag:s4], $0x0  }
0x19: {  	s7 =	sld [smem:$0x3F9B]  }
0x1a: {  	s8 =	sadd.s32 $0xFFFFE003, lr  }
0x1b: {  	s9 =	sadd.s32 $0xFFFFFEF7, lr;
	s5 =	simm.s32 $0xFFFFFFFF;
	p2 =	slt.u32 s8, $0xFFFFF086  }
0x1c: {  	p1 =	slt.u32 s9, $0xF7A;
	s5 =	simm.s32 @!p2 $0x0  }
0x1d: {  	s5 =	simm.s32 @p1 $0x1;
	p0 =	seq.s32 s7, s2  }
0x1e: {  	s7 =	smul.u32 @!p0 $0xF7A, s2;
	p2 =	seq.s32 @!p0 s5, $0x0  }
0x1f: {  	s9 =	smul.u32 $0xF7A, s1;
	s8 =	simm.s32 @!p0 $0x1BF5;
	p2 =	por !p2, p0  }
0x20: {  	[sflag:s8] =	ssyncset.s32 @!p0 $0xFFFFF086;
	s6 =	sadd.s32 @!p0 s3, s7;
	s7 =	simm.s32 @!p0 $0x108  }
0x21: {  	s3 =	sadd.s32 s3, s9;
	s6 =	sadd.s32 @!p0 $0x88, s6;
	s7 =	simm.s32 @p2 $0x1082  }
0x22: {  	[simem:s7], [sflag:s8] =	dma.local @!p0 [hbm:s6], $0xF7A  }
0x23: {  	s9 =	sor.u32 $0xD0000000, s2;
	s6 =	simm.s32 $0x108;
	_ =	swait.ge @!p0 [sflag:s8], $0x0  }
0x24: {  	s3 =	sadd.s32 $0x88, s3;
	s6 =	simm.s32 @!p1 $0x1082;
	[sflag:s4] =	ssyncset.s32 $0xFFFFF086  }
0x25: {  	[simem:s6], [sflag:s4] =	dma.local [hbm:s3], $0xF7A  }
0x26: {  	[smem:$0x3F9B] =	sst s1;
	(tag) =	ssettag s2;
	_ =	strace s9  }
0x27: {  	s1 =	sld [smem:$0x3FAB]  }
0x28: {  	s2 =	sld [smem:$0x3FAC]  }
0x29: {  	s4 =	sld [smem:$0x3FAE]  }
0x2a: {  	p0 =	seq.s32 s5, $0x0;
	s5 =	sld [smem:$0x3FAF]  }
0x2b: {  	s6 =	sld [smem:$0x3FB0]  }
0x2c: {  	s7 =	sld [smem:$0x3FB1]  }
0x2d: {  	s3 =	simm.s32 $0x108;
	s8 =	sld [smem:$0x3FB2]  }
0x2e: {  	s3 =	simm.s32 @!p0 $0x1082;
	s9 =	sld [smem:$0x3FB3]  }
0x2f: {  	lr =	sadd.s32 s0, s3;
	s0 =	sld [smem:$0x3FAA]  }
0x30: {  	s3 =	sld [smem:$0x3FAD]  }
0x31: {  	[smem:$0x3FB6] =	sst s10  }
0x32: {  	s10 =	sld [smem:$0x3FB4];
	_ =	sdelay $0x3  }
0x33: {  	p0 =	seq.s32 s10, $0x1;
	s10 =	sld [smem:$0x3FB6];
	_ =	sdelay $0x3  }
0x34: {  	[smem:$0x3FB6] =	sst s10  }
0x35: {  	s10 =	sld [smem:$0x3FB5];
	_ =	sdelay $0x3  }
0x36: {  	p1 =	seq.s32 s10, $0x1;
	s10 =	sld [smem:$0x3FB6];
	_ =	sdelay $0x3  }
0x37: {  	[smem:$0x3FB6] =	sst s10  }
0x38: {  	s10 =	sld [smem:$0x3FB7]  }
0x39: {  	_ = 	snop;
	(pc) =	sbr.ind lr, $3  }
0x3a: {  	_ = 	snop  }
0x3b: {  	_ = 	snop  }
0x3c: {  	p2 =	seq.s32 s10, $0x1;
	s10 =	sld [smem:$0x3FB6]  }
0x3d: {  	_ =	shalt  }
0x3e: {  	_ =	shalt  }
0x3f: {  	_ =	shalt  }
0x40: {  	_ =	shalt  }
0x41: {  	_ =	shalt  }
0x42: {  	_ =	shalt  }
0x43: {  	_ =	shalt  }
0x44: {  	_ =	shalt  }
0x45: {  	_ =	shalt  }
0x46: {  	_ =	shalt  }
0x47: {  	_ =	shalt  }
0x48: {  	_ =	shalt  }
0x49: {  	_ =	shalt  }
0x4a: {  	_ =	shalt  }
0x4b: {  	_ =	shalt  }
0x4c: {  	_ =	shalt  }
0x4d: {  	_ =	shalt  }
0x4e: {  	_ =	shalt  }
0x4f: {  	_ =	shalt  }
0x50: {  	_ =	shalt  }
0x51: {  	_ =	shalt  }
0x52: {  	_ =	shalt  }
0x53: {  	_ =	shalt  }
0x54: {  	_ =	shalt  }
0x55: {  	_ =	shalt  }
0x56: {  	_ =	shalt  }
0x57: {  	_ =	shalt  }
0x58: {  	_ =	shalt  }
0x59: {  	_ =	shalt  }
0x5a: {  	_ =	shalt  }
0x5b: {  	_ =	shalt  }
0x5c: {  	_ =	shalt  }
0x5d: {  	_ =	shalt  }
0x5e: {  	_ =	shalt  }
0x5f: {  	_ =	shalt  }
0x60: {  	_ =	shalt  }
0x61: {  	_ =	shalt  }
0x62: {  	_ =	shalt  }
0x63: {  	_ =	shalt  }
0x64: {  	_ =	shalt  }
0x65: {  	_ =	shalt  }
0x66: {  	_ =	shalt  }
0x67: {  	_ =	shalt  }
0x68: {  	_ =	shalt  }
0x69: {  	_ =	shalt  }
0x6a: {  	_ =	shalt  }
0x6b: {  	_ =	shalt  }
0x6c: {  	_ =	shalt  }
0x6d: {  	_ =	shalt  }
0x6e: {  	_ =	shalt  }
0x6f: {  	_ =	shalt  }
0x70: {  	_ =	shalt  }
0x71: {  	_ =	shalt  }
0x72: {  	_ =	shalt  }
0x73: {  	_ =	shalt  }
0x74: {  	_ =	shalt  }
0x75: {  	_ =	shalt  }
0x76: {  	_ =	shalt  }
0x77: {  	_ =	shalt  }
0x78: {  	_ =	shalt  }
0x79: {  	_ =	shalt  }
0x7a: {  	_ =	shalt  }
0x7b: {  	_ =	shalt  }
0x7c: {  	_ =	shalt  }
0x7d: {  	_ =	shalt  }
0x7e: {  	_ =	shalt  }
0x7f: {  	_ =	shalt  }
0x80: {  	_ =	shalt  }
0x81: {  	_ =	shalt  }
0x82: {  	_ =	shalt  }
0x83: {  	_ =	shalt  }
0x84: {  	_ =	shalt  }
0x85: {  	_ =	shalt  }
0x86: {  	_ =	shalt  }
0x87: {  	_ =	shalt  }
.Lfunc_end0:
.L_simem_size_0:
called_computation_lowered:
.L_overlay_start_0:
0x88: {  	s2 =	sld [smem:$0x3FD9]  }
0x89: {  	s3 =	sld [smem:$0x3FFE];
	_ =	sdelay $0x1  }
0x8a: {  	s1 =	srdreg.scid  }
0x8b: {  	s0 =	sand.u32 $0x1, s1  }
0x8c: {  	s16 =	sshll.u32 s0, $0xA;
	s2 =	sadd.s32 s3, s2  }
0x8d: {  	s2 =	sadd.s32 s2, s16  }
0x8e: {  	[smem:$0x3FC2] =	sst s2  }
0x8f: {  	_ = 	snop  }
0x90: {  	(tm) =	ssettm $0x1  }
0x91: {  	s17 =	sld [smem:$0x3FFB];
	_ =	sdelay $0x3  }
0x92: {  	_ =	strace s17  }
0x93: {  	s2 =	sld [smem:$0x3FFC];
	_ =	sdelay $0x3  }
0x94: {  	_ =	strace s2  }
0x95: {  	s2 =	sld [smem:$0x3FFD];
	_ =	sdelay $0x3  }
0x96: {  	_ =	strace s2  }
0x97: {  	_ =	strace $0x8FFFFFFF  }
0x98: {  	s18 =	sld [smem:$0x3FDB];
	_ =	sdelay $0x1  }
0x99: {  	s19 =	simm.s32 $_scs_section_size  }
0x9a: {  	s4 =	simm.s32 $_size__tile_overlayer_lowered;
	s5 =	simm.s32 $_tile_overlayer_lowered  }
0x9b: {  	s22 =	simm.s32 $0x1BFF;
	s21 =	sshll.u32 s5, $0x1;
	s2 =	sadd.s32 s19, s18  }
0x9c: {  	s6 =	simm.s32 $0x0;
	s20 =	sshll.u32 s4, $0x1;
	s4 =	sadd.s32 s21, s2  }
0x9d: {  	[timem:s6], [sflag:s22] =	dma.local [hbm:s4], s20  }
0x9e: {  	_ =	swait.ge [sflag:s22], s20  }
0x9f: {  	s3 =	ssub.s32 $0x0, s20;
	[sflag:s22] =	ssyncset.done $0x0  }
0xa0: {  	[sflag:s22] =	ssyncadd.s32 s3;
	_ =	sdelay $0x1  }
0xa1: {  	s23 =	simm.s32 $0x1B8B  }
0xa2: {  	_ =	swait.ge [sflag:s23], $0x1  }
0xa3: {  	[sflag:s23] =	ssyncset.done $0x0  }
0xa4: {  	s25 =	simm.s32 $0x1B8E;
	s24 =	sld [smem:$0x3FFE];
	[sflag:s23] =	ssyncadd.s32 $0xFFFFFFFF  }
0xa5: {  	s26 =	simm.s32 $execute0_lowered;
	[smem:$0x3FD2] =	sst s25  }
0xa6: {  	s4 =	sshll.u32 s26, $0x1;
	_ =	strace $0x80000046;
	[dreg:$0x1] =	wrdreg $0xFFFFFFFF  }
0xa7: {  	s28 =	simm.s32 $_size_execute0_lowered;
	s2 =	sadd.s32 s2, s4;
	[dreg:$0x0] =	wrdreg $0x0  }
0xa8: {  	s4 =	sshll.u32 s28, $0x1;
	[dreg:$0x2] =	wrdreg s2  }
0xa9: {  	[dreg:$0x3] =	wrdreg s4  }
0xaa: {  	[dreg:$0x4] =	wrdreg $0xC0  }
0xab: {  	_ =	task [dreg:s6], $0x5FFFF  }
0xac: {  	[dreg:$0x1] =	wrdreg $0xFFFFFFFF  }
0xad: {  	[dreg:$0x0] =	wrdreg $0x60  }
0xae: {  	[dreg:$0x2] =	wrdreg s24  }
0xaf: {  	[dreg:$0x3] =	wrdreg $0x9  }
0xb0: {  	_ =	task.clear_ibuf [dreg:s6], $0x4FFFF;
	_ =	strace $0x90000046  }
0xb1: {  	s29 =	simm.s32 $0x9;
	_ =	strace $0x80000048  }
0xb2: {  	_ =	swait.ge [sflag:s29], $0x1  }
0xb3: {  	[sflag:s29] =	ssyncadd.s32 $0xFFFFFFFF  }
0xb4: {  	_ =	strace $0x90000048  }
0xb5: {  	_ =	sfence  }
0xb6: {  	s30 =	sld [smem:$0x0];
	_ =	sdelay $0x2  }
0xb7: {  	s31 =	sshll.u32 s1, $0xD;
	s1 =	sshrl.u32 s1, $0x2  }
0xb8: {  	s3 =	sand.u32 $0x4000, s31;
	s1 =	sadd.s32 s1, s30  }
0xb9: {  	s0 =	sor.u32 s3, s0;
	s1 =	sshll.u32 s1, $0x11  }
0xba: {  	s0 =	sor.u32 s1, s0  }
0xbb: {  	s0 =	sadd.s32 $0x8F2B, s0  }
0xbc: {  	[sflag:s0] =	ssyncadd.remote.s32 $0x1  }
0xbd: {  	_ =	sfence.sel $0xFFFF  }
0xbe: {  	[dreg:$0x0] =	wrdreg $0xFFFFFFFF;
	(pc) =	sbr.abs _section_cstart, $3  }
0xbf: {  	[dreg:$0x1] =	wrdreg $0xFFFFFFFF  }
0xc0: {  	_ =	task.clear_ibuf [dreg:s6], $0x2FFFF;
	_ =	strace $0x9FFFFFFF  }
0xc1: {  	(tm) =	ssettm $0x7FFFFFFF  }
tec
execute0_lowered:
.L_overlay_start_1:
0x0: {  	(tag) =	ssettag $0x1  }
0x1: {  	s0 =	srdreg.scid  }
0x2: {  	s3 =	sand.u32 $0x1, s0  }
0x3: {  	s4 =	rddreg [dreg:$0x0];
	s0 =	stileid.u32;
	s1 =	sshll.u32 s3, $0x4  }
0x4: {  	s2 =	simm.s32 $0x0;
	s8 =	simm.s32 $0x1;
	s1 =	sor.u32 s0, s1  }
0x5: {  	s9 =	simm.s32 $0x2780;
	s10 =	simm.s32 $0x0;
	s5 =	sshrl.u32 s1, $0x3  }
0x6: {  	[smem:$0x7FF] =	sst s2;
	s7 =	sshll.u32 s0, $0x7;
	s6 =	smul.u32 $0x13C00, s5  }
0x7: {  	s3 =	ssub.s32 $0x2, s3;
	s7 =	sand.u32 $0x380, s7;
	s5 =	smul.u32 $0x14000, s5  }
0x8: {  	s31 =	sshrl.u32 s3, $0x1;
	s1 =	rddreg [dreg:$0x1];
	s6 =	sor.u32 s7, s6  }
0x9: {  	_ =	strace $0x80000047;
	s5 =	sor.u32 s7, s5;
	s6 =	sshrl.u32 s6, $0x3  }
0xa: {  	s7 =	simm.s32 $0x400;
	s5 =	sshrl.u32 s5, $0x3;
	s6 =	sadd.s32 s6, s4  }
0xb: {  	s4 =	sadd.s32 s5, s4;
	s5 =	ssub.s32 s3, s31;
	s3 =	sadd.s32 $0x2600, s6  }
0xc: {  	v0 =	vimm.f32 $0.0e+00;
	v1 =	vimm.f32 $1.000000000e+00;
	s4 =	sadd.s32 $0xC400, s4;
	s5 =	smax.u32 s5, $0x1;
	s6 =	simm.s32 $0x80  }
.LBB2_1:
0xd: {  	[tilespmem:s2], [sflag:$0x1] =	stream.strided.gather [hbm4b:s3+s6], $0x2780, s7, s6, $0x38;
	[tilespmem:$0x4F80] =	vst v63  }
0xe: {  	_ =	swait.ge [sflag:s8], $0x2780  }
0xf: {  	[sflag:s8] =	ssyncset.done $0x0  }
0x10: {  	s11 =	simm.s32 $0x0;
	[sflag:s8] =	ssyncadd.s32 $0xFFFFD880  }
.LBB2_2:
0x11: {  	p0 =	sne.s32 s11, $0x9FC0  }
.Ltmp0:
0x12: {  	_ = 	snop;
	(pc) =	sbr.rel @p0 .LBB2_2-.Ltmp0, $3  }
0x13: {  	_ =	sdelay $0x1  }
0x14: {  	s12 =	sshra.s32 s11, $0x2  }
0x15: {  	s11 =	sadd.s32 $0x40, s11;
	[tilespmem:s12+$0x2780] =	vst v0  }
0x16: {  	s12 =	simm.s32 $0x0;
	s11 =	simm.s32 $0x40  }
.LBB2_4:
0x17: {  	p0 =	sne.s32 s11, $0x9C00;
	v2 =	vld [tilespmem:s12+$0x0];
	_ =	sdelay $0x3  }
.Ltmp1:
0x18: {  	(pc) =	sbr.rel @p0 .LBB2_4-.Ltmp1, $2  }
0x19: {  	_ =	sdelay $0x2  }
0x1a: {  	s12 =	sshra.s32 s11, $0x2;
	s11 =	sadd.s32 $0x40, s11;
	[tilespmem:v2+s9+$0x0] =	vst.idx.add.f32.msk $0xffff, v1  }
0x1b: {  	v2 =	vld [tilespmem:s12+$0x0];
	_ =	sdelay $0x5  }
0x1c: {  	s10 =	sadd.s32 $0x1, s10  }
0x1d: {  	p0 =	sne.s32 s10, s5  }
.Ltmp2:
0x1e: {  	[tilespmem:v2+s9+$0x0] =	vst.idx.add.f32.msk $0xffff, v1;
	(pc) =	sbr.rel @p0 .LBB2_1-.Ltmp2, $4  }
0x1f: {  	[hbm4b:s4+s6] =	stream.strided.scatter [tilespmem:s9], [sflag:$0x1], $0x2800, s7, s6, $0x38;
	[tilespmem:$0x4F80] =	vst v63  }
0x20: {  	_ =	swait.ge [sflag:s8], $0x2800  }
0x21: {  	[sflag:s8] =	ssyncset.done $0x0  }
0x22: {  	[sflag:s8] =	ssyncadd.s32 $0xFFFFD800  }
0x23: {  	_ =	sfence.sel $0x180000  }
0x24: {  	[bflag:$0x0] =	sbarrier.arrive $0xFFFF  }
0x25: {  	p0 =	sne.s32 s0, $0x0;
	_ =	strace $0x90000047  }
0x26: {  	s0 =	sadd.s32 @!p0 $0x100000, s1;
	[bflag:$0x2] =	sbarrier.arrive $0xFFFF  }
0x27: {  	[sflag:s0] =	ssyncadd.tile.s32 @!p0 $0x1;
	_ =	shalt  }
.Lfunc_end2:
_tile_overlayer_lowered:
.L_overlay_start_2:
0x28: {  	(tag) =	ssettag $0x2  }
0x29: {  	s0 =	rddreg [dreg:$0x0];
	s2 =	stileid.u32  }
0x2a: {  	s1 =	rddreg [dreg:$0x1];
	p0 =	sne.s32 s2, $0x0  }
0x2b: {  	s3 =	rddreg [dreg:$0x2];
	[bflag:$0x3] =	sbarrier.arrive $0xFFFF;
	s2 =	simm.s32 @!p0 $0x1C01  }
0x2c: {  	[timem:s3], [sflag:s2] =	dma.local @!p0 [hbm:s0], s1  }
0x2d: {  	s0 =	simm.s32 @!p0 $0x1  }
0x2e: {  	_ =	swait.ge @!p0 [sflag:s0], s1  }
0x2f: {  	s1 =	ssub.s32 @!p0 $0x0, s1;
	[sflag:s0] =	ssyncset.done @!p0 $0x0  }
0x30: {  	[sflag:s0] =	ssyncadd.s32 @!p0 s1  }
0x31: {  	[bflag:$0x3] =	sbarrier.arrive $0xFFFF  }
0x32: {  	_ =	shalt  }

</sc_bundles>
